<compile_context>
chip_gen: v7x
topology: tpu7x:2x2x1
jax: 0.10.2.dev20260603
libtpu: 0.0.44.dev20260713+nightly
codegen_flags: <defaults>
</compile_context>

<pallas_src>
import functools

import jax
import jax.numpy as jnp
from jax import lax
from jax.experimental import pallas as pl
from jax.experimental.pallas import tpu as pltpu
from jax.experimental.pallas import tpu_sc as plsc

_NSEG = 512
_D = 128
_N = 320000
_NC = 2
_NS = 16
_NW = _NC * _NS
_ROWS_W = _N // _NW
_FBLK = 80
_NFBLK = _ROWS_W // _FBLK
_NBUF = 5
_SUB = 40
_NSUB = _FBLK // _SUB
_NBLK = _ROWS_W // _SUB
_PRIV = 256
_L = 16
_G = _D // _L

_mesh = plsc.VectorSubcoreMesh(core_axis_name="c", subcore_axis_name="s")


@functools.partial(
    pl.kernel,
    out_type=jax.ShapeDtypeStruct((_NC, _NSEG, _D), jnp.float32),
    mesh=_mesh,
    scratch_types=[
        pltpu.VMEM((_NBLK, _SUB), jnp.int32),
        pltpu.VMEM((_NBUF, _FBLK, _D), jnp.float32),
        pltpu.VMEM((_PRIV, _D), jnp.float32),
        pltpu.VMEM((_PRIV // 128, 128), jnp.int32),
        pltpu.VMEM_SHARED((_NSEG, _D), jnp.float32),
        [pltpu.SemaphoreType.DMA] * _NBUF,
    ],
)
def _seg_sum_sc(h_hbm, idx_hbm, zeros_hbm, out_hbm,
                idx_v, buf, priv, midx, acc, sems):
    cid = lax.axis_index("c")
    sid = lax.axis_index("s")
    wid = cid * _NS + sid
    base = wid * _ROWS_W

    stripe = _NSEG // _NS
    pltpu.sync_copy(zeros_hbm.at[pl.ds(sid * stripe, stripe)],
                    acc.at[pl.ds(sid * stripe, stripe)])

    pltpu.sync_copy(idx_hbm.at[wid], idx_v)
    lo_v = idx_v[0, pl.ds(0, _L)]
    hi_v = idx_v[_NBLK - 1, pl.ds(_SUB - _L, _L)]
    lo = lo_v[0]
    hi = hi_v[_L - 1]

    for b in range(_NBUF):
        pltpu.async_copy(h_hbm.at[pl.ds(base + b * _FBLK, _FBLK)],
                         buf.at[b], sems[b])

    zvec = jnp.zeros((_L,), jnp.float32)

    def zero_body(i, carry):
        for c in range(_G):
            priv[i, pl.ds(c * _L, _L)] = zvec
        return carry

    lax.fori_loop(0, _PRIV, zero_body, 0)

    ivec = lax.iota(jnp.int32, _L)
    for m in range(_PRIV // 128):
        for g in range(128 // _L):
            midx[m, pl.ds(g * _L, _L)] = jnp.minimum(
                ivec + (m * 128 + g * _L) + lo, _NSEG - 1)

    plsc.subcore_barrier()

    def flush(cur_seg, carried):
        row = jnp.minimum(cur_seg - lo, _PRIV - 1)
        for c in range(_G):
            priv[row, pl.ds(c * _L, _L)] = (
                priv[row, pl.ds(c * _L, _L)] + carried[c])

    def sub_block(jj, bref, roff, cur_seg, carried):
        i0 = idx_v[jj, pl.ds(0, _L)]
        i2 = idx_v[jj, pl.ds(_SUB - _L, _L)]
        mn = i0[0]
        mx = i2[_L - 1]
        uniform = jnp.logical_and(mn == mx, mx - lo < _PRIV)
        start_new = jnp.logical_or(jnp.logical_not(uniform), mn != cur_seg)

        @pl.when(start_new)
        def _flush():
            flush(cur_seg, carried)

        carried = [jnp.where(start_new, zvec, carried[c]) for c in range(_G)]

        def row_body(i, s):
            r = roff + i * 2
            s = [s[c] + bref[r, pl.ds(c * _L, _L)] for c in range(_G)]
            s = [s[c] + bref[r + 1, pl.ds(c * _L, _L)] for c in range(_G)]
            return s

        bsum = lax.fori_loop(0, _SUB // 2, row_body, carried)

        @pl.when(jnp.logical_not(uniform))
        def _stream_block():
            pltpu.sync_copy(bref.at[pl.ds(roff, _SUB)],
                            acc.at[idx_v.at[jj]], add=True)

        carried = [jnp.where(uniform, bsum[c], zvec) for c in range(_G)]
        cur_seg = jnp.where(uniform, mn, mx)
        return cur_seg, carried

    def body(i, carry):
        cur_seg = carry[0]
        carried = list(carry[1:])
        f0 = i * _NBUF
        for b in range(_NBUF):
            f = f0 + b
            pltpu.make_async_copy(
                h_hbm.at[pl.ds(base, _FBLK)], buf.at[b], sems[b]).wait()
            for h in range(_NSUB):
                cur_seg, carried = sub_block(
                    f * _NSUB + h, buf.at[b], h * _SUB, cur_seg, carried)

            @pl.when(f + _NBUF < _NFBLK)
            def _prefetch():
                pltpu.async_copy(
                    h_hbm.at[pl.ds(base + (f + _NBUF) * _FBLK, _FBLK)],
                    buf.at[b], sems[b])
        return (cur_seg, *carried)

    init = (lo,) + tuple(jnp.zeros((_L,), jnp.float32) for _ in range(_G))
    fin = lax.fori_loop(0, _NFBLK // _NBUF, body, init)
    flush(fin[0], list(fin[1:]))

    for m in range(_PRIV // 128):
        @pl.when(hi - lo >= m * 128)
        def _merge():
            pltpu.sync_copy(priv.at[pl.ds(m * 128, 128)],
                            acc.at[midx.at[m]], add=True)

    plsc.subcore_barrier()

    @pl.when(sid == 0)
    def _writeback():
        pltpu.sync_copy(acc, out_hbm.at[cid])


def _sum_body(p_ref, o_ref):
    o_ref[...] = p_ref[0] + p_ref[1]


_sum_tc = pl.pallas_call(
    _sum_body,
    out_shape=jax.ShapeDtypeStruct((_NSEG, _D), jnp.float32),
)


def kernel(H, batch_idx):
    idx = batch_idx.astype(jnp.int32).reshape(_NW, _NBLK, _SUB)
    zeros = jnp.zeros((_NSEG, _D), jnp.float32)
    partials = _seg_sum_sc(H, idx, zeros)
    return _sum_tc(partials)

# --- scband reference (transcript-rebuilt; emitter-appended) ---
"""Pipeline reference for scband-sparse-sum-pooling-2422361555233 (READ-ONLY COPY).

The authoritative reference and input builder live on the scoring server;
editing this copy changes nothing except your own understanding.
"""

import jax, jax.numpy as jnp
import numpy as np

NUM_SEGMENTS = 512

def setup_inputs(seed: int = 0) -> dict:
    key = jax.random.key(seed)
    k1, k2 = jax.random.split(key)
    H = jax.random.normal(k1, (320000, 128), dtype=jnp.float32)
    batch_idx = jnp.sort(jax.random.randint(k2, (320000,), 0, NUM_SEGMENTS, dtype=jnp.int64))
    return {"H": H, "batch_idx": batch_idx}

def reference(H, batch_idx):
    # scatter_sum(H, batch_idx, dim=0): sum-pool vertex embeddings into graph embeddings
    y = jax.ops.segment_sum(H, batch_idx, num_segments=NUM_SEGMENTS)
    return y

if __name__ == "__main__":
    import jax
    _d = setup_inputs()
    print(jax.jit(kernel)(*tuple(_d.values())))

</pallas_src>

<mosaic_0001>
#map = affine_map<(d0, d1) -> (0, 0)>
#map1 = affine_map<(d0, d1) -> (0, 0, 0)>
module attributes {stable_mosaic.version = 14 : i64} {
  func.func @_seg_sum_sc(%arg0: i32, %arg1: i32, %arg2: memref<320000x128xf32, #tpu.memory_space<hbm>>, %arg3: memref<32x250x40xi32, #tpu.memory_space<hbm>>, %arg4: memref<512x128xf32, #tpu.memory_space<hbm>>, %arg5: memref<2x512x128xf32, #tpu.memory_space<hbm>>, %arg6: memref<250x40xi32, #tpu.memory_space<vmem>>, %arg7: memref<5x80x128xf32, #tpu.memory_space<vmem>>, %arg8: memref<256x128xf32, #tpu.memory_space<vmem>>, %arg9: memref<2x128xi32, #tpu.memory_space<vmem>>, %arg10: memref<512x128xf32, #tpu.memory_space<vmem_shared>>, %arg11: memref<!tpu.dma_semaphore, #tpu.memory_space<semaphore_mem>>, %arg12: memref<!tpu.dma_semaphore, #tpu.memory_space<semaphore_mem>>, %arg13: memref<!tpu.dma_semaphore, #tpu.memory_space<semaphore_mem>>, %arg14: memref<!tpu.dma_semaphore, #tpu.memory_space<semaphore_mem>>, %arg15: memref<!tpu.dma_semaphore, #tpu.memory_space<semaphore_mem>>) attributes {dimension_semantics = [#tpu.dimension_semantics<core_parallel>, #tpu.dimension_semantics<subcore_parallel>], iteration_bounds = array<i64: 2, 16>, scalar_prefetch = 0 : i64, scratch_operands = 10 : i64, tpu.core_type = #tpu.core_type<sc_vector_subcore>, window_params = [{transform_indices = #map}, {transform_indices = #map1}, {transform_indices = #map}, {transform_indices = #map1}]} {
    %mul3A = arith.constant 16 : i32
    %mul3A_0 = arith.muli %arg0, %mul3A : i32
    %add3A = arith.addi %mul3A_0, %arg1 : i32
    %mul3A_1 = arith.constant 10000 : i32
    %mul3A_2 = arith.muli %add3A, %mul3A_1 : i32
    %mul3A_3 = arith.constant 32 : i32
    %mul3A_4 = arith.muli %arg1, %mul3A_3 : i32
    %mul3A_5 = arith.constant 32 : i32
    %mul3A_6 = arith.muli %arg1, %mul3A_5 : i32
    "tpu.region"() ({
      %run_scoped3A = tpu.sem_alloc : memref<!tpu.dma_semaphore, #tpu.memory_space<semaphore_mem>>
      %dma_start3A_438 = arith.constant 0 : i32
      %dma_start3A_439 = tpu.memref_slice %arg10[%mul3A_6, %dma_start3A_438] : memref<512x128xf32, #tpu.memory_space<vmem_shared>> -> memref<32x128xf32, #tpu.memory_space<vmem_shared>>
      %dma_start3A_440 = arith.constant 0 : i32
      %dma_start3A_441 = tpu.memref_slice %arg4[%mul3A_4, %dma_start3A_440] : memref<512x128xf32, #tpu.memory_space<hbm>> -> memref<32x128xf32, #tpu.memory_space<hbm>>
      tpu.enqueue_dma source(%dma_start3A_441 : memref<32x128xf32, #tpu.memory_space<hbm>>) target(%dma_start3A_439 : memref<32x128xf32, #tpu.memory_space<vmem_shared>>) target_semaphore(%run_scoped3A : memref<!tpu.dma_semaphore, #tpu.memory_space<semaphore_mem>>)
      %dma_wait3A = arith.constant 0 : i32
      %dma_wait3A_442 = tpu.memref_slice %arg10[%mul3A_6, %dma_wait3A] : memref<512x128xf32, #tpu.memory_space<vmem_shared>> -> memref<32x128xf32, #tpu.memory_space<vmem_shared>>
      %dma_wait3A_443 = arith.constant 0 : i32
      %dma_wait3A_444 = tpu.memref_slice %arg4[%mul3A_4, %dma_wait3A_443] : memref<512x128xf32, #tpu.memory_space<hbm>> -> memref<32x128xf32, #tpu.memory_space<hbm>>
      tpu.wait_dma2 semaphore(%run_scoped3A : memref<!tpu.dma_semaphore, #tpu.memory_space<semaphore_mem>>) src(%dma_wait3A_444 : memref<32x128xf32, #tpu.memory_space<hbm>>) dst(%dma_wait3A_442 : memref<32x128xf32, #tpu.memory_space<vmem_shared>>)
      tpu.yield
    }) : () -> ()
    "tpu.region"() ({
      %run_scoped3A = tpu.sem_alloc : memref<!tpu.dma_semaphore, #tpu.memory_space<semaphore_mem>>
      %dma_start3A_438 = arith.constant 0 : i32
      %dma_start3A_439 = arith.constant 0 : i32
      %dma_start3A_440 = tpu.memref_slice %arg3[%add3A, %dma_start3A_438, %dma_start3A_439] : memref<32x250x40xi32, #tpu.memory_space<hbm>> -> memref<1x250x40xi32, #tpu.memory_space<hbm>>
      %dma_start3A_441 = tpu.memref_squeeze %dma_start3A_440 : memref<1x250x40xi32, #tpu.memory_space<hbm>> -> memref<250x40xi32, #tpu.memory_space<hbm>>
      %dma_start3A_442 = arith.constant 0 : i32
      %dma_start3A_443 = arith.constant 0 : i32
      %dma_start3A_444 = tpu.memref_slice %arg3[%add3A, %dma_start3A_442, %dma_start3A_443] : memref<32x250x40xi32, #tpu.memory_space<hbm>> -> memref<1x250x40xi32, #tpu.memory_space<hbm>>
      %dma_start3A_445 = tpu.memref_squeeze %dma_start3A_444 : memref<1x250x40xi32, #tpu.memory_space<hbm>> -> memref<250x40xi32, #tpu.memory_space<hbm>>
      tpu.enqueue_dma source(%dma_start3A_445 : memref<250x40xi32, #tpu.memory_space<hbm>>) target(%arg6 : memref<250x40xi32, #tpu.memory_space<vmem>>) target_semaphore(%run_scoped3A : memref<!tpu.dma_semaphore, #tpu.memory_space<semaphore_mem>>)
      %dma_wait3A = arith.constant 0 : i32
      %dma_wait3A_446 = arith.constant 0 : i32
      %dma_wait3A_447 = tpu.memref_slice %arg3[%add3A, %dma_wait3A, %dma_wait3A_446] : memref<32x250x40xi32, #tpu.memory_space<hbm>> -> memref<1x250x40xi32, #tpu.memory_space<hbm>>
      %dma_wait3A_448 = tpu.memref_squeeze %dma_wait3A_447 : memref<1x250x40xi32, #tpu.memory_space<hbm>> -> memref<250x40xi32, #tpu.memory_space<hbm>>
      %dma_wait3A_449 = arith.constant 0 : i32
      %dma_wait3A_450 = arith.constant 0 : i32
      %dma_wait3A_451 = tpu.memref_slice %arg3[%add3A, %dma_wait3A_449, %dma_wait3A_450] : memref<32x250x40xi32, #tpu.memory_space<hbm>> -> memref<1x250x40xi32, #tpu.memory_space<hbm>>
      %dma_wait3A_452 = tpu.memref_squeeze %dma_wait3A_451 : memref<1x250x40xi32, #tpu.memory_space<hbm>> -> memref<250x40xi32, #tpu.memory_space<hbm>>
      tpu.wait_dma2 semaphore(%run_scoped3A : memref<!tpu.dma_semaphore, #tpu.memory_space<semaphore_mem>>) src(%dma_wait3A_452 : memref<250x40xi32, #tpu.memory_space<hbm>>) dst(%arg6 : memref<250x40xi32, #tpu.memory_space<vmem>>)
      tpu.yield
    }) : () -> ()
    %get3A = arith.constant 0 : i32
    %get3A_7 = arith.index_cast %get3A : i32 to index
    %get3A_8 = arith.constant 0 : index
    %get3A_9 = tpu.vector_load %arg6[%get3A_7, %get3A_8] {strides = array<i32>} : memref<250x40xi32, #tpu.memory_space<vmem>>, vector<1x16xi32>,
    %get3A_10 = vector.shape_cast %get3A_9 : vector<1x16xi32> to vector<16xi32>
    %get3A_11 = arith.constant 249 : i32
    %get3A_12 = arith.index_cast %get3A_11 : i32 to index
    %get3A_13 = arith.constant 24 : index
    %get3A_14 = tpu.vector_load %arg6[%get3A_12, %get3A_13] {strides = array<i32>} : memref<250x40xi32, #tpu.memory_space<vmem>>, vector<1x16xi32>,
    %get3A_15 = vector.shape_cast %get3A_14 : vector<1x16xi32> to vector<16xi32>
    %slice3A = vector.extract_strided_slice %get3A_10 {offsets = [0], sizes = [1], strides = [1]} : vector<16xi32> to vector<1xi32>
    %squeeze3A = vector.extract %slice3A[0] : i32 from vector<1xi32>
    %slice3A_16 = vector.extract_strided_slice %get3A_15 {offsets = [15], sizes = [1], strides = [1]} : vector<16xi32> to vector<1xi32>
    %squeeze3A_17 = vector.extract %slice3A_16[0] : i32 from vector<1xi32>
    %add3A_18 = arith.constant 0 : i32
    %add3A_19 = arith.addi %mul3A_2, %add3A_18 : i32
    %dma_start3A = arith.constant 0 : i32
    %dma_start3A_20 = arith.constant 0 : i32
    %dma_start3A_21 = arith.constant 0 : i32
    %dma_start3A_22 = tpu.memref_slice %arg7[%dma_start3A, %dma_start3A_20, %dma_start3A_21] : memref<5x80x128xf32, #tpu.memory_space<vmem>> -> memref<1x80x128xf32, #tpu.memory_space<vmem>>
    %dma_start3A_23 = tpu.memref_squeeze %dma_start3A_22 : memref<1x80x128xf32, #tpu.memory_space<vmem>> -> memref<80x128xf32, #tpu.memory_space<vmem>>
    %dma_start3A_24 = arith.constant 0 : i32
    %dma_start3A_25 = tpu.memref_slice %arg2[%add3A_19, %dma_start3A_24] : memref<320000x128xf32, #tpu.memory_space<hbm>> -> memref<80x128xf32, #tpu.memory_space<hbm>>
    %dma_start3A_26 = arith.constant 0 : i32
    %dma_start3A_27 = arith.constant 0 : i32
    %dma_start3A_28 = tpu.memref_slice %arg7[%dma_start3A, %dma_start3A_26, %dma_start3A_27] : memref<5x80x128xf32, #tpu.memory_space<vmem>> -> memref<1x80x128xf32, #tpu.memory_space<vmem>>
    %dma_start3A_29 = tpu.memref_squeeze %dma_start3A_28 : memref<1x80x128xf32, #tpu.memory_space<vmem>> -> memref<80x128xf32, #tpu.memory_space<vmem>>
    %dma_start3A_30 = arith.constant 0 : i32
    %dma_start3A_31 = tpu.memref_slice %arg2[%add3A_19, %dma_start3A_30] : memref<320000x128xf32, #tpu.memory_space<hbm>> -> memref<80x128xf32, #tpu.memory_space<hbm>>
    tpu.enqueue_dma source(%dma_start3A_31 : memref<80x128xf32, #tpu.memory_space<hbm>>) target(%dma_start3A_29 : memref<80x128xf32, #tpu.memory_space<vmem>>) target_semaphore(%arg11 : memref<!tpu.dma_semaphore, #tpu.memory_space<semaphore_mem>>)
    %add3A_32 = arith.constant 80 : i32
    %add3A_33 = arith.addi %mul3A_2, %add3A_32 : i32
    %dma_start3A_34 = arith.constant 1 : i32
    %dma_start3A_35 = arith.constant 0 : i32
    %dma_start3A_36 = arith.constant 0 : i32
    %dma_start3A_37 = tpu.memref_slice %arg7[%dma_start3A_34, %dma_start3A_35, %dma_start3A_36] : memref<5x80x128xf32, #tpu.memory_space<vmem>> -> memref<1x80x128xf32, #tpu.memory_space<vmem>>
    %dma_start3A_38 = tpu.memref_squeeze %dma_start3A_37 : memref<1x80x128xf32, #tpu.memory_space<vmem>> -> memref<80x128xf32, #tpu.memory_space<vmem>>
    %dma_start3A_39 = arith.constant 0 : i32
    %dma_start3A_40 = tpu.memref_slice %arg2[%add3A_33, %dma_start3A_39] : memref<320000x128xf32, #tpu.memory_space<hbm>> -> memref<80x128xf32, #tpu.memory_space<hbm>>
    %dma_start3A_41 = arith.constant 0 : i32
    %dma_start3A_42 = arith.constant 0 : i32
    %dma_start3A_43 = tpu.memref_slice %arg7[%dma_start3A_34, %dma_start3A_41, %dma_start3A_42] : memref<5x80x128xf32, #tpu.memory_space<vmem>> -> memref<1x80x128xf32, #tpu.memory_space<vmem>>
    %dma_start3A_44 = tpu.memref_squeeze %dma_start3A_43 : memref<1x80x128xf32, #tpu.memory_space<vmem>> -> memref<80x128xf32, #tpu.memory_space<vmem>>
    %dma_start3A_45 = arith.constant 0 : i32
    %dma_start3A_46 = tpu.memref_slice %arg2[%add3A_33, %dma_start3A_45] : memref<320000x128xf32, #tpu.memory_space<hbm>> -> memref<80x128xf32, #tpu.memory_space<hbm>>
    tpu.enqueue_dma source(%dma_start3A_46 : memref<80x128xf32, #tpu.memory_space<hbm>>) target(%dma_start3A_44 : memref<80x128xf32, #tpu.memory_space<vmem>>) target_semaphore(%arg12 : memref<!tpu.dma_semaphore, #tpu.memory_space<semaphore_mem>>)
    %add3A_47 = arith.constant 160 : i32
    %add3A_48 = arith.addi %mul3A_2, %add3A_47 : i32
    %dma_start3A_49 = arith.constant 2 : i32
    %dma_start3A_50 = arith.constant 0 : i32
    %dma_start3A_51 = arith.constant 0 : i32
    %dma_start3A_52 = tpu.memref_slice %arg7[%dma_start3A_49, %dma_start3A_50, %dma_start3A_51] : memref<5x80x128xf32, #tpu.memory_space<vmem>> -> memref<1x80x128xf32, #tpu.memory_space<vmem>>
    %dma_start3A_53 = tpu.memref_squeeze %dma_start3A_52 : memref<1x80x128xf32, #tpu.memory_space<vmem>> -> memref<80x128xf32, #tpu.memory_space<vmem>>
    %dma_start3A_54 = arith.constant 0 : i32
    %dma_start3A_55 = tpu.memref_slice %arg2[%add3A_48, %dma_start3A_54] : memref<320000x128xf32, #tpu.memory_space<hbm>> -> memref<80x128xf32, #tpu.memory_space<hbm>>
    %dma_start3A_56 = arith.constant 0 : i32
    %dma_start3A_57 = arith.constant 0 : i32
    %dma_start3A_58 = tpu.memref_slice %arg7[%dma_start3A_49, %dma_start3A_56, %dma_start3A_57] : memref<5x80x128xf32, #tpu.memory_space<vmem>> -> memref<1x80x128xf32, #tpu.memory_space<vmem>>
    %dma_start3A_59 = tpu.memref_squeeze %dma_start3A_58 : memref<1x80x128xf32, #tpu.memory_space<vmem>> -> memref<80x128xf32, #tpu.memory_space<vmem>>
    %dma_start3A_60 = arith.constant 0 : i32
    %dma_start3A_61 = tpu.memref_slice %arg2[%add3A_48, %dma_start3A_60] : memref<320000x128xf32, #tpu.memory_space<hbm>> -> memref<80x128xf32, #tpu.memory_space<hbm>>
    tpu.enqueue_dma source(%dma_start3A_61 : memref<80x128xf32, #tpu.memory_space<hbm>>) target(%dma_start3A_59 : memref<80x128xf32, #tpu.memory_space<vmem>>) target_semaphore(%arg13 : memref<!tpu.dma_semaphore, #tpu.memory_space<semaphore_mem>>)
    %add3A_62 = arith.constant 240 : i32
    %add3A_63 = arith.addi %mul3A_2, %add3A_62 : i32
    %dma_start3A_64 = arith.constant 3 : i32
    %dma_start3A_65 = arith.constant 0 : i32
    %dma_start3A_66 = arith.constant 0 : i32
    %dma_start3A_67 = tpu.memref_slice %arg7[%dma_start3A_64, %dma_start3A_65, %dma_start3A_66] : memref<5x80x128xf32, #tpu.memory_space<vmem>> -> memref<1x80x128xf32, #tpu.memory_space<vmem>>
    %dma_start3A_68 = tpu.memref_squeeze %dma_start3A_67 : memref<1x80x128xf32, #tpu.memory_space<vmem>> -> memref<80x128xf32, #tpu.memory_space<vmem>>
    %dma_start3A_69 = arith.constant 0 : i32
    %dma_start3A_70 = tpu.memref_slice %arg2[%add3A_63, %dma_start3A_69] : memref<320000x128xf32, #tpu.memory_space<hbm>> -> memref<80x128xf32, #tpu.memory_space<hbm>>
    %dma_start3A_71 = arith.constant 0 : i32
    %dma_start3A_72 = arith.constant 0 : i32
    %dma_start3A_73 = tpu.memref_slice %arg7[%dma_start3A_64, %dma_start3A_71, %dma_start3A_72] : memref<5x80x128xf32, #tpu.memory_space<vmem>> -> memref<1x80x128xf32, #tpu.memory_space<vmem>>
    %dma_start3A_74 = tpu.memref_squeeze %dma_start3A_73 : memref<1x80x128xf32, #tpu.memory_space<vmem>> -> memref<80x128xf32, #tpu.memory_space<vmem>>
    %dma_start3A_75 = arith.constant 0 : i32
    %dma_start3A_76 = tpu.memref_slice %arg2[%add3A_63, %dma_start3A_75] : memref<320000x128xf32, #tpu.memory_space<hbm>> -> memref<80x128xf32, #tpu.memory_space<hbm>>
    tpu.enqueue_dma source(%dma_start3A_76 : memref<80x128xf32, #tpu.memory_space<hbm>>) target(%dma_start3A_74 : memref<80x128xf32, #tpu.memory_space<vmem>>) target_semaphore(%arg14 : memref<!tpu.dma_semaphore, #tpu.memory_space<semaphore_mem>>)
    %add3A_77 = arith.constant 320 : i32
    %add3A_78 = arith.addi %mul3A_2, %add3A_77 : i32
    %dma_start3A_79 = arith.constant 4 : i32
    %dma_start3A_80 = arith.constant 0 : i32
    %dma_start3A_81 = arith.constant 0 : i32
    %dma_start3A_82 = tpu.memref_slice %arg7[%dma_start3A_79, %dma_start3A_80, %dma_start3A_81] : memref<5x80x128xf32, #tpu.memory_space<vmem>> -> memref<1x80x128xf32, #tpu.memory_space<vmem>>
    %dma_start3A_83 = tpu.memref_squeeze %dma_start3A_82 : memref<1x80x128xf32, #tpu.memory_space<vmem>> -> memref<80x128xf32, #tpu.memory_space<vmem>>
    %dma_start3A_84 = arith.constant 0 : i32
    %dma_start3A_85 = tpu.memref_slice %arg2[%add3A_78, %dma_start3A_84] : memref<320000x128xf32, #tpu.memory_space<hbm>> -> memref<80x128xf32, #tpu.memory_space<hbm>>
    %dma_start3A_86 = arith.constant 0 : i32
    %dma_start3A_87 = arith.constant 0 : i32
    %dma_start3A_88 = tpu.memref_slice %arg7[%dma_start3A_79, %dma_start3A_86, %dma_start3A_87] : memref<5x80x128xf32, #tpu.memory_space<vmem>> -> memref<1x80x128xf32, #tpu.memory_space<vmem>>
    %dma_start3A_89 = tpu.memref_squeeze %dma_start3A_88 : memref<1x80x128xf32, #tpu.memory_space<vmem>> -> memref<80x128xf32, #tpu.memory_space<vmem>>
    %dma_start3A_90 = arith.constant 0 : i32
    %dma_start3A_91 = tpu.memref_slice %arg2[%add3A_78, %dma_start3A_90] : memref<320000x128xf32, #tpu.memory_space<hbm>> -> memref<80x128xf32, #tpu.memory_space<hbm>>
    tpu.enqueue_dma source(%dma_start3A_91 : memref<80x128xf32, #tpu.memory_space<hbm>>) target(%dma_start3A_89 : memref<80x128xf32, #tpu.memory_space<vmem>>) target_semaphore(%arg15 : memref<!tpu.dma_semaphore, #tpu.memory_space<semaphore_mem>>)
    %broadcast_in_dim3A = arith.constant 0.000000e+00 : f32
    %broadcast_in_dim3A_92 = vector.broadcast %broadcast_in_dim3A : f32 to vector<16xf32>
    %scan3A = arith.constant 0 : i32
    %scan3A_93 = arith.constant 0 : i32
    %scan3A_94 = arith.constant 256 : i32
    %scan3A_95 = arith.addi %scan3A_93, %scan3A_94 : i32
    %scan3A_96 = arith.constant 1 : i32
    scf.for %scan3A_438 = %scan3A_93 to %scan3A_95 step %scan3A_96  : i32 {
      %swap3A_439 = arith.index_cast %scan3A_438 : i32 to index
      %swap3A_440 = arith.constant 0 : index
      %swap3A_441 = tpu.vector_load %arg8[%swap3A_439, %swap3A_440] {strides = array<i32>} : memref<256x128xf32, #tpu.memory_space<vmem>>, vector<1x16xf32>,
      %swap3A_442 = vector.shape_cast %swap3A_441 : vector<1x16xf32> to vector<16xf32>
      %swap3A_443 = vector.shape_cast %broadcast_in_dim3A_92 : vector<16xf32> to vector<1x16xf32>
      tpu.vector_store %arg8[%swap3A_439, %swap3A_440], %swap3A_443 {strides = array<i32>} : memref<256x128xf32, #tpu.memory_space<vmem>>, vector<1x16xf32>,
      %swap3A_444 = arith.index_cast %scan3A_438 : i32 to index
      %swap3A_445 = arith.constant 16 : index
      %swap3A_446 = tpu.vector_load %arg8[%swap3A_444, %swap3A_445] {strides = array<i32>} : memref<256x128xf32, #tpu.memory_space<vmem>>, vector<1x16xf32>,
      %swap3A_447 = vector.shape_cast %swap3A_446 : vector<1x16xf32> to vector<16xf32>
      %swap3A_448 = vector.shape_cast %broadcast_in_dim3A_92 : vector<16xf32> to vector<1x16xf32>
      tpu.vector_store %arg8[%swap3A_444, %swap3A_445], %swap3A_448 {strides = array<i32>} : memref<256x128xf32, #tpu.memory_space<vmem>>, vector<1x16xf32>,
      %swap3A_449 = arith.index_cast %scan3A_438 : i32 to index
      %swap3A_450 = arith.constant 32 : index
      %swap3A_451 = tpu.vector_load %arg8[%swap3A_449, %swap3A_450] {strides = array<i32>} : memref<256x128xf32, #tpu.memory_space<vmem>>, vector<1x16xf32>,
      %swap3A_452 = vector.shape_cast %swap3A_451 : vector<1x16xf32> to vector<16xf32>
      %swap3A_453 = vector.shape_cast %broadcast_in_dim3A_92 : vector<16xf32> to vector<1x16xf32>
      tpu.vector_store %arg8[%swap3A_449, %swap3A_450], %swap3A_453 {strides = array<i32>} : memref<256x128xf32, #tpu.memory_space<vmem>>, vector<1x16xf32>,
      %swap3A_454 = arith.index_cast %scan3A_438 : i32 to index
      %swap3A_455 = arith.constant 48 : index
      %swap3A_456 = tpu.vector_load %arg8[%swap3A_454, %swap3A_455] {strides = array<i32>} : memref<256x128xf32, #tpu.memory_space<vmem>>, vector<1x16xf32>,
      %swap3A_457 = vector.shape_cast %swap3A_456 : vector<1x16xf32> to vector<16xf32>
      %swap3A_458 = vector.shape_cast %broadcast_in_dim3A_92 : vector<16xf32> to vector<1x16xf32>
      tpu.vector_store %arg8[%swap3A_454, %swap3A_455], %swap3A_458 {strides = array<i32>} : memref<256x128xf32, #tpu.memory_space<vmem>>, vector<1x16xf32>,
      %swap3A_459 = arith.index_cast %scan3A_438 : i32 to index
      %swap3A_460 = arith.constant 64 : index
      %swap3A_461 = tpu.vector_load %arg8[%swap3A_459, %swap3A_460] {strides = array<i32>} : memref<256x128xf32, #tpu.memory_space<vmem>>, vector<1x16xf32>,
      %swap3A_462 = vector.shape_cast %swap3A_461 : vector<1x16xf32> to vector<16xf32>
      %swap3A_463 = vector.shape_cast %broadcast_in_dim3A_92 : vector<16xf32> to vector<1x16xf32>
      tpu.vector_store %arg8[%swap3A_459, %swap3A_460], %swap3A_463 {strides = array<i32>} : memref<256x128xf32, #tpu.memory_space<vmem>>, vector<1x16xf32>,
      %swap3A_464 = arith.index_cast %scan3A_438 : i32 to index
      %swap3A_465 = arith.constant 80 : index
      %swap3A_466 = tpu.vector_load %arg8[%swap3A_464, %swap3A_465] {strides = array<i32>} : memref<256x128xf32, #tpu.memory_space<vmem>>, vector<1x16xf32>,
      %swap3A_467 = vector.shape_cast %swap3A_466 : vector<1x16xf32> to vector<16xf32>
      %swap3A_468 = vector.shape_cast %broadcast_in_dim3A_92 : vector<16xf32> to vector<1x16xf32>
      tpu.vector_store %arg8[%swap3A_464, %swap3A_465], %swap3A_468 {strides = array<i32>} : memref<256x128xf32, #tpu.memory_space<vmem>>, vector<1x16xf32>,
      %swap3A_469 = arith.index_cast %scan3A_438 : i32 to index
      %swap3A_470 = arith.constant 96 : index
      %swap3A_471 = tpu.vector_load %arg8[%swap3A_469, %swap3A_470] {strides = array<i32>} : memref<256x128xf32, #tpu.memory_space<vmem>>, vector<1x16xf32>,
      %swap3A_472 = vector.shape_cast %swap3A_471 : vector<1x16xf32> to vector<16xf32>
      %swap3A_473 = vector.shape_cast %broadcast_in_dim3A_92 : vector<16xf32> to vector<1x16xf32>
      tpu.vector_store %arg8[%swap3A_469, %swap3A_470], %swap3A_473 {strides = array<i32>} : memref<256x128xf32, #tpu.memory_space<vmem>>, vector<1x16xf32>,
      %swap3A_474 = arith.index_cast %scan3A_438 : i32 to index
      %swap3A_475 = arith.constant 112 : index
      %swap3A_476 = tpu.vector_load %arg8[%swap3A_474, %swap3A_475] {strides = array<i32>} : memref<256x128xf32, #tpu.memory_space<vmem>>, vector<1x16xf32>,
      %swap3A_477 = vector.shape_cast %swap3A_476 : vector<1x16xf32> to vector<16xf32>
      %swap3A_478 = vector.shape_cast %broadcast_in_dim3A_92 : vector<16xf32> to vector<1x16xf32>
      tpu.vector_store %arg8[%swap3A_474, %swap3A_475], %swap3A_478 {strides = array<i32>} : memref<256x128xf32, #tpu.memory_space<vmem>>, vector<1x16xf32>,
    }
    %scan3A_97 = arith.constant 256 : i32
    %iota3A = tpu.iota {dimensions = array<i32: 0>} : vector<16xi32>
    %add3A_98 = arith.constant 0 : i32
    %add3A_99 = vector.broadcast %add3A_98 : i32 to vector<16xi32>
    %add3A_100 = arith.addi %iota3A, %add3A_99 : vector<16xi32>
    %add3A_101 = vector.broadcast %squeeze3A : i32 to vector<16xi32>
    %add3A_102 = arith.addi %add3A_100, %add3A_101 : vector<16xi32>
    %min3A = arith.constant 511 : i32
    %min3A_103 = vector.broadcast %min3A : i32 to vector<16xi32>
    %min3A_104 = arith.minsi %add3A_102, %min3A_103 : vector<16xi32>
    %swap3A = arith.constant 0 : i32
    %swap3A_105 = arith.index_cast %swap3A : i32 to index
    %swap3A_106 = arith.constant 0 : index
    %swap3A_107 = tpu.vector_load %arg9[%swap3A_105, %swap3A_106] {strides = array<i32>} : memref<2x128xi32, #tpu.memory_space<vmem>>, vector<1x16xi32>,
    %swap3A_108 = vector.shape_cast %swap3A_107 : vector<1x16xi32> to vector<16xi32>
    %swap3A_109 = vector.shape_cast %min3A_104 : vector<16xi32> to vector<1x16xi32>
    tpu.vector_store %arg9[%swap3A_105, %swap3A_106], %swap3A_109 {strides = array<i32>} : memref<2x128xi32, #tpu.memory_space<vmem>>, vector<1x16xi32>,
    %add3A_110 = arith.constant 16 : i32
    %add3A_111 = vector.broadcast %add3A_110 : i32 to vector<16xi32>
    %add3A_112 = arith.addi %iota3A, %add3A_111 : vector<16xi32>
    %add3A_113 = vector.broadcast %squeeze3A : i32 to vector<16xi32>
    %add3A_114 = arith.addi %add3A_112, %add3A_113 : vector<16xi32>
    %min3A_115 = arith.constant 511 : i32
    %min3A_116 = vector.broadcast %min3A_115 : i32 to vector<16xi32>
    %min3A_117 = arith.minsi %add3A_114, %min3A_116 : vector<16xi32>
    %swap3A_118 = arith.constant 0 : i32
    %swap3A_119 = arith.index_cast %swap3A_118 : i32 to index
    %swap3A_120 = arith.constant 16 : index
    %swap3A_121 = tpu.vector_load %arg9[%swap3A_119, %swap3A_120] {strides = array<i32>} : memref<2x128xi32, #tpu.memory_space<vmem>>, vector<1x16xi32>,
    %swap3A_122 = vector.shape_cast %swap3A_121 : vector<1x16xi32> to vector<16xi32>
    %swap3A_123 = vector.shape_cast %min3A_117 : vector<16xi32> to vector<1x16xi32>
    tpu.vector_store %arg9[%swap3A_119, %swap3A_120], %swap3A_123 {strides = array<i32>} : memref<2x128xi32, #tpu.memory_space<vmem>>, vector<1x16xi32>,
    %add3A_124 = arith.constant 32 : i32
    %add3A_125 = vector.broadcast %add3A_124 : i32 to vector<16xi32>
    %add3A_126 = arith.addi %iota3A, %add3A_125 : vector<16xi32>
    %add3A_127 = vector.broadcast %squeeze3A : i32 to vector<16xi32>
    %add3A_128 = arith.addi %add3A_126, %add3A_127 : vector<16xi32>
    %min3A_129 = arith.constant 511 : i32
    %min3A_130 = vector.broadcast %min3A_129 : i32 to vector<16xi32>
    %min3A_131 = arith.minsi %add3A_128, %min3A_130 : vector<16xi32>
    %swap3A_132 = arith.constant 0 : i32
    %swap3A_133 = arith.index_cast %swap3A_132 : i32 to index
    %swap3A_134 = arith.constant 32 : index
    %swap3A_135 = tpu.vector_load %arg9[%swap3A_133, %swap3A_134] {strides = array<i32>} : memref<2x128xi32, #tpu.memory_space<vmem>>, vector<1x16xi32>,
    %swap3A_136 = vector.shape_cast %swap3A_135 : vector<1x16xi32> to vector<16xi32>
    %swap3A_137 = vector.shape_cast %min3A_131 : vector<16xi32> to vector<1x16xi32>
    tpu.vector_store %arg9[%swap3A_133, %swap3A_134], %swap3A_137 {strides = array<i32>} : memref<2x128xi32, #tpu.memory_space<vmem>>, vector<1x16xi32>,
    %add3A_138 = arith.constant 48 : i32
    %add3A_139 = vector.broadcast %add3A_138 : i32 to vector<16xi32>
    %add3A_140 = arith.addi %iota3A, %add3A_139 : vector<16xi32>
    %add3A_141 = vector.broadcast %squeeze3A : i32 to vector<16xi32>
    %add3A_142 = arith.addi %add3A_140, %add3A_141 : vector<16xi32>
    %min3A_143 = arith.constant 511 : i32
    %min3A_144 = vector.broadcast %min3A_143 : i32 to vector<16xi32>
    %min3A_145 = arith.minsi %add3A_142, %min3A_144 : vector<16xi32>
    %swap3A_146 = arith.constant 0 : i32
    %swap3A_147 = arith.index_cast %swap3A_146 : i32 to index
    %swap3A_148 = arith.constant 48 : index
    %swap3A_149 = tpu.vector_load %arg9[%swap3A_147, %swap3A_148] {strides = array<i32>} : memref<2x128xi32, #tpu.memory_space<vmem>>, vector<1x16xi32>,
    %swap3A_150 = vector.shape_cast %swap3A_149 : vector<1x16xi32> to vector<16xi32>
    %swap3A_151 = vector.shape_cast %min3A_145 : vector<16xi32> to vector<1x16xi32>
    tpu.vector_store %arg9[%swap3A_147, %swap3A_148], %swap3A_151 {strides = array<i32>} : memref<2x128xi32, #tpu.memory_space<vmem>>, vector<1x16xi32>,
    %add3A_152 = arith.constant 64 : i32
    %add3A_153 = vector.broadcast %add3A_152 : i32 to vector<16xi32>
    %add3A_154 = arith.addi %iota3A, %add3A_153 : vector<16xi32>
    %add3A_155 = vector.broadcast %squeeze3A : i32 to vector<16xi32>
    %add3A_156 = arith.addi %add3A_154, %add3A_155 : vector<16xi32>
    %min3A_157 = arith.constant 511 : i32
    %min3A_158 = vector.broadcast %min3A_157 : i32 to vector<16xi32>
    %min3A_159 = arith.minsi %add3A_156, %min3A_158 : vector<16xi32>
    %swap3A_160 = arith.constant 0 : i32
    %swap3A_161 = arith.index_cast %swap3A_160 : i32 to index
    %swap3A_162 = arith.constant 64 : index
    %swap3A_163 = tpu.vector_load %arg9[%swap3A_161, %swap3A_162] {strides = array<i32>} : memref<2x128xi32, #tpu.memory_space<vmem>>, vector<1x16xi32>,
    %swap3A_164 = vector.shape_cast %swap3A_163 : vector<1x16xi32> to vector<16xi32>
    %swap3A_165 = vector.shape_cast %min3A_159 : vector<16xi32> to vector<1x16xi32>
    tpu.vector_store %arg9[%swap3A_161, %swap3A_162], %swap3A_165 {strides = array<i32>} : memref<2x128xi32, #tpu.memory_space<vmem>>, vector<1x16xi32>,
    %add3A_166 = arith.constant 80 : i32
    %add3A_167 = vector.broadcast %add3A_166 : i32 to vector<16xi32>
    %add3A_168 = arith.addi %iota3A, %add3A_167 : vector<16xi32>
    %add3A_169 = vector.broadcast %squeeze3A : i32 to vector<16xi32>
    %add3A_170 = arith.addi %add3A_168, %add3A_169 : vector<16xi32>
    %min3A_171 = arith.constant 511 : i32
    %min3A_172 = vector.broadcast %min3A_171 : i32 to vector<16xi32>
    %min3A_173 = arith.minsi %add3A_170, %min3A_172 : vector<16xi32>
    %swap3A_174 = arith.constant 0 : i32
    %swap3A_175 = arith.index_cast %swap3A_174 : i32 to index
    %swap3A_176 = arith.constant 80 : index
    %swap3A_177 = tpu.vector_load %arg9[%swap3A_175, %swap3A_176] {strides = array<i32>} : memref<2x128xi32, #tpu.memory_space<vmem>>, vector<1x16xi32>,
    %swap3A_178 = vector.shape_cast %swap3A_177 : vector<1x16xi32> to vector<16xi32>
    %swap3A_179 = vector.shape_cast %min3A_173 : vector<16xi32> to vector<1x16xi32>
    tpu.vector_store %arg9[%swap3A_175, %swap3A_176], %swap3A_179 {strides = array<i32>} : memref<2x128xi32, #tpu.memory_space<vmem>>, vector<1x16xi32>,
    %add3A_180 = arith.constant 96 : i32
    %add3A_181 = vector.broadcast %add3A_180 : i32 to vector<16xi32>
    %add3A_182 = arith.addi %iota3A, %add3A_181 : vector<16xi32>
    %add3A_183 = vector.broadcast %squeeze3A : i32 to vector<16xi32>
    %add3A_184 = arith.addi %add3A_182, %add3A_183 : vector<16xi32>
    %min3A_185 = arith.constant 511 : i32
    %min3A_186 = vector.broadcast %min3A_185 : i32 to vector<16xi32>
    %min3A_187 = arith.minsi %add3A_184, %min3A_186 : vector<16xi32>
    %swap3A_188 = arith.constant 0 : i32
    %swap3A_189 = arith.index_cast %swap3A_188 : i32 to index
    %swap3A_190 = arith.constant 96 : index
    %swap3A_191 = tpu.vector_load %arg9[%swap3A_189, %swap3A_190] {strides = array<i32>} : memref<2x128xi32, #tpu.memory_space<vmem>>, vector<1x16xi32>,
    %swap3A_192 = vector.shape_cast %swap3A_191 : vector<1x16xi32> to vector<16xi32>
    %swap3A_193 = vector.shape_cast %min3A_187 : vector<16xi32> to vector<1x16xi32>
    tpu.vector_store %arg9[%swap3A_189, %swap3A_190], %swap3A_193 {strides = array<i32>} : memref<2x128xi32, #tpu.memory_space<vmem>>, vector<1x16xi32>,
    %add3A_194 = arith.constant 112 : i32
    %add3A_195 = vector.broadcast %add3A_194 : i32 to vector<16xi32>
    %add3A_196 = arith.addi %iota3A, %add3A_195 : vector<16xi32>
    %add3A_197 = vector.broadcast %squeeze3A : i32 to vector<16xi32>
    %add3A_198 = arith.addi %add3A_196, %add3A_197 : vector<16xi32>
    %min3A_199 = arith.constant 511 : i32
    %min3A_200 = vector.broadcast %min3A_199 : i32 to vector<16xi32>
    %min3A_201 = arith.minsi %add3A_198, %min3A_200 : vector<16xi32>
    %swap3A_202 = arith.constant 0 : i32
    %swap3A_203 = arith.index_cast %swap3A_202 : i32 to index
    %swap3A_204 = arith.constant 112 : index
    %swap3A_205 = tpu.vector_load %arg9[%swap3A_203, %swap3A_204] {strides = array<i32>} : memref<2x128xi32, #tpu.memory_space<vmem>>, vector<1x16xi32>,
    %swap3A_206 = vector.shape_cast %swap3A_205 : vector<1x16xi32> to vector<16xi32>
    %swap3A_207 = vector.shape_cast %min3A_201 : vector<16xi32> to vector<1x16xi32>
    tpu.vector_store %arg9[%swap3A_203, %swap3A_204], %swap3A_207 {strides = array<i32>} : memref<2x128xi32, #tpu.memory_space<vmem>>, vector<1x16xi32>,
    %add3A_208 = arith.constant 128 : i32
    %add3A_209 = vector.broadcast %add3A_208 : i32 to vector<16xi32>
    %add3A_210 = arith.addi %iota3A, %add3A_209 : vector<16xi32>
    %add3A_211 = vector.broadcast %squeeze3A : i32 to vector<16xi32>
    %add3A_212 = arith.addi %add3A_210, %add3A_211 : vector<16xi32>
    %min3A_213 = arith.constant 511 : i32
    %min3A_214 = vector.broadcast %min3A_213 : i32 to vector<16xi32>
    %min3A_215 = arith.minsi %add3A_212, %min3A_214 : vector<16xi32>
    %swap3A_216 = arith.constant 1 : i32
    %swap3A_217 = arith.index_cast %swap3A_216 : i32 to index
    %swap3A_218 = arith.constant 0 : index
    %swap3A_219 = tpu.vector_load %arg9[%swap3A_217, %swap3A_218] {strides = array<i32>} : memref<2x128xi32, #tpu.memory_space<vmem>>, vector<1x16xi32>,
    %swap3A_220 = vector.shape_cast %swap3A_219 : vector<1x16xi32> to vector<16xi32>
    %swap3A_221 = vector.shape_cast %min3A_215 : vector<16xi32> to vector<1x16xi32>
    tpu.vector_store %arg9[%swap3A_217, %swap3A_218], %swap3A_221 {strides = array<i32>} : memref<2x128xi32, #tpu.memory_space<vmem>>, vector<1x16xi32>,
    %add3A_222 = arith.constant 144 : i32
    %add3A_223 = vector.broadcast %add3A_222 : i32 to vector<16xi32>
    %add3A_224 = arith.addi %iota3A, %add3A_223 : vector<16xi32>
    %add3A_225 = vector.broadcast %squeeze3A : i32 to vector<16xi32>
    %add3A_226 = arith.addi %add3A_224, %add3A_225 : vector<16xi32>
    %min3A_227 = arith.constant 511 : i32
    %min3A_228 = vector.broadcast %min3A_227 : i32 to vector<16xi32>
    %min3A_229 = arith.minsi %add3A_226, %min3A_228 : vector<16xi32>
    %swap3A_230 = arith.constant 1 : i32
    %swap3A_231 = arith.index_cast %swap3A_230 : i32 to index
    %swap3A_232 = arith.constant 16 : index
    %swap3A_233 = tpu.vector_load %arg9[%swap3A_231, %swap3A_232] {strides = array<i32>} : memref<2x128xi32, #tpu.memory_space<vmem>>, vector<1x16xi32>,
    %swap3A_234 = vector.shape_cast %swap3A_233 : vector<1x16xi32> to vector<16xi32>
    %swap3A_235 = vector.shape_cast %min3A_229 : vector<16xi32> to vector<1x16xi32>
    tpu.vector_store %arg9[%swap3A_231, %swap3A_232], %swap3A_235 {strides = array<i32>} : memref<2x128xi32, #tpu.memory_space<vmem>>, vector<1x16xi32>,
    %add3A_236 = arith.constant 160 : i32
    %add3A_237 = vector.broadcast %add3A_236 : i32 to vector<16xi32>
    %add3A_238 = arith.addi %iota3A, %add3A_237 : vector<16xi32>
    %add3A_239 = vector.broadcast %squeeze3A : i32 to vector<16xi32>
    %add3A_240 = arith.addi %add3A_238, %add3A_239 : vector<16xi32>
    %min3A_241 = arith.constant 511 : i32
    %min3A_242 = vector.broadcast %min3A_241 : i32 to vector<16xi32>
    %min3A_243 = arith.minsi %add3A_240, %min3A_242 : vector<16xi32>
    %swap3A_244 = arith.constant 1 : i32
    %swap3A_245 = arith.index_cast %swap3A_244 : i32 to index
    %swap3A_246 = arith.constant 32 : index
    %swap3A_247 = tpu.vector_load %arg9[%swap3A_245, %swap3A_246] {strides = array<i32>} : memref<2x128xi32, #tpu.memory_space<vmem>>, vector<1x16xi32>,
    %swap3A_248 = vector.shape_cast %swap3A_247 : vector<1x16xi32> to vector<16xi32>
    %swap3A_249 = vector.shape_cast %min3A_243 : vector<16xi32> to vector<1x16xi32>
    tpu.vector_store %arg9[%swap3A_245, %swap3A_246], %swap3A_249 {strides = array<i32>} : memref<2x128xi32, #tpu.memory_space<vmem>>, vector<1x16xi32>,
    %add3A_250 = arith.constant 176 : i32
    %add3A_251 = vector.broadcast %add3A_250 : i32 to vector<16xi32>
    %add3A_252 = arith.addi %iota3A, %add3A_251 : vector<16xi32>
    %add3A_253 = vector.broadcast %squeeze3A : i32 to vector<16xi32>
    %add3A_254 = arith.addi %add3A_252, %add3A_253 : vector<16xi32>
    %min3A_255 = arith.constant 511 : i32
    %min3A_256 = vector.broadcast %min3A_255 : i32 to vector<16xi32>
    %min3A_257 = arith.minsi %add3A_254, %min3A_256 : vector<16xi32>
    %swap3A_258 = arith.constant 1 : i32
    %swap3A_259 = arith.index_cast %swap3A_258 : i32 to index
    %swap3A_260 = arith.constant 48 : index
    %swap3A_261 = tpu.vector_load %arg9[%swap3A_259, %swap3A_260] {strides = array<i32>} : memref<2x128xi32, #tpu.memory_space<vmem>>, vector<1x16xi32>,
    %swap3A_262 = vector.shape_cast %swap3A_261 : vector<1x16xi32> to vector<16xi32>
    %swap3A_263 = vector.shape_cast %min3A_257 : vector<16xi32> to vector<1x16xi32>
    tpu.vector_store %arg9[%swap3A_259, %swap3A_260], %swap3A_263 {strides = array<i32>} : memref<2x128xi32, #tpu.memory_space<vmem>>, vector<1x16xi32>,
    %add3A_264 = arith.constant 192 : i32
    %add3A_265 = vector.broadcast %add3A_264 : i32 to vector<16xi32>
    %add3A_266 = arith.addi %iota3A, %add3A_265 : vector<16xi32>
    %add3A_267 = vector.broadcast %squeeze3A : i32 to vector<16xi32>
    %add3A_268 = arith.addi %add3A_266, %add3A_267 : vector<16xi32>
    %min3A_269 = arith.constant 511 : i32
    %min3A_270 = vector.broadcast %min3A_269 : i32 to vector<16xi32>
    %min3A_271 = arith.minsi %add3A_268, %min3A_270 : vector<16xi32>
    %swap3A_272 = arith.constant 1 : i32
    %swap3A_273 = arith.index_cast %swap3A_272 : i32 to index
    %swap3A_274 = arith.constant 64 : index
    %swap3A_275 = tpu.vector_load %arg9[%swap3A_273, %swap3A_274] {strides = array<i32>} : memref<2x128xi32, #tpu.memory_space<vmem>>, vector<1x16xi32>,
    %swap3A_276 = vector.shape_cast %swap3A_275 : vector<1x16xi32> to vector<16xi32>
    %swap3A_277 = vector.shape_cast %min3A_271 : vector<16xi32> to vector<1x16xi32>
    tpu.vector_store %arg9[%swap3A_273, %swap3A_274], %swap3A_277 {strides = array<i32>} : memref<2x128xi32, #tpu.memory_space<vmem>>, vector<1x16xi32>,
    %add3A_278 = arith.constant 208 : i32
    %add3A_279 = vector.broadcast %add3A_278 : i32 to vector<16xi32>
    %add3A_280 = arith.addi %iota3A, %add3A_279 : vector<16xi32>
    %add3A_281 = vector.broadcast %squeeze3A : i32 to vector<16xi32>
    %add3A_282 = arith.addi %add3A_280, %add3A_281 : vector<16xi32>
    %min3A_283 = arith.constant 511 : i32
    %min3A_284 = vector.broadcast %min3A_283 : i32 to vector<16xi32>
    %min3A_285 = arith.minsi %add3A_282, %min3A_284 : vector<16xi32>
    %swap3A_286 = arith.constant 1 : i32
    %swap3A_287 = arith.index_cast %swap3A_286 : i32 to index
    %swap3A_288 = arith.constant 80 : index
    %swap3A_289 = tpu.vector_load %arg9[%swap3A_287, %swap3A_288] {strides = array<i32>} : memref<2x128xi32, #tpu.memory_space<vmem>>, vector<1x16xi32>,
    %swap3A_290 = vector.shape_cast %swap3A_289 : vector<1x16xi32> to vector<16xi32>
    %swap3A_291 = vector.shape_cast %min3A_285 : vector<16xi32> to vector<1x16xi32>
    tpu.vector_store %arg9[%swap3A_287, %swap3A_288], %swap3A_291 {strides = array<i32>} : memref<2x128xi32, #tpu.memory_space<vmem>>, vector<1x16xi32>,
    %add3A_292 = arith.constant 224 : i32
    %add3A_293 = vector.broadcast %add3A_292 : i32 to vector<16xi32>
    %add3A_294 = arith.addi %iota3A, %add3A_293 : vector<16xi32>
    %add3A_295 = vector.broadcast %squeeze3A : i32 to vector<16xi32>
    %add3A_296 = arith.addi %add3A_294, %add3A_295 : vector<16xi32>
    %min3A_297 = arith.constant 511 : i32
    %min3A_298 = vector.broadcast %min3A_297 : i32 to vector<16xi32>
    %min3A_299 = arith.minsi %add3A_296, %min3A_298 : vector<16xi32>
    %swap3A_300 = arith.constant 1 : i32
    %swap3A_301 = arith.index_cast %swap3A_300 : i32 to index
    %swap3A_302 = arith.constant 96 : index
    %swap3A_303 = tpu.vector_load %arg9[%swap3A_301, %swap3A_302] {strides = array<i32>} : memref<2x128xi32, #tpu.memory_space<vmem>>, vector<1x16xi32>,
    %swap3A_304 = vector.shape_cast %swap3A_303 : vector<1x16xi32> to vector<16xi32>
    %swap3A_305 = vector.shape_cast %min3A_299 : vector<16xi32> to vector<1x16xi32>
    tpu.vector_store %arg9[%swap3A_301, %swap3A_302], %swap3A_305 {strides = array<i32>} : memref<2x128xi32, #tpu.memory_space<vmem>>, vector<1x16xi32>,
    %add3A_306 = arith.constant 240 : i32
    %add3A_307 = vector.broadcast %add3A_306 : i32 to vector<16xi32>
    %add3A_308 = arith.addi %iota3A, %add3A_307 : vector<16xi32>
    %add3A_309 = vector.broadcast %squeeze3A : i32 to vector<16xi32>
    %add3A_310 = arith.addi %add3A_308, %add3A_309 : vector<16xi32>
    %min3A_311 = arith.constant 511 : i32
    %min3A_312 = vector.broadcast %min3A_311 : i32 to vector<16xi32>
    %min3A_313 = arith.minsi %add3A_310, %min3A_312 : vector<16xi32>
    %swap3A_314 = arith.constant 1 : i32
    %swap3A_315 = arith.index_cast %swap3A_314 : i32 to index
    %swap3A_316 = arith.constant 112 : index
    %swap3A_317 = tpu.vector_load %arg9[%swap3A_315, %swap3A_316] {strides = array<i32>} : memref<2x128xi32, #tpu.memory_space<vmem>>, vector<1x16xi32>,
    %swap3A_318 = vector.shape_cast %swap3A_317 : vector<1x16xi32> to vector<16xi32>
    %swap3A_319 = vector.shape_cast %min3A_313 : vector<16xi32> to vector<1x16xi32>
    tpu.vector_store %arg9[%swap3A_315, %swap3A_316], %swap3A_319 {strides = array<i32>} : memref<2x128xi32, #tpu.memory_space<vmem>>, vector<1x16xi32>,
    %barrier3A = arith.constant 0 : index
    tpu.barrier barrier_id(%barrier3A)
    %broadcast_in_dim3A_320 = arith.constant 0.000000e+00 : f32
    %broadcast_in_dim3A_321 = vector.broadcast %broadcast_in_dim3A_320 : f32 to vector<16xf32>
    %broadcast_in_dim3A_322 = arith.constant 0.000000e+00 : f32
    %broadcast_in_dim3A_323 = vector.broadcast %broadcast_in_dim3A_322 : f32 to vector<16xf32>
    %broadcast_in_dim3A_324 = arith.constant 0.000000e+00 : f32
    %broadcast_in_dim3A_325 = vector.broadcast %broadcast_in_dim3A_324 : f32 to vector<16xf32>
    %broadcast_in_dim3A_326 = arith.constant 0.000000e+00 : f32
    %broadcast_in_dim3A_327 = vector.broadcast %broadcast_in_dim3A_326 : f32 to vector<16xf32>
    %broadcast_in_dim3A_328 = arith.constant 0.000000e+00 : f32
    %broadcast_in_dim3A_329 = vector.broadcast %broadcast_in_dim3A_328 : f32 to vector<16xf32>
    %broadcast_in_dim3A_330 = arith.constant 0.000000e+00 : f32
    %broadcast_in_dim3A_331 = vector.broadcast %broadcast_in_dim3A_330 : f32 to vector<16xf32>
    %broadcast_in_dim3A_332 = arith.constant 0.000000e+00 : f32
    %broadcast_in_dim3A_333 = vector.broadcast %broadcast_in_dim3A_332 : f32 to vector<16xf32>
    %broadcast_in_dim3A_334 = arith.constant 0.000000e+00 : f32
    %broadcast_in_dim3A_335 = vector.broadcast %broadcast_in_dim3A_334 : f32 to vector<16xf32>
    %scan3A_336 = arith.constant 0 : i32
    %scan3A_337 = arith.constant 25 : i32
    %scan3A_338 = arith.addi %scan3A_336, %scan3A_337 : i32
    %scan3A_339 = arith.constant 1 : i32
    %scan3A_340:9 = scf.for %scan3A_438 = %scan3A_336 to %scan3A_338 step %scan3A_339 iter_args(%scan3A_439 = %squeeze3A, %scan3A_440 = %broadcast_in_dim3A_321, %scan3A_441 = %broadcast_in_dim3A_323, %scan3A_442 = %broadcast_in_dim3A_325, %scan3A_443 = %broadcast_in_dim3A_327, %scan3A_444 = %broadcast_in_dim3A_329, %scan3A_445 = %broadcast_in_dim3A_331, %scan3A_446 = %broadcast_in_dim3A_333, %scan3A_447 = %broadcast_in_dim3A_335) -> (i32, vector<16xf32>, vector<16xf32>, vector<16xf32>, vector<16xf32>, vector<16xf32>, vector<16xf32>, vector<16xf32>, vector<16xf32>)  : i32 {
      %mul3A_448 = arith.constant 5 : i32
      %mul3A_449 = arith.muli %scan3A_438, %mul3A_448 : i32
      %add3A_450 = arith.constant 0 : i32
      %add3A_451 = arith.addi %mul3A_449, %add3A_450 : i32
      %dma_wait3A = arith.constant 0 : i32
      %dma_wait3A_452 = arith.constant 0 : i32
      %dma_wait3A_453 = arith.constant 0 : i32
      %dma_wait3A_454 = tpu.memref_slice %arg7[%dma_wait3A, %dma_wait3A_452, %dma_wait3A_453] : memref<5x80x128xf32, #tpu.memory_space<vmem>> -> memref<1x80x128xf32, #tpu.memory_space<vmem>>
      %dma_wait3A_455 = tpu.memref_squeeze %dma_wait3A_454 : memref<1x80x128xf32, #tpu.memory_space<vmem>> -> memref<80x128xf32, #tpu.memory_space<vmem>>
      %dma_wait3A_456 = arith.constant 0 : i32
      %dma_wait3A_457 = tpu.memref_slice %arg2[%mul3A_2, %dma_wait3A_456] : memref<320000x128xf32, #tpu.memory_space<hbm>> -> memref<80x128xf32, #tpu.memory_space<hbm>>
      %dma_wait3A_458 = arith.constant 0 : i32
      %dma_wait3A_459 = arith.constant 0 : i32
      %dma_wait3A_460 = tpu.memref_slice %arg7[%dma_wait3A, %dma_wait3A_458, %dma_wait3A_459] : memref<5x80x128xf32, #tpu.memory_space<vmem>> -> memref<1x80x128xf32, #tpu.memory_space<vmem>>
      %dma_wait3A_461 = tpu.memref_squeeze %dma_wait3A_460 : memref<1x80x128xf32, #tpu.memory_space<vmem>> -> memref<80x128xf32, #tpu.memory_space<vmem>>
      %dma_wait3A_462 = arith.constant 0 : i32
      %dma_wait3A_463 = tpu.memref_slice %arg2[%mul3A_2, %dma_wait3A_462] : memref<320000x128xf32, #tpu.memory_space<hbm>> -> memref<80x128xf32, #tpu.memory_space<hbm>>
      tpu.wait_dma2 semaphore(%arg11 : memref<!tpu.dma_semaphore, #tpu.memory_space<semaphore_mem>>) src(%dma_wait3A_463 : memref<80x128xf32, #tpu.memory_space<hbm>>) dst(%dma_wait3A_461 : memref<80x128xf32, #tpu.memory_space<vmem>>)
      %mul3A_464 = arith.constant 2 : i32
      %mul3A_465 = arith.muli %add3A_451, %mul3A_464 : i32
      %add3A_466 = arith.constant 0 : i32
      %add3A_467 = arith.addi %mul3A_465, %add3A_466 : i32
      %get3A_468 = arith.index_cast %add3A_467 : i32 to index
      %get3A_469 = arith.constant 0 : index
      %get3A_470 = tpu.vector_load %arg6[%get3A_468, %get3A_469] {strides = array<i32>} : memref<250x40xi32, #tpu.memory_space<vmem>>, vector<1x16xi32>,
      %get3A_471 = vector.shape_cast %get3A_470 : vector<1x16xi32> to vector<16xi32>
      %get3A_472 = arith.index_cast %add3A_467 : i32 to index
      %get3A_473 = arith.constant 24 : index
      %get3A_474 = tpu.vector_load %arg6[%get3A_472, %get3A_473] {strides = array<i32>} : memref<250x40xi32, #tpu.memory_space<vmem>>, vector<1x16xi32>,
      %get3A_475 = vector.shape_cast %get3A_474 : vector<1x16xi32> to vector<16xi32>
      %slice3A_476 = vector.extract_strided_slice %get3A_471 {offsets = [0], sizes = [1], strides = [1]} : vector<16xi32> to vector<1xi32>
      %squeeze3A_477 = vector.extract %slice3A_476[0] : i32 from vector<1xi32>
      %slice3A_478 = vector.extract_strided_slice %get3A_475 {offsets = [15], sizes = [1], strides = [1]} : vector<16xi32> to vector<1xi32>
      %squeeze3A_479 = vector.extract %slice3A_478[0] : i32 from vector<1xi32>
      %eq3A_480 = arith.cmpi eq, %squeeze3A_477, %squeeze3A_479 : i32
      %sub3A_481 = arith.subi %squeeze3A_479, %squeeze3A : i32
      %lt3A = arith.constant 256 : i32
      %lt3A_482 = arith.cmpi slt, %sub3A_481, %lt3A : i32
      %and3A = arith.andi %eq3A_480, %lt3A_482 : i1
      %not3A = arith.constant true
      %not3A_483 = arith.xori %and3A, %not3A : i1
      %ne3A = arith.cmpi ne, %squeeze3A_477, %scan3A_439 : i32
      %or3A = arith.ori %not3A_483, %ne3A : i1
      %convert_element_type3A_484 = arith.extui %or3A : i1 to i32
      %cond3A_485 = arith.constant 0 : i32
      %cond3A_486 = arith.cmpi ne, %convert_element_type3A_484, %cond3A_485 : i32
      scf.if %cond3A_486 {
        %sub3A_1133 = arith.subi %scan3A_439, %squeeze3A : i32
        %min3A_1134 = arith.constant 255 : i32
        %min3A_1135 = arith.minsi %sub3A_1133, %min3A_1134 : i32
        %get3A_1136 = arith.index_cast %min3A_1135 : i32 to index
        %get3A_1137 = arith.constant 0 : index
        %get3A_1138 = tpu.vector_load %arg8[%get3A_1136, %get3A_1137] {strides = array<i32>} : memref<256x128xf32, #tpu.memory_space<vmem>>, vector<1x16xf32>,
        %get3A_1139 = vector.shape_cast %get3A_1138 : vector<1x16xf32> to vector<16xf32>
        %add3A_1140 = arith.addf %get3A_1139, %scan3A_440 : vector<16xf32>
        %swap3A_1141 = arith.index_cast %min3A_1135 : i32 to index
        %swap3A_1142 = arith.constant 0 : index
        %swap3A_1143 = tpu.vector_load %arg8[%swap3A_1141, %swap3A_1142] {strides = array<i32>} : memref<256x128xf32, #tpu.memory_space<vmem>>, vector<1x16xf32>,
        %swap3A_1144 = vector.shape_cast %swap3A_1143 : vector<1x16xf32> to vector<16xf32>
        %swap3A_1145 = vector.shape_cast %add3A_1140 : vector<16xf32> to vector<1x16xf32>
        tpu.vector_store %arg8[%swap3A_1141, %swap3A_1142], %swap3A_1145 {strides = array<i32>} : memref<256x128xf32, #tpu.memory_space<vmem>>, vector<1x16xf32>,
        %get3A_1146 = arith.index_cast %min3A_1135 : i32 to index
        %get3A_1147 = arith.constant 16 : index
        %get3A_1148 = tpu.vector_load %arg8[%get3A_1146, %get3A_1147] {strides = array<i32>} : memref<256x128xf32, #tpu.memory_space<vmem>>, vector<1x16xf32>,
        %get3A_1149 = vector.shape_cast %get3A_1148 : vector<1x16xf32> to vector<16xf32>
        %add3A_1150 = arith.addf %get3A_1149, %scan3A_441 : vector<16xf32>
        %swap3A_1151 = arith.index_cast %min3A_1135 : i32 to index
        %swap3A_1152 = arith.constant 16 : index
        %swap3A_1153 = tpu.vector_load %arg8[%swap3A_1151, %swap3A_1152] {strides = array<i32>} : memref<256x128xf32, #tpu.memory_space<vmem>>, vector<1x16xf32>,
        %swap3A_1154 = vector.shape_cast %swap3A_1153 : vector<1x16xf32> to vector<16xf32>
        %swap3A_1155 = vector.shape_cast %add3A_1150 : vector<16xf32> to vector<1x16xf32>
        tpu.vector_store %arg8[%swap3A_1151, %swap3A_1152], %swap3A_1155 {strides = array<i32>} : memref<256x128xf32, #tpu.memory_space<vmem>>, vector<1x16xf32>,
        %get3A_1156 = arith.index_cast %min3A_1135 : i32 to index
        %get3A_1157 = arith.constant 32 : index
        %get3A_1158 = tpu.vector_load %arg8[%get3A_1156, %get3A_1157] {strides = array<i32>} : memref<256x128xf32, #tpu.memory_space<vmem>>, vector<1x16xf32>,
        %get3A_1159 = vector.shape_cast %get3A_1158 : vector<1x16xf32> to vector<16xf32>
        %add3A_1160 = arith.addf %get3A_1159, %scan3A_442 : vector<16xf32>
        %swap3A_1161 = arith.index_cast %min3A_1135 : i32 to index
        %swap3A_1162 = arith.constant 32 : index
        %swap3A_1163 = tpu.vector_load %arg8[%swap3A_1161, %swap3A_1162] {strides = array<i32>} : memref<256x128xf32, #tpu.memory_space<vmem>>, vector<1x16xf32>,
        %swap3A_1164 = vector.shape_cast %swap3A_1163 : vector<1x16xf32> to vector<16xf32>
        %swap3A_1165 = vector.shape_cast %add3A_1160 : vector<16xf32> to vector<1x16xf32>
        tpu.vector_store %arg8[%swap3A_1161, %swap3A_1162], %swap3A_1165 {strides = array<i32>} : memref<256x128xf32, #tpu.memory_space<vmem>>, vector<1x16xf32>,
        %get3A_1166 = arith.index_cast %min3A_1135 : i32 to index
        %get3A_1167 = arith.constant 48 : index
        %get3A_1168 = tpu.vector_load %arg8[%get3A_1166, %get3A_1167] {strides = array<i32>} : memref<256x128xf32, #tpu.memory_space<vmem>>, vector<1x16xf32>,
        %get3A_1169 = vector.shape_cast %get3A_1168 : vector<1x16xf32> to vector<16xf32>
        %add3A_1170 = arith.addf %get3A_1169, %scan3A_443 : vector<16xf32>
        %swap3A_1171 = arith.index_cast %min3A_1135 : i32 to index
        %swap3A_1172 = arith.constant 48 : index
        %swap3A_1173 = tpu.vector_load %arg8[%swap3A_1171, %swap3A_1172] {strides = array<i32>} : memref<256x128xf32, #tpu.memory_space<vmem>>, vector<1x16xf32>,
        %swap3A_1174 = vector.shape_cast %swap3A_1173 : vector<1x16xf32> to vector<16xf32>
        %swap3A_1175 = vector.shape_cast %add3A_1170 : vector<16xf32> to vector<1x16xf32>
        tpu.vector_store %arg8[%swap3A_1171, %swap3A_1172], %swap3A_1175 {strides = array<i32>} : memref<256x128xf32, #tpu.memory_space<vmem>>, vector<1x16xf32>,
        %get3A_1176 = arith.index_cast %min3A_1135 : i32 to index
        %get3A_1177 = arith.constant 64 : index
        %get3A_1178 = tpu.vector_load %arg8[%get3A_1176, %get3A_1177] {strides = array<i32>} : memref<256x128xf32, #tpu.memory_space<vmem>>, vector<1x16xf32>,
        %get3A_1179 = vector.shape_cast %get3A_1178 : vector<1x16xf32> to vector<16xf32>
        %add3A_1180 = arith.addf %get3A_1179, %scan3A_444 : vector<16xf32>
        %swap3A_1181 = arith.index_cast %min3A_1135 : i32 to index
        %swap3A_1182 = arith.constant 64 : index
        %swap3A_1183 = tpu.vector_load %arg8[%swap3A_1181, %swap3A_1182] {strides = array<i32>} : memref<256x128xf32, #tpu.memory_space<vmem>>, vector<1x16xf32>,
        %swap3A_1184 = vector.shape_cast %swap3A_1183 : vector<1x16xf32> to vector<16xf32>
        %swap3A_1185 = vector.shape_cast %add3A_1180 : vector<16xf32> to vector<1x16xf32>
        tpu.vector_store %arg8[%swap3A_1181, %swap3A_1182], %swap3A_1185 {strides = array<i32>} : memref<256x128xf32, #tpu.memory_space<vmem>>, vector<1x16xf32>,
        %get3A_1186 = arith.index_cast %min3A_1135 : i32 to index
        %get3A_1187 = arith.constant 80 : index
        %get3A_1188 = tpu.vector_load %arg8[%get3A_1186, %get3A_1187] {strides = array<i32>} : memref<256x128xf32, #tpu.memory_space<vmem>>, vector<1x16xf32>,
        %get3A_1189 = vector.shape_cast %get3A_1188 : vector<1x16xf32> to vector<16xf32>
        %add3A_1190 = arith.addf %get3A_1189, %scan3A_445 : vector<16xf32>
        %swap3A_1191 = arith.index_cast %min3A_1135 : i32 to index
        %swap3A_1192 = arith.constant 80 : index
        %swap3A_1193 = tpu.vector_load %arg8[%swap3A_1191, %swap3A_1192] {strides = array<i32>} : memref<256x128xf32, #tpu.memory_space<vmem>>, vector<1x16xf32>,
        %swap3A_1194 = vector.shape_cast %swap3A_1193 : vector<1x16xf32> to vector<16xf32>
        %swap3A_1195 = vector.shape_cast %add3A_1190 : vector<16xf32> to vector<1x16xf32>
        tpu.vector_store %arg8[%swap3A_1191, %swap3A_1192], %swap3A_1195 {strides = array<i32>} : memref<256x128xf32, #tpu.memory_space<vmem>>, vector<1x16xf32>,
        %get3A_1196 = arith.index_cast %min3A_1135 : i32 to index
        %get3A_1197 = arith.constant 96 : index
        %get3A_1198 = tpu.vector_load %arg8[%get3A_1196, %get3A_1197] {strides = array<i32>} : memref<256x128xf32, #tpu.memory_space<vmem>>, vector<1x16xf32>,
        %get3A_1199 = vector.shape_cast %get3A_1198 : vector<1x16xf32> to vector<16xf32>
        %add3A_1200 = arith.addf %get3A_1199, %scan3A_446 : vector<16xf32>
        %swap3A_1201 = arith.index_cast %min3A_1135 : i32 to index
        %swap3A_1202 = arith.constant 96 : index
        %swap3A_1203 = tpu.vector_load %arg8[%swap3A_1201, %swap3A_1202] {strides = array<i32>} : memref<256x128xf32, #tpu.memory_space<vmem>>, vector<1x16xf32>,
        %swap3A_1204 = vector.shape_cast %swap3A_1203 : vector<1x16xf32> to vector<16xf32>
        %swap3A_1205 = vector.shape_cast %add3A_1200 : vector<16xf32> to vector<1x16xf32>
        tpu.vector_store %arg8[%swap3A_1201, %swap3A_1202], %swap3A_1205 {strides = array<i32>} : memref<256x128xf32, #tpu.memory_space<vmem>>, vector<1x16xf32>,
        %get3A_1206 = arith.index_cast %min3A_1135 : i32 to index
        %get3A_1207 = arith.constant 112 : index
        %get3A_1208 = tpu.vector_load %arg8[%get3A_1206, %get3A_1207] {strides = array<i32>} : memref<256x128xf32, #tpu.memory_space<vmem>>, vector<1x16xf32>,
        %get3A_1209 = vector.shape_cast %get3A_1208 : vector<1x16xf32> to vector<16xf32>
        %add3A_1210 = arith.addf %get3A_1209, %scan3A_447 : vector<16xf32>
        %swap3A_1211 = arith.index_cast %min3A_1135 : i32 to index
        %swap3A_1212 = arith.constant 112 : index
        %swap3A_1213 = tpu.vector_load %arg8[%swap3A_1211, %swap3A_1212] {strides = array<i32>} : memref<256x128xf32, #tpu.memory_space<vmem>>, vector<1x16xf32>,
        %swap3A_1214 = vector.shape_cast %swap3A_1213 : vector<1x16xf32> to vector<16xf32>
        %swap3A_1215 = vector.shape_cast %add3A_1210 : vector<16xf32> to vector<1x16xf32>
        tpu.vector_store %arg8[%swap3A_1211, %swap3A_1212], %swap3A_1215 {strides = array<i32>} : memref<256x128xf32, #tpu.memory_space<vmem>>, vector<1x16xf32>,
      } else {
      }
      %select_n3A = arith.select %or3A, %broadcast_in_dim3A_92, %scan3A_440 : vector<16xf32>
      %select_n3A_487 = arith.select %or3A, %broadcast_in_dim3A_92, %scan3A_441 : vector<16xf32>
      %select_n3A_488 = arith.select %or3A, %broadcast_in_dim3A_92, %scan3A_442 : vector<16xf32>
      %select_n3A_489 = arith.select %or3A, %broadcast_in_dim3A_92, %scan3A_443 : vector<16xf32>
      %select_n3A_490 = arith.select %or3A, %broadcast_in_dim3A_92, %scan3A_444 : vector<16xf32>
      %select_n3A_491 = arith.select %or3A, %broadcast_in_dim3A_92, %scan3A_445 : vector<16xf32>
      %select_n3A_492 = arith.select %or3A, %broadcast_in_dim3A_92, %scan3A_446 : vector<16xf32>
      %select_n3A_493 = arith.select %or3A, %broadcast_in_dim3A_92, %scan3A_447 : vector<16xf32>
      %scan3A_494 = arith.constant 0 : i32
      %scan3A_495 = arith.constant 0 : i32
      %scan3A_496 = arith.constant 20 : i32
      %scan3A_497 = arith.addi %scan3A_495, %scan3A_496 : i32
      %scan3A_498 = arith.constant 1 : i32
      %scan3A_499:8 = scf.for %scan3A_1133 = %scan3A_495 to %scan3A_497 step %scan3A_498 iter_args(%scan3A_1134 = %select_n3A, %scan3A_1135 = %select_n3A_487, %scan3A_1136 = %select_n3A_488, %scan3A_1137 = %select_n3A_489, %scan3A_1138 = %select_n3A_490, %scan3A_1139 = %select_n3A_491, %scan3A_1140 = %select_n3A_492, %scan3A_1141 = %select_n3A_493) -> (vector<16xf32>, vector<16xf32>, vector<16xf32>, vector<16xf32>, vector<16xf32>, vector<16xf32>, vector<16xf32>, vector<16xf32>)  : i32 {
        %mul3A_1142 = arith.constant 2 : i32
        %mul3A_1143 = arith.muli %scan3A_1133, %mul3A_1142 : i32
        %add3A_1144 = arith.constant 0 : i32
        %add3A_1145 = arith.addi %add3A_1144, %mul3A_1143 : i32
        %get3A_1146 = arith.constant 0 : i32
        %get3A_1147 = arith.constant 0 : i32
        %get3A_1148 = tpu.memref_slice %arg7[%scan3A_494, %get3A_1146, %get3A_1147] : memref<5x80x128xf32, #tpu.memory_space<vmem>> -> memref<1x80x128xf32, #tpu.memory_space<vmem>>
        %get3A_1149 = tpu.memref_squeeze %get3A_1148 : memref<1x80x128xf32, #tpu.memory_space<vmem>> -> memref<80x128xf32, #tpu.memory_space<vmem>>
        %get3A_1150 = arith.index_cast %add3A_1145 : i32 to index
        %get3A_1151 = arith.constant 0 : index
        %get3A_1152 = tpu.vector_load %get3A_1149[%get3A_1150, %get3A_1151] {strides = array<i32>} : memref<80x128xf32, #tpu.memory_space<vmem>>, vector<1x16xf32>,
        %get3A_1153 = vector.shape_cast %get3A_1152 : vector<1x16xf32> to vector<16xf32>
        %add3A_1154 = arith.addf %scan3A_1134, %get3A_1153 : vector<16xf32>
        %get3A_1155 = arith.constant 0 : i32
        %get3A_1156 = arith.constant 0 : i32
        %get3A_1157 = tpu.memref_slice %arg7[%scan3A_494, %get3A_1155, %get3A_1156] : memref<5x80x128xf32, #tpu.memory_space<vmem>> -> memref<1x80x128xf32, #tpu.memory_space<vmem>>
        %get3A_1158 = tpu.memref_squeeze %get3A_1157 : memref<1x80x128xf32, #tpu.memory_space<vmem>> -> memref<80x128xf32, #tpu.memory_space<vmem>>
        %get3A_1159 = arith.index_cast %add3A_1145 : i32 to index
        %get3A_1160 = arith.constant 16 : index
        %get3A_1161 = tpu.vector_load %get3A_1158[%get3A_1159, %get3A_1160] {strides = array<i32>} : memref<80x128xf32, #tpu.memory_space<vmem>>, vector<1x16xf32>,
        %get3A_1162 = vector.shape_cast %get3A_1161 : vector<1x16xf32> to vector<16xf32>
        %add3A_1163 = arith.addf %scan3A_1135, %get3A_1162 : vector<16xf32>
        %get3A_1164 = arith.constant 0 : i32
        %get3A_1165 = arith.constant 0 : i32
        %get3A_1166 = tpu.memref_slice %arg7[%scan3A_494, %get3A_1164, %get3A_1165] : memref<5x80x128xf32, #tpu.memory_space<vmem>> -> memref<1x80x128xf32, #tpu.memory_space<vmem>>
        %get3A_1167 = tpu.memref_squeeze %get3A_1166 : memref<1x80x128xf32, #tpu.memory_space<vmem>> -> memref<80x128xf32, #tpu.memory_space<vmem>>
        %get3A_1168 = arith.index_cast %add3A_1145 : i32 to index
        %get3A_1169 = arith.constant 32 : index
        %get3A_1170 = tpu.vector_load %get3A_1167[%get3A_1168, %get3A_1169] {strides = array<i32>} : memref<80x128xf32, #tpu.memory_space<vmem>>, vector<1x16xf32>,
        %get3A_1171 = vector.shape_cast %get3A_1170 : vector<1x16xf32> to vector<16xf32>
        %add3A_1172 = arith.addf %scan3A_1136, %get3A_1171 : vector<16xf32>
        %get3A_1173 = arith.constant 0 : i32
        %get3A_1174 = arith.constant 0 : i32
        %get3A_1175 = tpu.memref_slice %arg7[%scan3A_494, %get3A_1173, %get3A_1174] : memref<5x80x128xf32, #tpu.memory_space<vmem>> -> memref<1x80x128xf32, #tpu.memory_space<vmem>>
        %get3A_1176 = tpu.memref_squeeze %get3A_1175 : memref<1x80x128xf32, #tpu.memory_space<vmem>> -> memref<80x128xf32, #tpu.memory_space<vmem>>
        %get3A_1177 = arith.index_cast %add3A_1145 : i32 to index
        %get3A_1178 = arith.constant 48 : index
        %get3A_1179 = tpu.vector_load %get3A_1176[%get3A_1177, %get3A_1178] {strides = array<i32>} : memref<80x128xf32, #tpu.memory_space<vmem>>, vector<1x16xf32>,
        %get3A_1180 = vector.shape_cast %get3A_1179 : vector<1x16xf32> to vector<16xf32>
        %add3A_1181 = arith.addf %scan3A_1137, %get3A_1180 : vector<16xf32>
        %get3A_1182 = arith.constant 0 : i32
        %get3A_1183 = arith.constant 0 : i32
        %get3A_1184 = tpu.memref_slice %arg7[%scan3A_494, %get3A_1182, %get3A_1183] : memref<5x80x128xf32, #tpu.memory_space<vmem>> -> memref<1x80x128xf32, #tpu.memory_space<vmem>>
        %get3A_1185 = tpu.memref_squeeze %get3A_1184 : memref<1x80x128xf32, #tpu.memory_space<vmem>> -> memref<80x128xf32, #tpu.memory_space<vmem>>
        %get3A_1186 = arith.index_cast %add3A_1145 : i32 to index
        %get3A_1187 = arith.constant 64 : index
        %get3A_1188 = tpu.vector_load %get3A_1185[%get3A_1186, %get3A_1187] {strides = array<i32>} : memref<80x128xf32, #tpu.memory_space<vmem>>, vector<1x16xf32>,
        %get3A_1189 = vector.shape_cast %get3A_1188 : vector<1x16xf32> to vector<16xf32>
        %add3A_1190 = arith.addf %scan3A_1138, %get3A_1189 : vector<16xf32>
        %get3A_1191 = arith.constant 0 : i32
        %get3A_1192 = arith.constant 0 : i32
        %get3A_1193 = tpu.memref_slice %arg7[%scan3A_494, %get3A_1191, %get3A_1192] : memref<5x80x128xf32, #tpu.memory_space<vmem>> -> memref<1x80x128xf32, #tpu.memory_space<vmem>>
        %get3A_1194 = tpu.memref_squeeze %get3A_1193 : memref<1x80x128xf32, #tpu.memory_space<vmem>> -> memref<80x128xf32, #tpu.memory_space<vmem>>
        %get3A_1195 = arith.index_cast %add3A_1145 : i32 to index
        %get3A_1196 = arith.constant 80 : index
        %get3A_1197 = tpu.vector_load %get3A_1194[%get3A_1195, %get3A_1196] {strides = array<i32>} : memref<80x128xf32, #tpu.memory_space<vmem>>, vector<1x16xf32>,
        %get3A_1198 = vector.shape_cast %get3A_1197 : vector<1x16xf32> to vector<16xf32>
        %add3A_1199 = arith.addf %scan3A_1139, %get3A_1198 : vector<16xf32>
        %get3A_1200 = arith.constant 0 : i32
        %get3A_1201 = arith.constant 0 : i32
        %get3A_1202 = tpu.memref_slice %arg7[%scan3A_494, %get3A_1200, %get3A_1201] : memref<5x80x128xf32, #tpu.memory_space<vmem>> -> memref<1x80x128xf32, #tpu.memory_space<vmem>>
        %get3A_1203 = tpu.memref_squeeze %get3A_1202 : memref<1x80x128xf32, #tpu.memory_space<vmem>> -> memref<80x128xf32, #tpu.memory_space<vmem>>
        %get3A_1204 = arith.index_cast %add3A_1145 : i32 to index
        %get3A_1205 = arith.constant 96 : index
        %get3A_1206 = tpu.vector_load %get3A_1203[%get3A_1204, %get3A_1205] {strides = array<i32>} : memref<80x128xf32, #tpu.memory_space<vmem>>, vector<1x16xf32>,
        %get3A_1207 = vector.shape_cast %get3A_1206 : vector<1x16xf32> to vector<16xf32>
        %add3A_1208 = arith.addf %scan3A_1140, %get3A_1207 : vector<16xf32>
        %get3A_1209 = arith.constant 0 : i32
        %get3A_1210 = arith.constant 0 : i32
        %get3A_1211 = tpu.memref_slice %arg7[%scan3A_494, %get3A_1209, %get3A_1210] : memref<5x80x128xf32, #tpu.memory_space<vmem>> -> memref<1x80x128xf32, #tpu.memory_space<vmem>>
        %get3A_1212 = tpu.memref_squeeze %get3A_1211 : memref<1x80x128xf32, #tpu.memory_space<vmem>> -> memref<80x128xf32, #tpu.memory_space<vmem>>
        %get3A_1213 = arith.index_cast %add3A_1145 : i32 to index
        %get3A_1214 = arith.constant 112 : index
        %get3A_1215 = tpu.vector_load %get3A_1212[%get3A_1213, %get3A_1214] {strides = array<i32>} : memref<80x128xf32, #tpu.memory_space<vmem>>, vector<1x16xf32>,
        %get3A_1216 = vector.shape_cast %get3A_1215 : vector<1x16xf32> to vector<16xf32>
        %add3A_1217 = arith.addf %scan3A_1141, %get3A_1216 : vector<16xf32>
        %add3A_1218 = arith.constant 1 : i32
        %add3A_1219 = arith.addi %add3A_1145, %add3A_1218 : i32
        %get3A_1220 = arith.constant 0 : i32
        %get3A_1221 = arith.constant 0 : i32
        %get3A_1222 = tpu.memref_slice %arg7[%scan3A_494, %get3A_1220, %get3A_1221] : memref<5x80x128xf32, #tpu.memory_space<vmem>> -> memref<1x80x128xf32, #tpu.memory_space<vmem>>
        %get3A_1223 = tpu.memref_squeeze %get3A_1222 : memref<1x80x128xf32, #tpu.memory_space<vmem>> -> memref<80x128xf32, #tpu.memory_space<vmem>>
        %get3A_1224 = arith.index_cast %add3A_1219 : i32 to index
        %get3A_1225 = arith.constant 0 : index
        %get3A_1226 = tpu.vector_load %get3A_1223[%get3A_1224, %get3A_1225] {strides = array<i32>} : memref<80x128xf32, #tpu.memory_space<vmem>>, vector<1x16xf32>,
        %get3A_1227 = vector.shape_cast %get3A_1226 : vector<1x16xf32> to vector<16xf32>
        %add3A_1228 = arith.addf %add3A_1154, %get3A_1227 : vector<16xf32>
        %add3A_1229 = arith.constant 1 : i32
        %add3A_1230 = arith.addi %add3A_1145, %add3A_1229 : i32
        %get3A_1231 = arith.constant 0 : i32
        %get3A_1232 = arith.constant 0 : i32
        %get3A_1233 = tpu.memref_slice %arg7[%scan3A_494, %get3A_1231, %get3A_1232] : memref<5x80x128xf32, #tpu.memory_space<vmem>> -> memref<1x80x128xf32, #tpu.memory_space<vmem>>
        %get3A_1234 = tpu.memref_squeeze %get3A_1233 : memref<1x80x128xf32, #tpu.memory_space<vmem>> -> memref<80x128xf32, #tpu.memory_space<vmem>>
        %get3A_1235 = arith.index_cast %add3A_1230 : i32 to index
        %get3A_1236 = arith.constant 16 : index
        %get3A_1237 = tpu.vector_load %get3A_1234[%get3A_1235, %get3A_1236] {strides = array<i32>} : memref<80x128xf32, #tpu.memory_space<vmem>>, vector<1x16xf32>,
        %get3A_1238 = vector.shape_cast %get3A_1237 : vector<1x16xf32> to vector<16xf32>
        %add3A_1239 = arith.addf %add3A_1163, %get3A_1238 : vector<16xf32>
        %add3A_1240 = arith.constant 1 : i32
        %add3A_1241 = arith.addi %add3A_1145, %add3A_1240 : i32
        %get3A_1242 = arith.constant 0 : i32
        %get3A_1243 = arith.constant 0 : i32
        %get3A_1244 = tpu.memref_slice %arg7[%scan3A_494, %get3A_1242, %get3A_1243] : memref<5x80x128xf32, #tpu.memory_space<vmem>> -> memref<1x80x128xf32, #tpu.memory_space<vmem>>
        %get3A_1245 = tpu.memref_squeeze %get3A_1244 : memref<1x80x128xf32, #tpu.memory_space<vmem>> -> memref<80x128xf32, #tpu.memory_space<vmem>>
        %get3A_1246 = arith.index_cast %add3A_1241 : i32 to index
        %get3A_1247 = arith.constant 32 : index
        %get3A_1248 = tpu.vector_load %get3A_1245[%get3A_1246, %get3A_1247] {strides = array<i32>} : memref<80x128xf32, #tpu.memory_space<vmem>>, vector<1x16xf32>,
        %get3A_1249 = vector.shape_cast %get3A_1248 : vector<1x16xf32> to vector<16xf32>
        %add3A_1250 = arith.addf %add3A_1172, %get3A_1249 : vector<16xf32>
        %add3A_1251 = arith.constant 1 : i32
        %add3A_1252 = arith.addi %add3A_1145, %add3A_1251 : i32
        %get3A_1253 = arith.constant 0 : i32
        %get3A_1254 = arith.constant 0 : i32
        %get3A_1255 = tpu.memref_slice %arg7[%scan3A_494, %get3A_1253, %get3A_1254] : memref<5x80x128xf32, #tpu.memory_space<vmem>> -> memref<1x80x128xf32, #tpu.memory_space<vmem>>
        %get3A_1256 = tpu.memref_squeeze %get3A_1255 : memref<1x80x128xf32, #tpu.memory_space<vmem>> -> memref<80x128xf32, #tpu.memory_space<vmem>>
        %get3A_1257 = arith.index_cast %add3A_1252 : i32 to index
        %get3A_1258 = arith.constant 48 : index
        %get3A_1259 = tpu.vector_load %get3A_1256[%get3A_1257, %get3A_1258] {strides = array<i32>} : memref<80x128xf32, #tpu.memory_space<vmem>>, vector<1x16xf32>,
        %get3A_1260 = vector.shape_cast %get3A_1259 : vector<1x16xf32> to vector<16xf32>
        %add3A_1261 = arith.addf %add3A_1181, %get3A_1260 : vector<16xf32>
        %add3A_1262 = arith.constant 1 : i32
        %add3A_1263 = arith.addi %add3A_1145, %add3A_1262 : i32
        %get3A_1264 = arith.constant 0 : i32
        %get3A_1265 = arith.constant 0 : i32
        %get3A_1266 = tpu.memref_slice %arg7[%scan3A_494, %get3A_1264, %get3A_1265] : memref<5x80x128xf32, #tpu.memory_space<vmem>> -> memref<1x80x128xf32, #tpu.memory_space<vmem>>
        %get3A_1267 = tpu.memref_squeeze %get3A_1266 : memref<1x80x128xf32, #tpu.memory_space<vmem>> -> memref<80x128xf32, #tpu.memory_space<vmem>>
        %get3A_1268 = arith.index_cast %add3A_1263 : i32 to index
        %get3A_1269 = arith.constant 64 : index
        %get3A_1270 = tpu.vector_load %get3A_1267[%get3A_1268, %get3A_1269] {strides = array<i32>} : memref<80x128xf32, #tpu.memory_space<vmem>>, vector<1x16xf32>,
        %get3A_1271 = vector.shape_cast %get3A_1270 : vector<1x16xf32> to vector<16xf32>
        %add3A_1272 = arith.addf %add3A_1190, %get3A_1271 : vector<16xf32>
        %add3A_1273 = arith.constant 1 : i32
        %add3A_1274 = arith.addi %add3A_1145, %add3A_1273 : i32
        %get3A_1275 = arith.constant 0 : i32
        %get3A_1276 = arith.constant 0 : i32
        %get3A_1277 = tpu.memref_slice %arg7[%scan3A_494, %get3A_1275, %get3A_1276] : memref<5x80x128xf32, #tpu.memory_space<vmem>> -> memref<1x80x128xf32, #tpu.memory_space<vmem>>
        %get3A_1278 = tpu.memref_squeeze %get3A_1277 : memref<1x80x128xf32, #tpu.memory_space<vmem>> -> memref<80x128xf32, #tpu.memory_space<vmem>>
        %get3A_1279 = arith.index_cast %add3A_1274 : i32 to index
        %get3A_1280 = arith.constant 80 : index
        %get3A_1281 = tpu.vector_load %get3A_1278[%get3A_1279, %get3A_1280] {strides = array<i32>} : memref<80x128xf32, #tpu.memory_space<vmem>>, vector<1x16xf32>,
        %get3A_1282 = vector.shape_cast %get3A_1281 : vector<1x16xf32> to vector<16xf32>
        %add3A_1283 = arith.addf %add3A_1199, %get3A_1282 : vector<16xf32>
        %add3A_1284 = arith.constant 1 : i32
        %add3A_1285 = arith.addi %add3A_1145, %add3A_1284 : i32
        %get3A_1286 = arith.constant 0 : i32
        %get3A_1287 = arith.constant 0 : i32
        %get3A_1288 = tpu.memref_slice %arg7[%scan3A_494, %get3A_1286, %get3A_1287] : memref<5x80x128xf32, #tpu.memory_space<vmem>> -> memref<1x80x128xf32, #tpu.memory_space<vmem>>
        %get3A_1289 = tpu.memref_squeeze %get3A_1288 : memref<1x80x128xf32, #tpu.memory_space<vmem>> -> memref<80x128xf32, #tpu.memory_space<vmem>>
        %get3A_1290 = arith.index_cast %add3A_1285 : i32 to index
        %get3A_1291 = arith.constant 96 : index
        %get3A_1292 = tpu.vector_load %get3A_1289[%get3A_1290, %get3A_1291] {strides = array<i32>} : memref<80x128xf32, #tpu.memory_space<vmem>>, vector<1x16xf32>,
        %get3A_1293 = vector.shape_cast %get3A_1292 : vector<1x16xf32> to vector<16xf32>
        %add3A_1294 = arith.addf %add3A_1208, %get3A_1293 : vector<16xf32>
        %add3A_1295 = arith.constant 1 : i32
        %add3A_1296 = arith.addi %add3A_1145, %add3A_1295 : i32
        %get3A_1297 = arith.constant 0 : i32
        %get3A_1298 = arith.constant 0 : i32
        %get3A_1299 = tpu.memref_slice %arg7[%scan3A_494, %get3A_1297, %get3A_1298] : memref<5x80x128xf32, #tpu.memory_space<vmem>> -> memref<1x80x128xf32, #tpu.memory_space<vmem>>
        %get3A_1300 = tpu.memref_squeeze %get3A_1299 : memref<1x80x128xf32, #tpu.memory_space<vmem>> -> memref<80x128xf32, #tpu.memory_space<vmem>>
        %get3A_1301 = arith.index_cast %add3A_1296 : i32 to index
        %get3A_1302 = arith.constant 112 : index
        %get3A_1303 = tpu.vector_load %get3A_1300[%get3A_1301, %get3A_1302] {strides = array<i32>} : memref<80x128xf32, #tpu.memory_space<vmem>>, vector<1x16xf32>,
        %get3A_1304 = vector.shape_cast %get3A_1303 : vector<1x16xf32> to vector<16xf32>
        %add3A_1305 = arith.addf %add3A_1217, %get3A_1304 : vector<16xf32>
        scf.yield %add3A_1228, %add3A_1239, %add3A_1250, %add3A_1261, %add3A_1272, %add3A_1283, %add3A_1294, %add3A_1305 : vector<16xf32>, vector<16xf32>, vector<16xf32>, vector<16xf32>, vector<16xf32>, vector<16xf32>, vector<16xf32>, vector<16xf32>
      }
      %scan3A_500 = arith.constant 20 : i32
      %not3A_501 = arith.constant true
      %not3A_502 = arith.xori %and3A, %not3A_501 : i1
      %convert_element_type3A_503 = arith.extui %not3A_502 : i1 to i32
      %cond3A_504 = arith.constant 0 : i32
      %cond3A_505 = arith.constant 0 : i32
      %cond3A_506 = arith.cmpi ne, %convert_element_type3A_503, %cond3A_505 : i32
      scf.if %cond3A_506 {
        "tpu.region"() ({
          %run_scoped3A = tpu.sem_alloc : memref<!tpu.dma_semaphore, #tpu.memory_space<semaphore_mem>>
          %dma_start3A_1133 = arith.constant 0 : i32
          %dma_start3A_1134 = arith.constant 0 : i32
          %dma_start3A_1135 = tpu.memref_slice %arg7[%cond3A_504, %dma_start3A_1133, %dma_start3A_1134] : memref<5x80x128xf32, #tpu.memory_space<vmem>> -> memref<1x80x128xf32, #tpu.memory_space<vmem>>
          %dma_start3A_1136 = tpu.memref_squeeze %dma_start3A_1135 : memref<1x80x128xf32, #tpu.memory_space<vmem>> -> memref<80x128xf32, #tpu.memory_space<vmem>>
          %dma_start3A_1137 = arith.constant 0 : i32
          %dma_start3A_1138 = arith.constant 0 : i32
          %dma_start3A_1139 = tpu.memref_slice %dma_start3A_1136[%dma_start3A_1137, %dma_start3A_1138] : memref<80x128xf32, #tpu.memory_space<vmem>> -> memref<40x128xf32, #tpu.memory_space<vmem>>
          %dma_start3A_1140 = arith.constant 0 : i32
          %dma_start3A_1141 = tpu.memref_slice %arg6[%add3A_467, %dma_start3A_1140] : memref<250x40xi32, #tpu.memory_space<vmem>> -> memref<1x40xi32, #tpu.memory_space<vmem>>
          %dma_start3A_1142 = tpu.memref_squeeze %dma_start3A_1141 : memref<1x40xi32, #tpu.memory_space<vmem>> -> memref<40xi32, #tpu.memory_space<vmem>>
          %dma_start3A_1143 = arith.constant 0 : i32
          %dma_start3A_1144 = arith.constant 0 : i32
          %dma_start3A_1145 = tpu.memref_slice %arg10[%dma_start3A_1143, %dma_start3A_1144] : memref<512x128xf32, #tpu.memory_space<vmem_shared>> -> memref<512x128xf32, #tpu.memory_space<vmem_shared>>
          tpu.enqueue_indirect_dma source(%dma_start3A_1139 : memref<40x128xf32, #tpu.memory_space<vmem>>) target(%dma_start3A_1145 : memref<512x128xf32, #tpu.memory_space<vmem_shared>>) offsets(%dma_start3A_1142 : memref<40xi32, #tpu.memory_space<vmem>>) semaphore(%run_scoped3A : memref<!tpu.dma_semaphore, #tpu.memory_space<semaphore_mem>>) {add = true}
          %dma_wait3A_1146 = arith.constant 0 : i32
          %dma_wait3A_1147 = arith.constant 0 : i32
          %dma_wait3A_1148 = tpu.memref_slice %arg7[%cond3A_504, %dma_wait3A_1146, %dma_wait3A_1147] : memref<5x80x128xf32, #tpu.memory_space<vmem>> -> memref<1x80x128xf32, #tpu.memory_space<vmem>>
          %dma_wait3A_1149 = tpu.memref_squeeze %dma_wait3A_1148 : memref<1x80x128xf32, #tpu.memory_space<vmem>> -> memref<80x128xf32, #tpu.memory_space<vmem>>
          %dma_wait3A_1150 = arith.constant 0 : i32
          %dma_wait3A_1151 = arith.constant 0 : i32
          %dma_wait3A_1152 = tpu.memref_slice %dma_wait3A_1149[%dma_wait3A_1150, %dma_wait3A_1151] : memref<80x128xf32, #tpu.memory_space<vmem>> -> memref<40x128xf32, #tpu.memory_space<vmem>>
          %dma_wait3A_1153 = arith.constant 0 : i32
          %dma_wait3A_1154 = tpu.memref_slice %arg6[%add3A_467, %dma_wait3A_1153] : memref<250x40xi32, #tpu.memory_space<vmem>> -> memref<1x40xi32, #tpu.memory_space<vmem>>
          %dma_wait3A_1155 = tpu.memref_squeeze %dma_wait3A_1154 : memref<1x40xi32, #tpu.memory_space<vmem>> -> memref<40xi32, #tpu.memory_space<vmem>>
          %dma_wait3A_1156 = arith.constant 0 : i32
          %dma_wait3A_1157 = arith.constant 0 : i32
          %dma_wait3A_1158 = tpu.memref_slice %arg10[%dma_wait3A_1156, %dma_wait3A_1157] : memref<512x128xf32, #tpu.memory_space<vmem_shared>> -> memref<512x128xf32, #tpu.memory_space<vmem_shared>>
          tpu.wait_indirect_dma semaphore(%run_scoped3A : memref<!tpu.dma_semaphore, #tpu.memory_space<semaphore_mem>>) src(%dma_wait3A_1152 : memref<40x128xf32, #tpu.memory_space<vmem>>) dst(%dma_wait3A_1158 : memref<512x128xf32, #tpu.memory_space<vmem_shared>>)
          tpu.yield
        }) : () -> ()
      } else {
      }
      %select_n3A_507 = arith.select %and3A, %scan3A_499#0, %broadcast_in_dim3A_92 : vector<16xf32>
      %select_n3A_508 = arith.select %and3A, %scan3A_499#1, %broadcast_in_dim3A_92 : vector<16xf32>
      %select_n3A_509 = arith.select %and3A, %scan3A_499#2, %broadcast_in_dim3A_92 : vector<16xf32>
      %select_n3A_510 = arith.select %and3A, %scan3A_499#3, %broadcast_in_dim3A_92 : vector<16xf32>
      %select_n3A_511 = arith.select %and3A, %scan3A_499#4, %broadcast_in_dim3A_92 : vector<16xf32>
      %select_n3A_512 = arith.select %and3A, %scan3A_499#5, %broadcast_in_dim3A_92 : vector<16xf32>
      %select_n3A_513 = arith.select %and3A, %scan3A_499#6, %broadcast_in_dim3A_92 : vector<16xf32>
      %select_n3A_514 = arith.select %and3A, %scan3A_499#7, %broadcast_in_dim3A_92 : vector<16xf32>
      %select_n3A_515 = arith.select %and3A, %squeeze3A_477, %squeeze3A_479 : i32
      %mul3A_516 = arith.constant 2 : i32
      %mul3A_517 = arith.muli %add3A_451, %mul3A_516 : i32
      %add3A_518 = arith.constant 1 : i32
      %add3A_519 = arith.addi %mul3A_517, %add3A_518 : i32
      %get3A_520 = arith.index_cast %add3A_519 : i32 to index
      %get3A_521 = arith.constant 0 : index
      %get3A_522 = tpu.vector_load %arg6[%get3A_520, %get3A_521] {strides = array<i32>} : memref<250x40xi32, #tpu.memory_space<vmem>>, vector<1x16xi32>,
      %get3A_523 = vector.shape_cast %get3A_522 : vector<1x16xi32> to vector<16xi32>
      %get3A_524 = arith.index_cast %add3A_519 : i32 to index
      %get3A_525 = arith.constant 24 : index
      %get3A_526 = tpu.vector_load %arg6[%get3A_524, %get3A_525] {strides = array<i32>} : memref<250x40xi32, #tpu.memory_space<vmem>>, vector<1x16xi32>,
      %get3A_527 = vector.shape_cast %get3A_526 : vector<1x16xi32> to vector<16xi32>
      %slice3A_528 = vector.extract_strided_slice %get3A_523 {offsets = [0], sizes = [1], strides = [1]} : vector<16xi32> to vector<1xi32>
      %squeeze3A_529 = vector.extract %slice3A_528[0] : i32 from vector<1xi32>
      %slice3A_530 = vector.extract_strided_slice %get3A_527 {offsets = [15], sizes = [1], strides = [1]} : vector<16xi32> to vector<1xi32>
      %squeeze3A_531 = vector.extract %slice3A_530[0] : i32 from vector<1xi32>
      %eq3A_532 = arith.cmpi eq, %squeeze3A_529, %squeeze3A_531 : i32
      %sub3A_533 = arith.subi %squeeze3A_531, %squeeze3A : i32
      %lt3A_534 = arith.constant 256 : i32
      %lt3A_535 = arith.cmpi slt, %sub3A_533, %lt3A_534 : i32
      %and3A_536 = arith.andi %eq3A_532, %lt3A_535 : i1
      %not3A_537 = arith.constant true
      %not3A_538 = arith.xori %and3A_536, %not3A_537 : i1
      %ne3A_539 = arith.cmpi ne, %squeeze3A_529, %select_n3A_515 : i32
      %or3A_540 = arith.ori %not3A_538, %ne3A_539 : i1
      %convert_element_type3A_541 = arith.extui %or3A_540 : i1 to i32
      %cond3A_542 = arith.constant 0 : i32
      %cond3A_543 = arith.cmpi ne, %convert_element_type3A_541, %cond3A_542 : i32
      scf.if %cond3A_543 {
        %sub3A_1133 = arith.subi %select_n3A_515, %squeeze3A : i32
        %min3A_1134 = arith.constant 255 : i32
        %min3A_1135 = arith.minsi %sub3A_1133, %min3A_1134 : i32
        %get3A_1136 = arith.index_cast %min3A_1135 : i32 to index
        %get3A_1137 = arith.constant 0 : index
        %get3A_1138 = tpu.vector_load %arg8[%get3A_1136, %get3A_1137] {strides = array<i32>} : memref<256x128xf32, #tpu.memory_space<vmem>>, vector<1x16xf32>,
        %get3A_1139 = vector.shape_cast %get3A_1138 : vector<1x16xf32> to vector<16xf32>
        %add3A_1140 = arith.addf %get3A_1139, %select_n3A_507 : vector<16xf32>
        %swap3A_1141 = arith.index_cast %min3A_1135 : i32 to index
        %swap3A_1142 = arith.constant 0 : index
        %swap3A_1143 = tpu.vector_load %arg8[%swap3A_1141, %swap3A_1142] {strides = array<i32>} : memref<256x128xf32, #tpu.memory_space<vmem>>, vector<1x16xf32>,
        %swap3A_1144 = vector.shape_cast %swap3A_1143 : vector<1x16xf32> to vector<16xf32>
        %swap3A_1145 = vector.shape_cast %add3A_1140 : vector<16xf32> to vector<1x16xf32>
        tpu.vector_store %arg8[%swap3A_1141, %swap3A_1142], %swap3A_1145 {strides = array<i32>} : memref<256x128xf32, #tpu.memory_space<vmem>>, vector<1x16xf32>,
        %get3A_1146 = arith.index_cast %min3A_1135 : i32 to index
        %get3A_1147 = arith.constant 16 : index
        %get3A_1148 = tpu.vector_load %arg8[%get3A_1146, %get3A_1147] {strides = array<i32>} : memref<256x128xf32, #tpu.memory_space<vmem>>, vector<1x16xf32>,
        %get3A_1149 = vector.shape_cast %get3A_1148 : vector<1x16xf32> to vector<16xf32>
        %add3A_1150 = arith.addf %get3A_1149, %select_n3A_508 : vector<16xf32>
        %swap3A_1151 = arith.index_cast %min3A_1135 : i32 to index
        %swap3A_1152 = arith.constant 16 : index
        %swap3A_1153 = tpu.vector_load %arg8[%swap3A_1151, %swap3A_1152] {strides = array<i32>} : memref<256x128xf32, #tpu.memory_space<vmem>>, vector<1x16xf32>,
        %swap3A_1154 = vector.shape_cast %swap3A_1153 : vector<1x16xf32> to vector<16xf32>
        %swap3A_1155 = vector.shape_cast %add3A_1150 : vector<16xf32> to vector<1x16xf32>
        tpu.vector_store %arg8[%swap3A_1151, %swap3A_1152], %swap3A_1155 {strides = array<i32>} : memref<256x128xf32, #tpu.memory_space<vmem>>, vector<1x16xf32>,
        %get3A_1156 = arith.index_cast %min3A_1135 : i32 to index
        %get3A_1157 = arith.constant 32 : index
        %get3A_1158 = tpu.vector_load %arg8[%get3A_1156, %get3A_1157] {strides = array<i32>} : memref<256x128xf32, #tpu.memory_space<vmem>>, vector<1x16xf32>,
        %get3A_1159 = vector.shape_cast %get3A_1158 : vector<1x16xf32> to vector<16xf32>
        %add3A_1160 = arith.addf %get3A_1159, %select_n3A_509 : vector<16xf32>
        %swap3A_1161 = arith.index_cast %min3A_1135 : i32 to index
        %swap3A_1162 = arith.constant 32 : index
        %swap3A_1163 = tpu.vector_load %arg8[%swap3A_1161, %swap3A_1162] {strides = array<i32>} : memref<256x128xf32, #tpu.memory_space<vmem>>, vector<1x16xf32>,
        %swap3A_1164 = vector.shape_cast %swap3A_1163 : vector<1x16xf32> to vector<16xf32>
        %swap3A_1165 = vector.shape_cast %add3A_1160 : vector<16xf32> to vector<1x16xf32>
        tpu.vector_store %arg8[%swap3A_1161, %swap3A_1162], %swap3A_1165 {strides = array<i32>} : memref<256x128xf32, #tpu.memory_space<vmem>>, vector<1x16xf32>,
        %get3A_1166 = arith.index_cast %min3A_1135 : i32 to index
        %get3A_1167 = arith.constant 48 : index
        %get3A_1168 = tpu.vector_load %arg8[%get3A_1166, %get3A_1167] {strides = array<i32>} : memref<256x128xf32, #tpu.memory_space<vmem>>, vector<1x16xf32>,
        %get3A_1169 = vector.shape_cast %get3A_1168 : vector<1x16xf32> to vector<16xf32>
        %add3A_1170 = arith.addf %get3A_1169, %select_n3A_510 : vector<16xf32>
        %swap3A_1171 = arith.index_cast %min3A_1135 : i32 to index
        %swap3A_1172 = arith.constant 48 : index
        %swap3A_1173 = tpu.vector_load %arg8[%swap3A_1171, %swap3A_1172] {strides = array<i32>} : memref<256x128xf32, #tpu.memory_space<vmem>>, vector<1x16xf32>,
        %swap3A_1174 = vector.shape_cast %swap3A_1173 : vector<1x16xf32> to vector<16xf32>
        %swap3A_1175 = vector.shape_cast %add3A_1170 : vector<16xf32> to vector<1x16xf32>
        tpu.vector_store %arg8[%swap3A_1171, %swap3A_1172], %swap3A_1175 {strides = array<i32>} : memref<256x128xf32, #tpu.memory_space<vmem>>, vector<1x16xf32>,
        %get3A_1176 = arith.index_cast %min3A_1135 : i32 to index
        %get3A_1177 = arith.constant 64 : index
        %get3A_1178 = tpu.vector_load %arg8[%get3A_1176, %get3A_1177] {strides = array<i32>} : memref<256x128xf32, #tpu.memory_space<vmem>>, vector<1x16xf32>,
        %get3A_1179 = vector.shape_cast %get3A_1178 : vector<1x16xf32> to vector<16xf32>
        %add3A_1180 = arith.addf %get3A_1179, %select_n3A_511 : vector<16xf32>
        %swap3A_1181 = arith.index_cast %min3A_1135 : i32 to index
        %swap3A_1182 = arith.constant 64 : index
        %swap3A_1183 = tpu.vector_load %arg8[%swap3A_1181, %swap3A_1182] {strides = array<i32>} : memref<256x128xf32, #tpu.memory_space<vmem>>, vector<1x16xf32>,
        %swap3A_1184 = vector.shape_cast %swap3A_1183 : vector<1x16xf32> to vector<16xf32>
        %swap3A_1185 = vector.shape_cast %add3A_1180 : vector<16xf32> to vector<1x16xf32>
        tpu.vector_store %arg8[%swap3A_1181, %swap3A_1182], %swap3A_1185 {strides = array<i32>} : memref<256x128xf32, #tpu.memory_space<vmem>>, vector<1x16xf32>,
        %get3A_1186 = arith.index_cast %min3A_1135 : i32 to index
        %get3A_1187 = arith.constant 80 : index
        %get3A_1188 = tpu.vector_load %arg8[%get3A_1186, %get3A_1187] {strides = array<i32>} : memref<256x128xf32, #tpu.memory_space<vmem>>, vector<1x16xf32>,
        %get3A_1189 = vector.shape_cast %get3A_1188 : vector<1x16xf32> to vector<16xf32>
        %add3A_1190 = arith.addf %get3A_1189, %select_n3A_512 : vector<16xf32>
        %swap3A_1191 = arith.index_cast %min3A_1135 : i32 to index
        %swap3A_1192 = arith.constant 80 : index
        %swap3A_1193 = tpu.vector_load %arg8[%swap3A_1191, %swap3A_1192] {strides = array<i32>} : memref<256x128xf32, #tpu.memory_space<vmem>>, vector<1x16xf32>,
        %swap3A_1194 = vector.shape_cast %swap3A_1193 : vector<1x16xf32> to vector<16xf32>
        %swap3A_1195 = vector.shape_cast %add3A_1190 : vector<16xf32> to vector<1x16xf32>
        tpu.vector_store %arg8[%swap3A_1191, %swap3A_1192], %swap3A_1195 {strides = array<i32>} : memref<256x128xf32, #tpu.memory_space<vmem>>, vector<1x16xf32>,
        %get3A_1196 = arith.index_cast %min3A_1135 : i32 to index
        %get3A_1197 = arith.constant 96 : index
        %get3A_1198 = tpu.vector_load %arg8[%get3A_1196, %get3A_1197] {strides = array<i32>} : memref<256x128xf32, #tpu.memory_space<vmem>>, vector<1x16xf32>,
        %get3A_1199 = vector.shape_cast %get3A_1198 : vector<1x16xf32> to vector<16xf32>
        %add3A_1200 = arith.addf %get3A_1199, %select_n3A_513 : vector<16xf32>
        %swap3A_1201 = arith.index_cast %min3A_1135 : i32 to index
        %swap3A_1202 = arith.constant 96 : index
        %swap3A_1203 = tpu.vector_load %arg8[%swap3A_1201, %swap3A_1202] {strides = array<i32>} : memref<256x128xf32, #tpu.memory_space<vmem>>, vector<1x16xf32>,
        %swap3A_1204 = vector.shape_cast %swap3A_1203 : vector<1x16xf32> to vector<16xf32>
        %swap3A_1205 = vector.shape_cast %add3A_1200 : vector<16xf32> to vector<1x16xf32>
        tpu.vector_store %arg8[%swap3A_1201, %swap3A_1202], %swap3A_1205 {strides = array<i32>} : memref<256x128xf32, #tpu.memory_space<vmem>>, vector<1x16xf32>,
        %get3A_1206 = arith.index_cast %min3A_1135 : i32 to index
        %get3A_1207 = arith.constant 112 : index
        %get3A_1208 = tpu.vector_load %arg8[%get3A_1206, %get3A_1207] {strides = array<i32>} : memref<256x128xf32, #tpu.memory_space<vmem>>, vector<1x16xf32>,
        %get3A_1209 = vector.shape_cast %get3A_1208 : vector<1x16xf32> to vector<16xf32>
        %add3A_1210 = arith.addf %get3A_1209, %select_n3A_514 : vector<16xf32>
        %swap3A_1211 = arith.index_cast %min3A_1135 : i32 to index
        %swap3A_1212 = arith.constant 112 : index
        %swap3A_1213 = tpu.vector_load %arg8[%swap3A_1211, %swap3A_1212] {strides = array<i32>} : memref<256x128xf32, #tpu.memory_space<vmem>>, vector<1x16xf32>,
        %swap3A_1214 = vector.shape_cast %swap3A_1213 : vector<1x16xf32> to vector<16xf32>
        %swap3A_1215 = vector.shape_cast %add3A_1210 : vector<16xf32> to vector<1x16xf32>
        tpu.vector_store %arg8[%swap3A_1211, %swap3A_1212], %swap3A_1215 {strides = array<i32>} : memref<256x128xf32, #tpu.memory_space<vmem>>, vector<1x16xf32>,
      } else {
      }
      %select_n3A_544 = arith.select %or3A_540, %broadcast_in_dim3A_92, %select_n3A_507 : vector<16xf32>
      %select_n3A_545 = arith.select %or3A_540, %broadcast_in_dim3A_92, %select_n3A_508 : vector<16xf32>
      %select_n3A_546 = arith.select %or3A_540, %broadcast_in_dim3A_92, %select_n3A_509 : vector<16xf32>
      %select_n3A_547 = arith.select %or3A_540, %broadcast_in_dim3A_92, %select_n3A_510 : vector<16xf32>
      %select_n3A_548 = arith.select %or3A_540, %broadcast_in_dim3A_92, %select_n3A_511 : vector<16xf32>
      %select_n3A_549 = arith.select %or3A_540, %broadcast_in_dim3A_92, %select_n3A_512 : vector<16xf32>
      %select_n3A_550 = arith.select %or3A_540, %broadcast_in_dim3A_92, %select_n3A_513 : vector<16xf32>
      %select_n3A_551 = arith.select %or3A_540, %broadcast_in_dim3A_92, %select_n3A_514 : vector<16xf32>
      %scan3A_552 = arith.constant 0 : i32
      %scan3A_553 = arith.constant 0 : i32
      %scan3A_554 = arith.constant 20 : i32
      %scan3A_555 = arith.addi %scan3A_553, %scan3A_554 : i32
      %scan3A_556 = arith.constant 1 : i32
      %scan3A_557:8 = scf.for %scan3A_1133 = %scan3A_553 to %scan3A_555 step %scan3A_556 iter_args(%scan3A_1134 = %select_n3A_544, %scan3A_1135 = %select_n3A_545, %scan3A_1136 = %select_n3A_546, %scan3A_1137 = %select_n3A_547, %scan3A_1138 = %select_n3A_548, %scan3A_1139 = %select_n3A_549, %scan3A_1140 = %select_n3A_550, %scan3A_1141 = %select_n3A_551) -> (vector<16xf32>, vector<16xf32>, vector<16xf32>, vector<16xf32>, vector<16xf32>, vector<16xf32>, vector<16xf32>, vector<16xf32>)  : i32 {
        %mul3A_1142 = arith.constant 2 : i32
        %mul3A_1143 = arith.muli %scan3A_1133, %mul3A_1142 : i32
        %add3A_1144 = arith.constant 40 : i32
        %add3A_1145 = arith.addi %add3A_1144, %mul3A_1143 : i32
        %get3A_1146 = arith.constant 0 : i32
        %get3A_1147 = arith.constant 0 : i32
        %get3A_1148 = tpu.memref_slice %arg7[%scan3A_552, %get3A_1146, %get3A_1147] : memref<5x80x128xf32, #tpu.memory_space<vmem>> -> memref<1x80x128xf32, #tpu.memory_space<vmem>>
        %get3A_1149 = tpu.memref_squeeze %get3A_1148 : memref<1x80x128xf32, #tpu.memory_space<vmem>> -> memref<80x128xf32, #tpu.memory_space<vmem>>
        %get3A_1150 = arith.index_cast %add3A_1145 : i32 to index
        %get3A_1151 = arith.constant 0 : index
        %get3A_1152 = tpu.vector_load %get3A_1149[%get3A_1150, %get3A_1151] {strides = array<i32>} : memref<80x128xf32, #tpu.memory_space<vmem>>, vector<1x16xf32>,
        %get3A_1153 = vector.shape_cast %get3A_1152 : vector<1x16xf32> to vector<16xf32>
        %add3A_1154 = arith.addf %scan3A_1134, %get3A_1153 : vector<16xf32>
        %get3A_1155 = arith.constant 0 : i32
        %get3A_1156 = arith.constant 0 : i32
        %get3A_1157 = tpu.memref_slice %arg7[%scan3A_552, %get3A_1155, %get3A_1156] : memref<5x80x128xf32, #tpu.memory_space<vmem>> -> memref<1x80x128xf32, #tpu.memory_space<vmem>>
        %get3A_1158 = tpu.memref_squeeze %get3A_1157 : memref<1x80x128xf32, #tpu.memory_space<vmem>> -> memref<80x128xf32, #tpu.memory_space<vmem>>
        %get3A_1159 = arith.index_cast %add3A_1145 : i32 to index
        %get3A_1160 = arith.constant 16 : index
        %get3A_1161 = tpu.vector_load %get3A_1158[%get3A_1159, %get3A_1160] {strides = array<i32>} : memref<80x128xf32, #tpu.memory_space<vmem>>, vector<1x16xf32>,
        %get3A_1162 = vector.shape_cast %get3A_1161 : vector<1x16xf32> to vector<16xf32>
        %add3A_1163 = arith.addf %scan3A_1135, %get3A_1162 : vector<16xf32>
        %get3A_1164 = arith.constant 0 : i32
        %get3A_1165 = arith.constant 0 : i32
        %get3A_1166 = tpu.memref_slice %arg7[%scan3A_552, %get3A_1164, %get3A_1165] : memref<5x80x128xf32, #tpu.memory_space<vmem>> -> memref<1x80x128xf32, #tpu.memory_space<vmem>>
        %get3A_1167 = tpu.memref_squeeze %get3A_1166 : memref<1x80x128xf32, #tpu.memory_space<vmem>> -> memref<80x128xf32, #tpu.memory_space<vmem>>
        %get3A_1168 = arith.index_cast %add3A_1145 : i32 to index
        %get3A_1169 = arith.constant 32 : index
        %get3A_1170 = tpu.vector_load %get3A_1167[%get3A_1168, %get3A_1169] {strides = array<i32>} : memref<80x128xf32, #tpu.memory_space<vmem>>, vector<1x16xf32>,
        %get3A_1171 = vector.shape_cast %get3A_1170 : vector<1x16xf32> to vector<16xf32>
        %add3A_1172 = arith.addf %scan3A_1136, %get3A_1171 : vector<16xf32>
        %get3A_1173 = arith.constant 0 : i32
        %get3A_1174 = arith.constant 0 : i32
        %get3A_1175 = tpu.memref_slice %arg7[%scan3A_552, %get3A_1173, %get3A_1174] : memref<5x80x128xf32, #tpu.memory_space<vmem>> -> memref<1x80x128xf32, #tpu.memory_space<vmem>>
        %get3A_1176 = tpu.memref_squeeze %get3A_1175 : memref<1x80x128xf32, #tpu.memory_space<vmem>> -> memref<80x128xf32, #tpu.memory_space<vmem>>
        %get3A_1177 = arith.index_cast %add3A_1145 : i32 to index
        %get3A_1178 = arith.constant 48 : index
        %get3A_1179 = tpu.vector_load %get3A_1176[%get3A_1177, %get3A_1178] {strides = array<i32>} : memref<80x128xf32, #tpu.memory_space<vmem>>, vector<1x16xf32>,
        %get3A_1180 = vector.shape_cast %get3A_1179 : vector<1x16xf32> to vector<16xf32>
        %add3A_1181 = arith.addf %scan3A_1137, %get3A_1180 : vector<16xf32>
        %get3A_1182 = arith.constant 0 : i32
        %get3A_1183 = arith.constant 0 : i32
        %get3A_1184 = tpu.memref_slice %arg7[%scan3A_552, %get3A_1182, %get3A_1183] : memref<5x80x128xf32, #tpu.memory_space<vmem>> -> memref<1x80x128xf32, #tpu.memory_space<vmem>>
        %get3A_1185 = tpu.memref_squeeze %get3A_1184 : memref<1x80x128xf32, #tpu.memory_space<vmem>> -> memref<80x128xf32, #tpu.memory_space<vmem>>
        %get3A_1186 = arith.index_cast %add3A_1145 : i32 to index
        %get3A_1187 = arith.constant 64 : index
        %get3A_1188 = tpu.vector_load %get3A_1185[%get3A_1186, %get3A_1187] {strides = array<i32>} : memref<80x128xf32, #tpu.memory_space<vmem>>, vector<1x16xf32>,
        %get3A_1189 = vector.shape_cast %get3A_1188 : vector<1x16xf32> to vector<16xf32>
        %add3A_1190 = arith.addf %scan3A_1138, %get3A_1189 : vector<16xf32>
        %get3A_1191 = arith.constant 0 : i32
        %get3A_1192 = arith.constant 0 : i32
        %get3A_1193 = tpu.memref_slice %arg7[%scan3A_552, %get3A_1191, %get3A_1192] : memref<5x80x128xf32, #tpu.memory_space<vmem>> -> memref<1x80x128xf32, #tpu.memory_space<vmem>>
        %get3A_1194 = tpu.memref_squeeze %get3A_1193 : memref<1x80x128xf32, #tpu.memory_space<vmem>> -> memref<80x128xf32, #tpu.memory_space<vmem>>
        %get3A_1195 = arith.index_cast %add3A_1145 : i32 to index
        %get3A_1196 = arith.constant 80 : index
        %get3A_1197 = tpu.vector_load %get3A_1194[%get3A_1195, %get3A_1196] {strides = array<i32>} : memref<80x128xf32, #tpu.memory_space<vmem>>, vector<1x16xf32>,
        %get3A_1198 = vector.shape_cast %get3A_1197 : vector<1x16xf32> to vector<16xf32>
        %add3A_1199 = arith.addf %scan3A_1139, %get3A_1198 : vector<16xf32>
        %get3A_1200 = arith.constant 0 : i32
        %get3A_1201 = arith.constant 0 : i32
        %get3A_1202 = tpu.memref_slice %arg7[%scan3A_552, %get3A_1200, %get3A_1201] : memref<5x80x128xf32, #tpu.memory_space<vmem>> -> memref<1x80x128xf32, #tpu.memory_space<vmem>>
        %get3A_1203 = tpu.memref_squeeze %get3A_1202 : memref<1x80x128xf32, #tpu.memory_space<vmem>> -> memref<80x128xf32, #tpu.memory_space<vmem>>
        %get3A_1204 = arith.index_cast %add3A_1145 : i32 to index
        %get3A_1205 = arith.constant 96 : index
        %get3A_1206 = tpu.vector_load %get3A_1203[%get3A_1204, %get3A_1205] {strides = array<i32>} : memref<80x128xf32, #tpu.memory_space<vmem>>, vector<1x16xf32>,
        %get3A_1207 = vector.shape_cast %get3A_1206 : vector<1x16xf32> to vector<16xf32>
        %add3A_1208 = arith.addf %scan3A_1140, %get3A_1207 : vector<16xf32>
        %get3A_1209 = arith.constant 0 : i32
        %get3A_1210 = arith.constant 0 : i32
        %get3A_1211 = tpu.memref_slice %arg7[%scan3A_552, %get3A_1209, %get3A_1210] : memref<5x80x128xf32, #tpu.memory_space<vmem>> -> memref<1x80x128xf32, #tpu.memory_space<vmem>>
        %get3A_1212 = tpu.memref_squeeze %get3A_1211 : memref<1x80x128xf32, #tpu.memory_space<vmem>> -> memref<80x128xf32, #tpu.memory_space<vmem>>
        %get3A_1213 = arith.index_cast %add3A_1145 : i32 to index
        %get3A_1214 = arith.constant 112 : index
        %get3A_1215 = tpu.vector_load %get3A_1212[%get3A_1213, %get3A_1214] {strides = array<i32>} : memref<80x128xf32, #tpu.memory_space<vmem>>, vector<1x16xf32>,
        %get3A_1216 = vector.shape_cast %get3A_1215 : vector<1x16xf32> to vector<16xf32>
        %add3A_1217 = arith.addf %scan3A_1141, %get3A_1216 : vector<16xf32>
        %add3A_1218 = arith.constant 1 : i32
        %add3A_1219 = arith.addi %add3A_1145, %add3A_1218 : i32
        %get3A_1220 = arith.constant 0 : i32
        %get3A_1221 = arith.constant 0 : i32
        %get3A_1222 = tpu.memref_slice %arg7[%scan3A_552, %get3A_1220, %get3A_1221] : memref<5x80x128xf32, #tpu.memory_space<vmem>> -> memref<1x80x128xf32, #tpu.memory_space<vmem>>
        %get3A_1223 = tpu.memref_squeeze %get3A_1222 : memref<1x80x128xf32, #tpu.memory_space<vmem>> -> memref<80x128xf32, #tpu.memory_space<vmem>>
        %get3A_1224 = arith.index_cast %add3A_1219 : i32 to index
        %get3A_1225 = arith.constant 0 : index
        %get3A_1226 = tpu.vector_load %get3A_1223[%get3A_1224, %get3A_1225] {strides = array<i32>} : memref<80x128xf32, #tpu.memory_space<vmem>>, vector<1x16xf32>,
        %get3A_1227 = vector.shape_cast %get3A_1226 : vector<1x16xf32> to vector<16xf32>
        %add3A_1228 = arith.addf %add3A_1154, %get3A_1227 : vector<16xf32>
        %add3A_1229 = arith.constant 1 : i32
        %add3A_1230 = arith.addi %add3A_1145, %add3A_1229 : i32
        %get3A_1231 = arith.constant 0 : i32
        %get3A_1232 = arith.constant 0 : i32
        %get3A_1233 = tpu.memref_slice %arg7[%scan3A_552, %get3A_1231, %get3A_1232] : memref<5x80x128xf32, #tpu.memory_space<vmem>> -> memref<1x80x128xf32, #tpu.memory_space<vmem>>
        %get3A_1234 = tpu.memref_squeeze %get3A_1233 : memref<1x80x128xf32, #tpu.memory_space<vmem>> -> memref<80x128xf32, #tpu.memory_space<vmem>>
        %get3A_1235 = arith.index_cast %add3A_1230 : i32 to index
        %get3A_1236 = arith.constant 16 : index
        %get3A_1237 = tpu.vector_load %get3A_1234[%get3A_1235, %get3A_1236] {strides = array<i32>} : memref<80x128xf32, #tpu.memory_space<vmem>>, vector<1x16xf32>,
        %get3A_1238 = vector.shape_cast %get3A_1237 : vector<1x16xf32> to vector<16xf32>
        %add3A_1239 = arith.addf %add3A_1163, %get3A_1238 : vector<16xf32>
        %add3A_1240 = arith.constant 1 : i32
        %add3A_1241 = arith.addi %add3A_1145, %add3A_1240 : i32
        %get3A_1242 = arith.constant 0 : i32
        %get3A_1243 = arith.constant 0 : i32
        %get3A_1244 = tpu.memref_slice %arg7[%scan3A_552, %get3A_1242, %get3A_1243] : memref<5x80x128xf32, #tpu.memory_space<vmem>> -> memref<1x80x128xf32, #tpu.memory_space<vmem>>
        %get3A_1245 = tpu.memref_squeeze %get3A_1244 : memref<1x80x128xf32, #tpu.memory_space<vmem>> -> memref<80x128xf32, #tpu.memory_space<vmem>>
        %get3A_1246 = arith.index_cast %add3A_1241 : i32 to index
        %get3A_1247 = arith.constant 32 : index
        %get3A_1248 = tpu.vector_load %get3A_1245[%get3A_1246, %get3A_1247] {strides = array<i32>} : memref<80x128xf32, #tpu.memory_space<vmem>>, vector<1x16xf32>,
        %get3A_1249 = vector.shape_cast %get3A_1248 : vector<1x16xf32> to vector<16xf32>
        %add3A_1250 = arith.addf %add3A_1172, %get3A_1249 : vector<16xf32>
        %add3A_1251 = arith.constant 1 : i32
        %add3A_1252 = arith.addi %add3A_1145, %add3A_1251 : i32
        %get3A_1253 = arith.constant 0 : i32
        %get3A_1254 = arith.constant 0 : i32
        %get3A_1255 = tpu.memref_slice %arg7[%scan3A_552, %get3A_1253, %get3A_1254] : memref<5x80x128xf32, #tpu.memory_space<vmem>> -> memref<1x80x128xf32, #tpu.memory_space<vmem>>
        %get3A_1256 = tpu.memref_squeeze %get3A_1255 : memref<1x80x128xf32, #tpu.memory_space<vmem>> -> memref<80x128xf32, #tpu.memory_space<vmem>>
        %get3A_1257 = arith.index_cast %add3A_1252 : i32 to index
        %get3A_1258 = arith.constant 48 : index
        %get3A_1259 = tpu.vector_load %get3A_1256[%get3A_1257, %get3A_1258] {strides = array<i32>} : memref<80x128xf32, #tpu.memory_space<vmem>>, vector<1x16xf32>,
        %get3A_1260 = vector.shape_cast %get3A_1259 : vector<1x16xf32> to vector<16xf32>
        %add3A_1261 = arith.addf %add3A_1181, %get3A_1260 : vector<16xf32>
        %add3A_1262 = arith.constant 1 : i32
        %add3A_1263 = arith.addi %add3A_1145, %add3A_1262 : i32
        %get3A_1264 = arith.constant 0 : i32
        %get3A_1265 = arith.constant 0 : i32
        %get3A_1266 = tpu.memref_slice %arg7[%scan3A_552, %get3A_1264, %get3A_1265] : memref<5x80x128xf32, #tpu.memory_space<vmem>> -> memref<1x80x128xf32, #tpu.memory_space<vmem>>
        %get3A_1267 = tpu.memref_squeeze %get3A_1266 : memref<1x80x128xf32, #tpu.memory_space<vmem>> -> memref<80x128xf32, #tpu.memory_space<vmem>>
        %get3A_1268 = arith.index_cast %add3A_1263 : i32 to index
        %get3A_1269 = arith.constant 64 : index
        %get3A_1270 = tpu.vector_load %get3A_1267[%get3A_1268, %get3A_1269] {strides = array<i32>} : memref<80x128xf32, #tpu.memory_space<vmem>>, vector<1x16xf32>,
        %get3A_1271 = vector.shape_cast %get3A_1270 : vector<1x16xf32> to vector<16xf32>
        %add3A_1272 = arith.addf %add3A_1190, %get3A_1271 : vector<16xf32>
        %add3A_1273 = arith.constant 1 : i32
        %add3A_1274 = arith.addi %add3A_1145, %add3A_1273 : i32
        %get3A_1275 = arith.constant 0 : i32
        %get3A_1276 = arith.constant 0 : i32
        %get3A_1277 = tpu.memref_slice %arg7[%scan3A_552, %get3A_1275, %get3A_1276] : memref<5x80x128xf32, #tpu.memory_space<vmem>> -> memref<1x80x128xf32, #tpu.memory_space<vmem>>
        %get3A_1278 = tpu.memref_squeeze %get3A_1277 : memref<1x80x128xf32, #tpu.memory_space<vmem>> -> memref<80x128xf32, #tpu.memory_space<vmem>>
        %get3A_1279 = arith.index_cast %add3A_1274 : i32 to index
        %get3A_1280 = arith.constant 80 : index
        %get3A_1281 = tpu.vector_load %get3A_1278[%get3A_1279, %get3A_1280] {strides = array<i32>} : memref<80x128xf32, #tpu.memory_space<vmem>>, vector<1x16xf32>,
        %get3A_1282 = vector.shape_cast %get3A_1281 : vector<1x16xf32> to vector<16xf32>
        %add3A_1283 = arith.addf %add3A_1199, %get3A_1282 : vector<16xf32>
        %add3A_1284 = arith.constant 1 : i32
        %add3A_1285 = arith.addi %add3A_1145, %add3A_1284 : i32
        %get3A_1286 = arith.constant 0 : i32
        %get3A_1287 = arith.constant 0 : i32
        %get3A_1288 = tpu.memref_slice %arg7[%scan3A_552, %get3A_1286, %get3A_1287] : memref<5x80x128xf32, #tpu.memory_space<vmem>> -> memref<1x80x128xf32, #tpu.memory_space<vmem>>
        %get3A_1289 = tpu.memref_squeeze %get3A_1288 : memref<1x80x128xf32, #tpu.memory_space<vmem>> -> memref<80x128xf32, #tpu.memory_space<vmem>>
        %get3A_1290 = arith.index_cast %add3A_1285 : i32 to index
        %get3A_1291 = arith.constant 96 : index
        %get3A_1292 = tpu.vector_load %get3A_1289[%get3A_1290, %get3A_1291] {strides = array<i32>} : memref<80x128xf32, #tpu.memory_space<vmem>>, vector<1x16xf32>,
        %get3A_1293 = vector.shape_cast %get3A_1292 : vector<1x16xf32> to vector<16xf32>
        %add3A_1294 = arith.addf %add3A_1208, %get3A_1293 : vector<16xf32>
        %add3A_1295 = arith.constant 1 : i32
        %add3A_1296 = arith.addi %add3A_1145, %add3A_1295 : i32
        %get3A_1297 = arith.constant 0 : i32
        %get3A_1298 = arith.constant 0 : i32
        %get3A_1299 = tpu.memref_slice %arg7[%scan3A_552, %get3A_1297, %get3A_1298] : memref<5x80x128xf32, #tpu.memory_space<vmem>> -> memref<1x80x128xf32, #tpu.memory_space<vmem>>
        %get3A_1300 = tpu.memref_squeeze %get3A_1299 : memref<1x80x128xf32, #tpu.memory_space<vmem>> -> memref<80x128xf32, #tpu.memory_space<vmem>>
        %get3A_1301 = arith.index_cast %add3A_1296 : i32 to index
        %get3A_1302 = arith.constant 112 : index
        %get3A_1303 = tpu.vector_load %get3A_1300[%get3A_1301, %get3A_1302] {strides = array<i32>} : memref<80x128xf32, #tpu.memory_space<vmem>>, vector<1x16xf32>,
        %get3A_1304 = vector.shape_cast %get3A_1303 : vector<1x16xf32> to vector<16xf32>
        %add3A_1305 = arith.addf %add3A_1217, %get3A_1304 : vector<16xf32>
        scf.yield %add3A_1228, %add3A_1239, %add3A_1250, %add3A_1261, %add3A_1272, %add3A_1283, %add3A_1294, %add3A_1305 : vector<16xf32>, vector<16xf32>, vector<16xf32>, vector<16xf32>, vector<16xf32>, vector<16xf32>, vector<16xf32>, vector<16xf32>
      }
      %scan3A_558 = arith.constant 20 : i32
      %not3A_559 = arith.constant true
      %not3A_560 = arith.xori %and3A_536, %not3A_559 : i1
      %convert_element_type3A_561 = arith.extui %not3A_560 : i1 to i32
      %cond3A_562 = arith.constant 0 : i32
      %cond3A_563 = arith.constant 0 : i32
      %cond3A_564 = arith.cmpi ne, %convert_element_type3A_561, %cond3A_563 : i32
      scf.if %cond3A_564 {
        "tpu.region"() ({
          %run_scoped3A = tpu.sem_alloc : memref<!tpu.dma_semaphore, #tpu.memory_space<semaphore_mem>>
          %dma_start3A_1133 = arith.constant 0 : i32
          %dma_start3A_1134 = arith.constant 0 : i32
          %dma_start3A_1135 = tpu.memref_slice %arg7[%cond3A_562, %dma_start3A_1133, %dma_start3A_1134] : memref<5x80x128xf32, #tpu.memory_space<vmem>> -> memref<1x80x128xf32, #tpu.memory_space<vmem>>
          %dma_start3A_1136 = tpu.memref_squeeze %dma_start3A_1135 : memref<1x80x128xf32, #tpu.memory_space<vmem>> -> memref<80x128xf32, #tpu.memory_space<vmem>>
          %dma_start3A_1137 = arith.constant 40 : i32
          %dma_start3A_1138 = arith.constant 0 : i32
          %dma_start3A_1139 = tpu.memref_slice %dma_start3A_1136[%dma_start3A_1137, %dma_start3A_1138] : memref<80x128xf32, #tpu.memory_space<vmem>> -> memref<40x128xf32, #tpu.memory_space<vmem>>
          %dma_start3A_1140 = arith.constant 0 : i32
          %dma_start3A_1141 = tpu.memref_slice %arg6[%add3A_519, %dma_start3A_1140] : memref<250x40xi32, #tpu.memory_space<vmem>> -> memref<1x40xi32, #tpu.memory_space<vmem>>
          %dma_start3A_1142 = tpu.memref_squeeze %dma_start3A_1141 : memref<1x40xi32, #tpu.memory_space<vmem>> -> memref<40xi32, #tpu.memory_space<vmem>>
          %dma_start3A_1143 = arith.constant 0 : i32
          %dma_start3A_1144 = arith.constant 0 : i32
          %dma_start3A_1145 = tpu.memref_slice %arg10[%dma_start3A_1143, %dma_start3A_1144] : memref<512x128xf32, #tpu.memory_space<vmem_shared>> -> memref<512x128xf32, #tpu.memory_space<vmem_shared>>
          tpu.enqueue_indirect_dma source(%dma_start3A_1139 : memref<40x128xf32, #tpu.memory_space<vmem>>) target(%dma_start3A_1145 : memref<512x128xf32, #tpu.memory_space<vmem_shared>>) offsets(%dma_start3A_1142 : memref<40xi32, #tpu.memory_space<vmem>>) semaphore(%run_scoped3A : memref<!tpu.dma_semaphore, #tpu.memory_space<semaphore_mem>>) {add = true}
          %dma_wait3A_1146 = arith.constant 0 : i32
          %dma_wait3A_1147 = arith.constant 0 : i32
          %dma_wait3A_1148 = tpu.memref_slice %arg7[%cond3A_562, %dma_wait3A_1146, %dma_wait3A_1147] : memref<5x80x128xf32, #tpu.memory_space<vmem>> -> memref<1x80x128xf32, #tpu.memory_space<vmem>>
          %dma_wait3A_1149 = tpu.memref_squeeze %dma_wait3A_1148 : memref<1x80x128xf32, #tpu.memory_space<vmem>> -> memref<80x128xf32, #tpu.memory_space<vmem>>
          %dma_wait3A_1150 = arith.constant 40 : i32
          %dma_wait3A_1151 = arith.constant 0 : i32
          %dma_wait3A_1152 = tpu.memref_slice %dma_wait3A_1149[%dma_wait3A_1150, %dma_wait3A_1151] : memref<80x128xf32, #tpu.memory_space<vmem>> -> memref<40x128xf32, #tpu.memory_space<vmem>>
          %dma_wait3A_1153 = arith.constant 0 : i32
          %dma_wait3A_1154 = tpu.memref_slice %arg6[%add3A_519, %dma_wait3A_1153] : memref<250x40xi32, #tpu.memory_space<vmem>> -> memref<1x40xi32, #tpu.memory_space<vmem>>
          %dma_wait3A_1155 = tpu.memref_squeeze %dma_wait3A_1154 : memref<1x40xi32, #tpu.memory_space<vmem>> -> memref<40xi32, #tpu.memory_space<vmem>>
          %dma_wait3A_1156 = arith.constant 0 : i32
          %dma_wait3A_1157 = arith.constant 0 : i32
          %dma_wait3A_1158 = tpu.memref_slice %arg10[%dma_wait3A_1156, %dma_wait3A_1157] : memref<512x128xf32, #tpu.memory_space<vmem_shared>> -> memref<512x128xf32, #tpu.memory_space<vmem_shared>>
          tpu.wait_indirect_dma semaphore(%run_scoped3A : memref<!tpu.dma_semaphore, #tpu.memory_space<semaphore_mem>>) src(%dma_wait3A_1152 : memref<40x128xf32, #tpu.memory_space<vmem>>) dst(%dma_wait3A_1158 : memref<512x128xf32, #tpu.memory_space<vmem_shared>>)
          tpu.yield
        }) : () -> ()
      } else {
      }
      %select_n3A_565 = arith.select %and3A_536, %scan3A_557#0, %broadcast_in_dim3A_92 : vector<16xf32>
      %select_n3A_566 = arith.select %and3A_536, %scan3A_557#1, %broadcast_in_dim3A_92 : vector<16xf32>
      %select_n3A_567 = arith.select %and3A_536, %scan3A_557#2, %broadcast_in_dim3A_92 : vector<16xf32>
      %select_n3A_568 = arith.select %and3A_536, %scan3A_557#3, %broadcast_in_dim3A_92 : vector<16xf32>
      %select_n3A_569 = arith.select %and3A_536, %scan3A_557#4, %broadcast_in_dim3A_92 : vector<16xf32>
      %select_n3A_570 = arith.select %and3A_536, %scan3A_557#5, %broadcast_in_dim3A_92 : vector<16xf32>
      %select_n3A_571 = arith.select %and3A_536, %scan3A_557#6, %broadcast_in_dim3A_92 : vector<16xf32>
      %select_n3A_572 = arith.select %and3A_536, %scan3A_557#7, %broadcast_in_dim3A_92 : vector<16xf32>
      %select_n3A_573 = arith.select %and3A_536, %squeeze3A_529, %squeeze3A_531 : i32
      %add3A_574 = arith.constant 5 : i32
      %add3A_575 = arith.addi %add3A_451, %add3A_574 : i32
      %lt3A_576 = arith.constant 125 : i32
      %lt3A_577 = arith.cmpi slt, %add3A_575, %lt3A_576 : i32
      %convert_element_type3A_578 = arith.extui %lt3A_577 : i1 to i32
      %cond3A_579 = arith.constant 0 : i32
      %cond3A_580 = arith.cmpi ne, %convert_element_type3A_578, %cond3A_579 : i32
      scf.if %cond3A_580 {
        %add3A_1133 = arith.constant 5 : i32
        %add3A_1134 = arith.addi %add3A_451, %add3A_1133 : i32
        %mul3A_1135 = arith.constant 80 : i32
        %mul3A_1136 = arith.muli %add3A_1134, %mul3A_1135 : i32
        %add3A_1137 = arith.addi %mul3A_2, %mul3A_1136 : i32
        %dma_start3A_1138 = arith.constant 0 : i32
        %dma_start3A_1139 = arith.constant 0 : i32
        %dma_start3A_1140 = arith.constant 0 : i32
        %dma_start3A_1141 = tpu.memref_slice %arg7[%dma_start3A_1138, %dma_start3A_1139, %dma_start3A_1140] : memref<5x80x128xf32, #tpu.memory_space<vmem>> -> memref<1x80x128xf32, #tpu.memory_space<vmem>>
        %dma_start3A_1142 = tpu.memref_squeeze %dma_start3A_1141 : memref<1x80x128xf32, #tpu.memory_space<vmem>> -> memref<80x128xf32, #tpu.memory_space<vmem>>
        %dma_start3A_1143 = arith.constant 0 : i32
        %dma_start3A_1144 = tpu.memref_slice %arg2[%add3A_1137, %dma_start3A_1143] : memref<320000x128xf32, #tpu.memory_space<hbm>> -> memref<80x128xf32, #tpu.memory_space<hbm>>
        %dma_start3A_1145 = arith.constant 0 : i32
        %dma_start3A_1146 = arith.constant 0 : i32
        %dma_start3A_1147 = tpu.memref_slice %arg7[%dma_start3A_1138, %dma_start3A_1145, %dma_start3A_1146] : memref<5x80x128xf32, #tpu.memory_space<vmem>> -> memref<1x80x128xf32, #tpu.memory_space<vmem>>
        %dma_start3A_1148 = tpu.memref_squeeze %dma_start3A_1147 : memref<1x80x128xf32, #tpu.memory_space<vmem>> -> memref<80x128xf32, #tpu.memory_space<vmem>>
        %dma_start3A_1149 = arith.constant 0 : i32
        %dma_start3A_1150 = tpu.memref_slice %arg2[%add3A_1137, %dma_start3A_1149] : memref<320000x128xf32, #tpu.memory_space<hbm>> -> memref<80x128xf32, #tpu.memory_space<hbm>>
        tpu.enqueue_dma source(%dma_start3A_1150 : memref<80x128xf32, #tpu.memory_space<hbm>>) target(%dma_start3A_1148 : memref<80x128xf32, #tpu.memory_space<vmem>>) target_semaphore(%arg11 : memref<!tpu.dma_semaphore, #tpu.memory_space<semaphore_mem>>)
      } else {
      }
      %add3A_581 = arith.constant 1 : i32
      %add3A_582 = arith.addi %mul3A_449, %add3A_581 : i32
      %dma_wait3A_583 = arith.constant 1 : i32
      %dma_wait3A_584 = arith.constant 0 : i32
      %dma_wait3A_585 = arith.constant 0 : i32
      %dma_wait3A_586 = tpu.memref_slice %arg7[%dma_wait3A_583, %dma_wait3A_584, %dma_wait3A_585] : memref<5x80x128xf32, #tpu.memory_space<vmem>> -> memref<1x80x128xf32, #tpu.memory_space<vmem>>
      %dma_wait3A_587 = tpu.memref_squeeze %dma_wait3A_586 : memref<1x80x128xf32, #tpu.memory_space<vmem>> -> memref<80x128xf32, #tpu.memory_space<vmem>>
      %dma_wait3A_588 = arith.constant 0 : i32
      %dma_wait3A_589 = tpu.memref_slice %arg2[%mul3A_2, %dma_wait3A_588] : memref<320000x128xf32, #tpu.memory_space<hbm>> -> memref<80x128xf32, #tpu.memory_space<hbm>>
      %dma_wait3A_590 = arith.constant 0 : i32
      %dma_wait3A_591 = arith.constant 0 : i32
      %dma_wait3A_592 = tpu.memref_slice %arg7[%dma_wait3A_583, %dma_wait3A_590, %dma_wait3A_591] : memref<5x80x128xf32, #tpu.memory_space<vmem>> -> memref<1x80x128xf32, #tpu.memory_space<vmem>>
      %dma_wait3A_593 = tpu.memref_squeeze %dma_wait3A_592 : memref<1x80x128xf32, #tpu.memory_space<vmem>> -> memref<80x128xf32, #tpu.memory_space<vmem>>
      %dma_wait3A_594 = arith.constant 0 : i32
      %dma_wait3A_595 = tpu.memref_slice %arg2[%mul3A_2, %dma_wait3A_594] : memref<320000x128xf32, #tpu.memory_space<hbm>> -> memref<80x128xf32, #tpu.memory_space<hbm>>
      tpu.wait_dma2 semaphore(%arg12 : memref<!tpu.dma_semaphore, #tpu.memory_space<semaphore_mem>>) src(%dma_wait3A_595 : memref<80x128xf32, #tpu.memory_space<hbm>>) dst(%dma_wait3A_593 : memref<80x128xf32, #tpu.memory_space<vmem>>)
      %mul3A_596 = arith.constant 2 : i32
      %mul3A_597 = arith.muli %add3A_582, %mul3A_596 : i32
      %add3A_598 = arith.constant 0 : i32
      %add3A_599 = arith.addi %mul3A_597, %add3A_598 : i32
      %get3A_600 = arith.index_cast %add3A_599 : i32 to index
      %get3A_601 = arith.constant 0 : index
      %get3A_602 = tpu.vector_load %arg6[%get3A_600, %get3A_601] {strides = array<i32>} : memref<250x40xi32, #tpu.memory_space<vmem>>, vector<1x16xi32>,
      %get3A_603 = vector.shape_cast %get3A_602 : vector<1x16xi32> to vector<16xi32>
      %get3A_604 = arith.index_cast %add3A_599 : i32 to index
      %get3A_605 = arith.constant 24 : index
      %get3A_606 = tpu.vector_load %arg6[%get3A_604, %get3A_605] {strides = array<i32>} : memref<250x40xi32, #tpu.memory_space<vmem>>, vector<1x16xi32>,
      %get3A_607 = vector.shape_cast %get3A_606 : vector<1x16xi32> to vector<16xi32>
      %slice3A_608 = vector.extract_strided_slice %get3A_603 {offsets = [0], sizes = [1], strides = [1]} : vector<16xi32> to vector<1xi32>
      %squeeze3A_609 = vector.extract %slice3A_608[0] : i32 from vector<1xi32>
      %slice3A_610 = vector.extract_strided_slice %get3A_607 {offsets = [15], sizes = [1], strides = [1]} : vector<16xi32> to vector<1xi32>
      %squeeze3A_611 = vector.extract %slice3A_610[0] : i32 from vector<1xi32>
      %eq3A_612 = arith.cmpi eq, %squeeze3A_609, %squeeze3A_611 : i32
      %sub3A_613 = arith.subi %squeeze3A_611, %squeeze3A : i32
      %lt3A_614 = arith.constant 256 : i32
      %lt3A_615 = arith.cmpi slt, %sub3A_613, %lt3A_614 : i32
      %and3A_616 = arith.andi %eq3A_612, %lt3A_615 : i1
      %not3A_617 = arith.constant true
      %not3A_618 = arith.xori %and3A_616, %not3A_617 : i1
      %ne3A_619 = arith.cmpi ne, %squeeze3A_609, %select_n3A_573 : i32
      %or3A_620 = arith.ori %not3A_618, %ne3A_619 : i1
      %convert_element_type3A_621 = arith.extui %or3A_620 : i1 to i32
      %cond3A_622 = arith.constant 0 : i32
      %cond3A_623 = arith.cmpi ne, %convert_element_type3A_621, %cond3A_622 : i32
      scf.if %cond3A_623 {
        %sub3A_1133 = arith.subi %select_n3A_573, %squeeze3A : i32
        %min3A_1134 = arith.constant 255 : i32
        %min3A_1135 = arith.minsi %sub3A_1133, %min3A_1134 : i32
        %get3A_1136 = arith.index_cast %min3A_1135 : i32 to index
        %get3A_1137 = arith.constant 0 : index
        %get3A_1138 = tpu.vector_load %arg8[%get3A_1136, %get3A_1137] {strides = array<i32>} : memref<256x128xf32, #tpu.memory_space<vmem>>, vector<1x16xf32>,
        %get3A_1139 = vector.shape_cast %get3A_1138 : vector<1x16xf32> to vector<16xf32>
        %add3A_1140 = arith.addf %get3A_1139, %select_n3A_565 : vector<16xf32>
        %swap3A_1141 = arith.index_cast %min3A_1135 : i32 to index
        %swap3A_1142 = arith.constant 0 : index
        %swap3A_1143 = tpu.vector_load %arg8[%swap3A_1141, %swap3A_1142] {strides = array<i32>} : memref<256x128xf32, #tpu.memory_space<vmem>>, vector<1x16xf32>,
        %swap3A_1144 = vector.shape_cast %swap3A_1143 : vector<1x16xf32> to vector<16xf32>
        %swap3A_1145 = vector.shape_cast %add3A_1140 : vector<16xf32> to vector<1x16xf32>
        tpu.vector_store %arg8[%swap3A_1141, %swap3A_1142], %swap3A_1145 {strides = array<i32>} : memref<256x128xf32, #tpu.memory_space<vmem>>, vector<1x16xf32>,
        %get3A_1146 = arith.index_cast %min3A_1135 : i32 to index
        %get3A_1147 = arith.constant 16 : index
        %get3A_1148 = tpu.vector_load %arg8[%get3A_1146, %get3A_1147] {strides = array<i32>} : memref<256x128xf32, #tpu.memory_space<vmem>>, vector<1x16xf32>,
        %get3A_1149 = vector.shape_cast %get3A_1148 : vector<1x16xf32> to vector<16xf32>
        %add3A_1150 = arith.addf %get3A_1149, %select_n3A_566 : vector<16xf32>
        %swap3A_1151 = arith.index_cast %min3A_1135 : i32 to index
        %swap3A_1152 = arith.constant 16 : index
        %swap3A_1153 = tpu.vector_load %arg8[%swap3A_1151, %swap3A_1152] {strides = array<i32>} : memref<256x128xf32, #tpu.memory_space<vmem>>, vector<1x16xf32>,
        %swap3A_1154 = vector.shape_cast %swap3A_1153 : vector<1x16xf32> to vector<16xf32>
        %swap3A_1155 = vector.shape_cast %add3A_1150 : vector<16xf32> to vector<1x16xf32>
        tpu.vector_store %arg8[%swap3A_1151, %swap3A_1152], %swap3A_1155 {strides = array<i32>} : memref<256x128xf32, #tpu.memory_space<vmem>>, vector<1x16xf32>,
        %get3A_1156 = arith.index_cast %min3A_1135 : i32 to index
        %get3A_1157 = arith.constant 32 : index
        %get3A_1158 = tpu.vector_load %arg8[%get3A_1156, %get3A_1157] {strides = array<i32>} : memref<256x128xf32, #tpu.memory_space<vmem>>, vector<1x16xf32>,
        %get3A_1159 = vector.shape_cast %get3A_1158 : vector<1x16xf32> to vector<16xf32>
        %add3A_1160 = arith.addf %get3A_1159, %select_n3A_567 : vector<16xf32>
        %swap3A_1161 = arith.index_cast %min3A_1135 : i32 to index
        %swap3A_1162 = arith.constant 32 : index
        %swap3A_1163 = tpu.vector_load %arg8[%swap3A_1161, %swap3A_1162] {strides = array<i32>} : memref<256x128xf32, #tpu.memory_space<vmem>>, vector<1x16xf32>,
        %swap3A_1164 = vector.shape_cast %swap3A_1163 : vector<1x16xf32> to vector<16xf32>
        %swap3A_1165 = vector.shape_cast %add3A_1160 : vector<16xf32> to vector<1x16xf32>
        tpu.vector_store %arg8[%swap3A_1161, %swap3A_1162], %swap3A_1165 {strides = array<i32>} : memref<256x128xf32, #tpu.memory_space<vmem>>, vector<1x16xf32>,
        %get3A_1166 = arith.index_cast %min3A_1135 : i32 to index
        %get3A_1167 = arith.constant 48 : index
        %get3A_1168 = tpu.vector_load %arg8[%get3A_1166, %get3A_1167] {strides = array<i32>} : memref<256x128xf32, #tpu.memory_space<vmem>>, vector<1x16xf32>,
        %get3A_1169 = vector.shape_cast %get3A_1168 : vector<1x16xf32> to vector<16xf32>
        %add3A_1170 = arith.addf %get3A_1169, %select_n3A_568 : vector<16xf32>
        %swap3A_1171 = arith.index_cast %min3A_1135 : i32 to index
        %swap3A_1172 = arith.constant 48 : index
        %swap3A_1173 = tpu.vector_load %arg8[%swap3A_1171, %swap3A_1172] {strides = array<i32>} : memref<256x128xf32, #tpu.memory_space<vmem>>, vector<1x16xf32>,
        %swap3A_1174 = vector.shape_cast %swap3A_1173 : vector<1x16xf32> to vector<16xf32>
        %swap3A_1175 = vector.shape_cast %add3A_1170 : vector<16xf32> to vector<1x16xf32>
        tpu.vector_store %arg8[%swap3A_1171, %swap3A_1172], %swap3A_1175 {strides = array<i32>} : memref<256x128xf32, #tpu.memory_space<vmem>>, vector<1x16xf32>,
        %get3A_1176 = arith.index_cast %min3A_1135 : i32 to index
        %get3A_1177 = arith.constant 64 : index
        %get3A_1178 = tpu.vector_load %arg8[%get3A_1176, %get3A_1177] {strides = array<i32>} : memref<256x128xf32, #tpu.memory_space<vmem>>, vector<1x16xf32>,
        %get3A_1179 = vector.shape_cast %get3A_1178 : vector<1x16xf32> to vector<16xf32>
        %add3A_1180 = arith.addf %get3A_1179, %select_n3A_569 : vector<16xf32>
        %swap3A_1181 = arith.index_cast %min3A_1135 : i32 to index
        %swap3A_1182 = arith.constant 64 : index
        %swap3A_1183 = tpu.vector_load %arg8[%swap3A_1181, %swap3A_1182] {strides = array<i32>} : memref<256x128xf32, #tpu.memory_space<vmem>>, vector<1x16xf32>,
        %swap3A_1184 = vector.shape_cast %swap3A_1183 : vector<1x16xf32> to vector<16xf32>
        %swap3A_1185 = vector.shape_cast %add3A_1180 : vector<16xf32> to vector<1x16xf32>
        tpu.vector_store %arg8[%swap3A_1181, %swap3A_1182], %swap3A_1185 {strides = array<i32>} : memref<256x128xf32, #tpu.memory_space<vmem>>, vector<1x16xf32>,
        %get3A_1186 = arith.index_cast %min3A_1135 : i32 to index
        %get3A_1187 = arith.constant 80 : index
        %get3A_1188 = tpu.vector_load %arg8[%get3A_1186, %get3A_1187] {strides = array<i32>} : memref<256x128xf32, #tpu.memory_space<vmem>>, vector<1x16xf32>,
        %get3A_1189 = vector.shape_cast %get3A_1188 : vector<1x16xf32> to vector<16xf32>
        %add3A_1190 = arith.addf %get3A_1189, %select_n3A_570 : vector<16xf32>
        %swap3A_1191 = arith.index_cast %min3A_1135 : i32 to index
        %swap3A_1192 = arith.constant 80 : index
        %swap3A_1193 = tpu.vector_load %arg8[%swap3A_1191, %swap3A_1192] {strides = array<i32>} : memref<256x128xf32, #tpu.memory_space<vmem>>, vector<1x16xf32>,
        %swap3A_1194 = vector.shape_cast %swap3A_1193 : vector<1x16xf32> to vector<16xf32>
        %swap3A_1195 = vector.shape_cast %add3A_1190 : vector<16xf32> to vector<1x16xf32>
        tpu.vector_store %arg8[%swap3A_1191, %swap3A_1192], %swap3A_1195 {strides = array<i32>} : memref<256x128xf32, #tpu.memory_space<vmem>>, vector<1x16xf32>,
        %get3A_1196 = arith.index_cast %min3A_1135 : i32 to index
        %get3A_1197 = arith.constant 96 : index
        %get3A_1198 = tpu.vector_load %arg8[%get3A_1196, %get3A_1197] {strides = array<i32>} : memref<256x128xf32, #tpu.memory_space<vmem>>, vector<1x16xf32>,
        %get3A_1199 = vector.shape_cast %get3A_1198 : vector<1x16xf32> to vector<16xf32>
        %add3A_1200 = arith.addf %get3A_1199, %select_n3A_571 : vector<16xf32>
        %swap3A_1201 = arith.index_cast %min3A_1135 : i32 to index
        %swap3A_1202 = arith.constant 96 : index
        %swap3A_1203 = tpu.vector_load %arg8[%swap3A_1201, %swap3A_1202] {strides = array<i32>} : memref<256x128xf32, #tpu.memory_space<vmem>>, vector<1x16xf32>,
        %swap3A_1204 = vector.shape_cast %swap3A_1203 : vector<1x16xf32> to vector<16xf32>
        %swap3A_1205 = vector.shape_cast %add3A_1200 : vector<16xf32> to vector<1x16xf32>
        tpu.vector_store %arg8[%swap3A_1201, %swap3A_1202], %swap3A_1205 {strides = array<i32>} : memref<256x128xf32, #tpu.memory_space<vmem>>, vector<1x16xf32>,
        %get3A_1206 = arith.index_cast %min3A_1135 : i32 to index
        %get3A_1207 = arith.constant 112 : index
        %get3A_1208 = tpu.vector_load %arg8[%get3A_1206, %get3A_1207] {strides = array<i32>} : memref<256x128xf32, #tpu.memory_space<vmem>>, vector<1x16xf32>,
        %get3A_1209 = vector.shape_cast %get3A_1208 : vector<1x16xf32> to vector<16xf32>
        %add3A_1210 = arith.addf %get3A_1209, %select_n3A_572 : vector<16xf32>
        %swap3A_1211 = arith.index_cast %min3A_1135 : i32 to index
        %swap3A_1212 = arith.constant 112 : index
        %swap3A_1213 = tpu.vector_load %arg8[%swap3A_1211, %swap3A_1212] {strides = array<i32>} : memref<256x128xf32, #tpu.memory_space<vmem>>, vector<1x16xf32>,
        %swap3A_1214 = vector.shape_cast %swap3A_1213 : vector<1x16xf32> to vector<16xf32>
        %swap3A_1215 = vector.shape_cast %add3A_1210 : vector<16xf32> to vector<1x16xf32>
        tpu.vector_store %arg8[%swap3A_1211, %swap3A_1212], %swap3A_1215 {strides = array<i32>} : memref<256x128xf32, #tpu.memory_space<vmem>>, vector<1x16xf32>,
      } else {
      }
      %select_n3A_624 = arith.select %or3A_620, %broadcast_in_dim3A_92, %select_n3A_565 : vector<16xf32>
      %select_n3A_625 = arith.select %or3A_620, %broadcast_in_dim3A_92, %select_n3A_566 : vector<16xf32>
      %select_n3A_626 = arith.select %or3A_620, %broadcast_in_dim3A_92, %select_n3A_567 : vector<16xf32>
      %select_n3A_627 = arith.select %or3A_620, %broadcast_in_dim3A_92, %select_n3A_568 : vector<16xf32>
      %select_n3A_628 = arith.select %or3A_620, %broadcast_in_dim3A_92, %select_n3A_569 : vector<16xf32>
      %select_n3A_629 = arith.select %or3A_620, %broadcast_in_dim3A_92, %select_n3A_570 : vector<16xf32>
      %select_n3A_630 = arith.select %or3A_620, %broadcast_in_dim3A_92, %select_n3A_571 : vector<16xf32>
      %select_n3A_631 = arith.select %or3A_620, %broadcast_in_dim3A_92, %select_n3A_572 : vector<16xf32>
      %scan3A_632 = arith.constant 1 : i32
      %scan3A_633 = arith.constant 0 : i32
      %scan3A_634 = arith.constant 20 : i32
      %scan3A_635 = arith.addi %scan3A_633, %scan3A_634 : i32
      %scan3A_636 = arith.constant 1 : i32
      %scan3A_637:8 = scf.for %scan3A_1133 = %scan3A_633 to %scan3A_635 step %scan3A_636 iter_args(%scan3A_1134 = %select_n3A_624, %scan3A_1135 = %select_n3A_625, %scan3A_1136 = %select_n3A_626, %scan3A_1137 = %select_n3A_627, %scan3A_1138 = %select_n3A_628, %scan3A_1139 = %select_n3A_629, %scan3A_1140 = %select_n3A_630, %scan3A_1141 = %select_n3A_631) -> (vector<16xf32>, vector<16xf32>, vector<16xf32>, vector<16xf32>, vector<16xf32>, vector<16xf32>, vector<16xf32>, vector<16xf32>)  : i32 {
        %mul3A_1142 = arith.constant 2 : i32
        %mul3A_1143 = arith.muli %scan3A_1133, %mul3A_1142 : i32
        %add3A_1144 = arith.constant 0 : i32
        %add3A_1145 = arith.addi %add3A_1144, %mul3A_1143 : i32
        %get3A_1146 = arith.constant 0 : i32
        %get3A_1147 = arith.constant 0 : i32
        %get3A_1148 = tpu.memref_slice %arg7[%scan3A_632, %get3A_1146, %get3A_1147] : memref<5x80x128xf32, #tpu.memory_space<vmem>> -> memref<1x80x128xf32, #tpu.memory_space<vmem>>
        %get3A_1149 = tpu.memref_squeeze %get3A_1148 : memref<1x80x128xf32, #tpu.memory_space<vmem>> -> memref<80x128xf32, #tpu.memory_space<vmem>>
        %get3A_1150 = arith.index_cast %add3A_1145 : i32 to index
        %get3A_1151 = arith.constant 0 : index
        %get3A_1152 = tpu.vector_load %get3A_1149[%get3A_1150, %get3A_1151] {strides = array<i32>} : memref<80x128xf32, #tpu.memory_space<vmem>>, vector<1x16xf32>,
        %get3A_1153 = vector.shape_cast %get3A_1152 : vector<1x16xf32> to vector<16xf32>
        %add3A_1154 = arith.addf %scan3A_1134, %get3A_1153 : vector<16xf32>
        %get3A_1155 = arith.constant 0 : i32
        %get3A_1156 = arith.constant 0 : i32
        %get3A_1157 = tpu.memref_slice %arg7[%scan3A_632, %get3A_1155, %get3A_1156] : memref<5x80x128xf32, #tpu.memory_space<vmem>> -> memref<1x80x128xf32, #tpu.memory_space<vmem>>
        %get3A_1158 = tpu.memref_squeeze %get3A_1157 : memref<1x80x128xf32, #tpu.memory_space<vmem>> -> memref<80x128xf32, #tpu.memory_space<vmem>>
        %get3A_1159 = arith.index_cast %add3A_1145 : i32 to index
        %get3A_1160 = arith.constant 16 : index
        %get3A_1161 = tpu.vector_load %get3A_1158[%get3A_1159, %get3A_1160] {strides = array<i32>} : memref<80x128xf32, #tpu.memory_space<vmem>>, vector<1x16xf32>,
        %get3A_1162 = vector.shape_cast %get3A_1161 : vector<1x16xf32> to vector<16xf32>
        %add3A_1163 = arith.addf %scan3A_1135, %get3A_1162 : vector<16xf32>
        %get3A_1164 = arith.constant 0 : i32
        %get3A_1165 = arith.constant 0 : i32
        %get3A_1166 = tpu.memref_slice %arg7[%scan3A_632, %get3A_1164, %get3A_1165] : memref<5x80x128xf32, #tpu.memory_space<vmem>> -> memref<1x80x128xf32, #tpu.memory_space<vmem>>
        %get3A_1167 = tpu.memref_squeeze %get3A_1166 : memref<1x80x128xf32, #tpu.memory_space<vmem>> -> memref<80x128xf32, #tpu.memory_space<vmem>>
        %get3A_1168 = arith.index_cast %add3A_1145 : i32 to index
        %get3A_1169 = arith.constant 32 : index
        %get3A_1170 = tpu.vector_load %get3A_1167[%get3A_1168, %get3A_1169] {strides = array<i32>} : memref<80x128xf32, #tpu.memory_space<vmem>>, vector<1x16xf32>,
        %get3A_1171 = vector.shape_cast %get3A_1170 : vector<1x16xf32> to vector<16xf32>
        %add3A_1172 = arith.addf %scan3A_1136, %get3A_1171 : vector<16xf32>
        %get3A_1173 = arith.constant 0 : i32
        %get3A_1174 = arith.constant 0 : i32
        %get3A_1175 = tpu.memref_slice %arg7[%scan3A_632, %get3A_1173, %get3A_1174] : memref<5x80x128xf32, #tpu.memory_space<vmem>> -> memref<1x80x128xf32, #tpu.memory_space<vmem>>
        %get3A_1176 = tpu.memref_squeeze %get3A_1175 : memref<1x80x128xf32, #tpu.memory_space<vmem>> -> memref<80x128xf32, #tpu.memory_space<vmem>>
        %get3A_1177 = arith.index_cast %add3A_1145 : i32 to index
        %get3A_1178 = arith.constant 48 : index
        %get3A_1179 = tpu.vector_load %get3A_1176[%get3A_1177, %get3A_1178] {strides = array<i32>} : memref<80x128xf32, #tpu.memory_space<vmem>>, vector<1x16xf32>,
        %get3A_1180 = vector.shape_cast %get3A_1179 : vector<1x16xf32> to vector<16xf32>
        %add3A_1181 = arith.addf %scan3A_1137, %get3A_1180 : vector<16xf32>
        %get3A_1182 = arith.constant 0 : i32
        %get3A_1183 = arith.constant 0 : i32
        %get3A_1184 = tpu.memref_slice %arg7[%scan3A_632, %get3A_1182, %get3A_1183] : memref<5x80x128xf32, #tpu.memory_space<vmem>> -> memref<1x80x128xf32, #tpu.memory_space<vmem>>
        %get3A_1185 = tpu.memref_squeeze %get3A_1184 : memref<1x80x128xf32, #tpu.memory_space<vmem>> -> memref<80x128xf32, #tpu.memory_space<vmem>>
        %get3A_1186 = arith.index_cast %add3A_1145 : i32 to index
        %get3A_1187 = arith.constant 64 : index
        %get3A_1188 = tpu.vector_load %get3A_1185[%get3A_1186, %get3A_1187] {strides = array<i32>} : memref<80x128xf32, #tpu.memory_space<vmem>>, vector<1x16xf32>,
        %get3A_1189 = vector.shape_cast %get3A_1188 : vector<1x16xf32> to vector<16xf32>
        %add3A_1190 = arith.addf %scan3A_1138, %get3A_1189 : vector<16xf32>
        %get3A_1191 = arith.constant 0 : i32
        %get3A_1192 = arith.constant 0 : i32
        %get3A_1193 = tpu.memref_slice %arg7[%scan3A_632, %get3A_1191, %get3A_1192] : memref<5x80x128xf32, #tpu.memory_space<vmem>> -> memref<1x80x128xf32, #tpu.memory_space<vmem>>
        %get3A_1194 = tpu.memref_squeeze %get3A_1193 : memref<1x80x128xf32, #tpu.memory_space<vmem>> -> memref<80x128xf32, #tpu.memory_space<vmem>>
        %get3A_1195 = arith.index_cast %add3A_1145 : i32 to index
        %get3A_1196 = arith.constant 80 : index
        %get3A_1197 = tpu.vector_load %get3A_1194[%get3A_1195, %get3A_1196] {strides = array<i32>} : memref<80x128xf32, #tpu.memory_space<vmem>>, vector<1x16xf32>,
        %get3A_1198 = vector.shape_cast %get3A_1197 : vector<1x16xf32> to vector<16xf32>
        %add3A_1199 = arith.addf %scan3A_1139, %get3A_1198 : vector<16xf32>
        %get3A_1200 = arith.constant 0 : i32
        %get3A_1201 = arith.constant 0 : i32
        %get3A_1202 = tpu.memref_slice %arg7[%scan3A_632, %get3A_1200, %get3A_1201] : memref<5x80x128xf32, #tpu.memory_space<vmem>> -> memref<1x80x128xf32, #tpu.memory_space<vmem>>
        %get3A_1203 = tpu.memref_squeeze %get3A_1202 : memref<1x80x128xf32, #tpu.memory_space<vmem>> -> memref<80x128xf32, #tpu.memory_space<vmem>>
        %get3A_1204 = arith.index_cast %add3A_1145 : i32 to index
        %get3A_1205 = arith.constant 96 : index
        %get3A_1206 = tpu.vector_load %get3A_1203[%get3A_1204, %get3A_1205] {strides = array<i32>} : memref<80x128xf32, #tpu.memory_space<vmem>>, vector<1x16xf32>,
        %get3A_1207 = vector.shape_cast %get3A_1206 : vector<1x16xf32> to vector<16xf32>
        %add3A_1208 = arith.addf %scan3A_1140, %get3A_1207 : vector<16xf32>
        %get3A_1209 = arith.constant 0 : i32
        %get3A_1210 = arith.constant 0 : i32
        %get3A_1211 = tpu.memref_slice %arg7[%scan3A_632, %get3A_1209, %get3A_1210] : memref<5x80x128xf32, #tpu.memory_space<vmem>> -> memref<1x80x128xf32, #tpu.memory_space<vmem>>
        %get3A_1212 = tpu.memref_squeeze %get3A_1211 : memref<1x80x128xf32, #tpu.memory_space<vmem>> -> memref<80x128xf32, #tpu.memory_space<vmem>>
        %get3A_1213 = arith.index_cast %add3A_1145 : i32 to index
        %get3A_1214 = arith.constant 112 : index
        %get3A_1215 = tpu.vector_load %get3A_1212[%get3A_1213, %get3A_1214] {strides = array<i32>} : memref<80x128xf32, #tpu.memory_space<vmem>>, vector<1x16xf32>,
        %get3A_1216 = vector.shape_cast %get3A_1215 : vector<1x16xf32> to vector<16xf32>
        %add3A_1217 = arith.addf %scan3A_1141, %get3A_1216 : vector<16xf32>
        %add3A_1218 = arith.constant 1 : i32
        %add3A_1219 = arith.addi %add3A_1145, %add3A_1218 : i32
        %get3A_1220 = arith.constant 0 : i32
        %get3A_1221 = arith.constant 0 : i32
        %get3A_1222 = tpu.memref_slice %arg7[%scan3A_632, %get3A_1220, %get3A_1221] : memref<5x80x128xf32, #tpu.memory_space<vmem>> -> memref<1x80x128xf32, #tpu.memory_space<vmem>>
        %get3A_1223 = tpu.memref_squeeze %get3A_1222 : memref<1x80x128xf32, #tpu.memory_space<vmem>> -> memref<80x128xf32, #tpu.memory_space<vmem>>
        %get3A_1224 = arith.index_cast %add3A_1219 : i32 to index
        %get3A_1225 = arith.constant 0 : index
        %get3A_1226 = tpu.vector_load %get3A_1223[%get3A_1224, %get3A_1225] {strides = array<i32>} : memref<80x128xf32, #tpu.memory_space<vmem>>, vector<1x16xf32>,
        %get3A_1227 = vector.shape_cast %get3A_1226 : vector<1x16xf32> to vector<16xf32>
        %add3A_1228 = arith.addf %add3A_1154, %get3A_1227 : vector<16xf32>
        %add3A_1229 = arith.constant 1 : i32
        %add3A_1230 = arith.addi %add3A_1145, %add3A_1229 : i32
        %get3A_1231 = arith.constant 0 : i32
        %get3A_1232 = arith.constant 0 : i32
        %get3A_1233 = tpu.memref_slice %arg7[%scan3A_632, %get3A_1231, %get3A_1232] : memref<5x80x128xf32, #tpu.memory_space<vmem>> -> memref<1x80x128xf32, #tpu.memory_space<vmem>>
        %get3A_1234 = tpu.memref_squeeze %get3A_1233 : memref<1x80x128xf32, #tpu.memory_space<vmem>> -> memref<80x128xf32, #tpu.memory_space<vmem>>
        %get3A_1235 = arith.index_cast %add3A_1230 : i32 to index
        %get3A_1236 = arith.constant 16 : index
        %get3A_1237 = tpu.vector_load %get3A_1234[%get3A_1235, %get3A_1236] {strides = array<i32>} : memref<80x128xf32, #tpu.memory_space<vmem>>, vector<1x16xf32>,
        %get3A_1238 = vector.shape_cast %get3A_1237 : vector<1x16xf32> to vector<16xf32>
        %add3A_1239 = arith.addf %add3A_1163, %get3A_1238 : vector<16xf32>
        %add3A_1240 = arith.constant 1 : i32
        %add3A_1241 = arith.addi %add3A_1145, %add3A_1240 : i32
        %get3A_1242 = arith.constant 0 : i32
        %get3A_1243 = arith.constant 0 : i32
        %get3A_1244 = tpu.memref_slice %arg7[%scan3A_632, %get3A_1242, %get3A_1243] : memref<5x80x128xf32, #tpu.memory_space<vmem>> -> memref<1x80x128xf32, #tpu.memory_space<vmem>>
        %get3A_1245 = tpu.memref_squeeze %get3A_1244 : memref<1x80x128xf32, #tpu.memory_space<vmem>> -> memref<80x128xf32, #tpu.memory_space<vmem>>
        %get3A_1246 = arith.index_cast %add3A_1241 : i32 to index
        %get3A_1247 = arith.constant 32 : index
        %get3A_1248 = tpu.vector_load %get3A_1245[%get3A_1246, %get3A_1247] {strides = array<i32>} : memref<80x128xf32, #tpu.memory_space<vmem>>, vector<1x16xf32>,
        %get3A_1249 = vector.shape_cast %get3A_1248 : vector<1x16xf32> to vector<16xf32>
        %add3A_1250 = arith.addf %add3A_1172, %get3A_1249 : vector<16xf32>
        %add3A_1251 = arith.constant 1 : i32
        %add3A_1252 = arith.addi %add3A_1145, %add3A_1251 : i32
        %get3A_1253 = arith.constant 0 : i32
        %get3A_1254 = arith.constant 0 : i32
        %get3A_1255 = tpu.memref_slice %arg7[%scan3A_632, %get3A_1253, %get3A_1254] : memref<5x80x128xf32, #tpu.memory_space<vmem>> -> memref<1x80x128xf32, #tpu.memory_space<vmem>>
        %get3A_1256 = tpu.memref_squeeze %get3A_1255 : memref<1x80x128xf32, #tpu.memory_space<vmem>> -> memref<80x128xf32, #tpu.memory_space<vmem>>
        %get3A_1257 = arith.index_cast %add3A_1252 : i32 to index
        %get3A_1258 = arith.constant 48 : index
        %get3A_1259 = tpu.vector_load %get3A_1256[%get3A_1257, %get3A_1258] {strides = array<i32>} : memref<80x128xf32, #tpu.memory_space<vmem>>, vector<1x16xf32>,
        %get3A_1260 = vector.shape_cast %get3A_1259 : vector<1x16xf32> to vector<16xf32>
        %add3A_1261 = arith.addf %add3A_1181, %get3A_1260 : vector<16xf32>
        %add3A_1262 = arith.constant 1 : i32
        %add3A_1263 = arith.addi %add3A_1145, %add3A_1262 : i32
        %get3A_1264 = arith.constant 0 : i32
        %get3A_1265 = arith.constant 0 : i32
        %get3A_1266 = tpu.memref_slice %arg7[%scan3A_632, %get3A_1264, %get3A_1265] : memref<5x80x128xf32, #tpu.memory_space<vmem>> -> memref<1x80x128xf32, #tpu.memory_space<vmem>>
        %get3A_1267 = tpu.memref_squeeze %get3A_1266 : memref<1x80x128xf32, #tpu.memory_space<vmem>> -> memref<80x128xf32, #tpu.memory_space<vmem>>
        %get3A_1268 = arith.index_cast %add3A_1263 : i32 to index
        %get3A_1269 = arith.constant 64 : index
        %get3A_1270 = tpu.vector_load %get3A_1267[%get3A_1268, %get3A_1269] {strides = array<i32>} : memref<80x128xf32, #tpu.memory_space<vmem>>, vector<1x16xf32>,
        %get3A_1271 = vector.shape_cast %get3A_1270 : vector<1x16xf32> to vector<16xf32>
        %add3A_1272 = arith.addf %add3A_1190, %get3A_1271 : vector<16xf32>
        %add3A_1273 = arith.constant 1 : i32
        %add3A_1274 = arith.addi %add3A_1145, %add3A_1273 : i32
        %get3A_1275 = arith.constant 0 : i32
        %get3A_1276 = arith.constant 0 : i32
        %get3A_1277 = tpu.memref_slice %arg7[%scan3A_632, %get3A_1275, %get3A_1276] : memref<5x80x128xf32, #tpu.memory_space<vmem>> -> memref<1x80x128xf32, #tpu.memory_space<vmem>>
        %get3A_1278 = tpu.memref_squeeze %get3A_1277 : memref<1x80x128xf32, #tpu.memory_space<vmem>> -> memref<80x128xf32, #tpu.memory_space<vmem>>
        %get3A_1279 = arith.index_cast %add3A_1274 : i32 to index
        %get3A_1280 = arith.constant 80 : index
        %get3A_1281 = tpu.vector_load %get3A_1278[%get3A_1279, %get3A_1280] {strides = array<i32>} : memref<80x128xf32, #tpu.memory_space<vmem>>, vector<1x16xf32>,
        %get3A_1282 = vector.shape_cast %get3A_1281 : vector<1x16xf32> to vector<16xf32>
        %add3A_1283 = arith.addf %add3A_1199, %get3A_1282 : vector<16xf32>
        %add3A_1284 = arith.constant 1 : i32
        %add3A_1285 = arith.addi %add3A_1145, %add3A_1284 : i32
        %get3A_1286 = arith.constant 0 : i32
        %get3A_1287 = arith.constant 0 : i32
        %get3A_1288 = tpu.memref_slice %arg7[%scan3A_632, %get3A_1286, %get3A_1287] : memref<5x80x128xf32, #tpu.memory_space<vmem>> -> memref<1x80x128xf32, #tpu.memory_space<vmem>>
        %get3A_1289 = tpu.memref_squeeze %get3A_1288 : memref<1x80x128xf32, #tpu.memory_space<vmem>> -> memref<80x128xf32, #tpu.memory_space<vmem>>
        %get3A_1290 = arith.index_cast %add3A_1285 : i32 to index
        %get3A_1291 = arith.constant 96 : index
        %get3A_1292 = tpu.vector_load %get3A_1289[%get3A_1290, %get3A_1291] {strides = array<i32>} : memref<80x128xf32, #tpu.memory_space<vmem>>, vector<1x16xf32>,
        %get3A_1293 = vector.shape_cast %get3A_1292 : vector<1x16xf32> to vector<16xf32>
        %add3A_1294 = arith.addf %add3A_1208, %get3A_1293 : vector<16xf32>
        %add3A_1295 = arith.constant 1 : i32
        %add3A_1296 = arith.addi %add3A_1145, %add3A_1295 : i32
        %get3A_1297 = arith.constant 0 : i32
        %get3A_1298 = arith.constant 0 : i32
        %get3A_1299 = tpu.memref_slice %arg7[%scan3A_632, %get3A_1297, %get3A_1298] : memref<5x80x128xf32, #tpu.memory_space<vmem>> -> memref<1x80x128xf32, #tpu.memory_space<vmem>>
        %get3A_1300 = tpu.memref_squeeze %get3A_1299 : memref<1x80x128xf32, #tpu.memory_space<vmem>> -> memref<80x128xf32, #tpu.memory_space<vmem>>
        %get3A_1301 = arith.index_cast %add3A_1296 : i32 to index
        %get3A_1302 = arith.constant 112 : index
        %get3A_1303 = tpu.vector_load %get3A_1300[%get3A_1301, %get3A_1302] {strides = array<i32>} : memref<80x128xf32, #tpu.memory_space<vmem>>, vector<1x16xf32>,
        %get3A_1304 = vector.shape_cast %get3A_1303 : vector<1x16xf32> to vector<16xf32>
        %add3A_1305 = arith.addf %add3A_1217, %get3A_1304 : vector<16xf32>
        scf.yield %add3A_1228, %add3A_1239, %add3A_1250, %add3A_1261, %add3A_1272, %add3A_1283, %add3A_1294, %add3A_1305 : vector<16xf32>, vector<16xf32>, vector<16xf32>, vector<16xf32>, vector<16xf32>, vector<16xf32>, vector<16xf32>, vector<16xf32>
      }
      %scan3A_638 = arith.constant 20 : i32
      %not3A_639 = arith.constant true
      %not3A_640 = arith.xori %and3A_616, %not3A_639 : i1
      %convert_element_type3A_641 = arith.extui %not3A_640 : i1 to i32
      %cond3A_642 = arith.constant 1 : i32
      %cond3A_643 = arith.constant 0 : i32
      %cond3A_644 = arith.cmpi ne, %convert_element_type3A_641, %cond3A_643 : i32
      scf.if %cond3A_644 {
        "tpu.region"() ({
          %run_scoped3A = tpu.sem_alloc : memref<!tpu.dma_semaphore, #tpu.memory_space<semaphore_mem>>
          %dma_start3A_1133 = arith.constant 0 : i32
          %dma_start3A_1134 = arith.constant 0 : i32
          %dma_start3A_1135 = tpu.memref_slice %arg7[%cond3A_642, %dma_start3A_1133, %dma_start3A_1134] : memref<5x80x128xf32, #tpu.memory_space<vmem>> -> memref<1x80x128xf32, #tpu.memory_space<vmem>>
          %dma_start3A_1136 = tpu.memref_squeeze %dma_start3A_1135 : memref<1x80x128xf32, #tpu.memory_space<vmem>> -> memref<80x128xf32, #tpu.memory_space<vmem>>
          %dma_start3A_1137 = arith.constant 0 : i32
          %dma_start3A_1138 = arith.constant 0 : i32
          %dma_start3A_1139 = tpu.memref_slice %dma_start3A_1136[%dma_start3A_1137, %dma_start3A_1138] : memref<80x128xf32, #tpu.memory_space<vmem>> -> memref<40x128xf32, #tpu.memory_space<vmem>>
          %dma_start3A_1140 = arith.constant 0 : i32
          %dma_start3A_1141 = tpu.memref_slice %arg6[%add3A_599, %dma_start3A_1140] : memref<250x40xi32, #tpu.memory_space<vmem>> -> memref<1x40xi32, #tpu.memory_space<vmem>>
          %dma_start3A_1142 = tpu.memref_squeeze %dma_start3A_1141 : memref<1x40xi32, #tpu.memory_space<vmem>> -> memref<40xi32, #tpu.memory_space<vmem>>
          %dma_start3A_1143 = arith.constant 0 : i32
          %dma_start3A_1144 = arith.constant 0 : i32
          %dma_start3A_1145 = tpu.memref_slice %arg10[%dma_start3A_1143, %dma_start3A_1144] : memref<512x128xf32, #tpu.memory_space<vmem_shared>> -> memref<512x128xf32, #tpu.memory_space<vmem_shared>>
          tpu.enqueue_indirect_dma source(%dma_start3A_1139 : memref<40x128xf32, #tpu.memory_space<vmem>>) target(%dma_start3A_1145 : memref<512x128xf32, #tpu.memory_space<vmem_shared>>) offsets(%dma_start3A_1142 : memref<40xi32, #tpu.memory_space<vmem>>) semaphore(%run_scoped3A : memref<!tpu.dma_semaphore, #tpu.memory_space<semaphore_mem>>) {add = true}
          %dma_wait3A_1146 = arith.constant 0 : i32
          %dma_wait3A_1147 = arith.constant 0 : i32
          %dma_wait3A_1148 = tpu.memref_slice %arg7[%cond3A_642, %dma_wait3A_1146, %dma_wait3A_1147] : memref<5x80x128xf32, #tpu.memory_space<vmem>> -> memref<1x80x128xf32, #tpu.memory_space<vmem>>
          %dma_wait3A_1149 = tpu.memref_squeeze %dma_wait3A_1148 : memref<1x80x128xf32, #tpu.memory_space<vmem>> -> memref<80x128xf32, #tpu.memory_space<vmem>>
          %dma_wait3A_1150 = arith.constant 0 : i32
          %dma_wait3A_1151 = arith.constant 0 : i32
          %dma_wait3A_1152 = tpu.memref_slice %dma_wait3A_1149[%dma_wait3A_1150, %dma_wait3A_1151] : memref<80x128xf32, #tpu.memory_space<vmem>> -> memref<40x128xf32, #tpu.memory_space<vmem>>
          %dma_wait3A_1153 = arith.constant 0 : i32
          %dma_wait3A_1154 = tpu.memref_slice %arg6[%add3A_599, %dma_wait3A_1153] : memref<250x40xi32, #tpu.memory_space<vmem>> -> memref<1x40xi32, #tpu.memory_space<vmem>>
          %dma_wait3A_1155 = tpu.memref_squeeze %dma_wait3A_1154 : memref<1x40xi32, #tpu.memory_space<vmem>> -> memref<40xi32, #tpu.memory_space<vmem>>
          %dma_wait3A_1156 = arith.constant 0 : i32
          %dma_wait3A_1157 = arith.constant 0 : i32
          %dma_wait3A_1158 = tpu.memref_slice %arg10[%dma_wait3A_1156, %dma_wait3A_1157] : memref<512x128xf32, #tpu.memory_space<vmem_shared>> -> memref<512x128xf32, #tpu.memory_space<vmem_shared>>
          tpu.wait_indirect_dma semaphore(%run_scoped3A : memref<!tpu.dma_semaphore, #tpu.memory_space<semaphore_mem>>) src(%dma_wait3A_1152 : memref<40x128xf32, #tpu.memory_space<vmem>>) dst(%dma_wait3A_1158 : memref<512x128xf32, #tpu.memory_space<vmem_shared>>)
          tpu.yield
        }) : () -> ()
      } else {
      }
      %select_n3A_645 = arith.select %and3A_616, %scan3A_637#0, %broadcast_in_dim3A_92 : vector<16xf32>
      %select_n3A_646 = arith.select %and3A_616, %scan3A_637#1, %broadcast_in_dim3A_92 : vector<16xf32>
      %select_n3A_647 = arith.select %and3A_616, %scan3A_637#2, %broadcast_in_dim3A_92 : vector<16xf32>
      %select_n3A_648 = arith.select %and3A_616, %scan3A_637#3, %broadcast_in_dim3A_92 : vector<16xf32>
      %select_n3A_649 = arith.select %and3A_616, %scan3A_637#4, %broadcast_in_dim3A_92 : vector<16xf32>
      %select_n3A_650 = arith.select %and3A_616, %scan3A_637#5, %broadcast_in_dim3A_92 : vector<16xf32>
      %select_n3A_651 = arith.select %and3A_616, %scan3A_637#6, %broadcast_in_dim3A_92 : vector<16xf32>
      %select_n3A_652 = arith.select %and3A_616, %scan3A_637#7, %broadcast_in_dim3A_92 : vector<16xf32>
      %select_n3A_653 = arith.select %and3A_616, %squeeze3A_609, %squeeze3A_611 : i32
      %mul3A_654 = arith.constant 2 : i32
      %mul3A_655 = arith.muli %add3A_582, %mul3A_654 : i32
      %add3A_656 = arith.constant 1 : i32
      %add3A_657 = arith.addi %mul3A_655, %add3A_656 : i32
      %get3A_658 = arith.index_cast %add3A_657 : i32 to index
      %get3A_659 = arith.constant 0 : index
      %get3A_660 = tpu.vector_load %arg6[%get3A_658, %get3A_659] {strides = array<i32>} : memref<250x40xi32, #tpu.memory_space<vmem>>, vector<1x16xi32>,
      %get3A_661 = vector.shape_cast %get3A_660 : vector<1x16xi32> to vector<16xi32>
      %get3A_662 = arith.index_cast %add3A_657 : i32 to index
      %get3A_663 = arith.constant 24 : index
      %get3A_664 = tpu.vector_load %arg6[%get3A_662, %get3A_663] {strides = array<i32>} : memref<250x40xi32, #tpu.memory_space<vmem>>, vector<1x16xi32>,
      %get3A_665 = vector.shape_cast %get3A_664 : vector<1x16xi32> to vector<16xi32>
      %slice3A_666 = vector.extract_strided_slice %get3A_661 {offsets = [0], sizes = [1], strides = [1]} : vector<16xi32> to vector<1xi32>
      %squeeze3A_667 = vector.extract %slice3A_666[0] : i32 from vector<1xi32>
      %slice3A_668 = vector.extract_strided_slice %get3A_665 {offsets = [15], sizes = [1], strides = [1]} : vector<16xi32> to vector<1xi32>
      %squeeze3A_669 = vector.extract %slice3A_668[0] : i32 from vector<1xi32>
      %eq3A_670 = arith.cmpi eq, %squeeze3A_667, %squeeze3A_669 : i32
      %sub3A_671 = arith.subi %squeeze3A_669, %squeeze3A : i32
      %lt3A_672 = arith.constant 256 : i32
      %lt3A_673 = arith.cmpi slt, %sub3A_671, %lt3A_672 : i32
      %and3A_674 = arith.andi %eq3A_670, %lt3A_673 : i1
      %not3A_675 = arith.constant true
      %not3A_676 = arith.xori %and3A_674, %not3A_675 : i1
      %ne3A_677 = arith.cmpi ne, %squeeze3A_667, %select_n3A_653 : i32
      %or3A_678 = arith.ori %not3A_676, %ne3A_677 : i1
      %convert_element_type3A_679 = arith.extui %or3A_678 : i1 to i32
      %cond3A_680 = arith.constant 0 : i32
      %cond3A_681 = arith.cmpi ne, %convert_element_type3A_679, %cond3A_680 : i32
      scf.if %cond3A_681 {
        %sub3A_1133 = arith.subi %select_n3A_653, %squeeze3A : i32
        %min3A_1134 = arith.constant 255 : i32
        %min3A_1135 = arith.minsi %sub3A_1133, %min3A_1134 : i32
        %get3A_1136 = arith.index_cast %min3A_1135 : i32 to index
        %get3A_1137 = arith.constant 0 : index
        %get3A_1138 = tpu.vector_load %arg8[%get3A_1136, %get3A_1137] {strides = array<i32>} : memref<256x128xf32, #tpu.memory_space<vmem>>, vector<1x16xf32>,
        %get3A_1139 = vector.shape_cast %get3A_1138 : vector<1x16xf32> to vector<16xf32>
        %add3A_1140 = arith.addf %get3A_1139, %select_n3A_645 : vector<16xf32>
        %swap3A_1141 = arith.index_cast %min3A_1135 : i32 to index
        %swap3A_1142 = arith.constant 0 : index
        %swap3A_1143 = tpu.vector_load %arg8[%swap3A_1141, %swap3A_1142] {strides = array<i32>} : memref<256x128xf32, #tpu.memory_space<vmem>>, vector<1x16xf32>,
        %swap3A_1144 = vector.shape_cast %swap3A_1143 : vector<1x16xf32> to vector<16xf32>
        %swap3A_1145 = vector.shape_cast %add3A_1140 : vector<16xf32> to vector<1x16xf32>
        tpu.vector_store %arg8[%swap3A_1141, %swap3A_1142], %swap3A_1145 {strides = array<i32>} : memref<256x128xf32, #tpu.memory_space<vmem>>, vector<1x16xf32>,
        %get3A_1146 = arith.index_cast %min3A_1135 : i32 to index
        %get3A_1147 = arith.constant 16 : index
        %get3A_1148 = tpu.vector_load %arg8[%get3A_1146, %get3A_1147] {strides = array<i32>} : memref<256x128xf32, #tpu.memory_space<vmem>>, vector<1x16xf32>,
        %get3A_1149 = vector.shape_cast %get3A_1148 : vector<1x16xf32> to vector<16xf32>
        %add3A_1150 = arith.addf %get3A_1149, %select_n3A_646 : vector<16xf32>
        %swap3A_1151 = arith.index_cast %min3A_1135 : i32 to index
        %swap3A_1152 = arith.constant 16 : index
        %swap3A_1153 = tpu.vector_load %arg8[%swap3A_1151, %swap3A_1152] {strides = array<i32>} : memref<256x128xf32, #tpu.memory_space<vmem>>, vector<1x16xf32>,
        %swap3A_1154 = vector.shape_cast %swap3A_1153 : vector<1x16xf32> to vector<16xf32>
        %swap3A_1155 = vector.shape_cast %add3A_1150 : vector<16xf32> to vector<1x16xf32>
        tpu.vector_store %arg8[%swap3A_1151, %swap3A_1152], %swap3A_1155 {strides = array<i32>} : memref<256x128xf32, #tpu.memory_space<vmem>>, vector<1x16xf32>,
        %get3A_1156 = arith.index_cast %min3A_1135 : i32 to index
        %get3A_1157 = arith.constant 32 : index
        %get3A_1158 = tpu.vector_load %arg8[%get3A_1156, %get3A_1157] {strides = array<i32>} : memref<256x128xf32, #tpu.memory_space<vmem>>, vector<1x16xf32>,
        %get3A_1159 = vector.shape_cast %get3A_1158 : vector<1x16xf32> to vector<16xf32>
        %add3A_1160 = arith.addf %get3A_1159, %select_n3A_647 : vector<16xf32>
        %swap3A_1161 = arith.index_cast %min3A_1135 : i32 to index
        %swap3A_1162 = arith.constant 32 : index
        %swap3A_1163 = tpu.vector_load %arg8[%swap3A_1161, %swap3A_1162] {strides = array<i32>} : memref<256x128xf32, #tpu.memory_space<vmem>>, vector<1x16xf32>,
        %swap3A_1164 = vector.shape_cast %swap3A_1163 : vector<1x16xf32> to vector<16xf32>
        %swap3A_1165 = vector.shape_cast %add3A_1160 : vector<16xf32> to vector<1x16xf32>
        tpu.vector_store %arg8[%swap3A_1161, %swap3A_1162], %swap3A_1165 {strides = array<i32>} : memref<256x128xf32, #tpu.memory_space<vmem>>, vector<1x16xf32>,
        %get3A_1166 = arith.index_cast %min3A_1135 : i32 to index
        %get3A_1167 = arith.constant 48 : index
        %get3A_1168 = tpu.vector_load %arg8[%get3A_1166, %get3A_1167] {strides = array<i32>} : memref<256x128xf32, #tpu.memory_space<vmem>>, vector<1x16xf32>,
        %get3A_1169 = vector.shape_cast %get3A_1168 : vector<1x16xf32> to vector<16xf32>
        %add3A_1170 = arith.addf %get3A_1169, %select_n3A_648 : vector<16xf32>
        %swap3A_1171 = arith.index_cast %min3A_1135 : i32 to index
        %swap3A_1172 = arith.constant 48 : index
        %swap3A_1173 = tpu.vector_load %arg8[%swap3A_1171, %swap3A_1172] {strides = array<i32>} : memref<256x128xf32, #tpu.memory_space<vmem>>, vector<1x16xf32>,
        %swap3A_1174 = vector.shape_cast %swap3A_1173 : vector<1x16xf32> to vector<16xf32>
        %swap3A_1175 = vector.shape_cast %add3A_1170 : vector<16xf32> to vector<1x16xf32>
        tpu.vector_store %arg8[%swap3A_1171, %swap3A_1172], %swap3A_1175 {strides = array<i32>} : memref<256x128xf32, #tpu.memory_space<vmem>>, vector<1x16xf32>,
        %get3A_1176 = arith.index_cast %min3A_1135 : i32 to index
        %get3A_1177 = arith.constant 64 : index
        %get3A_1178 = tpu.vector_load %arg8[%get3A_1176, %get3A_1177] {strides = array<i32>} : memref<256x128xf32, #tpu.memory_space<vmem>>, vector<1x16xf32>,
        %get3A_1179 = vector.shape_cast %get3A_1178 : vector<1x16xf32> to vector<16xf32>
        %add3A_1180 = arith.addf %get3A_1179, %select_n3A_649 : vector<16xf32>
        %swap3A_1181 = arith.index_cast %min3A_1135 : i32 to index
        %swap3A_1182 = arith.constant 64 : index
        %swap3A_1183 = tpu.vector_load %arg8[%swap3A_1181, %swap3A_1182] {strides = array<i32>} : memref<256x128xf32, #tpu.memory_space<vmem>>, vector<1x16xf32>,
        %swap3A_1184 = vector.shape_cast %swap3A_1183 : vector<1x16xf32> to vector<16xf32>
        %swap3A_1185 = vector.shape_cast %add3A_1180 : vector<16xf32> to vector<1x16xf32>
        tpu.vector_store %arg8[%swap3A_1181, %swap3A_1182], %swap3A_1185 {strides = array<i32>} : memref<256x128xf32, #tpu.memory_space<vmem>>, vector<1x16xf32>,
        %get3A_1186 = arith.index_cast %min3A_1135 : i32 to index
        %get3A_1187 = arith.constant 80 : index
        %get3A_1188 = tpu.vector_load %arg8[%get3A_1186, %get3A_1187] {strides = array<i32>} : memref<256x128xf32, #tpu.memory_space<vmem>>, vector<1x16xf32>,
        %get3A_1189 = vector.shape_cast %get3A_1188 : vector<1x16xf32> to vector<16xf32>
        %add3A_1190 = arith.addf %get3A_1189, %select_n3A_650 : vector<16xf32>
        %swap3A_1191 = arith.index_cast %min3A_1135 : i32 to index
        %swap3A_1192 = arith.constant 80 : index
        %swap3A_1193 = tpu.vector_load %arg8[%swap3A_1191, %swap3A_1192] {strides = array<i32>} : memref<256x128xf32, #tpu.memory_space<vmem>>, vector<1x16xf32>,
        %swap3A_1194 = vector.shape_cast %swap3A_1193 : vector<1x16xf32> to vector<16xf32>
        %swap3A_1195 = vector.shape_cast %add3A_1190 : vector<16xf32> to vector<1x16xf32>
        tpu.vector_store %arg8[%swap3A_1191, %swap3A_1192], %swap3A_1195 {strides = array<i32>} : memref<256x128xf32, #tpu.memory_space<vmem>>, vector<1x16xf32>,
        %get3A_1196 = arith.index_cast %min3A_1135 : i32 to index
        %get3A_1197 = arith.constant 96 : index
        %get3A_1198 = tpu.vector_load %arg8[%get3A_1196, %get3A_1197] {strides = array<i32>} : memref<256x128xf32, #tpu.memory_space<vmem>>, vector<1x16xf32>,
        %get3A_1199 = vector.shape_cast %get3A_1198 : vector<1x16xf32> to vector<16xf32>
        %add3A_1200 = arith.addf %get3A_1199, %select_n3A_651 : vector<16xf32>
        %swap3A_1201 = arith.index_cast %min3A_1135 : i32 to index
        %swap3A_1202 = arith.constant 96 : index
        %swap3A_1203 = tpu.vector_load %arg8[%swap3A_1201, %swap3A_1202] {strides = array<i32>} : memref<256x128xf32, #tpu.memory_space<vmem>>, vector<1x16xf32>,
        %swap3A_1204 = vector.shape_cast %swap3A_1203 : vector<1x16xf32> to vector<16xf32>
        %swap3A_1205 = vector.shape_cast %add3A_1200 : vector<16xf32> to vector<1x16xf32>
        tpu.vector_store %arg8[%swap3A_1201, %swap3A_1202], %swap3A_1205 {strides = array<i32>} : memref<256x128xf32, #tpu.memory_space<vmem>>, vector<1x16xf32>,
        %get3A_1206 = arith.index_cast %min3A_1135 : i32 to index
        %get3A_1207 = arith.constant 112 : index
        %get3A_1208 = tpu.vector_load %arg8[%get3A_1206, %get3A_1207] {strides = array<i32>} : memref<256x128xf32, #tpu.memory_space<vmem>>, vector<1x16xf32>,
        %get3A_1209 = vector.shape_cast %get3A_1208 : vector<1x16xf32> to vector<16xf32>
        %add3A_1210 = arith.addf %get3A_1209, %select_n3A_652 : vector<16xf32>
        %swap3A_1211 = arith.index_cast %min3A_1135 : i32 to index
        %swap3A_1212 = arith.constant 112 : index
        %swap3A_1213 = tpu.vector_load %arg8[%swap3A_1211, %swap3A_1212] {strides = array<i32>} : memref<256x128xf32, #tpu.memory_space<vmem>>, vector<1x16xf32>,
        %swap3A_1214 = vector.shape_cast %swap3A_1213 : vector<1x16xf32> to vector<16xf32>
        %swap3A_1215 = vector.shape_cast %add3A_1210 : vector<16xf32> to vector<1x16xf32>
        tpu.vector_store %arg8[%swap3A_1211, %swap3A_1212], %swap3A_1215 {strides = array<i32>} : memref<256x128xf32, #tpu.memory_space<vmem>>, vector<1x16xf32>,
      } else {
      }
      %select_n3A_682 = arith.select %or3A_678, %broadcast_in_dim3A_92, %select_n3A_645 : vector<16xf32>
      %select_n3A_683 = arith.select %or3A_678, %broadcast_in_dim3A_92, %select_n3A_646 : vector<16xf32>
      %select_n3A_684 = arith.select %or3A_678, %broadcast_in_dim3A_92, %select_n3A_647 : vector<16xf32>
      %select_n3A_685 = arith.select %or3A_678, %broadcast_in_dim3A_92, %select_n3A_648 : vector<16xf32>
      %select_n3A_686 = arith.select %or3A_678, %broadcast_in_dim3A_92, %select_n3A_649 : vector<16xf32>
      %select_n3A_687 = arith.select %or3A_678, %broadcast_in_dim3A_92, %select_n3A_650 : vector<16xf32>
      %select_n3A_688 = arith.select %or3A_678, %broadcast_in_dim3A_92, %select_n3A_651 : vector<16xf32>
      %select_n3A_689 = arith.select %or3A_678, %broadcast_in_dim3A_92, %select_n3A_652 : vector<16xf32>
      %scan3A_690 = arith.constant 1 : i32
      %scan3A_691 = arith.constant 0 : i32
      %scan3A_692 = arith.constant 20 : i32
      %scan3A_693 = arith.addi %scan3A_691, %scan3A_692 : i32
      %scan3A_694 = arith.constant 1 : i32
      %scan3A_695:8 = scf.for %scan3A_1133 = %scan3A_691 to %scan3A_693 step %scan3A_694 iter_args(%scan3A_1134 = %select_n3A_682, %scan3A_1135 = %select_n3A_683, %scan3A_1136 = %select_n3A_684, %scan3A_1137 = %select_n3A_685, %scan3A_1138 = %select_n3A_686, %scan3A_1139 = %select_n3A_687, %scan3A_1140 = %select_n3A_688, %scan3A_1141 = %select_n3A_689) -> (vector<16xf32>, vector<16xf32>, vector<16xf32>, vector<16xf32>, vector<16xf32>, vector<16xf32>, vector<16xf32>, vector<16xf32>)  : i32 {
        %mul3A_1142 = arith.constant 2 : i32
        %mul3A_1143 = arith.muli %scan3A_1133, %mul3A_1142 : i32
        %add3A_1144 = arith.constant 40 : i32
        %add3A_1145 = arith.addi %add3A_1144, %mul3A_1143 : i32
        %get3A_1146 = arith.constant 0 : i32
        %get3A_1147 = arith.constant 0 : i32
        %get3A_1148 = tpu.memref_slice %arg7[%scan3A_690, %get3A_1146, %get3A_1147] : memref<5x80x128xf32, #tpu.memory_space<vmem>> -> memref<1x80x128xf32, #tpu.memory_space<vmem>>
        %get3A_1149 = tpu.memref_squeeze %get3A_1148 : memref<1x80x128xf32, #tpu.memory_space<vmem>> -> memref<80x128xf32, #tpu.memory_space<vmem>>
        %get3A_1150 = arith.index_cast %add3A_1145 : i32 to index
        %get3A_1151 = arith.constant 0 : index
        %get3A_1152 = tpu.vector_load %get3A_1149[%get3A_1150, %get3A_1151] {strides = array<i32>} : memref<80x128xf32, #tpu.memory_space<vmem>>, vector<1x16xf32>,
        %get3A_1153 = vector.shape_cast %get3A_1152 : vector<1x16xf32> to vector<16xf32>
        %add3A_1154 = arith.addf %scan3A_1134, %get3A_1153 : vector<16xf32>
        %get3A_1155 = arith.constant 0 : i32
        %get3A_1156 = arith.constant 0 : i32
        %get3A_1157 = tpu.memref_slice %arg7[%scan3A_690, %get3A_1155, %get3A_1156] : memref<5x80x128xf32, #tpu.memory_space<vmem>> -> memref<1x80x128xf32, #tpu.memory_space<vmem>>
        %get3A_1158 = tpu.memref_squeeze %get3A_1157 : memref<1x80x128xf32, #tpu.memory_space<vmem>> -> memref<80x128xf32, #tpu.memory_space<vmem>>
        %get3A_1159 = arith.index_cast %add3A_1145 : i32 to index
        %get3A_1160 = arith.constant 16 : index
        %get3A_1161 = tpu.vector_load %get3A_1158[%get3A_1159, %get3A_1160] {strides = array<i32>} : memref<80x128xf32, #tpu.memory_space<vmem>>, vector<1x16xf32>,
        %get3A_1162 = vector.shape_cast %get3A_1161 : vector<1x16xf32> to vector<16xf32>
        %add3A_1163 = arith.addf %scan3A_1135, %get3A_1162 : vector<16xf32>
        %get3A_1164 = arith.constant 0 : i32
        %get3A_1165 = arith.constant 0 : i32
        %get3A_1166 = tpu.memref_slice %arg7[%scan3A_690, %get3A_1164, %get3A_1165] : memref<5x80x128xf32, #tpu.memory_space<vmem>> -> memref<1x80x128xf32, #tpu.memory_space<vmem>>
        %get3A_1167 = tpu.memref_squeeze %get3A_1166 : memref<1x80x128xf32, #tpu.memory_space<vmem>> -> memref<80x128xf32, #tpu.memory_space<vmem>>
        %get3A_1168 = arith.index_cast %add3A_1145 : i32 to index
        %get3A_1169 = arith.constant 32 : index
        %get3A_1170 = tpu.vector_load %get3A_1167[%get3A_1168, %get3A_1169] {strides = array<i32>} : memref<80x128xf32, #tpu.memory_space<vmem>>, vector<1x16xf32>,
        %get3A_1171 = vector.shape_cast %get3A_1170 : vector<1x16xf32> to vector<16xf32>
        %add3A_1172 = arith.addf %scan3A_1136, %get3A_1171 : vector<16xf32>
        %get3A_1173 = arith.constant 0 : i32
        %get3A_1174 = arith.constant 0 : i32
        %get3A_1175 = tpu.memref_slice %arg7[%scan3A_690, %get3A_1173, %get3A_1174] : memref<5x80x128xf32, #tpu.memory_space<vmem>> -> memref<1x80x128xf32, #tpu.memory_space<vmem>>
        %get3A_1176 = tpu.memref_squeeze %get3A_1175 : memref<1x80x128xf32, #tpu.memory_space<vmem>> -> memref<80x128xf32, #tpu.memory_space<vmem>>
        %get3A_1177 = arith.index_cast %add3A_1145 : i32 to index
        %get3A_1178 = arith.constant 48 : index
        %get3A_1179 = tpu.vector_load %get3A_1176[%get3A_1177, %get3A_1178] {strides = array<i32>} : memref<80x128xf32, #tpu.memory_space<vmem>>, vector<1x16xf32>,
        %get3A_1180 = vector.shape_cast %get3A_1179 : vector<1x16xf32> to vector<16xf32>
        %add3A_1181 = arith.addf %scan3A_1137, %get3A_1180 : vector<16xf32>
        %get3A_1182 = arith.constant 0 : i32
        %get3A_1183 = arith.constant 0 : i32
        %get3A_1184 = tpu.memref_slice %arg7[%scan3A_690, %get3A_1182, %get3A_1183] : memref<5x80x128xf32, #tpu.memory_space<vmem>> -> memref<1x80x128xf32, #tpu.memory_space<vmem>>
        %get3A_1185 = tpu.memref_squeeze %get3A_1184 : memref<1x80x128xf32, #tpu.memory_space<vmem>> -> memref<80x128xf32, #tpu.memory_space<vmem>>
        %get3A_1186 = arith.index_cast %add3A_1145 : i32 to index
        %get3A_1187 = arith.constant 64 : index
        %get3A_1188 = tpu.vector_load %get3A_1185[%get3A_1186, %get3A_1187] {strides = array<i32>} : memref<80x128xf32, #tpu.memory_space<vmem>>, vector<1x16xf32>,
        %get3A_1189 = vector.shape_cast %get3A_1188 : vector<1x16xf32> to vector<16xf32>
        %add3A_1190 = arith.addf %scan3A_1138, %get3A_1189 : vector<16xf32>
        %get3A_1191 = arith.constant 0 : i32
        %get3A_1192 = arith.constant 0 : i32
        %get3A_1193 = tpu.memref_slice %arg7[%scan3A_690, %get3A_1191, %get3A_1192] : memref<5x80x128xf32, #tpu.memory_space<vmem>> -> memref<1x80x128xf32, #tpu.memory_space<vmem>>
        %get3A_1194 = tpu.memref_squeeze %get3A_1193 : memref<1x80x128xf32, #tpu.memory_space<vmem>> -> memref<80x128xf32, #tpu.memory_space<vmem>>
        %get3A_1195 = arith.index_cast %add3A_1145 : i32 to index
        %get3A_1196 = arith.constant 80 : index
        %get3A_1197 = tpu.vector_load %get3A_1194[%get3A_1195, %get3A_1196] {strides = array<i32>} : memref<80x128xf32, #tpu.memory_space<vmem>>, vector<1x16xf32>,
        %get3A_1198 = vector.shape_cast %get3A_1197 : vector<1x16xf32> to vector<16xf32>
        %add3A_1199 = arith.addf %scan3A_1139, %get3A_1198 : vector<16xf32>
        %get3A_1200 = arith.constant 0 : i32
        %get3A_1201 = arith.constant 0 : i32
        %get3A_1202 = tpu.memref_slice %arg7[%scan3A_690, %get3A_1200, %get3A_1201] : memref<5x80x128xf32, #tpu.memory_space<vmem>> -> memref<1x80x128xf32, #tpu.memory_space<vmem>>
        %get3A_1203 = tpu.memref_squeeze %get3A_1202 : memref<1x80x128xf32, #tpu.memory_space<vmem>> -> memref<80x128xf32, #tpu.memory_space<vmem>>
        %get3A_1204 = arith.index_cast %add3A_1145 : i32 to index
        %get3A_1205 = arith.constant 96 : index
        %get3A_1206 = tpu.vector_load %get3A_1203[%get3A_1204, %get3A_1205] {strides = array<i32>} : memref<80x128xf32, #tpu.memory_space<vmem>>, vector<1x16xf32>,
        %get3A_1207 = vector.shape_cast %get3A_1206 : vector<1x16xf32> to vector<16xf32>
        %add3A_1208 = arith.addf %scan3A_1140, %get3A_1207 : vector<16xf32>
        %get3A_1209 = arith.constant 0 : i32
        %get3A_1210 = arith.constant 0 : i32
        %get3A_1211 = tpu.memref_slice %arg7[%scan3A_690, %get3A_1209, %get3A_1210] : memref<5x80x128xf32, #tpu.memory_space<vmem>> -> memref<1x80x128xf32, #tpu.memory_space<vmem>>
        %get3A_1212 = tpu.memref_squeeze %get3A_1211 : memref<1x80x128xf32, #tpu.memory_space<vmem>> -> memref<80x128xf32, #tpu.memory_space<vmem>>
        %get3A_1213 = arith.index_cast %add3A_1145 : i32 to index
        %get3A_1214 = arith.constant 112 : index
        %get3A_1215 = tpu.vector_load %get3A_1212[%get3A_1213, %get3A_1214] {strides = array<i32>} : memref<80x128xf32, #tpu.memory_space<vmem>>, vector<1x16xf32>,
        %get3A_1216 = vector.shape_cast %get3A_1215 : vector<1x16xf32> to vector<16xf32>
        %add3A_1217 = arith.addf %scan3A_1141, %get3A_1216 : vector<16xf32>
        %add3A_1218 = arith.constant 1 : i32
        %add3A_1219 = arith.addi %add3A_1145, %add3A_1218 : i32
        %get3A_1220 = arith.constant 0 : i32
        %get3A_1221 = arith.constant 0 : i32
        %get3A_1222 = tpu.memref_slice %arg7[%scan3A_690, %get3A_1220, %get3A_1221] : memref<5x80x128xf32, #tpu.memory_space<vmem>> -> memref<1x80x128xf32, #tpu.memory_space<vmem>>
        %get3A_1223 = tpu.memref_squeeze %get3A_1222 : memref<1x80x128xf32, #tpu.memory_space<vmem>> -> memref<80x128xf32, #tpu.memory_space<vmem>>
        %get3A_1224 = arith.index_cast %add3A_1219 : i32 to index
        %get3A_1225 = arith.constant 0 : index
        %get3A_1226 = tpu.vector_load %get3A_1223[%get3A_1224, %get3A_1225] {strides = array<i32>} : memref<80x128xf32, #tpu.memory_space<vmem>>, vector<1x16xf32>,
        %get3A_1227 = vector.shape_cast %get3A_1226 : vector<1x16xf32> to vector<16xf32>
        %add3A_1228 = arith.addf %add3A_1154, %get3A_1227 : vector<16xf32>
        %add3A_1229 = arith.constant 1 : i32
        %add3A_1230 = arith.addi %add3A_1145, %add3A_1229 : i32
        %get3A_1231 = arith.constant 0 : i32
        %get3A_1232 = arith.constant 0 : i32
        %get3A_1233 = tpu.memref_slice %arg7[%scan3A_690, %get3A_1231, %get3A_1232] : memref<5x80x128xf32, #tpu.memory_space<vmem>> -> memref<1x80x128xf32, #tpu.memory_space<vmem>>
        %get3A_1234 = tpu.memref_squeeze %get3A_1233 : memref<1x80x128xf32, #tpu.memory_space<vmem>> -> memref<80x128xf32, #tpu.memory_space<vmem>>
        %get3A_1235 = arith.index_cast %add3A_1230 : i32 to index
        %get3A_1236 = arith.constant 16 : index
        %get3A_1237 = tpu.vector_load %get3A_1234[%get3A_1235, %get3A_1236] {strides = array<i32>} : memref<80x128xf32, #tpu.memory_space<vmem>>, vector<1x16xf32>,
        %get3A_1238 = vector.shape_cast %get3A_1237 : vector<1x16xf32> to vector<16xf32>
        %add3A_1239 = arith.addf %add3A_1163, %get3A_1238 : vector<16xf32>
        %add3A_1240 = arith.constant 1 : i32
        %add3A_1241 = arith.addi %add3A_1145, %add3A_1240 : i32
        %get3A_1242 = arith.constant 0 : i32
        %get3A_1243 = arith.constant 0 : i32
        %get3A_1244 = tpu.memref_slice %arg7[%scan3A_690, %get3A_1242, %get3A_1243] : memref<5x80x128xf32, #tpu.memory_space<vmem>> -> memref<1x80x128xf32, #tpu.memory_space<vmem>>
        %get3A_1245 = tpu.memref_squeeze %get3A_1244 : memref<1x80x128xf32, #tpu.memory_space<vmem>> -> memref<80x128xf32, #tpu.memory_space<vmem>>
        %get3A_1246 = arith.index_cast %add3A_1241 : i32 to index
        %get3A_1247 = arith.constant 32 : index
        %get3A_1248 = tpu.vector_load %get3A_1245[%get3A_1246, %get3A_1247] {strides = array<i32>} : memref<80x128xf32, #tpu.memory_space<vmem>>, vector<1x16xf32>,
        %get3A_1249 = vector.shape_cast %get3A_1248 : vector<1x16xf32> to vector<16xf32>
        %add3A_1250 = arith.addf %add3A_1172, %get3A_1249 : vector<16xf32>
        %add3A_1251 = arith.constant 1 : i32
        %add3A_1252 = arith.addi %add3A_1145, %add3A_1251 : i32
        %get3A_1253 = arith.constant 0 : i32
        %get3A_1254 = arith.constant 0 : i32
        %get3A_1255 = tpu.memref_slice %arg7[%scan3A_690, %get3A_1253, %get3A_1254] : memref<5x80x128xf32, #tpu.memory_space<vmem>> -> memref<1x80x128xf32, #tpu.memory_space<vmem>>
        %get3A_1256 = tpu.memref_squeeze %get3A_1255 : memref<1x80x128xf32, #tpu.memory_space<vmem>> -> memref<80x128xf32, #tpu.memory_space<vmem>>
        %get3A_1257 = arith.index_cast %add3A_1252 : i32 to index
        %get3A_1258 = arith.constant 48 : index
        %get3A_1259 = tpu.vector_load %get3A_1256[%get3A_1257, %get3A_1258] {strides = array<i32>} : memref<80x128xf32, #tpu.memory_space<vmem>>, vector<1x16xf32>,
        %get3A_1260 = vector.shape_cast %get3A_1259 : vector<1x16xf32> to vector<16xf32>
        %add3A_1261 = arith.addf %add3A_1181, %get3A_1260 : vector<16xf32>
        %add3A_1262 = arith.constant 1 : i32
        %add3A_1263 = arith.addi %add3A_1145, %add3A_1262 : i32
        %get3A_1264 = arith.constant 0 : i32
        %get3A_1265 = arith.constant 0 : i32
        %get3A_1266 = tpu.memref_slice %arg7[%scan3A_690, %get3A_1264, %get3A_1265] : memref<5x80x128xf32, #tpu.memory_space<vmem>> -> memref<1x80x128xf32, #tpu.memory_space<vmem>>
        %get3A_1267 = tpu.memref_squeeze %get3A_1266 : memref<1x80x128xf32, #tpu.memory_space<vmem>> -> memref<80x128xf32, #tpu.memory_space<vmem>>
        %get3A_1268 = arith.index_cast %add3A_1263 : i32 to index
        %get3A_1269 = arith.constant 64 : index
        %get3A_1270 = tpu.vector_load %get3A_1267[%get3A_1268, %get3A_1269] {strides = array<i32>} : memref<80x128xf32, #tpu.memory_space<vmem>>, vector<1x16xf32>,
        %get3A_1271 = vector.shape_cast %get3A_1270 : vector<1x16xf32> to vector<16xf32>
        %add3A_1272 = arith.addf %add3A_1190, %get3A_1271 : vector<16xf32>
        %add3A_1273 = arith.constant 1 : i32
        %add3A_1274 = arith.addi %add3A_1145, %add3A_1273 : i32
        %get3A_1275 = arith.constant 0 : i32
        %get3A_1276 = arith.constant 0 : i32
        %get3A_1277 = tpu.memref_slice %arg7[%scan3A_690, %get3A_1275, %get3A_1276] : memref<5x80x128xf32, #tpu.memory_space<vmem>> -> memref<1x80x128xf32, #tpu.memory_space<vmem>>
        %get3A_1278 = tpu.memref_squeeze %get3A_1277 : memref<1x80x128xf32, #tpu.memory_space<vmem>> -> memref<80x128xf32, #tpu.memory_space<vmem>>
        %get3A_1279 = arith.index_cast %add3A_1274 : i32 to index
        %get3A_1280 = arith.constant 80 : index
        %get3A_1281 = tpu.vector_load %get3A_1278[%get3A_1279, %get3A_1280] {strides = array<i32>} : memref<80x128xf32, #tpu.memory_space<vmem>>, vector<1x16xf32>,
        %get3A_1282 = vector.shape_cast %get3A_1281 : vector<1x16xf32> to vector<16xf32>
        %add3A_1283 = arith.addf %add3A_1199, %get3A_1282 : vector<16xf32>
        %add3A_1284 = arith.constant 1 : i32
        %add3A_1285 = arith.addi %add3A_1145, %add3A_1284 : i32
        %get3A_1286 = arith.constant 0 : i32
        %get3A_1287 = arith.constant 0 : i32
        %get3A_1288 = tpu.memref_slice %arg7[%scan3A_690, %get3A_1286, %get3A_1287] : memref<5x80x128xf32, #tpu.memory_space<vmem>> -> memref<1x80x128xf32, #tpu.memory_space<vmem>>
        %get3A_1289 = tpu.memref_squeeze %get3A_1288 : memref<1x80x128xf32, #tpu.memory_space<vmem>> -> memref<80x128xf32, #tpu.memory_space<vmem>>
        %get3A_1290 = arith.index_cast %add3A_1285 : i32 to index
        %get3A_1291 = arith.constant 96 : index
        %get3A_1292 = tpu.vector_load %get3A_1289[%get3A_1290, %get3A_1291] {strides = array<i32>} : memref<80x128xf32, #tpu.memory_space<vmem>>, vector<1x16xf32>,
        %get3A_1293 = vector.shape_cast %get3A_1292 : vector<1x16xf32> to vector<16xf32>
        %add3A_1294 = arith.addf %add3A_1208, %get3A_1293 : vector<16xf32>
        %add3A_1295 = arith.constant 1 : i32
        %add3A_1296 = arith.addi %add3A_1145, %add3A_1295 : i32
        %get3A_1297 = arith.constant 0 : i32
        %get3A_1298 = arith.constant 0 : i32
        %get3A_1299 = tpu.memref_slice %arg7[%scan3A_690, %get3A_1297, %get3A_1298] : memref<5x80x128xf32, #tpu.memory_space<vmem>> -> memref<1x80x128xf32, #tpu.memory_space<vmem>>
        %get3A_1300 = tpu.memref_squeeze %get3A_1299 : memref<1x80x128xf32, #tpu.memory_space<vmem>> -> memref<80x128xf32, #tpu.memory_space<vmem>>
        %get3A_1301 = arith.index_cast %add3A_1296 : i32 to index
        %get3A_1302 = arith.constant 112 : index
        %get3A_1303 = tpu.vector_load %get3A_1300[%get3A_1301, %get3A_1302] {strides = array<i32>} : memref<80x128xf32, #tpu.memory_space<vmem>>, vector<1x16xf32>,
        %get3A_1304 = vector.shape_cast %get3A_1303 : vector<1x16xf32> to vector<16xf32>
        %add3A_1305 = arith.addf %add3A_1217, %get3A_1304 : vector<16xf32>
        scf.yield %add3A_1228, %add3A_1239, %add3A_1250, %add3A_1261, %add3A_1272, %add3A_1283, %add3A_1294, %add3A_1305 : vector<16xf32>, vector<16xf32>, vector<16xf32>, vector<16xf32>, vector<16xf32>, vector<16xf32>, vector<16xf32>, vector<16xf32>
      }
      %scan3A_696 = arith.constant 20 : i32
      %not3A_697 = arith.constant true
      %not3A_698 = arith.xori %and3A_674, %not3A_697 : i1
      %convert_element_type3A_699 = arith.extui %not3A_698 : i1 to i32
      %cond3A_700 = arith.constant 1 : i32
      %cond3A_701 = arith.constant 0 : i32
      %cond3A_702 = arith.cmpi ne, %convert_element_type3A_699, %cond3A_701 : i32
      scf.if %cond3A_702 {
        "tpu.region"() ({
          %run_scoped3A = tpu.sem_alloc : memref<!tpu.dma_semaphore, #tpu.memory_space<semaphore_mem>>
          %dma_start3A_1133 = arith.constant 0 : i32
          %dma_start3A_1134 = arith.constant 0 : i32
          %dma_start3A_1135 = tpu.memref_slice %arg7[%cond3A_700, %dma_start3A_1133, %dma_start3A_1134] : memref<5x80x128xf32, #tpu.memory_space<vmem>> -> memref<1x80x128xf32, #tpu.memory_space<vmem>>
          %dma_start3A_1136 = tpu.memref_squeeze %dma_start3A_1135 : memref<1x80x128xf32, #tpu.memory_space<vmem>> -> memref<80x128xf32, #tpu.memory_space<vmem>>
          %dma_start3A_1137 = arith.constant 40 : i32
          %dma_start3A_1138 = arith.constant 0 : i32
          %dma_start3A_1139 = tpu.memref_slice %dma_start3A_1136[%dma_start3A_1137, %dma_start3A_1138] : memref<80x128xf32, #tpu.memory_space<vmem>> -> memref<40x128xf32, #tpu.memory_space<vmem>>
          %dma_start3A_1140 = arith.constant 0 : i32
          %dma_start3A_1141 = tpu.memref_slice %arg6[%add3A_657, %dma_start3A_1140] : memref<250x40xi32, #tpu.memory_space<vmem>> -> memref<1x40xi32, #tpu.memory_space<vmem>>
          %dma_start3A_1142 = tpu.memref_squeeze %dma_start3A_1141 : memref<1x40xi32, #tpu.memory_space<vmem>> -> memref<40xi32, #tpu.memory_space<vmem>>
          %dma_start3A_1143 = arith.constant 0 : i32
          %dma_start3A_1144 = arith.constant 0 : i32
          %dma_start3A_1145 = tpu.memref_slice %arg10[%dma_start3A_1143, %dma_start3A_1144] : memref<512x128xf32, #tpu.memory_space<vmem_shared>> -> memref<512x128xf32, #tpu.memory_space<vmem_shared>>
          tpu.enqueue_indirect_dma source(%dma_start3A_1139 : memref<40x128xf32, #tpu.memory_space<vmem>>) target(%dma_start3A_1145 : memref<512x128xf32, #tpu.memory_space<vmem_shared>>) offsets(%dma_start3A_1142 : memref<40xi32, #tpu.memory_space<vmem>>) semaphore(%run_scoped3A : memref<!tpu.dma_semaphore, #tpu.memory_space<semaphore_mem>>) {add = true}
          %dma_wait3A_1146 = arith.constant 0 : i32
          %dma_wait3A_1147 = arith.constant 0 : i32
          %dma_wait3A_1148 = tpu.memref_slice %arg7[%cond3A_700, %dma_wait3A_1146, %dma_wait3A_1147] : memref<5x80x128xf32, #tpu.memory_space<vmem>> -> memref<1x80x128xf32, #tpu.memory_space<vmem>>
          %dma_wait3A_1149 = tpu.memref_squeeze %dma_wait3A_1148 : memref<1x80x128xf32, #tpu.memory_space<vmem>> -> memref<80x128xf32, #tpu.memory_space<vmem>>
          %dma_wait3A_1150 = arith.constant 40 : i32
          %dma_wait3A_1151 = arith.constant 0 : i32
          %dma_wait3A_1152 = tpu.memref_slice %dma_wait3A_1149[%dma_wait3A_1150, %dma_wait3A_1151] : memref<80x128xf32, #tpu.memory_space<vmem>> -> memref<40x128xf32, #tpu.memory_space<vmem>>
          %dma_wait3A_1153 = arith.constant 0 : i32
          %dma_wait3A_1154 = tpu.memref_slice %arg6[%add3A_657, %dma_wait3A_1153] : memref<250x40xi32, #tpu.memory_space<vmem>> -> memref<1x40xi32, #tpu.memory_space<vmem>>
          %dma_wait3A_1155 = tpu.memref_squeeze %dma_wait3A_1154 : memref<1x40xi32, #tpu.memory_space<vmem>> -> memref<40xi32, #tpu.memory_space<vmem>>
          %dma_wait3A_1156 = arith.constant 0 : i32
          %dma_wait3A_1157 = arith.constant 0 : i32
          %dma_wait3A_1158 = tpu.memref_slice %arg10[%dma_wait3A_1156, %dma_wait3A_1157] : memref<512x128xf32, #tpu.memory_space<vmem_shared>> -> memref<512x128xf32, #tpu.memory_space<vmem_shared>>
          tpu.wait_indirect_dma semaphore(%run_scoped3A : memref<!tpu.dma_semaphore, #tpu.memory_space<semaphore_mem>>) src(%dma_wait3A_1152 : memref<40x128xf32, #tpu.memory_space<vmem>>) dst(%dma_wait3A_1158 : memref<512x128xf32, #tpu.memory_space<vmem_shared>>)
          tpu.yield
        }) : () -> ()
      } else {
      }
      %select_n3A_703 = arith.select %and3A_674, %scan3A_695#0, %broadcast_in_dim3A_92 : vector<16xf32>
      %select_n3A_704 = arith.select %and3A_674, %scan3A_695#1, %broadcast_in_dim3A_92 : vector<16xf32>
      %select_n3A_705 = arith.select %and3A_674, %scan3A_695#2, %broadcast_in_dim3A_92 : vector<16xf32>
      %select_n3A_706 = arith.select %and3A_674, %scan3A_695#3, %broadcast_in_dim3A_92 : vector<16xf32>
      %select_n3A_707 = arith.select %and3A_674, %scan3A_695#4, %broadcast_in_dim3A_92 : vector<16xf32>
      %select_n3A_708 = arith.select %and3A_674, %scan3A_695#5, %broadcast_in_dim3A_92 : vector<16xf32>
      %select_n3A_709 = arith.select %and3A_674, %scan3A_695#6, %broadcast_in_dim3A_92 : vector<16xf32>
      %select_n3A_710 = arith.select %and3A_674, %scan3A_695#7, %broadcast_in_dim3A_92 : vector<16xf32>
      %select_n3A_711 = arith.select %and3A_674, %squeeze3A_667, %squeeze3A_669 : i32
      %add3A_712 = arith.constant 5 : i32
      %add3A_713 = arith.addi %add3A_582, %add3A_712 : i32
      %lt3A_714 = arith.constant 125 : i32
      %lt3A_715 = arith.cmpi slt, %add3A_713, %lt3A_714 : i32
      %convert_element_type3A_716 = arith.extui %lt3A_715 : i1 to i32
      %cond3A_717 = arith.constant 0 : i32
      %cond3A_718 = arith.cmpi ne, %convert_element_type3A_716, %cond3A_717 : i32
      scf.if %cond3A_718 {
        %add3A_1133 = arith.constant 5 : i32
        %add3A_1134 = arith.addi %add3A_582, %add3A_1133 : i32
        %mul3A_1135 = arith.constant 80 : i32
        %mul3A_1136 = arith.muli %add3A_1134, %mul3A_1135 : i32
        %add3A_1137 = arith.addi %mul3A_2, %mul3A_1136 : i32
        %dma_start3A_1138 = arith.constant 1 : i32
        %dma_start3A_1139 = arith.constant 0 : i32
        %dma_start3A_1140 = arith.constant 0 : i32
        %dma_start3A_1141 = tpu.memref_slice %arg7[%dma_start3A_1138, %dma_start3A_1139, %dma_start3A_1140] : memref<5x80x128xf32, #tpu.memory_space<vmem>> -> memref<1x80x128xf32, #tpu.memory_space<vmem>>
        %dma_start3A_1142 = tpu.memref_squeeze %dma_start3A_1141 : memref<1x80x128xf32, #tpu.memory_space<vmem>> -> memref<80x128xf32, #tpu.memory_space<vmem>>
        %dma_start3A_1143 = arith.constant 0 : i32
        %dma_start3A_1144 = tpu.memref_slice %arg2[%add3A_1137, %dma_start3A_1143] : memref<320000x128xf32, #tpu.memory_space<hbm>> -> memref<80x128xf32, #tpu.memory_space<hbm>>
        %dma_start3A_1145 = arith.constant 0 : i32
        %dma_start3A_1146 = arith.constant 0 : i32
        %dma_start3A_1147 = tpu.memref_slice %arg7[%dma_start3A_1138, %dma_start3A_1145, %dma_start3A_1146] : memref<5x80x128xf32, #tpu.memory_space<vmem>> -> memref<1x80x128xf32, #tpu.memory_space<vmem>>
        %dma_start3A_1148 = tpu.memref_squeeze %dma_start3A_1147 : memref<1x80x128xf32, #tpu.memory_space<vmem>> -> memref<80x128xf32, #tpu.memory_space<vmem>>
        %dma_start3A_1149 = arith.constant 0 : i32
        %dma_start3A_1150 = tpu.memref_slice %arg2[%add3A_1137, %dma_start3A_1149] : memref<320000x128xf32, #tpu.memory_space<hbm>> -> memref<80x128xf32, #tpu.memory_space<hbm>>
        tpu.enqueue_dma source(%dma_start3A_1150 : memref<80x128xf32, #tpu.memory_space<hbm>>) target(%dma_start3A_1148 : memref<80x128xf32, #tpu.memory_space<vmem>>) target_semaphore(%arg12 : memref<!tpu.dma_semaphore, #tpu.memory_space<semaphore_mem>>)
      } else {
      }
      %add3A_719 = arith.constant 2 : i32
      %add3A_720 = arith.addi %mul3A_449, %add3A_719 : i32
      %dma_wait3A_721 = arith.constant 2 : i32
      %dma_wait3A_722 = arith.constant 0 : i32
      %dma_wait3A_723 = arith.constant 0 : i32
      %dma_wait3A_724 = tpu.memref_slice %arg7[%dma_wait3A_721, %dma_wait3A_722, %dma_wait3A_723] : memref<5x80x128xf32, #tpu.memory_space<vmem>> -> memref<1x80x128xf32, #tpu.memory_space<vmem>>
      %dma_wait3A_725 = tpu.memref_squeeze %dma_wait3A_724 : memref<1x80x128xf32, #tpu.memory_space<vmem>> -> memref<80x128xf32, #tpu.memory_space<vmem>>
      %dma_wait3A_726 = arith.constant 0 : i32
      %dma_wait3A_727 = tpu.memref_slice %arg2[%mul3A_2, %dma_wait3A_726] : memref<320000x128xf32, #tpu.memory_space<hbm>> -> memref<80x128xf32, #tpu.memory_space<hbm>>
      %dma_wait3A_728 = arith.constant 0 : i32
      %dma_wait3A_729 = arith.constant 0 : i32
      %dma_wait3A_730 = tpu.memref_slice %arg7[%dma_wait3A_721, %dma_wait3A_728, %dma_wait3A_729] : memref<5x80x128xf32, #tpu.memory_space<vmem>> -> memref<1x80x128xf32, #tpu.memory_space<vmem>>
      %dma_wait3A_731 = tpu.memref_squeeze %dma_wait3A_730 : memref<1x80x128xf32, #tpu.memory_space<vmem>> -> memref<80x128xf32, #tpu.memory_space<vmem>>
      %dma_wait3A_732 = arith.constant 0 : i32
      %dma_wait3A_733 = tpu.memref_slice %arg2[%mul3A_2, %dma_wait3A_732] : memref<320000x128xf32, #tpu.memory_space<hbm>> -> memref<80x128xf32, #tpu.memory_space<hbm>>
      tpu.wait_dma2 semaphore(%arg13 : memref<!tpu.dma_semaphore, #tpu.memory_space<semaphore_mem>>) src(%dma_wait3A_733 : memref<80x128xf32, #tpu.memory_space<hbm>>) dst(%dma_wait3A_731 : memref<80x128xf32, #tpu.memory_space<vmem>>)
      %mul3A_734 = arith.constant 2 : i32
      %mul3A_735 = arith.muli %add3A_720, %mul3A_734 : i32
      %add3A_736 = arith.constant 0 : i32
      %add3A_737 = arith.addi %mul3A_735, %add3A_736 : i32
      %get3A_738 = arith.index_cast %add3A_737 : i32 to index
      %get3A_739 = arith.constant 0 : index
      %get3A_740 = tpu.vector_load %arg6[%get3A_738, %get3A_739] {strides = array<i32>} : memref<250x40xi32, #tpu.memory_space<vmem>>, vector<1x16xi32>,
      %get3A_741 = vector.shape_cast %get3A_740 : vector<1x16xi32> to vector<16xi32>
      %get3A_742 = arith.index_cast %add3A_737 : i32 to index
      %get3A_743 = arith.constant 24 : index
      %get3A_744 = tpu.vector_load %arg6[%get3A_742, %get3A_743] {strides = array<i32>} : memref<250x40xi32, #tpu.memory_space<vmem>>, vector<1x16xi32>,
      %get3A_745 = vector.shape_cast %get3A_744 : vector<1x16xi32> to vector<16xi32>
      %slice3A_746 = vector.extract_strided_slice %get3A_741 {offsets = [0], sizes = [1], strides = [1]} : vector<16xi32> to vector<1xi32>
      %squeeze3A_747 = vector.extract %slice3A_746[0] : i32 from vector<1xi32>
      %slice3A_748 = vector.extract_strided_slice %get3A_745 {offsets = [15], sizes = [1], strides = [1]} : vector<16xi32> to vector<1xi32>
      %squeeze3A_749 = vector.extract %slice3A_748[0] : i32 from vector<1xi32>
      %eq3A_750 = arith.cmpi eq, %squeeze3A_747, %squeeze3A_749 : i32
      %sub3A_751 = arith.subi %squeeze3A_749, %squeeze3A : i32
      %lt3A_752 = arith.constant 256 : i32
      %lt3A_753 = arith.cmpi slt, %sub3A_751, %lt3A_752 : i32
      %and3A_754 = arith.andi %eq3A_750, %lt3A_753 : i1
      %not3A_755 = arith.constant true
      %not3A_756 = arith.xori %and3A_754, %not3A_755 : i1
      %ne3A_757 = arith.cmpi ne, %squeeze3A_747, %select_n3A_711 : i32
      %or3A_758 = arith.ori %not3A_756, %ne3A_757 : i1
      %convert_element_type3A_759 = arith.extui %or3A_758 : i1 to i32
      %cond3A_760 = arith.constant 0 : i32
      %cond3A_761 = arith.cmpi ne, %convert_element_type3A_759, %cond3A_760 : i32
      scf.if %cond3A_761 {
        %sub3A_1133 = arith.subi %select_n3A_711, %squeeze3A : i32
        %min3A_1134 = arith.constant 255 : i32
        %min3A_1135 = arith.minsi %sub3A_1133, %min3A_1134 : i32
        %get3A_1136 = arith.index_cast %min3A_1135 : i32 to index
        %get3A_1137 = arith.constant 0 : index
        %get3A_1138 = tpu.vector_load %arg8[%get3A_1136, %get3A_1137] {strides = array<i32>} : memref<256x128xf32, #tpu.memory_space<vmem>>, vector<1x16xf32>,
        %get3A_1139 = vector.shape_cast %get3A_1138 : vector<1x16xf32> to vector<16xf32>
        %add3A_1140 = arith.addf %get3A_1139, %select_n3A_703 : vector<16xf32>
        %swap3A_1141 = arith.index_cast %min3A_1135 : i32 to index
        %swap3A_1142 = arith.constant 0 : index
        %swap3A_1143 = tpu.vector_load %arg8[%swap3A_1141, %swap3A_1142] {strides = array<i32>} : memref<256x128xf32, #tpu.memory_space<vmem>>, vector<1x16xf32>,
        %swap3A_1144 = vector.shape_cast %swap3A_1143 : vector<1x16xf32> to vector<16xf32>
        %swap3A_1145 = vector.shape_cast %add3A_1140 : vector<16xf32> to vector<1x16xf32>
        tpu.vector_store %arg8[%swap3A_1141, %swap3A_1142], %swap3A_1145 {strides = array<i32>} : memref<256x128xf32, #tpu.memory_space<vmem>>, vector<1x16xf32>,
        %get3A_1146 = arith.index_cast %min3A_1135 : i32 to index
        %get3A_1147 = arith.constant 16 : index
        %get3A_1148 = tpu.vector_load %arg8[%get3A_1146, %get3A_1147] {strides = array<i32>} : memref<256x128xf32, #tpu.memory_space<vmem>>, vector<1x16xf32>,
        %get3A_1149 = vector.shape_cast %get3A_1148 : vector<1x16xf32> to vector<16xf32>
        %add3A_1150 = arith.addf %get3A_1149, %select_n3A_704 : vector<16xf32>
        %swap3A_1151 = arith.index_cast %min3A_1135 : i32 to index
        %swap3A_1152 = arith.constant 16 : index
        %swap3A_1153 = tpu.vector_load %arg8[%swap3A_1151, %swap3A_1152] {strides = array<i32>} : memref<256x128xf32, #tpu.memory_space<vmem>>, vector<1x16xf32>,
        %swap3A_1154 = vector.shape_cast %swap3A_1153 : vector<1x16xf32> to vector<16xf32>
        %swap3A_1155 = vector.shape_cast %add3A_1150 : vector<16xf32> to vector<1x16xf32>
        tpu.vector_store %arg8[%swap3A_1151, %swap3A_1152], %swap3A_1155 {strides = array<i32>} : memref<256x128xf32, #tpu.memory_space<vmem>>, vector<1x16xf32>,
        %get3A_1156 = arith.index_cast %min3A_1135 : i32 to index
        %get3A_1157 = arith.constant 32 : index
        %get3A_1158 = tpu.vector_load %arg8[%get3A_1156, %get3A_1157] {strides = array<i32>} : memref<256x128xf32, #tpu.memory_space<vmem>>, vector<1x16xf32>,
        %get3A_1159 = vector.shape_cast %get3A_1158 : vector<1x16xf32> to vector<16xf32>
        %add3A_1160 = arith.addf %get3A_1159, %select_n3A_705 : vector<16xf32>
        %swap3A_1161 = arith.index_cast %min3A_1135 : i32 to index
        %swap3A_1162 = arith.constant 32 : index
        %swap3A_1163 = tpu.vector_load %arg8[%swap3A_1161, %swap3A_1162] {strides = array<i32>} : memref<256x128xf32, #tpu.memory_space<vmem>>, vector<1x16xf32>,
        %swap3A_1164 = vector.shape_cast %swap3A_1163 : vector<1x16xf32> to vector<16xf32>
        %swap3A_1165 = vector.shape_cast %add3A_1160 : vector<16xf32> to vector<1x16xf32>
        tpu.vector_store %arg8[%swap3A_1161, %swap3A_1162], %swap3A_1165 {strides = array<i32>} : memref<256x128xf32, #tpu.memory_space<vmem>>, vector<1x16xf32>,
        %get3A_1166 = arith.index_cast %min3A_1135 : i32 to index
        %get3A_1167 = arith.constant 48 : index
        %get3A_1168 = tpu.vector_load %arg8[%get3A_1166, %get3A_1167] {strides = array<i32>} : memref<256x128xf32, #tpu.memory_space<vmem>>, vector<1x16xf32>,
        %get3A_1169 = vector.shape_cast %get3A_1168 : vector<1x16xf32> to vector<16xf32>
        %add3A_1170 = arith.addf %get3A_1169, %select_n3A_706 : vector<16xf32>
        %swap3A_1171 = arith.index_cast %min3A_1135 : i32 to index
        %swap3A_1172 = arith.constant 48 : index
        %swap3A_1173 = tpu.vector_load %arg8[%swap3A_1171, %swap3A_1172] {strides = array<i32>} : memref<256x128xf32, #tpu.memory_space<vmem>>, vector<1x16xf32>,
        %swap3A_1174 = vector.shape_cast %swap3A_1173 : vector<1x16xf32> to vector<16xf32>
        %swap3A_1175 = vector.shape_cast %add3A_1170 : vector<16xf32> to vector<1x16xf32>
        tpu.vector_store %arg8[%swap3A_1171, %swap3A_1172], %swap3A_1175 {strides = array<i32>} : memref<256x128xf32, #tpu.memory_space<vmem>>, vector<1x16xf32>,
        %get3A_1176 = arith.index_cast %min3A_1135 : i32 to index
        %get3A_1177 = arith.constant 64 : index
        %get3A_1178 = tpu.vector_load %arg8[%get3A_1176, %get3A_1177] {strides = array<i32>} : memref<256x128xf32, #tpu.memory_space<vmem>>, vector<1x16xf32>,
        %get3A_1179 = vector.shape_cast %get3A_1178 : vector<1x16xf32> to vector<16xf32>
        %add3A_1180 = arith.addf %get3A_1179, %select_n3A_707 : vector<16xf32>
        %swap3A_1181 = arith.index_cast %min3A_1135 : i32 to index
        %swap3A_1182 = arith.constant 64 : index
        %swap3A_1183 = tpu.vector_load %arg8[%swap3A_1181, %swap3A_1182] {strides = array<i32>} : memref<256x128xf32, #tpu.memory_space<vmem>>, vector<1x16xf32>,
        %swap3A_1184 = vector.shape_cast %swap3A_1183 : vector<1x16xf32> to vector<16xf32>
        %swap3A_1185 = vector.shape_cast %add3A_1180 : vector<16xf32> to vector<1x16xf32>
        tpu.vector_store %arg8[%swap3A_1181, %swap3A_1182], %swap3A_1185 {strides = array<i32>} : memref<256x128xf32, #tpu.memory_space<vmem>>, vector<1x16xf32>,
        %get3A_1186 = arith.index_cast %min3A_1135 : i32 to index
        %get3A_1187 = arith.constant 80 : index
        %get3A_1188 = tpu.vector_load %arg8[%get3A_1186, %get3A_1187] {strides = array<i32>} : memref<256x128xf32, #tpu.memory_space<vmem>>, vector<1x16xf32>,
        %get3A_1189 = vector.shape_cast %get3A_1188 : vector<1x16xf32> to vector<16xf32>
        %add3A_1190 = arith.addf %get3A_1189, %select_n3A_708 : vector<16xf32>
        %swap3A_1191 = arith.index_cast %min3A_1135 : i32 to index
        %swap3A_1192 = arith.constant 80 : index
        %swap3A_1193 = tpu.vector_load %arg8[%swap3A_1191, %swap3A_1192] {strides = array<i32>} : memref<256x128xf32, #tpu.memory_space<vmem>>, vector<1x16xf32>,
        %swap3A_1194 = vector.shape_cast %swap3A_1193 : vector<1x16xf32> to vector<16xf32>
        %swap3A_1195 = vector.shape_cast %add3A_1190 : vector<16xf32> to vector<1x16xf32>
        tpu.vector_store %arg8[%swap3A_1191, %swap3A_1192], %swap3A_1195 {strides = array<i32>} : memref<256x128xf32, #tpu.memory_space<vmem>>, vector<1x16xf32>,
        %get3A_1196 = arith.index_cast %min3A_1135 : i32 to index
        %get3A_1197 = arith.constant 96 : index
        %get3A_1198 = tpu.vector_load %arg8[%get3A_1196, %get3A_1197] {strides = array<i32>} : memref<256x128xf32, #tpu.memory_space<vmem>>, vector<1x16xf32>,
        %get3A_1199 = vector.shape_cast %get3A_1198 : vector<1x16xf32> to vector<16xf32>
        %add3A_1200 = arith.addf %get3A_1199, %select_n3A_709 : vector<16xf32>
        %swap3A_1201 = arith.index_cast %min3A_1135 : i32 to index
        %swap3A_1202 = arith.constant 96 : index
        %swap3A_1203 = tpu.vector_load %arg8[%swap3A_1201, %swap3A_1202] {strides = array<i32>} : memref<256x128xf32, #tpu.memory_space<vmem>>, vector<1x16xf32>,
        %swap3A_1204 = vector.shape_cast %swap3A_1203 : vector<1x16xf32> to vector<16xf32>
        %swap3A_1205 = vector.shape_cast %add3A_1200 : vector<16xf32> to vector<1x16xf32>
        tpu.vector_store %arg8[%swap3A_1201, %swap3A_1202], %swap3A_1205 {strides = array<i32>} : memref<256x128xf32, #tpu.memory_space<vmem>>, vector<1x16xf32>,
        %get3A_1206 = arith.index_cast %min3A_1135 : i32 to index
        %get3A_1207 = arith.constant 112 : index
        %get3A_1208 = tpu.vector_load %arg8[%get3A_1206, %get3A_1207] {strides = array<i32>} : memref<256x128xf32, #tpu.memory_space<vmem>>, vector<1x16xf32>,
        %get3A_1209 = vector.shape_cast %get3A_1208 : vector<1x16xf32> to vector<16xf32>
        %add3A_1210 = arith.addf %get3A_1209, %select_n3A_710 : vector<16xf32>
        %swap3A_1211 = arith.index_cast %min3A_1135 : i32 to index
        %swap3A_1212 = arith.constant 112 : index
        %swap3A_1213 = tpu.vector_load %arg8[%swap3A_1211, %swap3A_1212] {strides = array<i32>} : memref<256x128xf32, #tpu.memory_space<vmem>>, vector<1x16xf32>,
        %swap3A_1214 = vector.shape_cast %swap3A_1213 : vector<1x16xf32> to vector<16xf32>
        %swap3A_1215 = vector.shape_cast %add3A_1210 : vector<16xf32> to vector<1x16xf32>
        tpu.vector_store %arg8[%swap3A_1211, %swap3A_1212], %swap3A_1215 {strides = array<i32>} : memref<256x128xf32, #tpu.memory_space<vmem>>, vector<1x16xf32>,
      } else {
      }
      %select_n3A_762 = arith.select %or3A_758, %broadcast_in_dim3A_92, %select_n3A_703 : vector<16xf32>
      %select_n3A_763 = arith.select %or3A_758, %broadcast_in_dim3A_92, %select_n3A_704 : vector<16xf32>
      %select_n3A_764 = arith.select %or3A_758, %broadcast_in_dim3A_92, %select_n3A_705 : vector<16xf32>
      %select_n3A_765 = arith.select %or3A_758, %broadcast_in_dim3A_92, %select_n3A_706 : vector<16xf32>
      %select_n3A_766 = arith.select %or3A_758, %broadcast_in_dim3A_92, %select_n3A_707 : vector<16xf32>
      %select_n3A_767 = arith.select %or3A_758, %broadcast_in_dim3A_92, %select_n3A_708 : vector<16xf32>
      %select_n3A_768 = arith.select %or3A_758, %broadcast_in_dim3A_92, %select_n3A_709 : vector<16xf32>
      %select_n3A_769 = arith.select %or3A_758, %broadcast_in_dim3A_92, %select_n3A_710 : vector<16xf32>
      %scan3A_770 = arith.constant 2 : i32
      %scan3A_771 = arith.constant 0 : i32
      %scan3A_772 = arith.constant 20 : i32
      %scan3A_773 = arith.addi %scan3A_771, %scan3A_772 : i32
      %scan3A_774 = arith.constant 1 : i32
      %scan3A_775:8 = scf.for %scan3A_1133 = %scan3A_771 to %scan3A_773 step %scan3A_774 iter_args(%scan3A_1134 = %select_n3A_762, %scan3A_1135 = %select_n3A_763, %scan3A_1136 = %select_n3A_764, %scan3A_1137 = %select_n3A_765, %scan3A_1138 = %select_n3A_766, %scan3A_1139 = %select_n3A_767, %scan3A_1140 = %select_n3A_768, %scan3A_1141 = %select_n3A_769) -> (vector<16xf32>, vector<16xf32>, vector<16xf32>, vector<16xf32>, vector<16xf32>, vector<16xf32>, vector<16xf32>, vector<16xf32>)  : i32 {
        %mul3A_1142 = arith.constant 2 : i32
        %mul3A_1143 = arith.muli %scan3A_1133, %mul3A_1142 : i32
        %add3A_1144 = arith.constant 0 : i32
        %add3A_1145 = arith.addi %add3A_1144, %mul3A_1143 : i32
        %get3A_1146 = arith.constant 0 : i32
        %get3A_1147 = arith.constant 0 : i32
        %get3A_1148 = tpu.memref_slice %arg7[%scan3A_770, %get3A_1146, %get3A_1147] : memref<5x80x128xf32, #tpu.memory_space<vmem>> -> memref<1x80x128xf32, #tpu.memory_space<vmem>>
        %get3A_1149 = tpu.memref_squeeze %get3A_1148 : memref<1x80x128xf32, #tpu.memory_space<vmem>> -> memref<80x128xf32, #tpu.memory_space<vmem>>
        %get3A_1150 = arith.index_cast %add3A_1145 : i32 to index
        %get3A_1151 = arith.constant 0 : index
        %get3A_1152 = tpu.vector_load %get3A_1149[%get3A_1150, %get3A_1151] {strides = array<i32>} : memref<80x128xf32, #tpu.memory_space<vmem>>, vector<1x16xf32>,
        %get3A_1153 = vector.shape_cast %get3A_1152 : vector<1x16xf32> to vector<16xf32>
        %add3A_1154 = arith.addf %scan3A_1134, %get3A_1153 : vector<16xf32>
        %get3A_1155 = arith.constant 0 : i32
        %get3A_1156 = arith.constant 0 : i32
        %get3A_1157 = tpu.memref_slice %arg7[%scan3A_770, %get3A_1155, %get3A_1156] : memref<5x80x128xf32, #tpu.memory_space<vmem>> -> memref<1x80x128xf32, #tpu.memory_space<vmem>>
        %get3A_1158 = tpu.memref_squeeze %get3A_1157 : memref<1x80x128xf32, #tpu.memory_space<vmem>> -> memref<80x128xf32, #tpu.memory_space<vmem>>
        %get3A_1159 = arith.index_cast %add3A_1145 : i32 to index
        %get3A_1160 = arith.constant 16 : index
        %get3A_1161 = tpu.vector_load %get3A_1158[%get3A_1159, %get3A_1160] {strides = array<i32>} : memref<80x128xf32, #tpu.memory_space<vmem>>, vector<1x16xf32>,
        %get3A_1162 = vector.shape_cast %get3A_1161 : vector<1x16xf32> to vector<16xf32>
        %add3A_1163 = arith.addf %scan3A_1135, %get3A_1162 : vector<16xf32>
        %get3A_1164 = arith.constant 0 : i32
        %get3A_1165 = arith.constant 0 : i32
        %get3A_1166 = tpu.memref_slice %arg7[%scan3A_770, %get3A_1164, %get3A_1165] : memref<5x80x128xf32, #tpu.memory_space<vmem>> -> memref<1x80x128xf32, #tpu.memory_space<vmem>>
        %get3A_1167 = tpu.memref_squeeze %get3A_1166 : memref<1x80x128xf32, #tpu.memory_space<vmem>> -> memref<80x128xf32, #tpu.memory_space<vmem>>
        %get3A_1168 = arith.index_cast %add3A_1145 : i32 to index
        %get3A_1169 = arith.constant 32 : index
        %get3A_1170 = tpu.vector_load %get3A_1167[%get3A_1168, %get3A_1169] {strides = array<i32>} : memref<80x128xf32, #tpu.memory_space<vmem>>, vector<1x16xf32>,
        %get3A_1171 = vector.shape_cast %get3A_1170 : vector<1x16xf32> to vector<16xf32>
        %add3A_1172 = arith.addf %scan3A_1136, %get3A_1171 : vector<16xf32>
        %get3A_1173 = arith.constant 0 : i32
        %get3A_1174 = arith.constant 0 : i32
        %get3A_1175 = tpu.memref_slice %arg7[%scan3A_770, %get3A_1173, %get3A_1174] : memref<5x80x128xf32, #tpu.memory_space<vmem>> -> memref<1x80x128xf32, #tpu.memory_space<vmem>>
        %get3A_1176 = tpu.memref_squeeze %get3A_1175 : memref<1x80x128xf32, #tpu.memory_space<vmem>> -> memref<80x128xf32, #tpu.memory_space<vmem>>
        %get3A_1177 = arith.index_cast %add3A_1145 : i32 to index
        %get3A_1178 = arith.constant 48 : index
        %get3A_1179 = tpu.vector_load %get3A_1176[%get3A_1177, %get3A_1178] {strides = array<i32>} : memref<80x128xf32, #tpu.memory_space<vmem>>, vector<1x16xf32>,
        %get3A_1180 = vector.shape_cast %get3A_1179 : vector<1x16xf32> to vector<16xf32>
        %add3A_1181 = arith.addf %scan3A_1137, %get3A_1180 : vector<16xf32>
        %get3A_1182 = arith.constant 0 : i32
        %get3A_1183 = arith.constant 0 : i32
        %get3A_1184 = tpu.memref_slice %arg7[%scan3A_770, %get3A_1182, %get3A_1183] : memref<5x80x128xf32, #tpu.memory_space<vmem>> -> memref<1x80x128xf32, #tpu.memory_space<vmem>>
        %get3A_1185 = tpu.memref_squeeze %get3A_1184 : memref<1x80x128xf32, #tpu.memory_space<vmem>> -> memref<80x128xf32, #tpu.memory_space<vmem>>
        %get3A_1186 = arith.index_cast %add3A_1145 : i32 to index
        %get3A_1187 = arith.constant 64 : index
        %get3A_1188 = tpu.vector_load %get3A_1185[%get3A_1186, %get3A_1187] {strides = array<i32>} : memref<80x128xf32, #tpu.memory_space<vmem>>, vector<1x16xf32>,
        %get3A_1189 = vector.shape_cast %get3A_1188 : vector<1x16xf32> to vector<16xf32>
        %add3A_1190 = arith.addf %scan3A_1138, %get3A_1189 : vector<16xf32>
        %get3A_1191 = arith.constant 0 : i32
        %get3A_1192 = arith.constant 0 : i32
        %get3A_1193 = tpu.memref_slice %arg7[%scan3A_770, %get3A_1191, %get3A_1192] : memref<5x80x128xf32, #tpu.memory_space<vmem>> -> memref<1x80x128xf32, #tpu.memory_space<vmem>>
        %get3A_1194 = tpu.memref_squeeze %get3A_1193 : memref<1x80x128xf32, #tpu.memory_space<vmem>> -> memref<80x128xf32, #tpu.memory_space<vmem>>
        %get3A_1195 = arith.index_cast %add3A_1145 : i32 to index
        %get3A_1196 = arith.constant 80 : index
        %get3A_1197 = tpu.vector_load %get3A_1194[%get3A_1195, %get3A_1196] {strides = array<i32>} : memref<80x128xf32, #tpu.memory_space<vmem>>, vector<1x16xf32>,
        %get3A_1198 = vector.shape_cast %get3A_1197 : vector<1x16xf32> to vector<16xf32>
        %add3A_1199 = arith.addf %scan3A_1139, %get3A_1198 : vector<16xf32>
        %get3A_1200 = arith.constant 0 : i32
        %get3A_1201 = arith.constant 0 : i32
        %get3A_1202 = tpu.memref_slice %arg7[%scan3A_770, %get3A_1200, %get3A_1201] : memref<5x80x128xf32, #tpu.memory_space<vmem>> -> memref<1x80x128xf32, #tpu.memory_space<vmem>>
        %get3A_1203 = tpu.memref_squeeze %get3A_1202 : memref<1x80x128xf32, #tpu.memory_space<vmem>> -> memref<80x128xf32, #tpu.memory_space<vmem>>
        %get3A_1204 = arith.index_cast %add3A_1145 : i32 to index
        %get3A_1205 = arith.constant 96 : index
        %get3A_1206 = tpu.vector_load %get3A_1203[%get3A_1204, %get3A_1205] {strides = array<i32>} : memref<80x128xf32, #tpu.memory_space<vmem>>, vector<1x16xf32>,
        %get3A_1207 = vector.shape_cast %get3A_1206 : vector<1x16xf32> to vector<16xf32>
        %add3A_1208 = arith.addf %scan3A_1140, %get3A_1207 : vector<16xf32>
        %get3A_1209 = arith.constant 0 : i32
        %get3A_1210 = arith.constant 0 : i32
        %get3A_1211 = tpu.memref_slice %arg7[%scan3A_770, %get3A_1209, %get3A_1210] : memref<5x80x128xf32, #tpu.memory_space<vmem>> -> memref<1x80x128xf32, #tpu.memory_space<vmem>>
        %get3A_1212 = tpu.memref_squeeze %get3A_1211 : memref<1x80x128xf32, #tpu.memory_space<vmem>> -> memref<80x128xf32, #tpu.memory_space<vmem>>
        %get3A_1213 = arith.index_cast %add3A_1145 : i32 to index
        %get3A_1214 = arith.constant 112 : index
        %get3A_1215 = tpu.vector_load %get3A_1212[%get3A_1213, %get3A_1214] {strides = array<i32>} : memref<80x128xf32, #tpu.memory_space<vmem>>, vector<1x16xf32>,
        %get3A_1216 = vector.shape_cast %get3A_1215 : vector<1x16xf32> to vector<16xf32>
        %add3A_1217 = arith.addf %scan3A_1141, %get3A_1216 : vector<16xf32>
        %add3A_1218 = arith.constant 1 : i32
        %add3A_1219 = arith.addi %add3A_1145, %add3A_1218 : i32
        %get3A_1220 = arith.constant 0 : i32
        %get3A_1221 = arith.constant 0 : i32
        %get3A_1222 = tpu.memref_slice %arg7[%scan3A_770, %get3A_1220, %get3A_1221] : memref<5x80x128xf32, #tpu.memory_space<vmem>> -> memref<1x80x128xf32, #tpu.memory_space<vmem>>
        %get3A_1223 = tpu.memref_squeeze %get3A_1222 : memref<1x80x128xf32, #tpu.memory_space<vmem>> -> memref<80x128xf32, #tpu.memory_space<vmem>>
        %get3A_1224 = arith.index_cast %add3A_1219 : i32 to index
        %get3A_1225 = arith.constant 0 : index
        %get3A_1226 = tpu.vector_load %get3A_1223[%get3A_1224, %get3A_1225] {strides = array<i32>} : memref<80x128xf32, #tpu.memory_space<vmem>>, vector<1x16xf32>,
        %get3A_1227 = vector.shape_cast %get3A_1226 : vector<1x16xf32> to vector<16xf32>
        %add3A_1228 = arith.addf %add3A_1154, %get3A_1227 : vector<16xf32>
        %add3A_1229 = arith.constant 1 : i32
        %add3A_1230 = arith.addi %add3A_1145, %add3A_1229 : i32
        %get3A_1231 = arith.constant 0 : i32
        %get3A_1232 = arith.constant 0 : i32
        %get3A_1233 = tpu.memref_slice %arg7[%scan3A_770, %get3A_1231, %get3A_1232] : memref<5x80x128xf32, #tpu.memory_space<vmem>> -> memref<1x80x128xf32, #tpu.memory_space<vmem>>
        %get3A_1234 = tpu.memref_squeeze %get3A_1233 : memref<1x80x128xf32, #tpu.memory_space<vmem>> -> memref<80x128xf32, #tpu.memory_space<vmem>>
        %get3A_1235 = arith.index_cast %add3A_1230 : i32 to index
        %get3A_1236 = arith.constant 16 : index
        %get3A_1237 = tpu.vector_load %get3A_1234[%get3A_1235, %get3A_1236] {strides = array<i32>} : memref<80x128xf32, #tpu.memory_space<vmem>>, vector<1x16xf32>,
        %get3A_1238 = vector.shape_cast %get3A_1237 : vector<1x16xf32> to vector<16xf32>
        %add3A_1239 = arith.addf %add3A_1163, %get3A_1238 : vector<16xf32>
        %add3A_1240 = arith.constant 1 : i32
        %add3A_1241 = arith.addi %add3A_1145, %add3A_1240 : i32
        %get3A_1242 = arith.constant 0 : i32
        %get3A_1243 = arith.constant 0 : i32
        %get3A_1244 = tpu.memref_slice %arg7[%scan3A_770, %get3A_1242, %get3A_1243] : memref<5x80x128xf32, #tpu.memory_space<vmem>> -> memref<1x80x128xf32, #tpu.memory_space<vmem>>
        %get3A_1245 = tpu.memref_squeeze %get3A_1244 : memref<1x80x128xf32, #tpu.memory_space<vmem>> -> memref<80x128xf32, #tpu.memory_space<vmem>>
        %get3A_1246 = arith.index_cast %add3A_1241 : i32 to index
        %get3A_1247 = arith.constant 32 : index
        %get3A_1248 = tpu.vector_load %get3A_1245[%get3A_1246, %get3A_1247] {strides = array<i32>} : memref<80x128xf32, #tpu.memory_space<vmem>>, vector<1x16xf32>,
        %get3A_1249 = vector.shape_cast %get3A_1248 : vector<1x16xf32> to vector<16xf32>
        %add3A_1250 = arith.addf %add3A_1172, %get3A_1249 : vector<16xf32>
        %add3A_1251 = arith.constant 1 : i32
        %add3A_1252 = arith.addi %add3A_1145, %add3A_1251 : i32
        %get3A_1253 = arith.constant 0 : i32
        %get3A_1254 = arith.constant 0 : i32
        %get3A_1255 = tpu.memref_slice %arg7[%scan3A_770, %get3A_1253, %get3A_1254] : memref<5x80x128xf32, #tpu.memory_space<vmem>> -> memref<1x80x128xf32, #tpu.memory_space<vmem>>
        %get3A_1256 = tpu.memref_squeeze %get3A_1255 : memref<1x80x128xf32, #tpu.memory_space<vmem>> -> memref<80x128xf32, #tpu.memory_space<vmem>>
        %get3A_1257 = arith.index_cast %add3A_1252 : i32 to index
        %get3A_1258 = arith.constant 48 : index
        %get3A_1259 = tpu.vector_load %get3A_1256[%get3A_1257, %get3A_1258] {strides = array<i32>} : memref<80x128xf32, #tpu.memory_space<vmem>>, vector<1x16xf32>,
        %get3A_1260 = vector.shape_cast %get3A_1259 : vector<1x16xf32> to vector<16xf32>
        %add3A_1261 = arith.addf %add3A_1181, %get3A_1260 : vector<16xf32>
        %add3A_1262 = arith.constant 1 : i32
        %add3A_1263 = arith.addi %add3A_1145, %add3A_1262 : i32
        %get3A_1264 = arith.constant 0 : i32
        %get3A_1265 = arith.constant 0 : i32
        %get3A_1266 = tpu.memref_slice %arg7[%scan3A_770, %get3A_1264, %get3A_1265] : memref<5x80x128xf32, #tpu.memory_space<vmem>> -> memref<1x80x128xf32, #tpu.memory_space<vmem>>
        %get3A_1267 = tpu.memref_squeeze %get3A_1266 : memref<1x80x128xf32, #tpu.memory_space<vmem>> -> memref<80x128xf32, #tpu.memory_space<vmem>>
        %get3A_1268 = arith.index_cast %add3A_1263 : i32 to index
        %get3A_1269 = arith.constant 64 : index
        %get3A_1270 = tpu.vector_load %get3A_1267[%get3A_1268, %get3A_1269] {strides = array<i32>} : memref<80x128xf32, #tpu.memory_space<vmem>>, vector<1x16xf32>,
        %get3A_1271 = vector.shape_cast %get3A_1270 : vector<1x16xf32> to vector<16xf32>
        %add3A_1272 = arith.addf %add3A_1190, %get3A_1271 : vector<16xf32>
        %add3A_1273 = arith.constant 1 : i32
        %add3A_1274 = arith.addi %add3A_1145, %add3A_1273 : i32
        %get3A_1275 = arith.constant 0 : i32
        %get3A_1276 = arith.constant 0 : i32
        %get3A_1277 = tpu.memref_slice %arg7[%scan3A_770, %get3A_1275, %get3A_1276] : memref<5x80x128xf32, #tpu.memory_space<vmem>> -> memref<1x80x128xf32, #tpu.memory_space<vmem>>
        %get3A_1278 = tpu.memref_squeeze %get3A_1277 : memref<1x80x128xf32, #tpu.memory_space<vmem>> -> memref<80x128xf32, #tpu.memory_space<vmem>>
        %get3A_1279 = arith.index_cast %add3A_1274 : i32 to index
        %get3A_1280 = arith.constant 80 : index
        %get3A_1281 = tpu.vector_load %get3A_1278[%get3A_1279, %get3A_1280] {strides = array<i32>} : memref<80x128xf32, #tpu.memory_space<vmem>>, vector<1x16xf32>,
        %get3A_1282 = vector.shape_cast %get3A_1281 : vector<1x16xf32> to vector<16xf32>
        %add3A_1283 = arith.addf %add3A_1199, %get3A_1282 : vector<16xf32>
        %add3A_1284 = arith.constant 1 : i32
        %add3A_1285 = arith.addi %add3A_1145, %add3A_1284 : i32
        %get3A_1286 = arith.constant 0 : i32
        %get3A_1287 = arith.constant 0 : i32
        %get3A_1288 = tpu.memref_slice %arg7[%scan3A_770, %get3A_1286, %get3A_1287] : memref<5x80x128xf32, #tpu.memory_space<vmem>> -> memref<1x80x128xf32, #tpu.memory_space<vmem>>
        %get3A_1289 = tpu.memref_squeeze %get3A_1288 : memref<1x80x128xf32, #tpu.memory_space<vmem>> -> memref<80x128xf32, #tpu.memory_space<vmem>>
        %get3A_1290 = arith.index_cast %add3A_1285 : i32 to index
        %get3A_1291 = arith.constant 96 : index
        %get3A_1292 = tpu.vector_load %get3A_1289[%get3A_1290, %get3A_1291] {strides = array<i32>} : memref<80x128xf32, #tpu.memory_space<vmem>>, vector<1x16xf32>,
        %get3A_1293 = vector.shape_cast %get3A_1292 : vector<1x16xf32> to vector<16xf32>
        %add3A_1294 = arith.addf %add3A_1208, %get3A_1293 : vector<16xf32>
        %add3A_1295 = arith.constant 1 : i32
        %add3A_1296 = arith.addi %add3A_1145, %add3A_1295 : i32
        %get3A_1297 = arith.constant 0 : i32
        %get3A_1298 = arith.constant 0 : i32
        %get3A_1299 = tpu.memref_slice %arg7[%scan3A_770, %get3A_1297, %get3A_1298] : memref<5x80x128xf32, #tpu.memory_space<vmem>> -> memref<1x80x128xf32, #tpu.memory_space<vmem>>
        %get3A_1300 = tpu.memref_squeeze %get3A_1299 : memref<1x80x128xf32, #tpu.memory_space<vmem>> -> memref<80x128xf32, #tpu.memory_space<vmem>>
        %get3A_1301 = arith.index_cast %add3A_1296 : i32 to index
        %get3A_1302 = arith.constant 112 : index
        %get3A_1303 = tpu.vector_load %get3A_1300[%get3A_1301, %get3A_1302] {strides = array<i32>} : memref<80x128xf32, #tpu.memory_space<vmem>>, vector<1x16xf32>,
        %get3A_1304 = vector.shape_cast %get3A_1303 : vector<1x16xf32> to vector<16xf32>
        %add3A_1305 = arith.addf %add3A_1217, %get3A_1304 : vector<16xf32>
        scf.yield %add3A_1228, %add3A_1239, %add3A_1250, %add3A_1261, %add3A_1272, %add3A_1283, %add3A_1294, %add3A_1305 : vector<16xf32>, vector<16xf32>, vector<16xf32>, vector<16xf32>, vector<16xf32>, vector<16xf32>, vector<16xf32>, vector<16xf32>
      }
      %scan3A_776 = arith.constant 20 : i32
      %not3A_777 = arith.constant true
      %not3A_778 = arith.xori %and3A_754, %not3A_777 : i1
      %convert_element_type3A_779 = arith.extui %not3A_778 : i1 to i32
      %cond3A_780 = arith.constant 2 : i32
      %cond3A_781 = arith.constant 0 : i32
      %cond3A_782 = arith.cmpi ne, %convert_element_type3A_779, %cond3A_781 : i32
      scf.if %cond3A_782 {
        "tpu.region"() ({
          %run_scoped3A = tpu.sem_alloc : memref<!tpu.dma_semaphore, #tpu.memory_space<semaphore_mem>>
          %dma_start3A_1133 = arith.constant 0 : i32
          %dma_start3A_1134 = arith.constant 0 : i32
          %dma_start3A_1135 = tpu.memref_slice %arg7[%cond3A_780, %dma_start3A_1133, %dma_start3A_1134] : memref<5x80x128xf32, #tpu.memory_space<vmem>> -> memref<1x80x128xf32, #tpu.memory_space<vmem>>
          %dma_start3A_1136 = tpu.memref_squeeze %dma_start3A_1135 : memref<1x80x128xf32, #tpu.memory_space<vmem>> -> memref<80x128xf32, #tpu.memory_space<vmem>>
          %dma_start3A_1137 = arith.constant 0 : i32
          %dma_start3A_1138 = arith.constant 0 : i32
          %dma_start3A_1139 = tpu.memref_slice %dma_start3A_1136[%dma_start3A_1137, %dma_start3A_1138] : memref<80x128xf32, #tpu.memory_space<vmem>> -> memref<40x128xf32, #tpu.memory_space<vmem>>
          %dma_start3A_1140 = arith.constant 0 : i32
          %dma_start3A_1141 = tpu.memref_slice %arg6[%add3A_737, %dma_start3A_1140] : memref<250x40xi32, #tpu.memory_space<vmem>> -> memref<1x40xi32, #tpu.memory_space<vmem>>
          %dma_start3A_1142 = tpu.memref_squeeze %dma_start3A_1141 : memref<1x40xi32, #tpu.memory_space<vmem>> -> memref<40xi32, #tpu.memory_space<vmem>>
          %dma_start3A_1143 = arith.constant 0 : i32
          %dma_start3A_1144 = arith.constant 0 : i32
          %dma_start3A_1145 = tpu.memref_slice %arg10[%dma_start3A_1143, %dma_start3A_1144] : memref<512x128xf32, #tpu.memory_space<vmem_shared>> -> memref<512x128xf32, #tpu.memory_space<vmem_shared>>
          tpu.enqueue_indirect_dma source(%dma_start3A_1139 : memref<40x128xf32, #tpu.memory_space<vmem>>) target(%dma_start3A_1145 : memref<512x128xf32, #tpu.memory_space<vmem_shared>>) offsets(%dma_start3A_1142 : memref<40xi32, #tpu.memory_space<vmem>>) semaphore(%run_scoped3A : memref<!tpu.dma_semaphore, #tpu.memory_space<semaphore_mem>>) {add = true}
          %dma_wait3A_1146 = arith.constant 0 : i32
          %dma_wait3A_1147 = arith.constant 0 : i32
          %dma_wait3A_1148 = tpu.memref_slice %arg7[%cond3A_780, %dma_wait3A_1146, %dma_wait3A_1147] : memref<5x80x128xf32, #tpu.memory_space<vmem>> -> memref<1x80x128xf32, #tpu.memory_space<vmem>>
          %dma_wait3A_1149 = tpu.memref_squeeze %dma_wait3A_1148 : memref<1x80x128xf32, #tpu.memory_space<vmem>> -> memref<80x128xf32, #tpu.memory_space<vmem>>
          %dma_wait3A_1150 = arith.constant 0 : i32
          %dma_wait3A_1151 = arith.constant 0 : i32
          %dma_wait3A_1152 = tpu.memref_slice %dma_wait3A_1149[%dma_wait3A_1150, %dma_wait3A_1151] : memref<80x128xf32, #tpu.memory_space<vmem>> -> memref<40x128xf32, #tpu.memory_space<vmem>>
          %dma_wait3A_1153 = arith.constant 0 : i32
          %dma_wait3A_1154 = tpu.memref_slice %arg6[%add3A_737, %dma_wait3A_1153] : memref<250x40xi32, #tpu.memory_space<vmem>> -> memref<1x40xi32, #tpu.memory_space<vmem>>
          %dma_wait3A_1155 = tpu.memref_squeeze %dma_wait3A_1154 : memref<1x40xi32, #tpu.memory_space<vmem>> -> memref<40xi32, #tpu.memory_space<vmem>>
          %dma_wait3A_1156 = arith.constant 0 : i32
          %dma_wait3A_1157 = arith.constant 0 : i32
          %dma_wait3A_1158 = tpu.memref_slice %arg10[%dma_wait3A_1156, %dma_wait3A_1157] : memref<512x128xf32, #tpu.memory_space<vmem_shared>> -> memref<512x128xf32, #tpu.memory_space<vmem_shared>>
          tpu.wait_indirect_dma semaphore(%run_scoped3A : memref<!tpu.dma_semaphore, #tpu.memory_space<semaphore_mem>>) src(%dma_wait3A_1152 : memref<40x128xf32, #tpu.memory_space<vmem>>) dst(%dma_wait3A_1158 : memref<512x128xf32, #tpu.memory_space<vmem_shared>>)
          tpu.yield
        }) : () -> ()
      } else {
      }
      %select_n3A_783 = arith.select %and3A_754, %scan3A_775#0, %broadcast_in_dim3A_92 : vector<16xf32>
      %select_n3A_784 = arith.select %and3A_754, %scan3A_775#1, %broadcast_in_dim3A_92 : vector<16xf32>
      %select_n3A_785 = arith.select %and3A_754, %scan3A_775#2, %broadcast_in_dim3A_92 : vector<16xf32>
      %select_n3A_786 = arith.select %and3A_754, %scan3A_775#3, %broadcast_in_dim3A_92 : vector<16xf32>
      %select_n3A_787 = arith.select %and3A_754, %scan3A_775#4, %broadcast_in_dim3A_92 : vector<16xf32>
      %select_n3A_788 = arith.select %and3A_754, %scan3A_775#5, %broadcast_in_dim3A_92 : vector<16xf32>
      %select_n3A_789 = arith.select %and3A_754, %scan3A_775#6, %broadcast_in_dim3A_92 : vector<16xf32>
      %select_n3A_790 = arith.select %and3A_754, %scan3A_775#7, %broadcast_in_dim3A_92 : vector<16xf32>
      %select_n3A_791 = arith.select %and3A_754, %squeeze3A_747, %squeeze3A_749 : i32
      %mul3A_792 = arith.constant 2 : i32
      %mul3A_793 = arith.muli %add3A_720, %mul3A_792 : i32
      %add3A_794 = arith.constant 1 : i32
      %add3A_795 = arith.addi %mul3A_793, %add3A_794 : i32
      %get3A_796 = arith.index_cast %add3A_795 : i32 to index
      %get3A_797 = arith.constant 0 : index
      %get3A_798 = tpu.vector_load %arg6[%get3A_796, %get3A_797] {strides = array<i32>} : memref<250x40xi32, #tpu.memory_space<vmem>>, vector<1x16xi32>,
      %get3A_799 = vector.shape_cast %get3A_798 : vector<1x16xi32> to vector<16xi32>
      %get3A_800 = arith.index_cast %add3A_795 : i32 to index
      %get3A_801 = arith.constant 24 : index
      %get3A_802 = tpu.vector_load %arg6[%get3A_800, %get3A_801] {strides = array<i32>} : memref<250x40xi32, #tpu.memory_space<vmem>>, vector<1x16xi32>,
      %get3A_803 = vector.shape_cast %get3A_802 : vector<1x16xi32> to vector<16xi32>
      %slice3A_804 = vector.extract_strided_slice %get3A_799 {offsets = [0], sizes = [1], strides = [1]} : vector<16xi32> to vector<1xi32>
      %squeeze3A_805 = vector.extract %slice3A_804[0] : i32 from vector<1xi32>
      %slice3A_806 = vector.extract_strided_slice %get3A_803 {offsets = [15], sizes = [1], strides = [1]} : vector<16xi32> to vector<1xi32>
      %squeeze3A_807 = vector.extract %slice3A_806[0] : i32 from vector<1xi32>
      %eq3A_808 = arith.cmpi eq, %squeeze3A_805, %squeeze3A_807 : i32
      %sub3A_809 = arith.subi %squeeze3A_807, %squeeze3A : i32
      %lt3A_810 = arith.constant 256 : i32
      %lt3A_811 = arith.cmpi slt, %sub3A_809, %lt3A_810 : i32
      %and3A_812 = arith.andi %eq3A_808, %lt3A_811 : i1
      %not3A_813 = arith.constant true
      %not3A_814 = arith.xori %and3A_812, %not3A_813 : i1
      %ne3A_815 = arith.cmpi ne, %squeeze3A_805, %select_n3A_791 : i32
      %or3A_816 = arith.ori %not3A_814, %ne3A_815 : i1
      %convert_element_type3A_817 = arith.extui %or3A_816 : i1 to i32
      %cond3A_818 = arith.constant 0 : i32
      %cond3A_819 = arith.cmpi ne, %convert_element_type3A_817, %cond3A_818 : i32
      scf.if %cond3A_819 {
        %sub3A_1133 = arith.subi %select_n3A_791, %squeeze3A : i32
        %min3A_1134 = arith.constant 255 : i32
        %min3A_1135 = arith.minsi %sub3A_1133, %min3A_1134 : i32
        %get3A_1136 = arith.index_cast %min3A_1135 : i32 to index
        %get3A_1137 = arith.constant 0 : index
        %get3A_1138 = tpu.vector_load %arg8[%get3A_1136, %get3A_1137] {strides = array<i32>} : memref<256x128xf32, #tpu.memory_space<vmem>>, vector<1x16xf32>,
        %get3A_1139 = vector.shape_cast %get3A_1138 : vector<1x16xf32> to vector<16xf32>
        %add3A_1140 = arith.addf %get3A_1139, %select_n3A_783 : vector<16xf32>
        %swap3A_1141 = arith.index_cast %min3A_1135 : i32 to index
        %swap3A_1142 = arith.constant 0 : index
        %swap3A_1143 = tpu.vector_load %arg8[%swap3A_1141, %swap3A_1142] {strides = array<i32>} : memref<256x128xf32, #tpu.memory_space<vmem>>, vector<1x16xf32>,
        %swap3A_1144 = vector.shape_cast %swap3A_1143 : vector<1x16xf32> to vector<16xf32>
        %swap3A_1145 = vector.shape_cast %add3A_1140 : vector<16xf32> to vector<1x16xf32>
        tpu.vector_store %arg8[%swap3A_1141, %swap3A_1142], %swap3A_1145 {strides = array<i32>} : memref<256x128xf32, #tpu.memory_space<vmem>>, vector<1x16xf32>,
        %get3A_1146 = arith.index_cast %min3A_1135 : i32 to index
        %get3A_1147 = arith.constant 16 : index
        %get3A_1148 = tpu.vector_load %arg8[%get3A_1146, %get3A_1147] {strides = array<i32>} : memref<256x128xf32, #tpu.memory_space<vmem>>, vector<1x16xf32>,
        %get3A_1149 = vector.shape_cast %get3A_1148 : vector<1x16xf32> to vector<16xf32>
        %add3A_1150 = arith.addf %get3A_1149, %select_n3A_784 : vector<16xf32>
        %swap3A_1151 = arith.index_cast %min3A_1135 : i32 to index
        %swap3A_1152 = arith.constant 16 : index
        %swap3A_1153 = tpu.vector_load %arg8[%swap3A_1151, %swap3A_1152] {strides = array<i32>} : memref<256x128xf32, #tpu.memory_space<vmem>>, vector<1x16xf32>,
        %swap3A_1154 = vector.shape_cast %swap3A_1153 : vector<1x16xf32> to vector<16xf32>
        %swap3A_1155 = vector.shape_cast %add3A_1150 : vector<16xf32> to vector<1x16xf32>
        tpu.vector_store %arg8[%swap3A_1151, %swap3A_1152], %swap3A_1155 {strides = array<i32>} : memref<256x128xf32, #tpu.memory_space<vmem>>, vector<1x16xf32>,
        %get3A_1156 = arith.index_cast %min3A_1135 : i32 to index
        %get3A_1157 = arith.constant 32 : index
        %get3A_1158 = tpu.vector_load %arg8[%get3A_1156, %get3A_1157] {strides = array<i32>} : memref<256x128xf32, #tpu.memory_space<vmem>>, vector<1x16xf32>,
        %get3A_1159 = vector.shape_cast %get3A_1158 : vector<1x16xf32> to vector<16xf32>
        %add3A_1160 = arith.addf %get3A_1159, %select_n3A_785 : vector<16xf32>
        %swap3A_1161 = arith.index_cast %min3A_1135 : i32 to index
        %swap3A_1162 = arith.constant 32 : index
        %swap3A_1163 = tpu.vector_load %arg8[%swap3A_1161, %swap3A_1162] {strides = array<i32>} : memref<256x128xf32, #tpu.memory_space<vmem>>, vector<1x16xf32>,
        %swap3A_1164 = vector.shape_cast %swap3A_1163 : vector<1x16xf32> to vector<16xf32>
        %swap3A_1165 = vector.shape_cast %add3A_1160 : vector<16xf32> to vector<1x16xf32>
        tpu.vector_store %arg8[%swap3A_1161, %swap3A_1162], %swap3A_1165 {strides = array<i32>} : memref<256x128xf32, #tpu.memory_space<vmem>>, vector<1x16xf32>,
        %get3A_1166 = arith.index_cast %min3A_1135 : i32 to index
        %get3A_1167 = arith.constant 48 : index
        %get3A_1168 = tpu.vector_load %arg8[%get3A_1166, %get3A_1167] {strides = array<i32>} : memref<256x128xf32, #tpu.memory_space<vmem>>, vector<1x16xf32>,
        %get3A_1169 = vector.shape_cast %get3A_1168 : vector<1x16xf32> to vector<16xf32>
        %add3A_1170 = arith.addf %get3A_1169, %select_n3A_786 : vector<16xf32>
        %swap3A_1171 = arith.index_cast %min3A_1135 : i32 to index
        %swap3A_1172 = arith.constant 48 : index
        %swap3A_1173 = tpu.vector_load %arg8[%swap3A_1171, %swap3A_1172] {strides = array<i32>} : memref<256x128xf32, #tpu.memory_space<vmem>>, vector<1x16xf32>,
        %swap3A_1174 = vector.shape_cast %swap3A_1173 : vector<1x16xf32> to vector<16xf32>
        %swap3A_1175 = vector.shape_cast %add3A_1170 : vector<16xf32> to vector<1x16xf32>
        tpu.vector_store %arg8[%swap3A_1171, %swap3A_1172], %swap3A_1175 {strides = array<i32>} : memref<256x128xf32, #tpu.memory_space<vmem>>, vector<1x16xf32>,
        %get3A_1176 = arith.index_cast %min3A_1135 : i32 to index
        %get3A_1177 = arith.constant 64 : index
        %get3A_1178 = tpu.vector_load %arg8[%get3A_1176, %get3A_1177] {strides = array<i32>} : memref<256x128xf32, #tpu.memory_space<vmem>>, vector<1x16xf32>,
        %get3A_1179 = vector.shape_cast %get3A_1178 : vector<1x16xf32> to vector<16xf32>
        %add3A_1180 = arith.addf %get3A_1179, %select_n3A_787 : vector<16xf32>
        %swap3A_1181 = arith.index_cast %min3A_1135 : i32 to index
        %swap3A_1182 = arith.constant 64 : index
        %swap3A_1183 = tpu.vector_load %arg8[%swap3A_1181, %swap3A_1182] {strides = array<i32>} : memref<256x128xf32, #tpu.memory_space<vmem>>, vector<1x16xf32>,
        %swap3A_1184 = vector.shape_cast %swap3A_1183 : vector<1x16xf32> to vector<16xf32>
        %swap3A_1185 = vector.shape_cast %add3A_1180 : vector<16xf32> to vector<1x16xf32>
        tpu.vector_store %arg8[%swap3A_1181, %swap3A_1182], %swap3A_1185 {strides = array<i32>} : memref<256x128xf32, #tpu.memory_space<vmem>>, vector<1x16xf32>,
        %get3A_1186 = arith.index_cast %min3A_1135 : i32 to index
        %get3A_1187 = arith.constant 80 : index
        %get3A_1188 = tpu.vector_load %arg8[%get3A_1186, %get3A_1187] {strides = array<i32>} : memref<256x128xf32, #tpu.memory_space<vmem>>, vector<1x16xf32>,
        %get3A_1189 = vector.shape_cast %get3A_1188 : vector<1x16xf32> to vector<16xf32>
        %add3A_1190 = arith.addf %get3A_1189, %select_n3A_788 : vector<16xf32>
        %swap3A_1191 = arith.index_cast %min3A_1135 : i32 to index
        %swap3A_1192 = arith.constant 80 : index
        %swap3A_1193 = tpu.vector_load %arg8[%swap3A_1191, %swap3A_1192] {strides = array<i32>} : memref<256x128xf32, #tpu.memory_space<vmem>>, vector<1x16xf32>,
        %swap3A_1194 = vector.shape_cast %swap3A_1193 : vector<1x16xf32> to vector<16xf32>
        %swap3A_1195 = vector.shape_cast %add3A_1190 : vector<16xf32> to vector<1x16xf32>
        tpu.vector_store %arg8[%swap3A_1191, %swap3A_1192], %swap3A_1195 {strides = array<i32>} : memref<256x128xf32, #tpu.memory_space<vmem>>, vector<1x16xf32>,
        %get3A_1196 = arith.index_cast %min3A_1135 : i32 to index
        %get3A_1197 = arith.constant 96 : index
        %get3A_1198 = tpu.vector_load %arg8[%get3A_1196, %get3A_1197] {strides = array<i32>} : memref<256x128xf32, #tpu.memory_space<vmem>>, vector<1x16xf32>,
        %get3A_1199 = vector.shape_cast %get3A_1198 : vector<1x16xf32> to vector<16xf32>
        %add3A_1200 = arith.addf %get3A_1199, %select_n3A_789 : vector<16xf32>
        %swap3A_1201 = arith.index_cast %min3A_1135 : i32 to index
        %swap3A_1202 = arith.constant 96 : index
        %swap3A_1203 = tpu.vector_load %arg8[%swap3A_1201, %swap3A_1202] {strides = array<i32>} : memref<256x128xf32, #tpu.memory_space<vmem>>, vector<1x16xf32>,
        %swap3A_1204 = vector.shape_cast %swap3A_1203 : vector<1x16xf32> to vector<16xf32>
        %swap3A_1205 = vector.shape_cast %add3A_1200 : vector<16xf32> to vector<1x16xf32>
        tpu.vector_store %arg8[%swap3A_1201, %swap3A_1202], %swap3A_1205 {strides = array<i32>} : memref<256x128xf32, #tpu.memory_space<vmem>>, vector<1x16xf32>,
        %get3A_1206 = arith.index_cast %min3A_1135 : i32 to index
        %get3A_1207 = arith.constant 112 : index
        %get3A_1208 = tpu.vector_load %arg8[%get3A_1206, %get3A_1207] {strides = array<i32>} : memref<256x128xf32, #tpu.memory_space<vmem>>, vector<1x16xf32>,
        %get3A_1209 = vector.shape_cast %get3A_1208 : vector<1x16xf32> to vector<16xf32>
        %add3A_1210 = arith.addf %get3A_1209, %select_n3A_790 : vector<16xf32>
        %swap3A_1211 = arith.index_cast %min3A_1135 : i32 to index
        %swap3A_1212 = arith.constant 112 : index
        %swap3A_1213 = tpu.vector_load %arg8[%swap3A_1211, %swap3A_1212] {strides = array<i32>} : memref<256x128xf32, #tpu.memory_space<vmem>>, vector<1x16xf32>,
        %swap3A_1214 = vector.shape_cast %swap3A_1213 : vector<1x16xf32> to vector<16xf32>
        %swap3A_1215 = vector.shape_cast %add3A_1210 : vector<16xf32> to vector<1x16xf32>
        tpu.vector_store %arg8[%swap3A_1211, %swap3A_1212], %swap3A_1215 {strides = array<i32>} : memref<256x128xf32, #tpu.memory_space<vmem>>, vector<1x16xf32>,
      } else {
      }
      %select_n3A_820 = arith.select %or3A_816, %broadcast_in_dim3A_92, %select_n3A_783 : vector<16xf32>
      %select_n3A_821 = arith.select %or3A_816, %broadcast_in_dim3A_92, %select_n3A_784 : vector<16xf32>
      %select_n3A_822 = arith.select %or3A_816, %broadcast_in_dim3A_92, %select_n3A_785 : vector<16xf32>
      %select_n3A_823 = arith.select %or3A_816, %broadcast_in_dim3A_92, %select_n3A_786 : vector<16xf32>
      %select_n3A_824 = arith.select %or3A_816, %broadcast_in_dim3A_92, %select_n3A_787 : vector<16xf32>
      %select_n3A_825 = arith.select %or3A_816, %broadcast_in_dim3A_92, %select_n3A_788 : vector<16xf32>
      %select_n3A_826 = arith.select %or3A_816, %broadcast_in_dim3A_92, %select_n3A_789 : vector<16xf32>
      %select_n3A_827 = arith.select %or3A_816, %broadcast_in_dim3A_92, %select_n3A_790 : vector<16xf32>
      %scan3A_828 = arith.constant 2 : i32
      %scan3A_829 = arith.constant 0 : i32
      %scan3A_830 = arith.constant 20 : i32
      %scan3A_831 = arith.addi %scan3A_829, %scan3A_830 : i32
      %scan3A_832 = arith.constant 1 : i32
      %scan3A_833:8 = scf.for %scan3A_1133 = %scan3A_829 to %scan3A_831 step %scan3A_832 iter_args(%scan3A_1134 = %select_n3A_820, %scan3A_1135 = %select_n3A_821, %scan3A_1136 = %select_n3A_822, %scan3A_1137 = %select_n3A_823, %scan3A_1138 = %select_n3A_824, %scan3A_1139 = %select_n3A_825, %scan3A_1140 = %select_n3A_826, %scan3A_1141 = %select_n3A_827) -> (vector<16xf32>, vector<16xf32>, vector<16xf32>, vector<16xf32>, vector<16xf32>, vector<16xf32>, vector<16xf32>, vector<16xf32>)  : i32 {
        %mul3A_1142 = arith.constant 2 : i32
        %mul3A_1143 = arith.muli %scan3A_1133, %mul3A_1142 : i32
        %add3A_1144 = arith.constant 40 : i32
        %add3A_1145 = arith.addi %add3A_1144, %mul3A_1143 : i32
        %get3A_1146 = arith.constant 0 : i32
        %get3A_1147 = arith.constant 0 : i32
        %get3A_1148 = tpu.memref_slice %arg7[%scan3A_828, %get3A_1146, %get3A_1147] : memref<5x80x128xf32, #tpu.memory_space<vmem>> -> memref<1x80x128xf32, #tpu.memory_space<vmem>>
        %get3A_1149 = tpu.memref_squeeze %get3A_1148 : memref<1x80x128xf32, #tpu.memory_space<vmem>> -> memref<80x128xf32, #tpu.memory_space<vmem>>
        %get3A_1150 = arith.index_cast %add3A_1145 : i32 to index
        %get3A_1151 = arith.constant 0 : index
        %get3A_1152 = tpu.vector_load %get3A_1149[%get3A_1150, %get3A_1151] {strides = array<i32>} : memref<80x128xf32, #tpu.memory_space<vmem>>, vector<1x16xf32>,
        %get3A_1153 = vector.shape_cast %get3A_1152 : vector<1x16xf32> to vector<16xf32>
        %add3A_1154 = arith.addf %scan3A_1134, %get3A_1153 : vector<16xf32>
        %get3A_1155 = arith.constant 0 : i32
        %get3A_1156 = arith.constant 0 : i32
        %get3A_1157 = tpu.memref_slice %arg7[%scan3A_828, %get3A_1155, %get3A_1156] : memref<5x80x128xf32, #tpu.memory_space<vmem>> -> memref<1x80x128xf32, #tpu.memory_space<vmem>>
        %get3A_1158 = tpu.memref_squeeze %get3A_1157 : memref<1x80x128xf32, #tpu.memory_space<vmem>> -> memref<80x128xf32, #tpu.memory_space<vmem>>
        %get3A_1159 = arith.index_cast %add3A_1145 : i32 to index
        %get3A_1160 = arith.constant 16 : index
        %get3A_1161 = tpu.vector_load %get3A_1158[%get3A_1159, %get3A_1160] {strides = array<i32>} : memref<80x128xf32, #tpu.memory_space<vmem>>, vector<1x16xf32>,
        %get3A_1162 = vector.shape_cast %get3A_1161 : vector<1x16xf32> to vector<16xf32>
        %add3A_1163 = arith.addf %scan3A_1135, %get3A_1162 : vector<16xf32>
        %get3A_1164 = arith.constant 0 : i32
        %get3A_1165 = arith.constant 0 : i32
        %get3A_1166 = tpu.memref_slice %arg7[%scan3A_828, %get3A_1164, %get3A_1165] : memref<5x80x128xf32, #tpu.memory_space<vmem>> -> memref<1x80x128xf32, #tpu.memory_space<vmem>>
        %get3A_1167 = tpu.memref_squeeze %get3A_1166 : memref<1x80x128xf32, #tpu.memory_space<vmem>> -> memref<80x128xf32, #tpu.memory_space<vmem>>
        %get3A_1168 = arith.index_cast %add3A_1145 : i32 to index
        %get3A_1169 = arith.constant 32 : index
        %get3A_1170 = tpu.vector_load %get3A_1167[%get3A_1168, %get3A_1169] {strides = array<i32>} : memref<80x128xf32, #tpu.memory_space<vmem>>, vector<1x16xf32>,
        %get3A_1171 = vector.shape_cast %get3A_1170 : vector<1x16xf32> to vector<16xf32>
        %add3A_1172 = arith.addf %scan3A_1136, %get3A_1171 : vector<16xf32>
        %get3A_1173 = arith.constant 0 : i32
        %get3A_1174 = arith.constant 0 : i32
        %get3A_1175 = tpu.memref_slice %arg7[%scan3A_828, %get3A_1173, %get3A_1174] : memref<5x80x128xf32, #tpu.memory_space<vmem>> -> memref<1x80x128xf32, #tpu.memory_space<vmem>>
        %get3A_1176 = tpu.memref_squeeze %get3A_1175 : memref<1x80x128xf32, #tpu.memory_space<vmem>> -> memref<80x128xf32, #tpu.memory_space<vmem>>
        %get3A_1177 = arith.index_cast %add3A_1145 : i32 to index
        %get3A_1178 = arith.constant 48 : index
        %get3A_1179 = tpu.vector_load %get3A_1176[%get3A_1177, %get3A_1178] {strides = array<i32>} : memref<80x128xf32, #tpu.memory_space<vmem>>, vector<1x16xf32>,
        %get3A_1180 = vector.shape_cast %get3A_1179 : vector<1x16xf32> to vector<16xf32>
        %add3A_1181 = arith.addf %scan3A_1137, %get3A_1180 : vector<16xf32>
        %get3A_1182 = arith.constant 0 : i32
        %get3A_1183 = arith.constant 0 : i32
        %get3A_1184 = tpu.memref_slice %arg7[%scan3A_828, %get3A_1182, %get3A_1183] : memref<5x80x128xf32, #tpu.memory_space<vmem>> -> memref<1x80x128xf32, #tpu.memory_space<vmem>>
        %get3A_1185 = tpu.memref_squeeze %get3A_1184 : memref<1x80x128xf32, #tpu.memory_space<vmem>> -> memref<80x128xf32, #tpu.memory_space<vmem>>
        %get3A_1186 = arith.index_cast %add3A_1145 : i32 to index
        %get3A_1187 = arith.constant 64 : index
        %get3A_1188 = tpu.vector_load %get3A_1185[%get3A_1186, %get3A_1187] {strides = array<i32>} : memref<80x128xf32, #tpu.memory_space<vmem>>, vector<1x16xf32>,
        %get3A_1189 = vector.shape_cast %get3A_1188 : vector<1x16xf32> to vector<16xf32>
        %add3A_1190 = arith.addf %scan3A_1138, %get3A_1189 : vector<16xf32>
        %get3A_1191 = arith.constant 0 : i32
        %get3A_1192 = arith.constant 0 : i32
        %get3A_1193 = tpu.memref_slice %arg7[%scan3A_828, %get3A_1191, %get3A_1192] : memref<5x80x128xf32, #tpu.memory_space<vmem>> -> memref<1x80x128xf32, #tpu.memory_space<vmem>>
        %get3A_1194 = tpu.memref_squeeze %get3A_1193 : memref<1x80x128xf32, #tpu.memory_space<vmem>> -> memref<80x128xf32, #tpu.memory_space<vmem>>
        %get3A_1195 = arith.index_cast %add3A_1145 : i32 to index
        %get3A_1196 = arith.constant 80 : index
        %get3A_1197 = tpu.vector_load %get3A_1194[%get3A_1195, %get3A_1196] {strides = array<i32>} : memref<80x128xf32, #tpu.memory_space<vmem>>, vector<1x16xf32>,
        %get3A_1198 = vector.shape_cast %get3A_1197 : vector<1x16xf32> to vector<16xf32>
        %add3A_1199 = arith.addf %scan3A_1139, %get3A_1198 : vector<16xf32>
        %get3A_1200 = arith.constant 0 : i32
        %get3A_1201 = arith.constant 0 : i32
        %get3A_1202 = tpu.memref_slice %arg7[%scan3A_828, %get3A_1200, %get3A_1201] : memref<5x80x128xf32, #tpu.memory_space<vmem>> -> memref<1x80x128xf32, #tpu.memory_space<vmem>>
        %get3A_1203 = tpu.memref_squeeze %get3A_1202 : memref<1x80x128xf32, #tpu.memory_space<vmem>> -> memref<80x128xf32, #tpu.memory_space<vmem>>
        %get3A_1204 = arith.index_cast %add3A_1145 : i32 to index
        %get3A_1205 = arith.constant 96 : index
        %get3A_1206 = tpu.vector_load %get3A_1203[%get3A_1204, %get3A_1205] {strides = array<i32>} : memref<80x128xf32, #tpu.memory_space<vmem>>, vector<1x16xf32>,
        %get3A_1207 = vector.shape_cast %get3A_1206 : vector<1x16xf32> to vector<16xf32>
        %add3A_1208 = arith.addf %scan3A_1140, %get3A_1207 : vector<16xf32>
        %get3A_1209 = arith.constant 0 : i32
        %get3A_1210 = arith.constant 0 : i32
        %get3A_1211 = tpu.memref_slice %arg7[%scan3A_828, %get3A_1209, %get3A_1210] : memref<5x80x128xf32, #tpu.memory_space<vmem>> -> memref<1x80x128xf32, #tpu.memory_space<vmem>>
        %get3A_1212 = tpu.memref_squeeze %get3A_1211 : memref<1x80x128xf32, #tpu.memory_space<vmem>> -> memref<80x128xf32, #tpu.memory_space<vmem>>
        %get3A_1213 = arith.index_cast %add3A_1145 : i32 to index
        %get3A_1214 = arith.constant 112 : index
        %get3A_1215 = tpu.vector_load %get3A_1212[%get3A_1213, %get3A_1214] {strides = array<i32>} : memref<80x128xf32, #tpu.memory_space<vmem>>, vector<1x16xf32>,
        %get3A_1216 = vector.shape_cast %get3A_1215 : vector<1x16xf32> to vector<16xf32>
        %add3A_1217 = arith.addf %scan3A_1141, %get3A_1216 : vector<16xf32>
        %add3A_1218 = arith.constant 1 : i32
        %add3A_1219 = arith.addi %add3A_1145, %add3A_1218 : i32
        %get3A_1220 = arith.constant 0 : i32
        %get3A_1221 = arith.constant 0 : i32
        %get3A_1222 = tpu.memref_slice %arg7[%scan3A_828, %get3A_1220, %get3A_1221] : memref<5x80x128xf32, #tpu.memory_space<vmem>> -> memref<1x80x128xf32, #tpu.memory_space<vmem>>
        %get3A_1223 = tpu.memref_squeeze %get3A_1222 : memref<1x80x128xf32, #tpu.memory_space<vmem>> -> memref<80x128xf32, #tpu.memory_space<vmem>>
        %get3A_1224 = arith.index_cast %add3A_1219 : i32 to index
        %get3A_1225 = arith.constant 0 : index
        %get3A_1226 = tpu.vector_load %get3A_1223[%get3A_1224, %get3A_1225] {strides = array<i32>} : memref<80x128xf32, #tpu.memory_space<vmem>>, vector<1x16xf32>,
        %get3A_1227 = vector.shape_cast %get3A_1226 : vector<1x16xf32> to vector<16xf32>
        %add3A_1228 = arith.addf %add3A_1154, %get3A_1227 : vector<16xf32>
        %add3A_1229 = arith.constant 1 : i32
        %add3A_1230 = arith.addi %add3A_1145, %add3A_1229 : i32
        %get3A_1231 = arith.constant 0 : i32
        %get3A_1232 = arith.constant 0 : i32
        %get3A_1233 = tpu.memref_slice %arg7[%scan3A_828, %get3A_1231, %get3A_1232] : memref<5x80x128xf32, #tpu.memory_space<vmem>> -> memref<1x80x128xf32, #tpu.memory_space<vmem>>
        %get3A_1234 = tpu.memref_squeeze %get3A_1233 : memref<1x80x128xf32, #tpu.memory_space<vmem>> -> memref<80x128xf32, #tpu.memory_space<vmem>>
        %get3A_1235 = arith.index_cast %add3A_1230 : i32 to index
        %get3A_1236 = arith.constant 16 : index
        %get3A_1237 = tpu.vector_load %get3A_1234[%get3A_1235, %get3A_1236] {strides = array<i32>} : memref<80x128xf32, #tpu.memory_space<vmem>>, vector<1x16xf32>,
        %get3A_1238 = vector.shape_cast %get3A_1237 : vector<1x16xf32> to vector<16xf32>
        %add3A_1239 = arith.addf %add3A_1163, %get3A_1238 : vector<16xf32>
        %add3A_1240 = arith.constant 1 : i32
        %add3A_1241 = arith.addi %add3A_1145, %add3A_1240 : i32
        %get3A_1242 = arith.constant 0 : i32
        %get3A_1243 = arith.constant 0 : i32
        %get3A_1244 = tpu.memref_slice %arg7[%scan3A_828, %get3A_1242, %get3A_1243] : memref<5x80x128xf32, #tpu.memory_space<vmem>> -> memref<1x80x128xf32, #tpu.memory_space<vmem>>
        %get3A_1245 = tpu.memref_squeeze %get3A_1244 : memref<1x80x128xf32, #tpu.memory_space<vmem>> -> memref<80x128xf32, #tpu.memory_space<vmem>>
        %get3A_1246 = arith.index_cast %add3A_1241 : i32 to index
        %get3A_1247 = arith.constant 32 : index
        %get3A_1248 = tpu.vector_load %get3A_1245[%get3A_1246, %get3A_1247] {strides = array<i32>} : memref<80x128xf32, #tpu.memory_space<vmem>>, vector<1x16xf32>,
        %get3A_1249 = vector.shape_cast %get3A_1248 : vector<1x16xf32> to vector<16xf32>
        %add3A_1250 = arith.addf %add3A_1172, %get3A_1249 : vector<16xf32>
        %add3A_1251 = arith.constant 1 : i32
        %add3A_1252 = arith.addi %add3A_1145, %add3A_1251 : i32
        %get3A_1253 = arith.constant 0 : i32
        %get3A_1254 = arith.constant 0 : i32
        %get3A_1255 = tpu.memref_slice %arg7[%scan3A_828, %get3A_1253, %get3A_1254] : memref<5x80x128xf32, #tpu.memory_space<vmem>> -> memref<1x80x128xf32, #tpu.memory_space<vmem>>
        %get3A_1256 = tpu.memref_squeeze %get3A_1255 : memref<1x80x128xf32, #tpu.memory_space<vmem>> -> memref<80x128xf32, #tpu.memory_space<vmem>>
        %get3A_1257 = arith.index_cast %add3A_1252 : i32 to index
        %get3A_1258 = arith.constant 48 : index
        %get3A_1259 = tpu.vector_load %get3A_1256[%get3A_1257, %get3A_1258] {strides = array<i32>} : memref<80x128xf32, #tpu.memory_space<vmem>>, vector<1x16xf32>,
        %get3A_1260 = vector.shape_cast %get3A_1259 : vector<1x16xf32> to vector<16xf32>
        %add3A_1261 = arith.addf %add3A_1181, %get3A_1260 : vector<16xf32>
        %add3A_1262 = arith.constant 1 : i32
        %add3A_1263 = arith.addi %add3A_1145, %add3A_1262 : i32
        %get3A_1264 = arith.constant 0 : i32
        %get3A_1265 = arith.constant 0 : i32
        %get3A_1266 = tpu.memref_slice %arg7[%scan3A_828, %get3A_1264, %get3A_1265] : memref<5x80x128xf32, #tpu.memory_space<vmem>> -> memref<1x80x128xf32, #tpu.memory_space<vmem>>
        %get3A_1267 = tpu.memref_squeeze %get3A_1266 : memref<1x80x128xf32, #tpu.memory_space<vmem>> -> memref<80x128xf32, #tpu.memory_space<vmem>>
        %get3A_1268 = arith.index_cast %add3A_1263 : i32 to index
        %get3A_1269 = arith.constant 64 : index
        %get3A_1270 = tpu.vector_load %get3A_1267[%get3A_1268, %get3A_1269] {strides = array<i32>} : memref<80x128xf32, #tpu.memory_space<vmem>>, vector<1x16xf32>,
        %get3A_1271 = vector.shape_cast %get3A_1270 : vector<1x16xf32> to vector<16xf32>
        %add3A_1272 = arith.addf %add3A_1190, %get3A_1271 : vector<16xf32>
        %add3A_1273 = arith.constant 1 : i32
        %add3A_1274 = arith.addi %add3A_1145, %add3A_1273 : i32
        %get3A_1275 = arith.constant 0 : i32
        %get3A_1276 = arith.constant 0 : i32
        %get3A_1277 = tpu.memref_slice %arg7[%scan3A_828, %get3A_1275, %get3A_1276] : memref<5x80x128xf32, #tpu.memory_space<vmem>> -> memref<1x80x128xf32, #tpu.memory_space<vmem>>
        %get3A_1278 = tpu.memref_squeeze %get3A_1277 : memref<1x80x128xf32, #tpu.memory_space<vmem>> -> memref<80x128xf32, #tpu.memory_space<vmem>>
        %get3A_1279 = arith.index_cast %add3A_1274 : i32 to index
        %get3A_1280 = arith.constant 80 : index
        %get3A_1281 = tpu.vector_load %get3A_1278[%get3A_1279, %get3A_1280] {strides = array<i32>} : memref<80x128xf32, #tpu.memory_space<vmem>>, vector<1x16xf32>,
        %get3A_1282 = vector.shape_cast %get3A_1281 : vector<1x16xf32> to vector<16xf32>
        %add3A_1283 = arith.addf %add3A_1199, %get3A_1282 : vector<16xf32>
        %add3A_1284 = arith.constant 1 : i32
        %add3A_1285 = arith.addi %add3A_1145, %add3A_1284 : i32
        %get3A_1286 = arith.constant 0 : i32
        %get3A_1287 = arith.constant 0 : i32
        %get3A_1288 = tpu.memref_slice %arg7[%scan3A_828, %get3A_1286, %get3A_1287] : memref<5x80x128xf32, #tpu.memory_space<vmem>> -> memref<1x80x128xf32, #tpu.memory_space<vmem>>
        %get3A_1289 = tpu.memref_squeeze %get3A_1288 : memref<1x80x128xf32, #tpu.memory_space<vmem>> -> memref<80x128xf32, #tpu.memory_space<vmem>>
        %get3A_1290 = arith.index_cast %add3A_1285 : i32 to index
        %get3A_1291 = arith.constant 96 : index
        %get3A_1292 = tpu.vector_load %get3A_1289[%get3A_1290, %get3A_1291] {strides = array<i32>} : memref<80x128xf32, #tpu.memory_space<vmem>>, vector<1x16xf32>,
        %get3A_1293 = vector.shape_cast %get3A_1292 : vector<1x16xf32> to vector<16xf32>
        %add3A_1294 = arith.addf %add3A_1208, %get3A_1293 : vector<16xf32>
        %add3A_1295 = arith.constant 1 : i32
        %add3A_1296 = arith.addi %add3A_1145, %add3A_1295 : i32
        %get3A_1297 = arith.constant 0 : i32
        %get3A_1298 = arith.constant 0 : i32
        %get3A_1299 = tpu.memref_slice %arg7[%scan3A_828, %get3A_1297, %get3A_1298] : memref<5x80x128xf32, #tpu.memory_space<vmem>> -> memref<1x80x128xf32, #tpu.memory_space<vmem>>
        %get3A_1300 = tpu.memref_squeeze %get3A_1299 : memref<1x80x128xf32, #tpu.memory_space<vmem>> -> memref<80x128xf32, #tpu.memory_space<vmem>>
        %get3A_1301 = arith.index_cast %add3A_1296 : i32 to index
        %get3A_1302 = arith.constant 112 : index
        %get3A_1303 = tpu.vector_load %get3A_1300[%get3A_1301, %get3A_1302] {strides = array<i32>} : memref<80x128xf32, #tpu.memory_space<vmem>>, vector<1x16xf32>,
        %get3A_1304 = vector.shape_cast %get3A_1303 : vector<1x16xf32> to vector<16xf32>
        %add3A_1305 = arith.addf %add3A_1217, %get3A_1304 : vector<16xf32>
        scf.yield %add3A_1228, %add3A_1239, %add3A_1250, %add3A_1261, %add3A_1272, %add3A_1283, %add3A_1294, %add3A_1305 : vector<16xf32>, vector<16xf32>, vector<16xf32>, vector<16xf32>, vector<16xf32>, vector<16xf32>, vector<16xf32>, vector<16xf32>
      }
      %scan3A_834 = arith.constant 20 : i32
      %not3A_835 = arith.constant true
      %not3A_836 = arith.xori %and3A_812, %not3A_835 : i1
      %convert_element_type3A_837 = arith.extui %not3A_836 : i1 to i32
      %cond3A_838 = arith.constant 2 : i32
      %cond3A_839 = arith.constant 0 : i32
      %cond3A_840 = arith.cmpi ne, %convert_element_type3A_837, %cond3A_839 : i32
      scf.if %cond3A_840 {
        "tpu.region"() ({
          %run_scoped3A = tpu.sem_alloc : memref<!tpu.dma_semaphore, #tpu.memory_space<semaphore_mem>>
          %dma_start3A_1133 = arith.constant 0 : i32
          %dma_start3A_1134 = arith.constant 0 : i32
          %dma_start3A_1135 = tpu.memref_slice %arg7[%cond3A_838, %dma_start3A_1133, %dma_start3A_1134] : memref<5x80x128xf32, #tpu.memory_space<vmem>> -> memref<1x80x128xf32, #tpu.memory_space<vmem>>
          %dma_start3A_1136 = tpu.memref_squeeze %dma_start3A_1135 : memref<1x80x128xf32, #tpu.memory_space<vmem>> -> memref<80x128xf32, #tpu.memory_space<vmem>>
          %dma_start3A_1137 = arith.constant 40 : i32
          %dma_start3A_1138 = arith.constant 0 : i32
          %dma_start3A_1139 = tpu.memref_slice %dma_start3A_1136[%dma_start3A_1137, %dma_start3A_1138] : memref<80x128xf32, #tpu.memory_space<vmem>> -> memref<40x128xf32, #tpu.memory_space<vmem>>
          %dma_start3A_1140 = arith.constant 0 : i32
          %dma_start3A_1141 = tpu.memref_slice %arg6[%add3A_795, %dma_start3A_1140] : memref<250x40xi32, #tpu.memory_space<vmem>> -> memref<1x40xi32, #tpu.memory_space<vmem>>
          %dma_start3A_1142 = tpu.memref_squeeze %dma_start3A_1141 : memref<1x40xi32, #tpu.memory_space<vmem>> -> memref<40xi32, #tpu.memory_space<vmem>>
          %dma_start3A_1143 = arith.constant 0 : i32
          %dma_start3A_1144 = arith.constant 0 : i32
          %dma_start3A_1145 = tpu.memref_slice %arg10[%dma_start3A_1143, %dma_start3A_1144] : memref<512x128xf32, #tpu.memory_space<vmem_shared>> -> memref<512x128xf32, #tpu.memory_space<vmem_shared>>
          tpu.enqueue_indirect_dma source(%dma_start3A_1139 : memref<40x128xf32, #tpu.memory_space<vmem>>) target(%dma_start3A_1145 : memref<512x128xf32, #tpu.memory_space<vmem_shared>>) offsets(%dma_start3A_1142 : memref<40xi32, #tpu.memory_space<vmem>>) semaphore(%run_scoped3A : memref<!tpu.dma_semaphore, #tpu.memory_space<semaphore_mem>>) {add = true}
          %dma_wait3A_1146 = arith.constant 0 : i32
          %dma_wait3A_1147 = arith.constant 0 : i32
          %dma_wait3A_1148 = tpu.memref_slice %arg7[%cond3A_838, %dma_wait3A_1146, %dma_wait3A_1147] : memref<5x80x128xf32, #tpu.memory_space<vmem>> -> memref<1x80x128xf32, #tpu.memory_space<vmem>>
          %dma_wait3A_1149 = tpu.memref_squeeze %dma_wait3A_1148 : memref<1x80x128xf32, #tpu.memory_space<vmem>> -> memref<80x128xf32, #tpu.memory_space<vmem>>
          %dma_wait3A_1150 = arith.constant 40 : i32
          %dma_wait3A_1151 = arith.constant 0 : i32
          %dma_wait3A_1152 = tpu.memref_slice %dma_wait3A_1149[%dma_wait3A_1150, %dma_wait3A_1151] : memref<80x128xf32, #tpu.memory_space<vmem>> -> memref<40x128xf32, #tpu.memory_space<vmem>>
          %dma_wait3A_1153 = arith.constant 0 : i32
          %dma_wait3A_1154 = tpu.memref_slice %arg6[%add3A_795, %dma_wait3A_1153] : memref<250x40xi32, #tpu.memory_space<vmem>> -> memref<1x40xi32, #tpu.memory_space<vmem>>
          %dma_wait3A_1155 = tpu.memref_squeeze %dma_wait3A_1154 : memref<1x40xi32, #tpu.memory_space<vmem>> -> memref<40xi32, #tpu.memory_space<vmem>>
          %dma_wait3A_1156 = arith.constant 0 : i32
          %dma_wait3A_1157 = arith.constant 0 : i32
          %dma_wait3A_1158 = tpu.memref_slice %arg10[%dma_wait3A_1156, %dma_wait3A_1157] : memref<512x128xf32, #tpu.memory_space<vmem_shared>> -> memref<512x128xf32, #tpu.memory_space<vmem_shared>>
          tpu.wait_indirect_dma semaphore(%run_scoped3A : memref<!tpu.dma_semaphore, #tpu.memory_space<semaphore_mem>>) src(%dma_wait3A_1152 : memref<40x128xf32, #tpu.memory_space<vmem>>) dst(%dma_wait3A_1158 : memref<512x128xf32, #tpu.memory_space<vmem_shared>>)
          tpu.yield
        }) : () -> ()
      } else {
      }
      %select_n3A_841 = arith.select %and3A_812, %scan3A_833#0, %broadcast_in_dim3A_92 : vector<16xf32>
      %select_n3A_842 = arith.select %and3A_812, %scan3A_833#1, %broadcast_in_dim3A_92 : vector<16xf32>
      %select_n3A_843 = arith.select %and3A_812, %scan3A_833#2, %broadcast_in_dim3A_92 : vector<16xf32>
      %select_n3A_844 = arith.select %and3A_812, %scan3A_833#3, %broadcast_in_dim3A_92 : vector<16xf32>
      %select_n3A_845 = arith.select %and3A_812, %scan3A_833#4, %broadcast_in_dim3A_92 : vector<16xf32>
      %select_n3A_846 = arith.select %and3A_812, %scan3A_833#5, %broadcast_in_dim3A_92 : vector<16xf32>
      %select_n3A_847 = arith.select %and3A_812, %scan3A_833#6, %broadcast_in_dim3A_92 : vector<16xf32>
      %select_n3A_848 = arith.select %and3A_812, %scan3A_833#7, %broadcast_in_dim3A_92 : vector<16xf32>
      %select_n3A_849 = arith.select %and3A_812, %squeeze3A_805, %squeeze3A_807 : i32
      %add3A_850 = arith.constant 5 : i32
      %add3A_851 = arith.addi %add3A_720, %add3A_850 : i32
      %lt3A_852 = arith.constant 125 : i32
      %lt3A_853 = arith.cmpi slt, %add3A_851, %lt3A_852 : i32
      %convert_element_type3A_854 = arith.extui %lt3A_853 : i1 to i32
      %cond3A_855 = arith.constant 0 : i32
      %cond3A_856 = arith.cmpi ne, %convert_element_type3A_854, %cond3A_855 : i32
      scf.if %cond3A_856 {
        %add3A_1133 = arith.constant 5 : i32
        %add3A_1134 = arith.addi %add3A_720, %add3A_1133 : i32
        %mul3A_1135 = arith.constant 80 : i32
        %mul3A_1136 = arith.muli %add3A_1134, %mul3A_1135 : i32
        %add3A_1137 = arith.addi %mul3A_2, %mul3A_1136 : i32
        %dma_start3A_1138 = arith.constant 2 : i32
        %dma_start3A_1139 = arith.constant 0 : i32
        %dma_start3A_1140 = arith.constant 0 : i32
        %dma_start3A_1141 = tpu.memref_slice %arg7[%dma_start3A_1138, %dma_start3A_1139, %dma_start3A_1140] : memref<5x80x128xf32, #tpu.memory_space<vmem>> -> memref<1x80x128xf32, #tpu.memory_space<vmem>>
        %dma_start3A_1142 = tpu.memref_squeeze %dma_start3A_1141 : memref<1x80x128xf32, #tpu.memory_space<vmem>> -> memref<80x128xf32, #tpu.memory_space<vmem>>
        %dma_start3A_1143 = arith.constant 0 : i32
        %dma_start3A_1144 = tpu.memref_slice %arg2[%add3A_1137, %dma_start3A_1143] : memref<320000x128xf32, #tpu.memory_space<hbm>> -> memref<80x128xf32, #tpu.memory_space<hbm>>
        %dma_start3A_1145 = arith.constant 0 : i32
        %dma_start3A_1146 = arith.constant 0 : i32
        %dma_start3A_1147 = tpu.memref_slice %arg7[%dma_start3A_1138, %dma_start3A_1145, %dma_start3A_1146] : memref<5x80x128xf32, #tpu.memory_space<vmem>> -> memref<1x80x128xf32, #tpu.memory_space<vmem>>
        %dma_start3A_1148 = tpu.memref_squeeze %dma_start3A_1147 : memref<1x80x128xf32, #tpu.memory_space<vmem>> -> memref<80x128xf32, #tpu.memory_space<vmem>>
        %dma_start3A_1149 = arith.constant 0 : i32
        %dma_start3A_1150 = tpu.memref_slice %arg2[%add3A_1137, %dma_start3A_1149] : memref<320000x128xf32, #tpu.memory_space<hbm>> -> memref<80x128xf32, #tpu.memory_space<hbm>>
        tpu.enqueue_dma source(%dma_start3A_1150 : memref<80x128xf32, #tpu.memory_space<hbm>>) target(%dma_start3A_1148 : memref<80x128xf32, #tpu.memory_space<vmem>>) target_semaphore(%arg13 : memref<!tpu.dma_semaphore, #tpu.memory_space<semaphore_mem>>)
      } else {
      }
      %add3A_857 = arith.constant 3 : i32
      %add3A_858 = arith.addi %mul3A_449, %add3A_857 : i32
      %dma_wait3A_859 = arith.constant 3 : i32
      %dma_wait3A_860 = arith.constant 0 : i32
      %dma_wait3A_861 = arith.constant 0 : i32
      %dma_wait3A_862 = tpu.memref_slice %arg7[%dma_wait3A_859, %dma_wait3A_860, %dma_wait3A_861] : memref<5x80x128xf32, #tpu.memory_space<vmem>> -> memref<1x80x128xf32, #tpu.memory_space<vmem>>
      %dma_wait3A_863 = tpu.memref_squeeze %dma_wait3A_862 : memref<1x80x128xf32, #tpu.memory_space<vmem>> -> memref<80x128xf32, #tpu.memory_space<vmem>>
      %dma_wait3A_864 = arith.constant 0 : i32
      %dma_wait3A_865 = tpu.memref_slice %arg2[%mul3A_2, %dma_wait3A_864] : memref<320000x128xf32, #tpu.memory_space<hbm>> -> memref<80x128xf32, #tpu.memory_space<hbm>>
      %dma_wait3A_866 = arith.constant 0 : i32
      %dma_wait3A_867 = arith.constant 0 : i32
      %dma_wait3A_868 = tpu.memref_slice %arg7[%dma_wait3A_859, %dma_wait3A_866, %dma_wait3A_867] : memref<5x80x128xf32, #tpu.memory_space<vmem>> -> memref<1x80x128xf32, #tpu.memory_space<vmem>>
      %dma_wait3A_869 = tpu.memref_squeeze %dma_wait3A_868 : memref<1x80x128xf32, #tpu.memory_space<vmem>> -> memref<80x128xf32, #tpu.memory_space<vmem>>
      %dma_wait3A_870 = arith.constant 0 : i32
      %dma_wait3A_871 = tpu.memref_slice %arg2[%mul3A_2, %dma_wait3A_870] : memref<320000x128xf32, #tpu.memory_space<hbm>> -> memref<80x128xf32, #tpu.memory_space<hbm>>
      tpu.wait_dma2 semaphore(%arg14 : memref<!tpu.dma_semaphore, #tpu.memory_space<semaphore_mem>>) src(%dma_wait3A_871 : memref<80x128xf32, #tpu.memory_space<hbm>>) dst(%dma_wait3A_869 : memref<80x128xf32, #tpu.memory_space<vmem>>)
      %mul3A_872 = arith.constant 2 : i32
      %mul3A_873 = arith.muli %add3A_858, %mul3A_872 : i32
      %add3A_874 = arith.constant 0 : i32
      %add3A_875 = arith.addi %mul3A_873, %add3A_874 : i32
      %get3A_876 = arith.index_cast %add3A_875 : i32 to index
      %get3A_877 = arith.constant 0 : index
      %get3A_878 = tpu.vector_load %arg6[%get3A_876, %get3A_877] {strides = array<i32>} : memref<250x40xi32, #tpu.memory_space<vmem>>, vector<1x16xi32>,
      %get3A_879 = vector.shape_cast %get3A_878 : vector<1x16xi32> to vector<16xi32>
      %get3A_880 = arith.index_cast %add3A_875 : i32 to index
      %get3A_881 = arith.constant 24 : index
      %get3A_882 = tpu.vector_load %arg6[%get3A_880, %get3A_881] {strides = array<i32>} : memref<250x40xi32, #tpu.memory_space<vmem>>, vector<1x16xi32>,
      %get3A_883 = vector.shape_cast %get3A_882 : vector<1x16xi32> to vector<16xi32>
      %slice3A_884 = vector.extract_strided_slice %get3A_879 {offsets = [0], sizes = [1], strides = [1]} : vector<16xi32> to vector<1xi32>
      %squeeze3A_885 = vector.extract %slice3A_884[0] : i32 from vector<1xi32>
      %slice3A_886 = vector.extract_strided_slice %get3A_883 {offsets = [15], sizes = [1], strides = [1]} : vector<16xi32> to vector<1xi32>
      %squeeze3A_887 = vector.extract %slice3A_886[0] : i32 from vector<1xi32>
      %eq3A_888 = arith.cmpi eq, %squeeze3A_885, %squeeze3A_887 : i32
      %sub3A_889 = arith.subi %squeeze3A_887, %squeeze3A : i32
      %lt3A_890 = arith.constant 256 : i32
      %lt3A_891 = arith.cmpi slt, %sub3A_889, %lt3A_890 : i32
      %and3A_892 = arith.andi %eq3A_888, %lt3A_891 : i1
      %not3A_893 = arith.constant true
      %not3A_894 = arith.xori %and3A_892, %not3A_893 : i1
      %ne3A_895 = arith.cmpi ne, %squeeze3A_885, %select_n3A_849 : i32
      %or3A_896 = arith.ori %not3A_894, %ne3A_895 : i1
      %convert_element_type3A_897 = arith.extui %or3A_896 : i1 to i32
      %cond3A_898 = arith.constant 0 : i32
      %cond3A_899 = arith.cmpi ne, %convert_element_type3A_897, %cond3A_898 : i32
      scf.if %cond3A_899 {
        %sub3A_1133 = arith.subi %select_n3A_849, %squeeze3A : i32
        %min3A_1134 = arith.constant 255 : i32
        %min3A_1135 = arith.minsi %sub3A_1133, %min3A_1134 : i32
        %get3A_1136 = arith.index_cast %min3A_1135 : i32 to index
        %get3A_1137 = arith.constant 0 : index
        %get3A_1138 = tpu.vector_load %arg8[%get3A_1136, %get3A_1137] {strides = array<i32>} : memref<256x128xf32, #tpu.memory_space<vmem>>, vector<1x16xf32>,
        %get3A_1139 = vector.shape_cast %get3A_1138 : vector<1x16xf32> to vector<16xf32>
        %add3A_1140 = arith.addf %get3A_1139, %select_n3A_841 : vector<16xf32>
        %swap3A_1141 = arith.index_cast %min3A_1135 : i32 to index
        %swap3A_1142 = arith.constant 0 : index
        %swap3A_1143 = tpu.vector_load %arg8[%swap3A_1141, %swap3A_1142] {strides = array<i32>} : memref<256x128xf32, #tpu.memory_space<vmem>>, vector<1x16xf32>,
        %swap3A_1144 = vector.shape_cast %swap3A_1143 : vector<1x16xf32> to vector<16xf32>
        %swap3A_1145 = vector.shape_cast %add3A_1140 : vector<16xf32> to vector<1x16xf32>
        tpu.vector_store %arg8[%swap3A_1141, %swap3A_1142], %swap3A_1145 {strides = array<i32>} : memref<256x128xf32, #tpu.memory_space<vmem>>, vector<1x16xf32>,
        %get3A_1146 = arith.index_cast %min3A_1135 : i32 to index
        %get3A_1147 = arith.constant 16 : index
        %get3A_1148 = tpu.vector_load %arg8[%get3A_1146, %get3A_1147] {strides = array<i32>} : memref<256x128xf32, #tpu.memory_space<vmem>>, vector<1x16xf32>,
        %get3A_1149 = vector.shape_cast %get3A_1148 : vector<1x16xf32> to vector<16xf32>
        %add3A_1150 = arith.addf %get3A_1149, %select_n3A_842 : vector<16xf32>
        %swap3A_1151 = arith.index_cast %min3A_1135 : i32 to index
        %swap3A_1152 = arith.constant 16 : index
        %swap3A_1153 = tpu.vector_load %arg8[%swap3A_1151, %swap3A_1152] {strides = array<i32>} : memref<256x128xf32, #tpu.memory_space<vmem>>, vector<1x16xf32>,
        %swap3A_1154 = vector.shape_cast %swap3A_1153 : vector<1x16xf32> to vector<16xf32>
        %swap3A_1155 = vector.shape_cast %add3A_1150 : vector<16xf32> to vector<1x16xf32>
        tpu.vector_store %arg8[%swap3A_1151, %swap3A_1152], %swap3A_1155 {strides = array<i32>} : memref<256x128xf32, #tpu.memory_space<vmem>>, vector<1x16xf32>,
        %get3A_1156 = arith.index_cast %min3A_1135 : i32 to index
        %get3A_1157 = arith.constant 32 : index
        %get3A_1158 = tpu.vector_load %arg8[%get3A_1156, %get3A_1157] {strides = array<i32>} : memref<256x128xf32, #tpu.memory_space<vmem>>, vector<1x16xf32>,
        %get3A_1159 = vector.shape_cast %get3A_1158 : vector<1x16xf32> to vector<16xf32>
        %add3A_1160 = arith.addf %get3A_1159, %select_n3A_843 : vector<16xf32>
        %swap3A_1161 = arith.index_cast %min3A_1135 : i32 to index
        %swap3A_1162 = arith.constant 32 : index
        %swap3A_1163 = tpu.vector_load %arg8[%swap3A_1161, %swap3A_1162] {strides = array<i32>} : memref<256x128xf32, #tpu.memory_space<vmem>>, vector<1x16xf32>,
        %swap3A_1164 = vector.shape_cast %swap3A_1163 : vector<1x16xf32> to vector<16xf32>
        %swap3A_1165 = vector.shape_cast %add3A_1160 : vector<16xf32> to vector<1x16xf32>
        tpu.vector_store %arg8[%swap3A_1161, %swap3A_1162], %swap3A_1165 {strides = array<i32>} : memref<256x128xf32, #tpu.memory_space<vmem>>, vector<1x16xf32>,
        %get3A_1166 = arith.index_cast %min3A_1135 : i32 to index
        %get3A_1167 = arith.constant 48 : index
        %get3A_1168 = tpu.vector_load %arg8[%get3A_1166, %get3A_1167] {strides = array<i32>} : memref<256x128xf32, #tpu.memory_space<vmem>>, vector<1x16xf32>,
        %get3A_1169 = vector.shape_cast %get3A_1168 : vector<1x16xf32> to vector<16xf32>
        %add3A_1170 = arith.addf %get3A_1169, %select_n3A_844 : vector<16xf32>
        %swap3A_1171 = arith.index_cast %min3A_1135 : i32 to index
        %swap3A_1172 = arith.constant 48 : index
        %swap3A_1173 = tpu.vector_load %arg8[%swap3A_1171, %swap3A_1172] {strides = array<i32>} : memref<256x128xf32, #tpu.memory_space<vmem>>, vector<1x16xf32>,
        %swap3A_1174 = vector.shape_cast %swap3A_1173 : vector<1x16xf32> to vector<16xf32>
        %swap3A_1175 = vector.shape_cast %add3A_1170 : vector<16xf32> to vector<1x16xf32>
        tpu.vector_store %arg8[%swap3A_1171, %swap3A_1172], %swap3A_1175 {strides = array<i32>} : memref<256x128xf32, #tpu.memory_space<vmem>>, vector<1x16xf32>,
        %get3A_1176 = arith.index_cast %min3A_1135 : i32 to index
        %get3A_1177 = arith.constant 64 : index
        %get3A_1178 = tpu.vector_load %arg8[%get3A_1176, %get3A_1177] {strides = array<i32>} : memref<256x128xf32, #tpu.memory_space<vmem>>, vector<1x16xf32>,
        %get3A_1179 = vector.shape_cast %get3A_1178 : vector<1x16xf32> to vector<16xf32>
        %add3A_1180 = arith.addf %get3A_1179, %select_n3A_845 : vector<16xf32>
        %swap3A_1181 = arith.index_cast %min3A_1135 : i32 to index
        %swap3A_1182 = arith.constant 64 : index
        %swap3A_1183 = tpu.vector_load %arg8[%swap3A_1181, %swap3A_1182] {strides = array<i32>} : memref<256x128xf32, #tpu.memory_space<vmem>>, vector<1x16xf32>,
        %swap3A_1184 = vector.shape_cast %swap3A_1183 : vector<1x16xf32> to vector<16xf32>
        %swap3A_1185 = vector.shape_cast %add3A_1180 : vector<16xf32> to vector<1x16xf32>
        tpu.vector_store %arg8[%swap3A_1181, %swap3A_1182], %swap3A_1185 {strides = array<i32>} : memref<256x128xf32, #tpu.memory_space<vmem>>, vector<1x16xf32>,
        %get3A_1186 = arith.index_cast %min3A_1135 : i32 to index
        %get3A_1187 = arith.constant 80 : index
        %get3A_1188 = tpu.vector_load %arg8[%get3A_1186, %get3A_1187] {strides = array<i32>} : memref<256x128xf32, #tpu.memory_space<vmem>>, vector<1x16xf32>,
        %get3A_1189 = vector.shape_cast %get3A_1188 : vector<1x16xf32> to vector<16xf32>
        %add3A_1190 = arith.addf %get3A_1189, %select_n3A_846 : vector<16xf32>
        %swap3A_1191 = arith.index_cast %min3A_1135 : i32 to index
        %swap3A_1192 = arith.constant 80 : index
        %swap3A_1193 = tpu.vector_load %arg8[%swap3A_1191, %swap3A_1192] {strides = array<i32>} : memref<256x128xf32, #tpu.memory_space<vmem>>, vector<1x16xf32>,
        %swap3A_1194 = vector.shape_cast %swap3A_1193 : vector<1x16xf32> to vector<16xf32>
        %swap3A_1195 = vector.shape_cast %add3A_1190 : vector<16xf32> to vector<1x16xf32>
        tpu.vector_store %arg8[%swap3A_1191, %swap3A_1192], %swap3A_1195 {strides = array<i32>} : memref<256x128xf32, #tpu.memory_space<vmem>>, vector<1x16xf32>,
        %get3A_1196 = arith.index_cast %min3A_1135 : i32 to index
        %get3A_1197 = arith.constant 96 : index
        %get3A_1198 = tpu.vector_load %arg8[%get3A_1196, %get3A_1197] {strides = array<i32>} : memref<256x128xf32, #tpu.memory_space<vmem>>, vector<1x16xf32>,
        %get3A_1199 = vector.shape_cast %get3A_1198 : vector<1x16xf32> to vector<16xf32>
        %add3A_1200 = arith.addf %get3A_1199, %select_n3A_847 : vector<16xf32>
        %swap3A_1201 = arith.index_cast %min3A_1135 : i32 to index
        %swap3A_1202 = arith.constant 96 : index
        %swap3A_1203 = tpu.vector_load %arg8[%swap3A_1201, %swap3A_1202] {strides = array<i32>} : memref<256x128xf32, #tpu.memory_space<vmem>>, vector<1x16xf32>,
        %swap3A_1204 = vector.shape_cast %swap3A_1203 : vector<1x16xf32> to vector<16xf32>
        %swap3A_1205 = vector.shape_cast %add3A_1200 : vector<16xf32> to vector<1x16xf32>
        tpu.vector_store %arg8[%swap3A_1201, %swap3A_1202], %swap3A_1205 {strides = array<i32>} : memref<256x128xf32, #tpu.memory_space<vmem>>, vector<1x16xf32>,
        %get3A_1206 = arith.index_cast %min3A_1135 : i32 to index
        %get3A_1207 = arith.constant 112 : index
        %get3A_1208 = tpu.vector_load %arg8[%get3A_1206, %get3A_1207] {strides = array<i32>} : memref<256x128xf32, #tpu.memory_space<vmem>>, vector<1x16xf32>,
        %get3A_1209 = vector.shape_cast %get3A_1208 : vector<1x16xf32> to vector<16xf32>
        %add3A_1210 = arith.addf %get3A_1209, %select_n3A_848 : vector<16xf32>
        %swap3A_1211 = arith.index_cast %min3A_1135 : i32 to index
        %swap3A_1212 = arith.constant 112 : index
        %swap3A_1213 = tpu.vector_load %arg8[%swap3A_1211, %swap3A_1212] {strides = array<i32>} : memref<256x128xf32, #tpu.memory_space<vmem>>, vector<1x16xf32>,
        %swap3A_1214 = vector.shape_cast %swap3A_1213 : vector<1x16xf32> to vector<16xf32>
        %swap3A_1215 = vector.shape_cast %add3A_1210 : vector<16xf32> to vector<1x16xf32>
        tpu.vector_store %arg8[%swap3A_1211, %swap3A_1212], %swap3A_1215 {strides = array<i32>} : memref<256x128xf32, #tpu.memory_space<vmem>>, vector<1x16xf32>,
      } else {
      }
      %select_n3A_900 = arith.select %or3A_896, %broadcast_in_dim3A_92, %select_n3A_841 : vector<16xf32>
      %select_n3A_901 = arith.select %or3A_896, %broadcast_in_dim3A_92, %select_n3A_842 : vector<16xf32>
      %select_n3A_902 = arith.select %or3A_896, %broadcast_in_dim3A_92, %select_n3A_843 : vector<16xf32>
      %select_n3A_903 = arith.select %or3A_896, %broadcast_in_dim3A_92, %select_n3A_844 : vector<16xf32>
      %select_n3A_904 = arith.select %or3A_896, %broadcast_in_dim3A_92, %select_n3A_845 : vector<16xf32>
      %select_n3A_905 = arith.select %or3A_896, %broadcast_in_dim3A_92, %select_n3A_846 : vector<16xf32>
      %select_n3A_906 = arith.select %or3A_896, %broadcast_in_dim3A_92, %select_n3A_847 : vector<16xf32>
      %select_n3A_907 = arith.select %or3A_896, %broadcast_in_dim3A_92, %select_n3A_848 : vector<16xf32>
      %scan3A_908 = arith.constant 3 : i32
      %scan3A_909 = arith.constant 0 : i32
      %scan3A_910 = arith.constant 20 : i32
      %scan3A_911 = arith.addi %scan3A_909, %scan3A_910 : i32
      %scan3A_912 = arith.constant 1 : i32
      %scan3A_913:8 = scf.for %scan3A_1133 = %scan3A_909 to %scan3A_911 step %scan3A_912 iter_args(%scan3A_1134 = %select_n3A_900, %scan3A_1135 = %select_n3A_901, %scan3A_1136 = %select_n3A_902, %scan3A_1137 = %select_n3A_903, %scan3A_1138 = %select_n3A_904, %scan3A_1139 = %select_n3A_905, %scan3A_1140 = %select_n3A_906, %scan3A_1141 = %select_n3A_907) -> (vector<16xf32>, vector<16xf32>, vector<16xf32>, vector<16xf32>, vector<16xf32>, vector<16xf32>, vector<16xf32>, vector<16xf32>)  : i32 {
        %mul3A_1142 = arith.constant 2 : i32
        %mul3A_1143 = arith.muli %scan3A_1133, %mul3A_1142 : i32
        %add3A_1144 = arith.constant 0 : i32
        %add3A_1145 = arith.addi %add3A_1144, %mul3A_1143 : i32
        %get3A_1146 = arith.constant 0 : i32
        %get3A_1147 = arith.constant 0 : i32
        %get3A_1148 = tpu.memref_slice %arg7[%scan3A_908, %get3A_1146, %get3A_1147] : memref<5x80x128xf32, #tpu.memory_space<vmem>> -> memref<1x80x128xf32, #tpu.memory_space<vmem>>
        %get3A_1149 = tpu.memref_squeeze %get3A_1148 : memref<1x80x128xf32, #tpu.memory_space<vmem>> -> memref<80x128xf32, #tpu.memory_space<vmem>>
        %get3A_1150 = arith.index_cast %add3A_1145 : i32 to index
        %get3A_1151 = arith.constant 0 : index
        %get3A_1152 = tpu.vector_load %get3A_1149[%get3A_1150, %get3A_1151] {strides = array<i32>} : memref<80x128xf32, #tpu.memory_space<vmem>>, vector<1x16xf32>,
        %get3A_1153 = vector.shape_cast %get3A_1152 : vector<1x16xf32> to vector<16xf32>
        %add3A_1154 = arith.addf %scan3A_1134, %get3A_1153 : vector<16xf32>
        %get3A_1155 = arith.constant 0 : i32
        %get3A_1156 = arith.constant 0 : i32
        %get3A_1157 = tpu.memref_slice %arg7[%scan3A_908, %get3A_1155, %get3A_1156] : memref<5x80x128xf32, #tpu.memory_space<vmem>> -> memref<1x80x128xf32, #tpu.memory_space<vmem>>
        %get3A_1158 = tpu.memref_squeeze %get3A_1157 : memref<1x80x128xf32, #tpu.memory_space<vmem>> -> memref<80x128xf32, #tpu.memory_space<vmem>>
        %get3A_1159 = arith.index_cast %add3A_1145 : i32 to index
        %get3A_1160 = arith.constant 16 : index
        %get3A_1161 = tpu.vector_load %get3A_1158[%get3A_1159, %get3A_1160] {strides = array<i32>} : memref<80x128xf32, #tpu.memory_space<vmem>>, vector<1x16xf32>,
        %get3A_1162 = vector.shape_cast %get3A_1161 : vector<1x16xf32> to vector<16xf32>
        %add3A_1163 = arith.addf %scan3A_1135, %get3A_1162 : vector<16xf32>
        %get3A_1164 = arith.constant 0 : i32
        %get3A_1165 = arith.constant 0 : i32
        %get3A_1166 = tpu.memref_slice %arg7[%scan3A_908, %get3A_1164, %get3A_1165] : memref<5x80x128xf32, #tpu.memory_space<vmem>> -> memref<1x80x128xf32, #tpu.memory_space<vmem>>
        %get3A_1167 = tpu.memref_squeeze %get3A_1166 : memref<1x80x128xf32, #tpu.memory_space<vmem>> -> memref<80x128xf32, #tpu.memory_space<vmem>>
        %get3A_1168 = arith.index_cast %add3A_1145 : i32 to index
        %get3A_1169 = arith.constant 32 : index
        %get3A_1170 = tpu.vector_load %get3A_1167[%get3A_1168, %get3A_1169] {strides = array<i32>} : memref<80x128xf32, #tpu.memory_space<vmem>>, vector<1x16xf32>,
        %get3A_1171 = vector.shape_cast %get3A_1170 : vector<1x16xf32> to vector<16xf32>
        %add3A_1172 = arith.addf %scan3A_1136, %get3A_1171 : vector<16xf32>
        %get3A_1173 = arith.constant 0 : i32
        %get3A_1174 = arith.constant 0 : i32
        %get3A_1175 = tpu.memref_slice %arg7[%scan3A_908, %get3A_1173, %get3A_1174] : memref<5x80x128xf32, #tpu.memory_space<vmem>> -> memref<1x80x128xf32, #tpu.memory_space<vmem>>
        %get3A_1176 = tpu.memref_squeeze %get3A_1175 : memref<1x80x128xf32, #tpu.memory_space<vmem>> -> memref<80x128xf32, #tpu.memory_space<vmem>>
        %get3A_1177 = arith.index_cast %add3A_1145 : i32 to index
        %get3A_1178 = arith.constant 48 : index
        %get3A_1179 = tpu.vector_load %get3A_1176[%get3A_1177, %get3A_1178] {strides = array<i32>} : memref<80x128xf32, #tpu.memory_space<vmem>>, vector<1x16xf32>,
        %get3A_1180 = vector.shape_cast %get3A_1179 : vector<1x16xf32> to vector<16xf32>
        %add3A_1181 = arith.addf %scan3A_1137, %get3A_1180 : vector<16xf32>
        %get3A_1182 = arith.constant 0 : i32
        %get3A_1183 = arith.constant 0 : i32
        %get3A_1184 = tpu.memref_slice %arg7[%scan3A_908, %get3A_1182, %get3A_1183] : memref<5x80x128xf32, #tpu.memory_space<vmem>> -> memref<1x80x128xf32, #tpu.memory_space<vmem>>
        %get3A_1185 = tpu.memref_squeeze %get3A_1184 : memref<1x80x128xf32, #tpu.memory_space<vmem>> -> memref<80x128xf32, #tpu.memory_space<vmem>>
        %get3A_1186 = arith.index_cast %add3A_1145 : i32 to index
        %get3A_1187 = arith.constant 64 : index
        %get3A_1188 = tpu.vector_load %get3A_1185[%get3A_1186, %get3A_1187] {strides = array<i32>} : memref<80x128xf32, #tpu.memory_space<vmem>>, vector<1x16xf32>,
        %get3A_1189 = vector.shape_cast %get3A_1188 : vector<1x16xf32> to vector<16xf32>
        %add3A_1190 = arith.addf %scan3A_1138, %get3A_1189 : vector<16xf32>
        %get3A_1191 = arith.constant 0 : i32
        %get3A_1192 = arith.constant 0 : i32
        %get3A_1193 = tpu.memref_slice %arg7[%scan3A_908, %get3A_1191, %get3A_1192] : memref<5x80x128xf32, #tpu.memory_space<vmem>> -> memref<1x80x128xf32, #tpu.memory_space<vmem>>
        %get3A_1194 = tpu.memref_squeeze %get3A_1193 : memref<1x80x128xf32, #tpu.memory_space<vmem>> -> memref<80x128xf32, #tpu.memory_space<vmem>>
        %get3A_1195 = arith.index_cast %add3A_1145 : i32 to index
        %get3A_1196 = arith.constant 80 : index
        %get3A_1197 = tpu.vector_load %get3A_1194[%get3A_1195, %get3A_1196] {strides = array<i32>} : memref<80x128xf32, #tpu.memory_space<vmem>>, vector<1x16xf32>,
        %get3A_1198 = vector.shape_cast %get3A_1197 : vector<1x16xf32> to vector<16xf32>
        %add3A_1199 = arith.addf %scan3A_1139, %get3A_1198 : vector<16xf32>
        %get3A_1200 = arith.constant 0 : i32
        %get3A_1201 = arith.constant 0 : i32
        %get3A_1202 = tpu.memref_slice %arg7[%scan3A_908, %get3A_1200, %get3A_1201] : memref<5x80x128xf32, #tpu.memory_space<vmem>> -> memref<1x80x128xf32, #tpu.memory_space<vmem>>
        %get3A_1203 = tpu.memref_squeeze %get3A_1202 : memref<1x80x128xf32, #tpu.memory_space<vmem>> -> memref<80x128xf32, #tpu.memory_space<vmem>>
        %get3A_1204 = arith.index_cast %add3A_1145 : i32 to index
        %get3A_1205 = arith.constant 96 : index
        %get3A_1206 = tpu.vector_load %get3A_1203[%get3A_1204, %get3A_1205] {strides = array<i32>} : memref<80x128xf32, #tpu.memory_space<vmem>>, vector<1x16xf32>,
        %get3A_1207 = vector.shape_cast %get3A_1206 : vector<1x16xf32> to vector<16xf32>
        %add3A_1208 = arith.addf %scan3A_1140, %get3A_1207 : vector<16xf32>
        %get3A_1209 = arith.constant 0 : i32
        %get3A_1210 = arith.constant 0 : i32
        %get3A_1211 = tpu.memref_slice %arg7[%scan3A_908, %get3A_1209, %get3A_1210] : memref<5x80x128xf32, #tpu.memory_space<vmem>> -> memref<1x80x128xf32, #tpu.memory_space<vmem>>
        %get3A_1212 = tpu.memref_squeeze %get3A_1211 : memref<1x80x128xf32, #tpu.memory_space<vmem>> -> memref<80x128xf32, #tpu.memory_space<vmem>>
        %get3A_1213 = arith.index_cast %add3A_1145 : i32 to index
        %get3A_1214 = arith.constant 112 : index
        %get3A_1215 = tpu.vector_load %get3A_1212[%get3A_1213, %get3A_1214] {strides = array<i32>} : memref<80x128xf32, #tpu.memory_space<vmem>>, vector<1x16xf32>,
        %get3A_1216 = vector.shape_cast %get3A_1215 : vector<1x16xf32> to vector<16xf32>
        %add3A_1217 = arith.addf %scan3A_1141, %get3A_1216 : vector<16xf32>
        %add3A_1218 = arith.constant 1 : i32
        %add3A_1219 = arith.addi %add3A_1145, %add3A_1218 : i32
        %get3A_1220 = arith.constant 0 : i32
        %get3A_1221 = arith.constant 0 : i32
        %get3A_1222 = tpu.memref_slice %arg7[%scan3A_908, %get3A_1220, %get3A_1221] : memref<5x80x128xf32, #tpu.memory_space<vmem>> -> memref<1x80x128xf32, #tpu.memory_space<vmem>>
        %get3A_1223 = tpu.memref_squeeze %get3A_1222 : memref<1x80x128xf32, #tpu.memory_space<vmem>> -> memref<80x128xf32, #tpu.memory_space<vmem>>
        %get3A_1224 = arith.index_cast %add3A_1219 : i32 to index
        %get3A_1225 = arith.constant 0 : index
        %get3A_1226 = tpu.vector_load %get3A_1223[%get3A_1224, %get3A_1225] {strides = array<i32>} : memref<80x128xf32, #tpu.memory_space<vmem>>, vector<1x16xf32>,
        %get3A_1227 = vector.shape_cast %get3A_1226 : vector<1x16xf32> to vector<16xf32>
        %add3A_1228 = arith.addf %add3A_1154, %get3A_1227 : vector<16xf32>
        %add3A_1229 = arith.constant 1 : i32
        %add3A_1230 = arith.addi %add3A_1145, %add3A_1229 : i32
        %get3A_1231 = arith.constant 0 : i32
        %get3A_1232 = arith.constant 0 : i32
        %get3A_1233 = tpu.memref_slice %arg7[%scan3A_908, %get3A_1231, %get3A_1232] : memref<5x80x128xf32, #tpu.memory_space<vmem>> -> memref<1x80x128xf32, #tpu.memory_space<vmem>>
        %get3A_1234 = tpu.memref_squeeze %get3A_1233 : memref<1x80x128xf32, #tpu.memory_space<vmem>> -> memref<80x128xf32, #tpu.memory_space<vmem>>
        %get3A_1235 = arith.index_cast %add3A_1230 : i32 to index
        %get3A_1236 = arith.constant 16 : index
        %get3A_1237 = tpu.vector_load %get3A_1234[%get3A_1235, %get3A_1236] {strides = array<i32>} : memref<80x128xf32, #tpu.memory_space<vmem>>, vector<1x16xf32>,
        %get3A_1238 = vector.shape_cast %get3A_1237 : vector<1x16xf32> to vector<16xf32>
        %add3A_1239 = arith.addf %add3A_1163, %get3A_1238 : vector<16xf32>
        %add3A_1240 = arith.constant 1 : i32
        %add3A_1241 = arith.addi %add3A_1145, %add3A_1240 : i32
        %get3A_1242 = arith.constant 0 : i32
        %get3A_1243 = arith.constant 0 : i32
        %get3A_1244 = tpu.memref_slice %arg7[%scan3A_908, %get3A_1242, %get3A_1243] : memref<5x80x128xf32, #tpu.memory_space<vmem>> -> memref<1x80x128xf32, #tpu.memory_space<vmem>>
        %get3A_1245 = tpu.memref_squeeze %get3A_1244 : memref<1x80x128xf32, #tpu.memory_space<vmem>> -> memref<80x128xf32, #tpu.memory_space<vmem>>
        %get3A_1246 = arith.index_cast %add3A_1241 : i32 to index
        %get3A_1247 = arith.constant 32 : index
        %get3A_1248 = tpu.vector_load %get3A_1245[%get3A_1246, %get3A_1247] {strides = array<i32>} : memref<80x128xf32, #tpu.memory_space<vmem>>, vector<1x16xf32>,
        %get3A_1249 = vector.shape_cast %get3A_1248 : vector<1x16xf32> to vector<16xf32>
        %add3A_1250 = arith.addf %add3A_1172, %get3A_1249 : vector<16xf32>
        %add3A_1251 = arith.constant 1 : i32
        %add3A_1252 = arith.addi %add3A_1145, %add3A_1251 : i32
        %get3A_1253 = arith.constant 0 : i32
        %get3A_1254 = arith.constant 0 : i32
        %get3A_1255 = tpu.memref_slice %arg7[%scan3A_908, %get3A_1253, %get3A_1254] : memref<5x80x128xf32, #tpu.memory_space<vmem>> -> memref<1x80x128xf32, #tpu.memory_space<vmem>>
        %get3A_1256 = tpu.memref_squeeze %get3A_1255 : memref<1x80x128xf32, #tpu.memory_space<vmem>> -> memref<80x128xf32, #tpu.memory_space<vmem>>
        %get3A_1257 = arith.index_cast %add3A_1252 : i32 to index
        %get3A_1258 = arith.constant 48 : index
        %get3A_1259 = tpu.vector_load %get3A_1256[%get3A_1257, %get3A_1258] {strides = array<i32>} : memref<80x128xf32, #tpu.memory_space<vmem>>, vector<1x16xf32>,
        %get3A_1260 = vector.shape_cast %get3A_1259 : vector<1x16xf32> to vector<16xf32>
        %add3A_1261 = arith.addf %add3A_1181, %get3A_1260 : vector<16xf32>
        %add3A_1262 = arith.constant 1 : i32
        %add3A_1263 = arith.addi %add3A_1145, %add3A_1262 : i32
        %get3A_1264 = arith.constant 0 : i32
        %get3A_1265 = arith.constant 0 : i32
        %get3A_1266 = tpu.memref_slice %arg7[%scan3A_908, %get3A_1264, %get3A_1265] : memref<5x80x128xf32, #tpu.memory_space<vmem>> -> memref<1x80x128xf32, #tpu.memory_space<vmem>>
        %get3A_1267 = tpu.memref_squeeze %get3A_1266 : memref<1x80x128xf32, #tpu.memory_space<vmem>> -> memref<80x128xf32, #tpu.memory_space<vmem>>
        %get3A_1268 = arith.index_cast %add3A_1263 : i32 to index
        %get3A_1269 = arith.constant 64 : index
        %get3A_1270 = tpu.vector_load %get3A_1267[%get3A_1268, %get3A_1269] {strides = array<i32>} : memref<80x128xf32, #tpu.memory_space<vmem>>, vector<1x16xf32>,
        %get3A_1271 = vector.shape_cast %get3A_1270 : vector<1x16xf32> to vector<16xf32>
        %add3A_1272 = arith.addf %add3A_1190, %get3A_1271 : vector<16xf32>
        %add3A_1273 = arith.constant 1 : i32
        %add3A_1274 = arith.addi %add3A_1145, %add3A_1273 : i32
        %get3A_1275 = arith.constant 0 : i32
        %get3A_1276 = arith.constant 0 : i32
        %get3A_1277 = tpu.memref_slice %arg7[%scan3A_908, %get3A_1275, %get3A_1276] : memref<5x80x128xf32, #tpu.memory_space<vmem>> -> memref<1x80x128xf32, #tpu.memory_space<vmem>>
        %get3A_1278 = tpu.memref_squeeze %get3A_1277 : memref<1x80x128xf32, #tpu.memory_space<vmem>> -> memref<80x128xf32, #tpu.memory_space<vmem>>
        %get3A_1279 = arith.index_cast %add3A_1274 : i32 to index
        %get3A_1280 = arith.constant 80 : index
        %get3A_1281 = tpu.vector_load %get3A_1278[%get3A_1279, %get3A_1280] {strides = array<i32>} : memref<80x128xf32, #tpu.memory_space<vmem>>, vector<1x16xf32>,
        %get3A_1282 = vector.shape_cast %get3A_1281 : vector<1x16xf32> to vector<16xf32>
        %add3A_1283 = arith.addf %add3A_1199, %get3A_1282 : vector<16xf32>
        %add3A_1284 = arith.constant 1 : i32
        %add3A_1285 = arith.addi %add3A_1145, %add3A_1284 : i32
        %get3A_1286 = arith.constant 0 : i32
        %get3A_1287 = arith.constant 0 : i32
        %get3A_1288 = tpu.memref_slice %arg7[%scan3A_908, %get3A_1286, %get3A_1287] : memref<5x80x128xf32, #tpu.memory_space<vmem>> -> memref<1x80x128xf32, #tpu.memory_space<vmem>>
        %get3A_1289 = tpu.memref_squeeze %get3A_1288 : memref<1x80x128xf32, #tpu.memory_space<vmem>> -> memref<80x128xf32, #tpu.memory_space<vmem>>
        %get3A_1290 = arith.index_cast %add3A_1285 : i32 to index
        %get3A_1291 = arith.constant 96 : index
        %get3A_1292 = tpu.vector_load %get3A_1289[%get3A_1290, %get3A_1291] {strides = array<i32>} : memref<80x128xf32, #tpu.memory_space<vmem>>, vector<1x16xf32>,
        %get3A_1293 = vector.shape_cast %get3A_1292 : vector<1x16xf32> to vector<16xf32>
        %add3A_1294 = arith.addf %add3A_1208, %get3A_1293 : vector<16xf32>
        %add3A_1295 = arith.constant 1 : i32
        %add3A_1296 = arith.addi %add3A_1145, %add3A_1295 : i32
        %get3A_1297 = arith.constant 0 : i32
        %get3A_1298 = arith.constant 0 : i32
        %get3A_1299 = tpu.memref_slice %arg7[%scan3A_908, %get3A_1297, %get3A_1298] : memref<5x80x128xf32, #tpu.memory_space<vmem>> -> memref<1x80x128xf32, #tpu.memory_space<vmem>>
        %get3A_1300 = tpu.memref_squeeze %get3A_1299 : memref<1x80x128xf32, #tpu.memory_space<vmem>> -> memref<80x128xf32, #tpu.memory_space<vmem>>
        %get3A_1301 = arith.index_cast %add3A_1296 : i32 to index
        %get3A_1302 = arith.constant 112 : index
        %get3A_1303 = tpu.vector_load %get3A_1300[%get3A_1301, %get3A_1302] {strides = array<i32>} : memref<80x128xf32, #tpu.memory_space<vmem>>, vector<1x16xf32>,
        %get3A_1304 = vector.shape_cast %get3A_1303 : vector<1x16xf32> to vector<16xf32>
        %add3A_1305 = arith.addf %add3A_1217, %get3A_1304 : vector<16xf32>
        scf.yield %add3A_1228, %add3A_1239, %add3A_1250, %add3A_1261, %add3A_1272, %add3A_1283, %add3A_1294, %add3A_1305 : vector<16xf32>, vector<16xf32>, vector<16xf32>, vector<16xf32>, vector<16xf32>, vector<16xf32>, vector<16xf32>, vector<16xf32>
      }
      %scan3A_914 = arith.constant 20 : i32
      %not3A_915 = arith.constant true
      %not3A_916 = arith.xori %and3A_892, %not3A_915 : i1
      %convert_element_type3A_917 = arith.extui %not3A_916 : i1 to i32
      %cond3A_918 = arith.constant 3 : i32
      %cond3A_919 = arith.constant 0 : i32
      %cond3A_920 = arith.cmpi ne, %convert_element_type3A_917, %cond3A_919 : i32
      scf.if %cond3A_920 {
        "tpu.region"() ({
          %run_scoped3A = tpu.sem_alloc : memref<!tpu.dma_semaphore, #tpu.memory_space<semaphore_mem>>
          %dma_start3A_1133 = arith.constant 0 : i32
          %dma_start3A_1134 = arith.constant 0 : i32
          %dma_start3A_1135 = tpu.memref_slice %arg7[%cond3A_918, %dma_start3A_1133, %dma_start3A_1134] : memref<5x80x128xf32, #tpu.memory_space<vmem>> -> memref<1x80x128xf32, #tpu.memory_space<vmem>>
          %dma_start3A_1136 = tpu.memref_squeeze %dma_start3A_1135 : memref<1x80x128xf32, #tpu.memory_space<vmem>> -> memref<80x128xf32, #tpu.memory_space<vmem>>
          %dma_start3A_1137 = arith.constant 0 : i32
          %dma_start3A_1138 = arith.constant 0 : i32
          %dma_start3A_1139 = tpu.memref_slice %dma_start3A_1136[%dma_start3A_1137, %dma_start3A_1138] : memref<80x128xf32, #tpu.memory_space<vmem>> -> memref<40x128xf32, #tpu.memory_space<vmem>>
          %dma_start3A_1140 = arith.constant 0 : i32
          %dma_start3A_1141 = tpu.memref_slice %arg6[%add3A_875, %dma_start3A_1140] : memref<250x40xi32, #tpu.memory_space<vmem>> -> memref<1x40xi32, #tpu.memory_space<vmem>>
          %dma_start3A_1142 = tpu.memref_squeeze %dma_start3A_1141 : memref<1x40xi32, #tpu.memory_space<vmem>> -> memref<40xi32, #tpu.memory_space<vmem>>
          %dma_start3A_1143 = arith.constant 0 : i32
          %dma_start3A_1144 = arith.constant 0 : i32
          %dma_start3A_1145 = tpu.memref_slice %arg10[%dma_start3A_1143, %dma_start3A_1144] : memref<512x128xf32, #tpu.memory_space<vmem_shared>> -> memref<512x128xf32, #tpu.memory_space<vmem_shared>>
          tpu.enqueue_indirect_dma source(%dma_start3A_1139 : memref<40x128xf32, #tpu.memory_space<vmem>>) target(%dma_start3A_1145 : memref<512x128xf32, #tpu.memory_space<vmem_shared>>) offsets(%dma_start3A_1142 : memref<40xi32, #tpu.memory_space<vmem>>) semaphore(%run_scoped3A : memref<!tpu.dma_semaphore, #tpu.memory_space<semaphore_mem>>) {add = true}
          %dma_wait3A_1146 = arith.constant 0 : i32
          %dma_wait3A_1147 = arith.constant 0 : i32
          %dma_wait3A_1148 = tpu.memref_slice %arg7[%cond3A_918, %dma_wait3A_1146, %dma_wait3A_1147] : memref<5x80x128xf32, #tpu.memory_space<vmem>> -> memref<1x80x128xf32, #tpu.memory_space<vmem>>
          %dma_wait3A_1149 = tpu.memref_squeeze %dma_wait3A_1148 : memref<1x80x128xf32, #tpu.memory_space<vmem>> -> memref<80x128xf32, #tpu.memory_space<vmem>>
          %dma_wait3A_1150 = arith.constant 0 : i32
          %dma_wait3A_1151 = arith.constant 0 : i32
          %dma_wait3A_1152 = tpu.memref_slice %dma_wait3A_1149[%dma_wait3A_1150, %dma_wait3A_1151] : memref<80x128xf32, #tpu.memory_space<vmem>> -> memref<40x128xf32, #tpu.memory_space<vmem>>
          %dma_wait3A_1153 = arith.constant 0 : i32
          %dma_wait3A_1154 = tpu.memref_slice %arg6[%add3A_875, %dma_wait3A_1153] : memref<250x40xi32, #tpu.memory_space<vmem>> -> memref<1x40xi32, #tpu.memory_space<vmem>>
          %dma_wait3A_1155 = tpu.memref_squeeze %dma_wait3A_1154 : memref<1x40xi32, #tpu.memory_space<vmem>> -> memref<40xi32, #tpu.memory_space<vmem>>
          %dma_wait3A_1156 = arith.constant 0 : i32
          %dma_wait3A_1157 = arith.constant 0 : i32
          %dma_wait3A_1158 = tpu.memref_slice %arg10[%dma_wait3A_1156, %dma_wait3A_1157] : memref<512x128xf32, #tpu.memory_space<vmem_shared>> -> memref<512x128xf32, #tpu.memory_space<vmem_shared>>
          tpu.wait_indirect_dma semaphore(%run_scoped3A : memref<!tpu.dma_semaphore, #tpu.memory_space<semaphore_mem>>) src(%dma_wait3A_1152 : memref<40x128xf32, #tpu.memory_space<vmem>>) dst(%dma_wait3A_1158 : memref<512x128xf32, #tpu.memory_space<vmem_shared>>)
          tpu.yield
        }) : () -> ()
      } else {
      }
      %select_n3A_921 = arith.select %and3A_892, %scan3A_913#0, %broadcast_in_dim3A_92 : vector<16xf32>
      %select_n3A_922 = arith.select %and3A_892, %scan3A_913#1, %broadcast_in_dim3A_92 : vector<16xf32>
      %select_n3A_923 = arith.select %and3A_892, %scan3A_913#2, %broadcast_in_dim3A_92 : vector<16xf32>
      %select_n3A_924 = arith.select %and3A_892, %scan3A_913#3, %broadcast_in_dim3A_92 : vector<16xf32>
      %select_n3A_925 = arith.select %and3A_892, %scan3A_913#4, %broadcast_in_dim3A_92 : vector<16xf32>
      %select_n3A_926 = arith.select %and3A_892, %scan3A_913#5, %broadcast_in_dim3A_92 : vector<16xf32>
      %select_n3A_927 = arith.select %and3A_892, %scan3A_913#6, %broadcast_in_dim3A_92 : vector<16xf32>
      %select_n3A_928 = arith.select %and3A_892, %scan3A_913#7, %broadcast_in_dim3A_92 : vector<16xf32>
      %select_n3A_929 = arith.select %and3A_892, %squeeze3A_885, %squeeze3A_887 : i32
      %mul3A_930 = arith.constant 2 : i32
      %mul3A_931 = arith.muli %add3A_858, %mul3A_930 : i32
      %add3A_932 = arith.constant 1 : i32
      %add3A_933 = arith.addi %mul3A_931, %add3A_932 : i32
      %get3A_934 = arith.index_cast %add3A_933 : i32 to index
      %get3A_935 = arith.constant 0 : index
      %get3A_936 = tpu.vector_load %arg6[%get3A_934, %get3A_935] {strides = array<i32>} : memref<250x40xi32, #tpu.memory_space<vmem>>, vector<1x16xi32>,
      %get3A_937 = vector.shape_cast %get3A_936 : vector<1x16xi32> to vector<16xi32>
      %get3A_938 = arith.index_cast %add3A_933 : i32 to index
      %get3A_939 = arith.constant 24 : index
      %get3A_940 = tpu.vector_load %arg6[%get3A_938, %get3A_939] {strides = array<i32>} : memref<250x40xi32, #tpu.memory_space<vmem>>, vector<1x16xi32>,
      %get3A_941 = vector.shape_cast %get3A_940 : vector<1x16xi32> to vector<16xi32>
      %slice3A_942 = vector.extract_strided_slice %get3A_937 {offsets = [0], sizes = [1], strides = [1]} : vector<16xi32> to vector<1xi32>
      %squeeze3A_943 = vector.extract %slice3A_942[0] : i32 from vector<1xi32>
      %slice3A_944 = vector.extract_strided_slice %get3A_941 {offsets = [15], sizes = [1], strides = [1]} : vector<16xi32> to vector<1xi32>
      %squeeze3A_945 = vector.extract %slice3A_944[0] : i32 from vector<1xi32>
      %eq3A_946 = arith.cmpi eq, %squeeze3A_943, %squeeze3A_945 : i32
      %sub3A_947 = arith.subi %squeeze3A_945, %squeeze3A : i32
      %lt3A_948 = arith.constant 256 : i32
      %lt3A_949 = arith.cmpi slt, %sub3A_947, %lt3A_948 : i32
      %and3A_950 = arith.andi %eq3A_946, %lt3A_949 : i1
      %not3A_951 = arith.constant true
      %not3A_952 = arith.xori %and3A_950, %not3A_951 : i1
      %ne3A_953 = arith.cmpi ne, %squeeze3A_943, %select_n3A_929 : i32
      %or3A_954 = arith.ori %not3A_952, %ne3A_953 : i1
      %convert_element_type3A_955 = arith.extui %or3A_954 : i1 to i32
      %cond3A_956 = arith.constant 0 : i32
      %cond3A_957 = arith.cmpi ne, %convert_element_type3A_955, %cond3A_956 : i32
      scf.if %cond3A_957 {
        %sub3A_1133 = arith.subi %select_n3A_929, %squeeze3A : i32
        %min3A_1134 = arith.constant 255 : i32
        %min3A_1135 = arith.minsi %sub3A_1133, %min3A_1134 : i32
        %get3A_1136 = arith.index_cast %min3A_1135 : i32 to index
        %get3A_1137 = arith.constant 0 : index
        %get3A_1138 = tpu.vector_load %arg8[%get3A_1136, %get3A_1137] {strides = array<i32>} : memref<256x128xf32, #tpu.memory_space<vmem>>, vector<1x16xf32>,
        %get3A_1139 = vector.shape_cast %get3A_1138 : vector<1x16xf32> to vector<16xf32>
        %add3A_1140 = arith.addf %get3A_1139, %select_n3A_921 : vector<16xf32>
        %swap3A_1141 = arith.index_cast %min3A_1135 : i32 to index
        %swap3A_1142 = arith.constant 0 : index
        %swap3A_1143 = tpu.vector_load %arg8[%swap3A_1141, %swap3A_1142] {strides = array<i32>} : memref<256x128xf32, #tpu.memory_space<vmem>>, vector<1x16xf32>,
        %swap3A_1144 = vector.shape_cast %swap3A_1143 : vector<1x16xf32> to vector<16xf32>
        %swap3A_1145 = vector.shape_cast %add3A_1140 : vector<16xf32> to vector<1x16xf32>
        tpu.vector_store %arg8[%swap3A_1141, %swap3A_1142], %swap3A_1145 {strides = array<i32>} : memref<256x128xf32, #tpu.memory_space<vmem>>, vector<1x16xf32>,
        %get3A_1146 = arith.index_cast %min3A_1135 : i32 to index
        %get3A_1147 = arith.constant 16 : index
        %get3A_1148 = tpu.vector_load %arg8[%get3A_1146, %get3A_1147] {strides = array<i32>} : memref<256x128xf32, #tpu.memory_space<vmem>>, vector<1x16xf32>,
        %get3A_1149 = vector.shape_cast %get3A_1148 : vector<1x16xf32> to vector<16xf32>
        %add3A_1150 = arith.addf %get3A_1149, %select_n3A_922 : vector<16xf32>
        %swap3A_1151 = arith.index_cast %min3A_1135 : i32 to index
        %swap3A_1152 = arith.constant 16 : index
        %swap3A_1153 = tpu.vector_load %arg8[%swap3A_1151, %swap3A_1152] {strides = array<i32>} : memref<256x128xf32, #tpu.memory_space<vmem>>, vector<1x16xf32>,
        %swap3A_1154 = vector.shape_cast %swap3A_1153 : vector<1x16xf32> to vector<16xf32>
        %swap3A_1155 = vector.shape_cast %add3A_1150 : vector<16xf32> to vector<1x16xf32>
        tpu.vector_store %arg8[%swap3A_1151, %swap3A_1152], %swap3A_1155 {strides = array<i32>} : memref<256x128xf32, #tpu.memory_space<vmem>>, vector<1x16xf32>,
        %get3A_1156 = arith.index_cast %min3A_1135 : i32 to index
        %get3A_1157 = arith.constant 32 : index
        %get3A_1158 = tpu.vector_load %arg8[%get3A_1156, %get3A_1157] {strides = array<i32>} : memref<256x128xf32, #tpu.memory_space<vmem>>, vector<1x16xf32>,
        %get3A_1159 = vector.shape_cast %get3A_1158 : vector<1x16xf32> to vector<16xf32>
        %add3A_1160 = arith.addf %get3A_1159, %select_n3A_923 : vector<16xf32>
        %swap3A_1161 = arith.index_cast %min3A_1135 : i32 to index
        %swap3A_1162 = arith.constant 32 : index
        %swap3A_1163 = tpu.vector_load %arg8[%swap3A_1161, %swap3A_1162] {strides = array<i32>} : memref<256x128xf32, #tpu.memory_space<vmem>>, vector<1x16xf32>,
        %swap3A_1164 = vector.shape_cast %swap3A_1163 : vector<1x16xf32> to vector<16xf32>
        %swap3A_1165 = vector.shape_cast %add3A_1160 : vector<16xf32> to vector<1x16xf32>
        tpu.vector_store %arg8[%swap3A_1161, %swap3A_1162], %swap3A_1165 {strides = array<i32>} : memref<256x128xf32, #tpu.memory_space<vmem>>, vector<1x16xf32>,
        %get3A_1166 = arith.index_cast %min3A_1135 : i32 to index
        %get3A_1167 = arith.constant 48 : index
        %get3A_1168 = tpu.vector_load %arg8[%get3A_1166, %get3A_1167] {strides = array<i32>} : memref<256x128xf32, #tpu.memory_space<vmem>>, vector<1x16xf32>,
        %get3A_1169 = vector.shape_cast %get3A_1168 : vector<1x16xf32> to vector<16xf32>
        %add3A_1170 = arith.addf %get3A_1169, %select_n3A_924 : vector<16xf32>
        %swap3A_1171 = arith.index_cast %min3A_1135 : i32 to index
        %swap3A_1172 = arith.constant 48 : index
        %swap3A_1173 = tpu.vector_load %arg8[%swap3A_1171, %swap3A_1172] {strides = array<i32>} : memref<256x128xf32, #tpu.memory_space<vmem>>, vector<1x16xf32>,
        %swap3A_1174 = vector.shape_cast %swap3A_1173 : vector<1x16xf32> to vector<16xf32>
        %swap3A_1175 = vector.shape_cast %add3A_1170 : vector<16xf32> to vector<1x16xf32>
        tpu.vector_store %arg8[%swap3A_1171, %swap3A_1172], %swap3A_1175 {strides = array<i32>} : memref<256x128xf32, #tpu.memory_space<vmem>>, vector<1x16xf32>,
        %get3A_1176 = arith.index_cast %min3A_1135 : i32 to index
        %get3A_1177 = arith.constant 64 : index
        %get3A_1178 = tpu.vector_load %arg8[%get3A_1176, %get3A_1177] {strides = array<i32>} : memref<256x128xf32, #tpu.memory_space<vmem>>, vector<1x16xf32>,
        %get3A_1179 = vector.shape_cast %get3A_1178 : vector<1x16xf32> to vector<16xf32>
        %add3A_1180 = arith.addf %get3A_1179, %select_n3A_925 : vector<16xf32>
        %swap3A_1181 = arith.index_cast %min3A_1135 : i32 to index
        %swap3A_1182 = arith.constant 64 : index
        %swap3A_1183 = tpu.vector_load %arg8[%swap3A_1181, %swap3A_1182] {strides = array<i32>} : memref<256x128xf32, #tpu.memory_space<vmem>>, vector<1x16xf32>,
        %swap3A_1184 = vector.shape_cast %swap3A_1183 : vector<1x16xf32> to vector<16xf32>
        %swap3A_1185 = vector.shape_cast %add3A_1180 : vector<16xf32> to vector<1x16xf32>
        tpu.vector_store %arg8[%swap3A_1181, %swap3A_1182], %swap3A_1185 {strides = array<i32>} : memref<256x128xf32, #tpu.memory_space<vmem>>, vector<1x16xf32>,
        %get3A_1186 = arith.index_cast %min3A_1135 : i32 to index
        %get3A_1187 = arith.constant 80 : index
        %get3A_1188 = tpu.vector_load %arg8[%get3A_1186, %get3A_1187] {strides = array<i32>} : memref<256x128xf32, #tpu.memory_space<vmem>>, vector<1x16xf32>,
        %get3A_1189 = vector.shape_cast %get3A_1188 : vector<1x16xf32> to vector<16xf32>
        %add3A_1190 = arith.addf %get3A_1189, %select_n3A_926 : vector<16xf32>
        %swap3A_1191 = arith.index_cast %min3A_1135 : i32 to index
        %swap3A_1192 = arith.constant 80 : index
        %swap3A_1193 = tpu.vector_load %arg8[%swap3A_1191, %swap3A_1192] {strides = array<i32>} : memref<256x128xf32, #tpu.memory_space<vmem>>, vector<1x16xf32>,
        %swap3A_1194 = vector.shape_cast %swap3A_1193 : vector<1x16xf32> to vector<16xf32>
        %swap3A_1195 = vector.shape_cast %add3A_1190 : vector<16xf32> to vector<1x16xf32>
        tpu.vector_store %arg8[%swap3A_1191, %swap3A_1192], %swap3A_1195 {strides = array<i32>} : memref<256x128xf32, #tpu.memory_space<vmem>>, vector<1x16xf32>,
        %get3A_1196 = arith.index_cast %min3A_1135 : i32 to index
        %get3A_1197 = arith.constant 96 : index
        %get3A_1198 = tpu.vector_load %arg8[%get3A_1196, %get3A_1197] {strides = array<i32>} : memref<256x128xf32, #tpu.memory_space<vmem>>, vector<1x16xf32>,
        %get3A_1199 = vector.shape_cast %get3A_1198 : vector<1x16xf32> to vector<16xf32>
        %add3A_1200 = arith.addf %get3A_1199, %select_n3A_927 : vector<16xf32>
        %swap3A_1201 = arith.index_cast %min3A_1135 : i32 to index
        %swap3A_1202 = arith.constant 96 : index
        %swap3A_1203 = tpu.vector_load %arg8[%swap3A_1201, %swap3A_1202] {strides = array<i32>} : memref<256x128xf32, #tpu.memory_space<vmem>>, vector<1x16xf32>,
        %swap3A_1204 = vector.shape_cast %swap3A_1203 : vector<1x16xf32> to vector<16xf32>
        %swap3A_1205 = vector.shape_cast %add3A_1200 : vector<16xf32> to vector<1x16xf32>
        tpu.vector_store %arg8[%swap3A_1201, %swap3A_1202], %swap3A_1205 {strides = array<i32>} : memref<256x128xf32, #tpu.memory_space<vmem>>, vector<1x16xf32>,
        %get3A_1206 = arith.index_cast %min3A_1135 : i32 to index
        %get3A_1207 = arith.constant 112 : index
        %get3A_1208 = tpu.vector_load %arg8[%get3A_1206, %get3A_1207] {strides = array<i32>} : memref<256x128xf32, #tpu.memory_space<vmem>>, vector<1x16xf32>,
        %get3A_1209 = vector.shape_cast %get3A_1208 : vector<1x16xf32> to vector<16xf32>
        %add3A_1210 = arith.addf %get3A_1209, %select_n3A_928 : vector<16xf32>
        %swap3A_1211 = arith.index_cast %min3A_1135 : i32 to index
        %swap3A_1212 = arith.constant 112 : index
        %swap3A_1213 = tpu.vector_load %arg8[%swap3A_1211, %swap3A_1212] {strides = array<i32>} : memref<256x128xf32, #tpu.memory_space<vmem>>, vector<1x16xf32>,
        %swap3A_1214 = vector.shape_cast %swap3A_1213 : vector<1x16xf32> to vector<16xf32>
        %swap3A_1215 = vector.shape_cast %add3A_1210 : vector<16xf32> to vector<1x16xf32>
        tpu.vector_store %arg8[%swap3A_1211, %swap3A_1212], %swap3A_1215 {strides = array<i32>} : memref<256x128xf32, #tpu.memory_space<vmem>>, vector<1x16xf32>,
      } else {
      }
      %select_n3A_958 = arith.select %or3A_954, %broadcast_in_dim3A_92, %select_n3A_921 : vector<16xf32>
      %select_n3A_959 = arith.select %or3A_954, %broadcast_in_dim3A_92, %select_n3A_922 : vector<16xf32>
      %select_n3A_960 = arith.select %or3A_954, %broadcast_in_dim3A_92, %select_n3A_923 : vector<16xf32>
      %select_n3A_961 = arith.select %or3A_954, %broadcast_in_dim3A_92, %select_n3A_924 : vector<16xf32>
      %select_n3A_962 = arith.select %or3A_954, %broadcast_in_dim3A_92, %select_n3A_925 : vector<16xf32>
      %select_n3A_963 = arith.select %or3A_954, %broadcast_in_dim3A_92, %select_n3A_926 : vector<16xf32>
      %select_n3A_964 = arith.select %or3A_954, %broadcast_in_dim3A_92, %select_n3A_927 : vector<16xf32>
      %select_n3A_965 = arith.select %or3A_954, %broadcast_in_dim3A_92, %select_n3A_928 : vector<16xf32>
      %scan3A_966 = arith.constant 3 : i32
      %scan3A_967 = arith.constant 0 : i32
      %scan3A_968 = arith.constant 20 : i32
      %scan3A_969 = arith.addi %scan3A_967, %scan3A_968 : i32
      %scan3A_970 = arith.constant 1 : i32
      %scan3A_971:8 = scf.for %scan3A_1133 = %scan3A_967 to %scan3A_969 step %scan3A_970 iter_args(%scan3A_1134 = %select_n3A_958, %scan3A_1135 = %select_n3A_959, %scan3A_1136 = %select_n3A_960, %scan3A_1137 = %select_n3A_961, %scan3A_1138 = %select_n3A_962, %scan3A_1139 = %select_n3A_963, %scan3A_1140 = %select_n3A_964, %scan3A_1141 = %select_n3A_965) -> (vector<16xf32>, vector<16xf32>, vector<16xf32>, vector<16xf32>, vector<16xf32>, vector<16xf32>, vector<16xf32>, vector<16xf32>)  : i32 {
        %mul3A_1142 = arith.constant 2 : i32
        %mul3A_1143 = arith.muli %scan3A_1133, %mul3A_1142 : i32
        %add3A_1144 = arith.constant 40 : i32
        %add3A_1145 = arith.addi %add3A_1144, %mul3A_1143 : i32
        %get3A_1146 = arith.constant 0 : i32
        %get3A_1147 = arith.constant 0 : i32
        %get3A_1148 = tpu.memref_slice %arg7[%scan3A_966, %get3A_1146, %get3A_1147] : memref<5x80x128xf32, #tpu.memory_space<vmem>> -> memref<1x80x128xf32, #tpu.memory_space<vmem>>
        %get3A_1149 = tpu.memref_squeeze %get3A_1148 : memref<1x80x128xf32, #tpu.memory_space<vmem>> -> memref<80x128xf32, #tpu.memory_space<vmem>>
        %get3A_1150 = arith.index_cast %add3A_1145 : i32 to index
        %get3A_1151 = arith.constant 0 : index
        %get3A_1152 = tpu.vector_load %get3A_1149[%get3A_1150, %get3A_1151] {strides = array<i32>} : memref<80x128xf32, #tpu.memory_space<vmem>>, vector<1x16xf32>,
        %get3A_1153 = vector.shape_cast %get3A_1152 : vector<1x16xf32> to vector<16xf32>
        %add3A_1154 = arith.addf %scan3A_1134, %get3A_1153 : vector<16xf32>
        %get3A_1155 = arith.constant 0 : i32
        %get3A_1156 = arith.constant 0 : i32
        %get3A_1157 = tpu.memref_slice %arg7[%scan3A_966, %get3A_1155, %get3A_1156] : memref<5x80x128xf32, #tpu.memory_space<vmem>> -> memref<1x80x128xf32, #tpu.memory_space<vmem>>
        %get3A_1158 = tpu.memref_squeeze %get3A_1157 : memref<1x80x128xf32, #tpu.memory_space<vmem>> -> memref<80x128xf32, #tpu.memory_space<vmem>>
        %get3A_1159 = arith.index_cast %add3A_1145 : i32 to index
        %get3A_1160 = arith.constant 16 : index
        %get3A_1161 = tpu.vector_load %get3A_1158[%get3A_1159, %get3A_1160] {strides = array<i32>} : memref<80x128xf32, #tpu.memory_space<vmem>>, vector<1x16xf32>,
        %get3A_1162 = vector.shape_cast %get3A_1161 : vector<1x16xf32> to vector<16xf32>
        %add3A_1163 = arith.addf %scan3A_1135, %get3A_1162 : vector<16xf32>
        %get3A_1164 = arith.constant 0 : i32
        %get3A_1165 = arith.constant 0 : i32
        %get3A_1166 = tpu.memref_slice %arg7[%scan3A_966, %get3A_1164, %get3A_1165] : memref<5x80x128xf32, #tpu.memory_space<vmem>> -> memref<1x80x128xf32, #tpu.memory_space<vmem>>
        %get3A_1167 = tpu.memref_squeeze %get3A_1166 : memref<1x80x128xf32, #tpu.memory_space<vmem>> -> memref<80x128xf32, #tpu.memory_space<vmem>>
        %get3A_1168 = arith.index_cast %add3A_1145 : i32 to index
        %get3A_1169 = arith.constant 32 : index
        %get3A_1170 = tpu.vector_load %get3A_1167[%get3A_1168, %get3A_1169] {strides = array<i32>} : memref<80x128xf32, #tpu.memory_space<vmem>>, vector<1x16xf32>,
        %get3A_1171 = vector.shape_cast %get3A_1170 : vector<1x16xf32> to vector<16xf32>
        %add3A_1172 = arith.addf %scan3A_1136, %get3A_1171 : vector<16xf32>
        %get3A_1173 = arith.constant 0 : i32
        %get3A_1174 = arith.constant 0 : i32
        %get3A_1175 = tpu.memref_slice %arg7[%scan3A_966, %get3A_1173, %get3A_1174] : memref<5x80x128xf32, #tpu.memory_space<vmem>> -> memref<1x80x128xf32, #tpu.memory_space<vmem>>
        %get3A_1176 = tpu.memref_squeeze %get3A_1175 : memref<1x80x128xf32, #tpu.memory_space<vmem>> -> memref<80x128xf32, #tpu.memory_space<vmem>>
        %get3A_1177 = arith.index_cast %add3A_1145 : i32 to index
        %get3A_1178 = arith.constant 48 : index
        %get3A_1179 = tpu.vector_load %get3A_1176[%get3A_1177, %get3A_1178] {strides = array<i32>} : memref<80x128xf32, #tpu.memory_space<vmem>>, vector<1x16xf32>,
        %get3A_1180 = vector.shape_cast %get3A_1179 : vector<1x16xf32> to vector<16xf32>
        %add3A_1181 = arith.addf %scan3A_1137, %get3A_1180 : vector<16xf32>
        %get3A_1182 = arith.constant 0 : i32
        %get3A_1183 = arith.constant 0 : i32
        %get3A_1184 = tpu.memref_slice %arg7[%scan3A_966, %get3A_1182, %get3A_1183] : memref<5x80x128xf32, #tpu.memory_space<vmem>> -> memref<1x80x128xf32, #tpu.memory_space<vmem>>
        %get3A_1185 = tpu.memref_squeeze %get3A_1184 : memref<1x80x128xf32, #tpu.memory_space<vmem>> -> memref<80x128xf32, #tpu.memory_space<vmem>>
        %get3A_1186 = arith.index_cast %add3A_1145 : i32 to index
        %get3A_1187 = arith.constant 64 : index
        %get3A_1188 = tpu.vector_load %get3A_1185[%get3A_1186, %get3A_1187] {strides = array<i32>} : memref<80x128xf32, #tpu.memory_space<vmem>>, vector<1x16xf32>,
        %get3A_1189 = vector.shape_cast %get3A_1188 : vector<1x16xf32> to vector<16xf32>
        %add3A_1190 = arith.addf %scan3A_1138, %get3A_1189 : vector<16xf32>
        %get3A_1191 = arith.constant 0 : i32
        %get3A_1192 = arith.constant 0 : i32
        %get3A_1193 = tpu.memref_slice %arg7[%scan3A_966, %get3A_1191, %get3A_1192] : memref<5x80x128xf32, #tpu.memory_space<vmem>> -> memref<1x80x128xf32, #tpu.memory_space<vmem>>
        %get3A_1194 = tpu.memref_squeeze %get3A_1193 : memref<1x80x128xf32, #tpu.memory_space<vmem>> -> memref<80x128xf32, #tpu.memory_space<vmem>>
        %get3A_1195 = arith.index_cast %add3A_1145 : i32 to index
        %get3A_1196 = arith.constant 80 : index
        %get3A_1197 = tpu.vector_load %get3A_1194[%get3A_1195, %get3A_1196] {strides = array<i32>} : memref<80x128xf32, #tpu.memory_space<vmem>>, vector<1x16xf32>,
        %get3A_1198 = vector.shape_cast %get3A_1197 : vector<1x16xf32> to vector<16xf32>
        %add3A_1199 = arith.addf %scan3A_1139, %get3A_1198 : vector<16xf32>
        %get3A_1200 = arith.constant 0 : i32
        %get3A_1201 = arith.constant 0 : i32
        %get3A_1202 = tpu.memref_slice %arg7[%scan3A_966, %get3A_1200, %get3A_1201] : memref<5x80x128xf32, #tpu.memory_space<vmem>> -> memref<1x80x128xf32, #tpu.memory_space<vmem>>
        %get3A_1203 = tpu.memref_squeeze %get3A_1202 : memref<1x80x128xf32, #tpu.memory_space<vmem>> -> memref<80x128xf32, #tpu.memory_space<vmem>>
        %get3A_1204 = arith.index_cast %add3A_1145 : i32 to index
        %get3A_1205 = arith.constant 96 : index
        %get3A_1206 = tpu.vector_load %get3A_1203[%get3A_1204, %get3A_1205] {strides = array<i32>} : memref<80x128xf32, #tpu.memory_space<vmem>>, vector<1x16xf32>,
        %get3A_1207 = vector.shape_cast %get3A_1206 : vector<1x16xf32> to vector<16xf32>
        %add3A_1208 = arith.addf %scan3A_1140, %get3A_1207 : vector<16xf32>
        %get3A_1209 = arith.constant 0 : i32
        %get3A_1210 = arith.constant 0 : i32
        %get3A_1211 = tpu.memref_slice %arg7[%scan3A_966, %get3A_1209, %get3A_1210] : memref<5x80x128xf32, #tpu.memory_space<vmem>> -> memref<1x80x128xf32, #tpu.memory_space<vmem>>
        %get3A_1212 = tpu.memref_squeeze %get3A_1211 : memref<1x80x128xf32, #tpu.memory_space<vmem>> -> memref<80x128xf32, #tpu.memory_space<vmem>>
        %get3A_1213 = arith.index_cast %add3A_1145 : i32 to index
        %get3A_1214 = arith.constant 112 : index
        %get3A_1215 = tpu.vector_load %get3A_1212[%get3A_1213, %get3A_1214] {strides = array<i32>} : memref<80x128xf32, #tpu.memory_space<vmem>>, vector<1x16xf32>,
        %get3A_1216 = vector.shape_cast %get3A_1215 : vector<1x16xf32> to vector<16xf32>
        %add3A_1217 = arith.addf %scan3A_1141, %get3A_1216 : vector<16xf32>
        %add3A_1218 = arith.constant 1 : i32
        %add3A_1219 = arith.addi %add3A_1145, %add3A_1218 : i32
        %get3A_1220 = arith.constant 0 : i32
        %get3A_1221 = arith.constant 0 : i32
        %get3A_1222 = tpu.memref_slice %arg7[%scan3A_966, %get3A_1220, %get3A_1221] : memref<5x80x128xf32, #tpu.memory_space<vmem>> -> memref<1x80x128xf32, #tpu.memory_space<vmem>>
        %get3A_1223 = tpu.memref_squeeze %get3A_1222 : memref<1x80x128xf32, #tpu.memory_space<vmem>> -> memref<80x128xf32, #tpu.memory_space<vmem>>
        %get3A_1224 = arith.index_cast %add3A_1219 : i32 to index
        %get3A_1225 = arith.constant 0 : index
        %get3A_1226 = tpu.vector_load %get3A_1223[%get3A_1224, %get3A_1225] {strides = array<i32>} : memref<80x128xf32, #tpu.memory_space<vmem>>, vector<1x16xf32>,
        %get3A_1227 = vector.shape_cast %get3A_1226 : vector<1x16xf32> to vector<16xf32>
        %add3A_1228 = arith.addf %add3A_1154, %get3A_1227 : vector<16xf32>
        %add3A_1229 = arith.constant 1 : i32
        %add3A_1230 = arith.addi %add3A_1145, %add3A_1229 : i32
        %get3A_1231 = arith.constant 0 : i32
        %get3A_1232 = arith.constant 0 : i32
        %get3A_1233 = tpu.memref_slice %arg7[%scan3A_966, %get3A_1231, %get3A_1232] : memref<5x80x128xf32, #tpu.memory_space<vmem>> -> memref<1x80x128xf32, #tpu.memory_space<vmem>>
        %get3A_1234 = tpu.memref_squeeze %get3A_1233 : memref<1x80x128xf32, #tpu.memory_space<vmem>> -> memref<80x128xf32, #tpu.memory_space<vmem>>
        %get3A_1235 = arith.index_cast %add3A_1230 : i32 to index
        %get3A_1236 = arith.constant 16 : index
        %get3A_1237 = tpu.vector_load %get3A_1234[%get3A_1235, %get3A_1236] {strides = array<i32>} : memref<80x128xf32, #tpu.memory_space<vmem>>, vector<1x16xf32>,
        %get3A_1238 = vector.shape_cast %get3A_1237 : vector<1x16xf32> to vector<16xf32>
        %add3A_1239 = arith.addf %add3A_1163, %get3A_1238 : vector<16xf32>
        %add3A_1240 = arith.constant 1 : i32
        %add3A_1241 = arith.addi %add3A_1145, %add3A_1240 : i32
        %get3A_1242 = arith.constant 0 : i32
        %get3A_1243 = arith.constant 0 : i32
        %get3A_1244 = tpu.memref_slice %arg7[%scan3A_966, %get3A_1242, %get3A_1243] : memref<5x80x128xf32, #tpu.memory_space<vmem>> -> memref<1x80x128xf32, #tpu.memory_space<vmem>>
        %get3A_1245 = tpu.memref_squeeze %get3A_1244 : memref<1x80x128xf32, #tpu.memory_space<vmem>> -> memref<80x128xf32, #tpu.memory_space<vmem>>
        %get3A_1246 = arith.index_cast %add3A_1241 : i32 to index
        %get3A_1247 = arith.constant 32 : index
        %get3A_1248 = tpu.vector_load %get3A_1245[%get3A_1246, %get3A_1247] {strides = array<i32>} : memref<80x128xf32, #tpu.memory_space<vmem>>, vector<1x16xf32>,
        %get3A_1249 = vector.shape_cast %get3A_1248 : vector<1x16xf32> to vector<16xf32>
        %add3A_1250 = arith.addf %add3A_1172, %get3A_1249 : vector<16xf32>
        %add3A_1251 = arith.constant 1 : i32
        %add3A_1252 = arith.addi %add3A_1145, %add3A_1251 : i32
        %get3A_1253 = arith.constant 0 : i32
        %get3A_1254 = arith.constant 0 : i32
        %get3A_1255 = tpu.memref_slice %arg7[%scan3A_966, %get3A_1253, %get3A_1254] : memref<5x80x128xf32, #tpu.memory_space<vmem>> -> memref<1x80x128xf32, #tpu.memory_space<vmem>>
        %get3A_1256 = tpu.memref_squeeze %get3A_1255 : memref<1x80x128xf32, #tpu.memory_space<vmem>> -> memref<80x128xf32, #tpu.memory_space<vmem>>
        %get3A_1257 = arith.index_cast %add3A_1252 : i32 to index
        %get3A_1258 = arith.constant 48 : index
        %get3A_1259 = tpu.vector_load %get3A_1256[%get3A_1257, %get3A_1258] {strides = array<i32>} : memref<80x128xf32, #tpu.memory_space<vmem>>, vector<1x16xf32>,
        %get3A_1260 = vector.shape_cast %get3A_1259 : vector<1x16xf32> to vector<16xf32>
        %add3A_1261 = arith.addf %add3A_1181, %get3A_1260 : vector<16xf32>
        %add3A_1262 = arith.constant 1 : i32
        %add3A_1263 = arith.addi %add3A_1145, %add3A_1262 : i32
        %get3A_1264 = arith.constant 0 : i32
        %get3A_1265 = arith.constant 0 : i32
        %get3A_1266 = tpu.memref_slice %arg7[%scan3A_966, %get3A_1264, %get3A_1265] : memref<5x80x128xf32, #tpu.memory_space<vmem>> -> memref<1x80x128xf32, #tpu.memory_space<vmem>>
        %get3A_1267 = tpu.memref_squeeze %get3A_1266 : memref<1x80x128xf32, #tpu.memory_space<vmem>> -> memref<80x128xf32, #tpu.memory_space<vmem>>
        %get3A_1268 = arith.index_cast %add3A_1263 : i32 to index
        %get3A_1269 = arith.constant 64 : index
        %get3A_1270 = tpu.vector_load %get3A_1267[%get3A_1268, %get3A_1269] {strides = array<i32>} : memref<80x128xf32, #tpu.memory_space<vmem>>, vector<1x16xf32>,
        %get3A_1271 = vector.shape_cast %get3A_1270 : vector<1x16xf32> to vector<16xf32>
        %add3A_1272 = arith.addf %add3A_1190, %get3A_1271 : vector<16xf32>
        %add3A_1273 = arith.constant 1 : i32
        %add3A_1274 = arith.addi %add3A_1145, %add3A_1273 : i32
        %get3A_1275 = arith.constant 0 : i32
        %get3A_1276 = arith.constant 0 : i32
        %get3A_1277 = tpu.memref_slice %arg7[%scan3A_966, %get3A_1275, %get3A_1276] : memref<5x80x128xf32, #tpu.memory_space<vmem>> -> memref<1x80x128xf32, #tpu.memory_space<vmem>>
        %get3A_1278 = tpu.memref_squeeze %get3A_1277 : memref<1x80x128xf32, #tpu.memory_space<vmem>> -> memref<80x128xf32, #tpu.memory_space<vmem>>
        %get3A_1279 = arith.index_cast %add3A_1274 : i32 to index
        %get3A_1280 = arith.constant 80 : index
        %get3A_1281 = tpu.vector_load %get3A_1278[%get3A_1279, %get3A_1280] {strides = array<i32>} : memref<80x128xf32, #tpu.memory_space<vmem>>, vector<1x16xf32>,
        %get3A_1282 = vector.shape_cast %get3A_1281 : vector<1x16xf32> to vector<16xf32>
        %add3A_1283 = arith.addf %add3A_1199, %get3A_1282 : vector<16xf32>
        %add3A_1284 = arith.constant 1 : i32
        %add3A_1285 = arith.addi %add3A_1145, %add3A_1284 : i32
        %get3A_1286 = arith.constant 0 : i32
        %get3A_1287 = arith.constant 0 : i32
        %get3A_1288 = tpu.memref_slice %arg7[%scan3A_966, %get3A_1286, %get3A_1287] : memref<5x80x128xf32, #tpu.memory_space<vmem>> -> memref<1x80x128xf32, #tpu.memory_space<vmem>>
        %get3A_1289 = tpu.memref_squeeze %get3A_1288 : memref<1x80x128xf32, #tpu.memory_space<vmem>> -> memref<80x128xf32, #tpu.memory_space<vmem>>
        %get3A_1290 = arith.index_cast %add3A_1285 : i32 to index
        %get3A_1291 = arith.constant 96 : index
        %get3A_1292 = tpu.vector_load %get3A_1289[%get3A_1290, %get3A_1291] {strides = array<i32>} : memref<80x128xf32, #tpu.memory_space<vmem>>, vector<1x16xf32>,
        %get3A_1293 = vector.shape_cast %get3A_1292 : vector<1x16xf32> to vector<16xf32>
        %add3A_1294 = arith.addf %add3A_1208, %get3A_1293 : vector<16xf32>
        %add3A_1295 = arith.constant 1 : i32
        %add3A_1296 = arith.addi %add3A_1145, %add3A_1295 : i32
        %get3A_1297 = arith.constant 0 : i32
        %get3A_1298 = arith.constant 0 : i32
        %get3A_1299 = tpu.memref_slice %arg7[%scan3A_966, %get3A_1297, %get3A_1298] : memref<5x80x128xf32, #tpu.memory_space<vmem>> -> memref<1x80x128xf32, #tpu.memory_space<vmem>>
        %get3A_1300 = tpu.memref_squeeze %get3A_1299 : memref<1x80x128xf32, #tpu.memory_space<vmem>> -> memref<80x128xf32, #tpu.memory_space<vmem>>
        %get3A_1301 = arith.index_cast %add3A_1296 : i32 to index
        %get3A_1302 = arith.constant 112 : index
        %get3A_1303 = tpu.vector_load %get3A_1300[%get3A_1301, %get3A_1302] {strides = array<i32>} : memref<80x128xf32, #tpu.memory_space<vmem>>, vector<1x16xf32>,
        %get3A_1304 = vector.shape_cast %get3A_1303 : vector<1x16xf32> to vector<16xf32>
        %add3A_1305 = arith.addf %add3A_1217, %get3A_1304 : vector<16xf32>
        scf.yield %add3A_1228, %add3A_1239, %add3A_1250, %add3A_1261, %add3A_1272, %add3A_1283, %add3A_1294, %add3A_1305 : vector<16xf32>, vector<16xf32>, vector<16xf32>, vector<16xf32>, vector<16xf32>, vector<16xf32>, vector<16xf32>, vector<16xf32>
      }
      %scan3A_972 = arith.constant 20 : i32
      %not3A_973 = arith.constant true
      %not3A_974 = arith.xori %and3A_950, %not3A_973 : i1
      %convert_element_type3A_975 = arith.extui %not3A_974 : i1 to i32
      %cond3A_976 = arith.constant 3 : i32
      %cond3A_977 = arith.constant 0 : i32
      %cond3A_978 = arith.cmpi ne, %convert_element_type3A_975, %cond3A_977 : i32
      scf.if %cond3A_978 {
        "tpu.region"() ({
          %run_scoped3A = tpu.sem_alloc : memref<!tpu.dma_semaphore, #tpu.memory_space<semaphore_mem>>
          %dma_start3A_1133 = arith.constant 0 : i32
          %dma_start3A_1134 = arith.constant 0 : i32
          %dma_start3A_1135 = tpu.memref_slice %arg7[%cond3A_976, %dma_start3A_1133, %dma_start3A_1134] : memref<5x80x128xf32, #tpu.memory_space<vmem>> -> memref<1x80x128xf32, #tpu.memory_space<vmem>>
          %dma_start3A_1136 = tpu.memref_squeeze %dma_start3A_1135 : memref<1x80x128xf32, #tpu.memory_space<vmem>> -> memref<80x128xf32, #tpu.memory_space<vmem>>
          %dma_start3A_1137 = arith.constant 40 : i32
          %dma_start3A_1138 = arith.constant 0 : i32
          %dma_start3A_1139 = tpu.memref_slice %dma_start3A_1136[%dma_start3A_1137, %dma_start3A_1138] : memref<80x128xf32, #tpu.memory_space<vmem>> -> memref<40x128xf32, #tpu.memory_space<vmem>>
          %dma_start3A_1140 = arith.constant 0 : i32
          %dma_start3A_1141 = tpu.memref_slice %arg6[%add3A_933, %dma_start3A_1140] : memref<250x40xi32, #tpu.memory_space<vmem>> -> memref<1x40xi32, #tpu.memory_space<vmem>>
          %dma_start3A_1142 = tpu.memref_squeeze %dma_start3A_1141 : memref<1x40xi32, #tpu.memory_space<vmem>> -> memref<40xi32, #tpu.memory_space<vmem>>
          %dma_start3A_1143 = arith.constant 0 : i32
          %dma_start3A_1144 = arith.constant 0 : i32
          %dma_start3A_1145 = tpu.memref_slice %arg10[%dma_start3A_1143, %dma_start3A_1144] : memref<512x128xf32, #tpu.memory_space<vmem_shared>> -> memref<512x128xf32, #tpu.memory_space<vmem_shared>>
          tpu.enqueue_indirect_dma source(%dma_start3A_1139 : memref<40x128xf32, #tpu.memory_space<vmem>>) target(%dma_start3A_1145 : memref<512x128xf32, #tpu.memory_space<vmem_shared>>) offsets(%dma_start3A_1142 : memref<40xi32, #tpu.memory_space<vmem>>) semaphore(%run_scoped3A : memref<!tpu.dma_semaphore, #tpu.memory_space<semaphore_mem>>) {add = true}
          %dma_wait3A_1146 = arith.constant 0 : i32
          %dma_wait3A_1147 = arith.constant 0 : i32
          %dma_wait3A_1148 = tpu.memref_slice %arg7[%cond3A_976, %dma_wait3A_1146, %dma_wait3A_1147] : memref<5x80x128xf32, #tpu.memory_space<vmem>> -> memref<1x80x128xf32, #tpu.memory_space<vmem>>
          %dma_wait3A_1149 = tpu.memref_squeeze %dma_wait3A_1148 : memref<1x80x128xf32, #tpu.memory_space<vmem>> -> memref<80x128xf32, #tpu.memory_space<vmem>>
          %dma_wait3A_1150 = arith.constant 40 : i32
          %dma_wait3A_1151 = arith.constant 0 : i32
          %dma_wait3A_1152 = tpu.memref_slice %dma_wait3A_1149[%dma_wait3A_1150, %dma_wait3A_1151] : memref<80x128xf32, #tpu.memory_space<vmem>> -> memref<40x128xf32, #tpu.memory_space<vmem>>
          %dma_wait3A_1153 = arith.constant 0 : i32
          %dma_wait3A_1154 = tpu.memref_slice %arg6[%add3A_933, %dma_wait3A_1153] : memref<250x40xi32, #tpu.memory_space<vmem>> -> memref<1x40xi32, #tpu.memory_space<vmem>>
          %dma_wait3A_1155 = tpu.memref_squeeze %dma_wait3A_1154 : memref<1x40xi32, #tpu.memory_space<vmem>> -> memref<40xi32, #tpu.memory_space<vmem>>
          %dma_wait3A_1156 = arith.constant 0 : i32
          %dma_wait3A_1157 = arith.constant 0 : i32
          %dma_wait3A_1158 = tpu.memref_slice %arg10[%dma_wait3A_1156, %dma_wait3A_1157] : memref<512x128xf32, #tpu.memory_space<vmem_shared>> -> memref<512x128xf32, #tpu.memory_space<vmem_shared>>
          tpu.wait_indirect_dma semaphore(%run_scoped3A : memref<!tpu.dma_semaphore, #tpu.memory_space<semaphore_mem>>) src(%dma_wait3A_1152 : memref<40x128xf32, #tpu.memory_space<vmem>>) dst(%dma_wait3A_1158 : memref<512x128xf32, #tpu.memory_space<vmem_shared>>)
          tpu.yield
        }) : () -> ()
      } else {
      }
      %select_n3A_979 = arith.select %and3A_950, %scan3A_971#0, %broadcast_in_dim3A_92 : vector<16xf32>
      %select_n3A_980 = arith.select %and3A_950, %scan3A_971#1, %broadcast_in_dim3A_92 : vector<16xf32>
      %select_n3A_981 = arith.select %and3A_950, %scan3A_971#2, %broadcast_in_dim3A_92 : vector<16xf32>
      %select_n3A_982 = arith.select %and3A_950, %scan3A_971#3, %broadcast_in_dim3A_92 : vector<16xf32>
      %select_n3A_983 = arith.select %and3A_950, %scan3A_971#4, %broadcast_in_dim3A_92 : vector<16xf32>
      %select_n3A_984 = arith.select %and3A_950, %scan3A_971#5, %broadcast_in_dim3A_92 : vector<16xf32>
      %select_n3A_985 = arith.select %and3A_950, %scan3A_971#6, %broadcast_in_dim3A_92 : vector<16xf32>
      %select_n3A_986 = arith.select %and3A_950, %scan3A_971#7, %broadcast_in_dim3A_92 : vector<16xf32>
      %select_n3A_987 = arith.select %and3A_950, %squeeze3A_943, %squeeze3A_945 : i32
      %add3A_988 = arith.constant 5 : i32
      %add3A_989 = arith.addi %add3A_858, %add3A_988 : i32
      %lt3A_990 = arith.constant 125 : i32
      %lt3A_991 = arith.cmpi slt, %add3A_989, %lt3A_990 : i32
      %convert_element_type3A_992 = arith.extui %lt3A_991 : i1 to i32
      %cond3A_993 = arith.constant 0 : i32
      %cond3A_994 = arith.cmpi ne, %convert_element_type3A_992, %cond3A_993 : i32
      scf.if %cond3A_994 {
        %add3A_1133 = arith.constant 5 : i32
        %add3A_1134 = arith.addi %add3A_858, %add3A_1133 : i32
        %mul3A_1135 = arith.constant 80 : i32
        %mul3A_1136 = arith.muli %add3A_1134, %mul3A_1135 : i32
        %add3A_1137 = arith.addi %mul3A_2, %mul3A_1136 : i32
        %dma_start3A_1138 = arith.constant 3 : i32
        %dma_start3A_1139 = arith.constant 0 : i32
        %dma_start3A_1140 = arith.constant 0 : i32
        %dma_start3A_1141 = tpu.memref_slice %arg7[%dma_start3A_1138, %dma_start3A_1139, %dma_start3A_1140] : memref<5x80x128xf32, #tpu.memory_space<vmem>> -> memref<1x80x128xf32, #tpu.memory_space<vmem>>
        %dma_start3A_1142 = tpu.memref_squeeze %dma_start3A_1141 : memref<1x80x128xf32, #tpu.memory_space<vmem>> -> memref<80x128xf32, #tpu.memory_space<vmem>>
        %dma_start3A_1143 = arith.constant 0 : i32
        %dma_start3A_1144 = tpu.memref_slice %arg2[%add3A_1137, %dma_start3A_1143] : memref<320000x128xf32, #tpu.memory_space<hbm>> -> memref<80x128xf32, #tpu.memory_space<hbm>>
        %dma_start3A_1145 = arith.constant 0 : i32
        %dma_start3A_1146 = arith.constant 0 : i32
        %dma_start3A_1147 = tpu.memref_slice %arg7[%dma_start3A_1138, %dma_start3A_1145, %dma_start3A_1146] : memref<5x80x128xf32, #tpu.memory_space<vmem>> -> memref<1x80x128xf32, #tpu.memory_space<vmem>>
        %dma_start3A_1148 = tpu.memref_squeeze %dma_start3A_1147 : memref<1x80x128xf32, #tpu.memory_space<vmem>> -> memref<80x128xf32, #tpu.memory_space<vmem>>
        %dma_start3A_1149 = arith.constant 0 : i32
        %dma_start3A_1150 = tpu.memref_slice %arg2[%add3A_1137, %dma_start3A_1149] : memref<320000x128xf32, #tpu.memory_space<hbm>> -> memref<80x128xf32, #tpu.memory_space<hbm>>
        tpu.enqueue_dma source(%dma_start3A_1150 : memref<80x128xf32, #tpu.memory_space<hbm>>) target(%dma_start3A_1148 : memref<80x128xf32, #tpu.memory_space<vmem>>) target_semaphore(%arg14 : memref<!tpu.dma_semaphore, #tpu.memory_space<semaphore_mem>>)
      } else {
      }
      %add3A_995 = arith.constant 4 : i32
      %add3A_996 = arith.addi %mul3A_449, %add3A_995 : i32
      %dma_wait3A_997 = arith.constant 4 : i32
      %dma_wait3A_998 = arith.constant 0 : i32
      %dma_wait3A_999 = arith.constant 0 : i32
      %dma_wait3A_1000 = tpu.memref_slice %arg7[%dma_wait3A_997, %dma_wait3A_998, %dma_wait3A_999] : memref<5x80x128xf32, #tpu.memory_space<vmem>> -> memref<1x80x128xf32, #tpu.memory_space<vmem>>
      %dma_wait3A_1001 = tpu.memref_squeeze %dma_wait3A_1000 : memref<1x80x128xf32, #tpu.memory_space<vmem>> -> memref<80x128xf32, #tpu.memory_space<vmem>>
      %dma_wait3A_1002 = arith.constant 0 : i32
      %dma_wait3A_1003 = tpu.memref_slice %arg2[%mul3A_2, %dma_wait3A_1002] : memref<320000x128xf32, #tpu.memory_space<hbm>> -> memref<80x128xf32, #tpu.memory_space<hbm>>
      %dma_wait3A_1004 = arith.constant 0 : i32
      %dma_wait3A_1005 = arith.constant 0 : i32
      %dma_wait3A_1006 = tpu.memref_slice %arg7[%dma_wait3A_997, %dma_wait3A_1004, %dma_wait3A_1005] : memref<5x80x128xf32, #tpu.memory_space<vmem>> -> memref<1x80x128xf32, #tpu.memory_space<vmem>>
      %dma_wait3A_1007 = tpu.memref_squeeze %dma_wait3A_1006 : memref<1x80x128xf32, #tpu.memory_space<vmem>> -> memref<80x128xf32, #tpu.memory_space<vmem>>
      %dma_wait3A_1008 = arith.constant 0 : i32
      %dma_wait3A_1009 = tpu.memref_slice %arg2[%mul3A_2, %dma_wait3A_1008] : memref<320000x128xf32, #tpu.memory_space<hbm>> -> memref<80x128xf32, #tpu.memory_space<hbm>>
      tpu.wait_dma2 semaphore(%arg15 : memref<!tpu.dma_semaphore, #tpu.memory_space<semaphore_mem>>) src(%dma_wait3A_1009 : memref<80x128xf32, #tpu.memory_space<hbm>>) dst(%dma_wait3A_1007 : memref<80x128xf32, #tpu.memory_space<vmem>>)
      %mul3A_1010 = arith.constant 2 : i32
      %mul3A_1011 = arith.muli %add3A_996, %mul3A_1010 : i32
      %add3A_1012 = arith.constant 0 : i32
      %add3A_1013 = arith.addi %mul3A_1011, %add3A_1012 : i32
      %get3A_1014 = arith.index_cast %add3A_1013 : i32 to index
      %get3A_1015 = arith.constant 0 : index
      %get3A_1016 = tpu.vector_load %arg6[%get3A_1014, %get3A_1015] {strides = array<i32>} : memref<250x40xi32, #tpu.memory_space<vmem>>, vector<1x16xi32>,
      %get3A_1017 = vector.shape_cast %get3A_1016 : vector<1x16xi32> to vector<16xi32>
      %get3A_1018 = arith.index_cast %add3A_1013 : i32 to index
      %get3A_1019 = arith.constant 24 : index
      %get3A_1020 = tpu.vector_load %arg6[%get3A_1018, %get3A_1019] {strides = array<i32>} : memref<250x40xi32, #tpu.memory_space<vmem>>, vector<1x16xi32>,
      %get3A_1021 = vector.shape_cast %get3A_1020 : vector<1x16xi32> to vector<16xi32>
      %slice3A_1022 = vector.extract_strided_slice %get3A_1017 {offsets = [0], sizes = [1], strides = [1]} : vector<16xi32> to vector<1xi32>
      %squeeze3A_1023 = vector.extract %slice3A_1022[0] : i32 from vector<1xi32>
      %slice3A_1024 = vector.extract_strided_slice %get3A_1021 {offsets = [15], sizes = [1], strides = [1]} : vector<16xi32> to vector<1xi32>
      %squeeze3A_1025 = vector.extract %slice3A_1024[0] : i32 from vector<1xi32>
      %eq3A_1026 = arith.cmpi eq, %squeeze3A_1023, %squeeze3A_1025 : i32
      %sub3A_1027 = arith.subi %squeeze3A_1025, %squeeze3A : i32
      %lt3A_1028 = arith.constant 256 : i32
      %lt3A_1029 = arith.cmpi slt, %sub3A_1027, %lt3A_1028 : i32
      %and3A_1030 = arith.andi %eq3A_1026, %lt3A_1029 : i1
      %not3A_1031 = arith.constant true
      %not3A_1032 = arith.xori %and3A_1030, %not3A_1031 : i1
      %ne3A_1033 = arith.cmpi ne, %squeeze3A_1023, %select_n3A_987 : i32
      %or3A_1034 = arith.ori %not3A_1032, %ne3A_1033 : i1
      %convert_element_type3A_1035 = arith.extui %or3A_1034 : i1 to i32
      %cond3A_1036 = arith.constant 0 : i32
      %cond3A_1037 = arith.cmpi ne, %convert_element_type3A_1035, %cond3A_1036 : i32
      scf.if %cond3A_1037 {
        %sub3A_1133 = arith.subi %select_n3A_987, %squeeze3A : i32
        %min3A_1134 = arith.constant 255 : i32
        %min3A_1135 = arith.minsi %sub3A_1133, %min3A_1134 : i32
        %get3A_1136 = arith.index_cast %min3A_1135 : i32 to index
        %get3A_1137 = arith.constant 0 : index
        %get3A_1138 = tpu.vector_load %arg8[%get3A_1136, %get3A_1137] {strides = array<i32>} : memref<256x128xf32, #tpu.memory_space<vmem>>, vector<1x16xf32>,
        %get3A_1139 = vector.shape_cast %get3A_1138 : vector<1x16xf32> to vector<16xf32>
        %add3A_1140 = arith.addf %get3A_1139, %select_n3A_979 : vector<16xf32>
        %swap3A_1141 = arith.index_cast %min3A_1135 : i32 to index
        %swap3A_1142 = arith.constant 0 : index
        %swap3A_1143 = tpu.vector_load %arg8[%swap3A_1141, %swap3A_1142] {strides = array<i32>} : memref<256x128xf32, #tpu.memory_space<vmem>>, vector<1x16xf32>,
        %swap3A_1144 = vector.shape_cast %swap3A_1143 : vector<1x16xf32> to vector<16xf32>
        %swap3A_1145 = vector.shape_cast %add3A_1140 : vector<16xf32> to vector<1x16xf32>
        tpu.vector_store %arg8[%swap3A_1141, %swap3A_1142], %swap3A_1145 {strides = array<i32>} : memref<256x128xf32, #tpu.memory_space<vmem>>, vector<1x16xf32>,
        %get3A_1146 = arith.index_cast %min3A_1135 : i32 to index
        %get3A_1147 = arith.constant 16 : index
        %get3A_1148 = tpu.vector_load %arg8[%get3A_1146, %get3A_1147] {strides = array<i32>} : memref<256x128xf32, #tpu.memory_space<vmem>>, vector<1x16xf32>,
        %get3A_1149 = vector.shape_cast %get3A_1148 : vector<1x16xf32> to vector<16xf32>
        %add3A_1150 = arith.addf %get3A_1149, %select_n3A_980 : vector<16xf32>
        %swap3A_1151 = arith.index_cast %min3A_1135 : i32 to index
        %swap3A_1152 = arith.constant 16 : index
        %swap3A_1153 = tpu.vector_load %arg8[%swap3A_1151, %swap3A_1152] {strides = array<i32>} : memref<256x128xf32, #tpu.memory_space<vmem>>, vector<1x16xf32>,
        %swap3A_1154 = vector.shape_cast %swap3A_1153 : vector<1x16xf32> to vector<16xf32>
        %swap3A_1155 = vector.shape_cast %add3A_1150 : vector<16xf32> to vector<1x16xf32>
        tpu.vector_store %arg8[%swap3A_1151, %swap3A_1152], %swap3A_1155 {strides = array<i32>} : memref<256x128xf32, #tpu.memory_space<vmem>>, vector<1x16xf32>,
        %get3A_1156 = arith.index_cast %min3A_1135 : i32 to index
        %get3A_1157 = arith.constant 32 : index
        %get3A_1158 = tpu.vector_load %arg8[%get3A_1156, %get3A_1157] {strides = array<i32>} : memref<256x128xf32, #tpu.memory_space<vmem>>, vector<1x16xf32>,
        %get3A_1159 = vector.shape_cast %get3A_1158 : vector<1x16xf32> to vector<16xf32>
        %add3A_1160 = arith.addf %get3A_1159, %select_n3A_981 : vector<16xf32>
        %swap3A_1161 = arith.index_cast %min3A_1135 : i32 to index
        %swap3A_1162 = arith.constant 32 : index
        %swap3A_1163 = tpu.vector_load %arg8[%swap3A_1161, %swap3A_1162] {strides = array<i32>} : memref<256x128xf32, #tpu.memory_space<vmem>>, vector<1x16xf32>,
        %swap3A_1164 = vector.shape_cast %swap3A_1163 : vector<1x16xf32> to vector<16xf32>
        %swap3A_1165 = vector.shape_cast %add3A_1160 : vector<16xf32> to vector<1x16xf32>
        tpu.vector_store %arg8[%swap3A_1161, %swap3A_1162], %swap3A_1165 {strides = array<i32>} : memref<256x128xf32, #tpu.memory_space<vmem>>, vector<1x16xf32>,
        %get3A_1166 = arith.index_cast %min3A_1135 : i32 to index
        %get3A_1167 = arith.constant 48 : index
        %get3A_1168 = tpu.vector_load %arg8[%get3A_1166, %get3A_1167] {strides = array<i32>} : memref<256x128xf32, #tpu.memory_space<vmem>>, vector<1x16xf32>,
        %get3A_1169 = vector.shape_cast %get3A_1168 : vector<1x16xf32> to vector<16xf32>
        %add3A_1170 = arith.addf %get3A_1169, %select_n3A_982 : vector<16xf32>
        %swap3A_1171 = arith.index_cast %min3A_1135 : i32 to index
        %swap3A_1172 = arith.constant 48 : index
        %swap3A_1173 = tpu.vector_load %arg8[%swap3A_1171, %swap3A_1172] {strides = array<i32>} : memref<256x128xf32, #tpu.memory_space<vmem>>, vector<1x16xf32>,
        %swap3A_1174 = vector.shape_cast %swap3A_1173 : vector<1x16xf32> to vector<16xf32>
        %swap3A_1175 = vector.shape_cast %add3A_1170 : vector<16xf32> to vector<1x16xf32>
        tpu.vector_store %arg8[%swap3A_1171, %swap3A_1172], %swap3A_1175 {strides = array<i32>} : memref<256x128xf32, #tpu.memory_space<vmem>>, vector<1x16xf32>,
        %get3A_1176 = arith.index_cast %min3A_1135 : i32 to index
        %get3A_1177 = arith.constant 64 : index
        %get3A_1178 = tpu.vector_load %arg8[%get3A_1176, %get3A_1177] {strides = array<i32>} : memref<256x128xf32, #tpu.memory_space<vmem>>, vector<1x16xf32>,
        %get3A_1179 = vector.shape_cast %get3A_1178 : vector<1x16xf32> to vector<16xf32>
        %add3A_1180 = arith.addf %get3A_1179, %select_n3A_983 : vector<16xf32>
        %swap3A_1181 = arith.index_cast %min3A_1135 : i32 to index
        %swap3A_1182 = arith.constant 64 : index
        %swap3A_1183 = tpu.vector_load %arg8[%swap3A_1181, %swap3A_1182] {strides = array<i32>} : memref<256x128xf32, #tpu.memory_space<vmem>>, vector<1x16xf32>,
        %swap3A_1184 = vector.shape_cast %swap3A_1183 : vector<1x16xf32> to vector<16xf32>
        %swap3A_1185 = vector.shape_cast %add3A_1180 : vector<16xf32> to vector<1x16xf32>
        tpu.vector_store %arg8[%swap3A_1181, %swap3A_1182], %swap3A_1185 {strides = array<i32>} : memref<256x128xf32, #tpu.memory_space<vmem>>, vector<1x16xf32>,
        %get3A_1186 = arith.index_cast %min3A_1135 : i32 to index
        %get3A_1187 = arith.constant 80 : index
        %get3A_1188 = tpu.vector_load %arg8[%get3A_1186, %get3A_1187] {strides = array<i32>} : memref<256x128xf32, #tpu.memory_space<vmem>>, vector<1x16xf32>,
        %get3A_1189 = vector.shape_cast %get3A_1188 : vector<1x16xf32> to vector<16xf32>
        %add3A_1190 = arith.addf %get3A_1189, %select_n3A_984 : vector<16xf32>
        %swap3A_1191 = arith.index_cast %min3A_1135 : i32 to index
        %swap3A_1192 = arith.constant 80 : index
        %swap3A_1193 = tpu.vector_load %arg8[%swap3A_1191, %swap3A_1192] {strides = array<i32>} : memref<256x128xf32, #tpu.memory_space<vmem>>, vector<1x16xf32>,
        %swap3A_1194 = vector.shape_cast %swap3A_1193 : vector<1x16xf32> to vector<16xf32>
        %swap3A_1195 = vector.shape_cast %add3A_1190 : vector<16xf32> to vector<1x16xf32>
        tpu.vector_store %arg8[%swap3A_1191, %swap3A_1192], %swap3A_1195 {strides = array<i32>} : memref<256x128xf32, #tpu.memory_space<vmem>>, vector<1x16xf32>,
        %get3A_1196 = arith.index_cast %min3A_1135 : i32 to index
        %get3A_1197 = arith.constant 96 : index
        %get3A_1198 = tpu.vector_load %arg8[%get3A_1196, %get3A_1197] {strides = array<i32>} : memref<256x128xf32, #tpu.memory_space<vmem>>, vector<1x16xf32>,
        %get3A_1199 = vector.shape_cast %get3A_1198 : vector<1x16xf32> to vector<16xf32>
        %add3A_1200 = arith.addf %get3A_1199, %select_n3A_985 : vector<16xf32>
        %swap3A_1201 = arith.index_cast %min3A_1135 : i32 to index
        %swap3A_1202 = arith.constant 96 : index
        %swap3A_1203 = tpu.vector_load %arg8[%swap3A_1201, %swap3A_1202] {strides = array<i32>} : memref<256x128xf32, #tpu.memory_space<vmem>>, vector<1x16xf32>,
        %swap3A_1204 = vector.shape_cast %swap3A_1203 : vector<1x16xf32> to vector<16xf32>
        %swap3A_1205 = vector.shape_cast %add3A_1200 : vector<16xf32> to vector<1x16xf32>
        tpu.vector_store %arg8[%swap3A_1201, %swap3A_1202], %swap3A_1205 {strides = array<i32>} : memref<256x128xf32, #tpu.memory_space<vmem>>, vector<1x16xf32>,
        %get3A_1206 = arith.index_cast %min3A_1135 : i32 to index
        %get3A_1207 = arith.constant 112 : index
        %get3A_1208 = tpu.vector_load %arg8[%get3A_1206, %get3A_1207] {strides = array<i32>} : memref<256x128xf32, #tpu.memory_space<vmem>>, vector<1x16xf32>,
        %get3A_1209 = vector.shape_cast %get3A_1208 : vector<1x16xf32> to vector<16xf32>
        %add3A_1210 = arith.addf %get3A_1209, %select_n3A_986 : vector<16xf32>
        %swap3A_1211 = arith.index_cast %min3A_1135 : i32 to index
        %swap3A_1212 = arith.constant 112 : index
        %swap3A_1213 = tpu.vector_load %arg8[%swap3A_1211, %swap3A_1212] {strides = array<i32>} : memref<256x128xf32, #tpu.memory_space<vmem>>, vector<1x16xf32>,
        %swap3A_1214 = vector.shape_cast %swap3A_1213 : vector<1x16xf32> to vector<16xf32>
        %swap3A_1215 = vector.shape_cast %add3A_1210 : vector<16xf32> to vector<1x16xf32>
        tpu.vector_store %arg8[%swap3A_1211, %swap3A_1212], %swap3A_1215 {strides = array<i32>} : memref<256x128xf32, #tpu.memory_space<vmem>>, vector<1x16xf32>,
      } else {
      }
      %select_n3A_1038 = arith.select %or3A_1034, %broadcast_in_dim3A_92, %select_n3A_979 : vector<16xf32>
      %select_n3A_1039 = arith.select %or3A_1034, %broadcast_in_dim3A_92, %select_n3A_980 : vector<16xf32>
      %select_n3A_1040 = arith.select %or3A_1034, %broadcast_in_dim3A_92, %select_n3A_981 : vector<16xf32>
      %select_n3A_1041 = arith.select %or3A_1034, %broadcast_in_dim3A_92, %select_n3A_982 : vector<16xf32>
      %select_n3A_1042 = arith.select %or3A_1034, %broadcast_in_dim3A_92, %select_n3A_983 : vector<16xf32>
      %select_n3A_1043 = arith.select %or3A_1034, %broadcast_in_dim3A_92, %select_n3A_984 : vector<16xf32>
      %select_n3A_1044 = arith.select %or3A_1034, %broadcast_in_dim3A_92, %select_n3A_985 : vector<16xf32>
      %select_n3A_1045 = arith.select %or3A_1034, %broadcast_in_dim3A_92, %select_n3A_986 : vector<16xf32>
      %scan3A_1046 = arith.constant 4 : i32
      %scan3A_1047 = arith.constant 0 : i32
      %scan3A_1048 = arith.constant 20 : i32
      %scan3A_1049 = arith.addi %scan3A_1047, %scan3A_1048 : i32
      %scan3A_1050 = arith.constant 1 : i32
      %scan3A_1051:8 = scf.for %scan3A_1133 = %scan3A_1047 to %scan3A_1049 step %scan3A_1050 iter_args(%scan3A_1134 = %select_n3A_1038, %scan3A_1135 = %select_n3A_1039, %scan3A_1136 = %select_n3A_1040, %scan3A_1137 = %select_n3A_1041, %scan3A_1138 = %select_n3A_1042, %scan3A_1139 = %select_n3A_1043, %scan3A_1140 = %select_n3A_1044, %scan3A_1141 = %select_n3A_1045) -> (vector<16xf32>, vector<16xf32>, vector<16xf32>, vector<16xf32>, vector<16xf32>, vector<16xf32>, vector<16xf32>, vector<16xf32>)  : i32 {
        %mul3A_1142 = arith.constant 2 : i32
        %mul3A_1143 = arith.muli %scan3A_1133, %mul3A_1142 : i32
        %add3A_1144 = arith.constant 0 : i32
        %add3A_1145 = arith.addi %add3A_1144, %mul3A_1143 : i32
        %get3A_1146 = arith.constant 0 : i32
        %get3A_1147 = arith.constant 0 : i32
        %get3A_1148 = tpu.memref_slice %arg7[%scan3A_1046, %get3A_1146, %get3A_1147] : memref<5x80x128xf32, #tpu.memory_space<vmem>> -> memref<1x80x128xf32, #tpu.memory_space<vmem>>
        %get3A_1149 = tpu.memref_squeeze %get3A_1148 : memref<1x80x128xf32, #tpu.memory_space<vmem>> -> memref<80x128xf32, #tpu.memory_space<vmem>>
        %get3A_1150 = arith.index_cast %add3A_1145 : i32 to index
        %get3A_1151 = arith.constant 0 : index
        %get3A_1152 = tpu.vector_load %get3A_1149[%get3A_1150, %get3A_1151] {strides = array<i32>} : memref<80x128xf32, #tpu.memory_space<vmem>>, vector<1x16xf32>,
        %get3A_1153 = vector.shape_cast %get3A_1152 : vector<1x16xf32> to vector<16xf32>
        %add3A_1154 = arith.addf %scan3A_1134, %get3A_1153 : vector<16xf32>
        %get3A_1155 = arith.constant 0 : i32
        %get3A_1156 = arith.constant 0 : i32
        %get3A_1157 = tpu.memref_slice %arg7[%scan3A_1046, %get3A_1155, %get3A_1156] : memref<5x80x128xf32, #tpu.memory_space<vmem>> -> memref<1x80x128xf32, #tpu.memory_space<vmem>>
        %get3A_1158 = tpu.memref_squeeze %get3A_1157 : memref<1x80x128xf32, #tpu.memory_space<vmem>> -> memref<80x128xf32, #tpu.memory_space<vmem>>
        %get3A_1159 = arith.index_cast %add3A_1145 : i32 to index
        %get3A_1160 = arith.constant 16 : index
        %get3A_1161 = tpu.vector_load %get3A_1158[%get3A_1159, %get3A_1160] {strides = array<i32>} : memref<80x128xf32, #tpu.memory_space<vmem>>, vector<1x16xf32>,
        %get3A_1162 = vector.shape_cast %get3A_1161 : vector<1x16xf32> to vector<16xf32>
        %add3A_1163 = arith.addf %scan3A_1135, %get3A_1162 : vector<16xf32>
        %get3A_1164 = arith.constant 0 : i32
        %get3A_1165 = arith.constant 0 : i32
        %get3A_1166 = tpu.memref_slice %arg7[%scan3A_1046, %get3A_1164, %get3A_1165] : memref<5x80x128xf32, #tpu.memory_space<vmem>> -> memref<1x80x128xf32, #tpu.memory_space<vmem>>
        %get3A_1167 = tpu.memref_squeeze %get3A_1166 : memref<1x80x128xf32, #tpu.memory_space<vmem>> -> memref<80x128xf32, #tpu.memory_space<vmem>>
        %get3A_1168 = arith.index_cast %add3A_1145 : i32 to index
        %get3A_1169 = arith.constant 32 : index
        %get3A_1170 = tpu.vector_load %get3A_1167[%get3A_1168, %get3A_1169] {strides = array<i32>} : memref<80x128xf32, #tpu.memory_space<vmem>>, vector<1x16xf32>,
        %get3A_1171 = vector.shape_cast %get3A_1170 : vector<1x16xf32> to vector<16xf32>
        %add3A_1172 = arith.addf %scan3A_1136, %get3A_1171 : vector<16xf32>
        %get3A_1173 = arith.constant 0 : i32
        %get3A_1174 = arith.constant 0 : i32
        %get3A_1175 = tpu.memref_slice %arg7[%scan3A_1046, %get3A_1173, %get3A_1174] : memref<5x80x128xf32, #tpu.memory_space<vmem>> -> memref<1x80x128xf32, #tpu.memory_space<vmem>>
        %get3A_1176 = tpu.memref_squeeze %get3A_1175 : memref<1x80x128xf32, #tpu.memory_space<vmem>> -> memref<80x128xf32, #tpu.memory_space<vmem>>
        %get3A_1177 = arith.index_cast %add3A_1145 : i32 to index
        %get3A_1178 = arith.constant 48 : index
        %get3A_1179 = tpu.vector_load %get3A_1176[%get3A_1177, %get3A_1178] {strides = array<i32>} : memref<80x128xf32, #tpu.memory_space<vmem>>, vector<1x16xf32>,
        %get3A_1180 = vector.shape_cast %get3A_1179 : vector<1x16xf32> to vector<16xf32>
        %add3A_1181 = arith.addf %scan3A_1137, %get3A_1180 : vector<16xf32>
        %get3A_1182 = arith.constant 0 : i32
        %get3A_1183 = arith.constant 0 : i32
        %get3A_1184 = tpu.memref_slice %arg7[%scan3A_1046, %get3A_1182, %get3A_1183] : memref<5x80x128xf32, #tpu.memory_space<vmem>> -> memref<1x80x128xf32, #tpu.memory_space<vmem>>
        %get3A_1185 = tpu.memref_squeeze %get3A_1184 : memref<1x80x128xf32, #tpu.memory_space<vmem>> -> memref<80x128xf32, #tpu.memory_space<vmem>>
        %get3A_1186 = arith.index_cast %add3A_1145 : i32 to index
        %get3A_1187 = arith.constant 64 : index
        %get3A_1188 = tpu.vector_load %get3A_1185[%get3A_1186, %get3A_1187] {strides = array<i32>} : memref<80x128xf32, #tpu.memory_space<vmem>>, vector<1x16xf32>,
        %get3A_1189 = vector.shape_cast %get3A_1188 : vector<1x16xf32> to vector<16xf32>
        %add3A_1190 = arith.addf %scan3A_1138, %get3A_1189 : vector<16xf32>
        %get3A_1191 = arith.constant 0 : i32
        %get3A_1192 = arith.constant 0 : i32
        %get3A_1193 = tpu.memref_slice %arg7[%scan3A_1046, %get3A_1191, %get3A_1192] : memref<5x80x128xf32, #tpu.memory_space<vmem>> -> memref<1x80x128xf32, #tpu.memory_space<vmem>>
        %get3A_1194 = tpu.memref_squeeze %get3A_1193 : memref<1x80x128xf32, #tpu.memory_space<vmem>> -> memref<80x128xf32, #tpu.memory_space<vmem>>
        %get3A_1195 = arith.index_cast %add3A_1145 : i32 to index
        %get3A_1196 = arith.constant 80 : index
        %get3A_1197 = tpu.vector_load %get3A_1194[%get3A_1195, %get3A_1196] {strides = array<i32>} : memref<80x128xf32, #tpu.memory_space<vmem>>, vector<1x16xf32>,
        %get3A_1198 = vector.shape_cast %get3A_1197 : vector<1x16xf32> to vector<16xf32>
        %add3A_1199 = arith.addf %scan3A_1139, %get3A_1198 : vector<16xf32>
        %get3A_1200 = arith.constant 0 : i32
        %get3A_1201 = arith.constant 0 : i32
        %get3A_1202 = tpu.memref_slice %arg7[%scan3A_1046, %get3A_1200, %get3A_1201] : memref<5x80x128xf32, #tpu.memory_space<vmem>> -> memref<1x80x128xf32, #tpu.memory_space<vmem>>
        %get3A_1203 = tpu.memref_squeeze %get3A_1202 : memref<1x80x128xf32, #tpu.memory_space<vmem>> -> memref<80x128xf32, #tpu.memory_space<vmem>>
        %get3A_1204 = arith.index_cast %add3A_1145 : i32 to index
        %get3A_1205 = arith.constant 96 : index
        %get3A_1206 = tpu.vector_load %get3A_1203[%get3A_1204, %get3A_1205] {strides = array<i32>} : memref<80x128xf32, #tpu.memory_space<vmem>>, vector<1x16xf32>,
        %get3A_1207 = vector.shape_cast %get3A_1206 : vector<1x16xf32> to vector<16xf32>
        %add3A_1208 = arith.addf %scan3A_1140, %get3A_1207 : vector<16xf32>
        %get3A_1209 = arith.constant 0 : i32
        %get3A_1210 = arith.constant 0 : i32
        %get3A_1211 = tpu.memref_slice %arg7[%scan3A_1046, %get3A_1209, %get3A_1210] : memref<5x80x128xf32, #tpu.memory_space<vmem>> -> memref<1x80x128xf32, #tpu.memory_space<vmem>>
        %get3A_1212 = tpu.memref_squeeze %get3A_1211 : memref<1x80x128xf32, #tpu.memory_space<vmem>> -> memref<80x128xf32, #tpu.memory_space<vmem>>
        %get3A_1213 = arith.index_cast %add3A_1145 : i32 to index
        %get3A_1214 = arith.constant 112 : index
        %get3A_1215 = tpu.vector_load %get3A_1212[%get3A_1213, %get3A_1214] {strides = array<i32>} : memref<80x128xf32, #tpu.memory_space<vmem>>, vector<1x16xf32>,
        %get3A_1216 = vector.shape_cast %get3A_1215 : vector<1x16xf32> to vector<16xf32>
        %add3A_1217 = arith.addf %scan3A_1141, %get3A_1216 : vector<16xf32>
        %add3A_1218 = arith.constant 1 : i32
        %add3A_1219 = arith.addi %add3A_1145, %add3A_1218 : i32
        %get3A_1220 = arith.constant 0 : i32
        %get3A_1221 = arith.constant 0 : i32
        %get3A_1222 = tpu.memref_slice %arg7[%scan3A_1046, %get3A_1220, %get3A_1221] : memref<5x80x128xf32, #tpu.memory_space<vmem>> -> memref<1x80x128xf32, #tpu.memory_space<vmem>>
        %get3A_1223 = tpu.memref_squeeze %get3A_1222 : memref<1x80x128xf32, #tpu.memory_space<vmem>> -> memref<80x128xf32, #tpu.memory_space<vmem>>
        %get3A_1224 = arith.index_cast %add3A_1219 : i32 to index
        %get3A_1225 = arith.constant 0 : index
        %get3A_1226 = tpu.vector_load %get3A_1223[%get3A_1224, %get3A_1225] {strides = array<i32>} : memref<80x128xf32, #tpu.memory_space<vmem>>, vector<1x16xf32>,
        %get3A_1227 = vector.shape_cast %get3A_1226 : vector<1x16xf32> to vector<16xf32>
        %add3A_1228 = arith.addf %add3A_1154, %get3A_1227 : vector<16xf32>
        %add3A_1229 = arith.constant 1 : i32
        %add3A_1230 = arith.addi %add3A_1145, %add3A_1229 : i32
        %get3A_1231 = arith.constant 0 : i32
        %get3A_1232 = arith.constant 0 : i32
        %get3A_1233 = tpu.memref_slice %arg7[%scan3A_1046, %get3A_1231, %get3A_1232] : memref<5x80x128xf32, #tpu.memory_space<vmem>> -> memref<1x80x128xf32, #tpu.memory_space<vmem>>
        %get3A_1234 = tpu.memref_squeeze %get3A_1233 : memref<1x80x128xf32, #tpu.memory_space<vmem>> -> memref<80x128xf32, #tpu.memory_space<vmem>>
        %get3A_1235 = arith.index_cast %add3A_1230 : i32 to index
        %get3A_1236 = arith.constant 16 : index
        %get3A_1237 = tpu.vector_load %get3A_1234[%get3A_1235, %get3A_1236] {strides = array<i32>} : memref<80x128xf32, #tpu.memory_space<vmem>>, vector<1x16xf32>,
        %get3A_1238 = vector.shape_cast %get3A_1237 : vector<1x16xf32> to vector<16xf32>
        %add3A_1239 = arith.addf %add3A_1163, %get3A_1238 : vector<16xf32>
        %add3A_1240 = arith.constant 1 : i32
        %add3A_1241 = arith.addi %add3A_1145, %add3A_1240 : i32
        %get3A_1242 = arith.constant 0 : i32
        %get3A_1243 = arith.constant 0 : i32
        %get3A_1244 = tpu.memref_slice %arg7[%scan3A_1046, %get3A_1242, %get3A_1243] : memref<5x80x128xf32, #tpu.memory_space<vmem>> -> memref<1x80x128xf32, #tpu.memory_space<vmem>>
        %get3A_1245 = tpu.memref_squeeze %get3A_1244 : memref<1x80x128xf32, #tpu.memory_space<vmem>> -> memref<80x128xf32, #tpu.memory_space<vmem>>
        %get3A_1246 = arith.index_cast %add3A_1241 : i32 to index
        %get3A_1247 = arith.constant 32 : index
        %get3A_1248 = tpu.vector_load %get3A_1245[%get3A_1246, %get3A_1247] {strides = array<i32>} : memref<80x128xf32, #tpu.memory_space<vmem>>, vector<1x16xf32>,
        %get3A_1249 = vector.shape_cast %get3A_1248 : vector<1x16xf32> to vector<16xf32>
        %add3A_1250 = arith.addf %add3A_1172, %get3A_1249 : vector<16xf32>
        %add3A_1251 = arith.constant 1 : i32
        %add3A_1252 = arith.addi %add3A_1145, %add3A_1251 : i32
        %get3A_1253 = arith.constant 0 : i32
        %get3A_1254 = arith.constant 0 : i32
        %get3A_1255 = tpu.memref_slice %arg7[%scan3A_1046, %get3A_1253, %get3A_1254] : memref<5x80x128xf32, #tpu.memory_space<vmem>> -> memref<1x80x128xf32, #tpu.memory_space<vmem>>
        %get3A_1256 = tpu.memref_squeeze %get3A_1255 : memref<1x80x128xf32, #tpu.memory_space<vmem>> -> memref<80x128xf32, #tpu.memory_space<vmem>>
        %get3A_1257 = arith.index_cast %add3A_1252 : i32 to index
        %get3A_1258 = arith.constant 48 : index
        %get3A_1259 = tpu.vector_load %get3A_1256[%get3A_1257, %get3A_1258] {strides = array<i32>} : memref<80x128xf32, #tpu.memory_space<vmem>>, vector<1x16xf32>,
        %get3A_1260 = vector.shape_cast %get3A_1259 : vector<1x16xf32> to vector<16xf32>
        %add3A_1261 = arith.addf %add3A_1181, %get3A_1260 : vector<16xf32>
        %add3A_1262 = arith.constant 1 : i32
        %add3A_1263 = arith.addi %add3A_1145, %add3A_1262 : i32
        %get3A_1264 = arith.constant 0 : i32
        %get3A_1265 = arith.constant 0 : i32
        %get3A_1266 = tpu.memref_slice %arg7[%scan3A_1046, %get3A_1264, %get3A_1265] : memref<5x80x128xf32, #tpu.memory_space<vmem>> -> memref<1x80x128xf32, #tpu.memory_space<vmem>>
        %get3A_1267 = tpu.memref_squeeze %get3A_1266 : memref<1x80x128xf32, #tpu.memory_space<vmem>> -> memref<80x128xf32, #tpu.memory_space<vmem>>
        %get3A_1268 = arith.index_cast %add3A_1263 : i32 to index
        %get3A_1269 = arith.constant 64 : index
        %get3A_1270 = tpu.vector_load %get3A_1267[%get3A_1268, %get3A_1269] {strides = array<i32>} : memref<80x128xf32, #tpu.memory_space<vmem>>, vector<1x16xf32>,
        %get3A_1271 = vector.shape_cast %get3A_1270 : vector<1x16xf32> to vector<16xf32>
        %add3A_1272 = arith.addf %add3A_1190, %get3A_1271 : vector<16xf32>
        %add3A_1273 = arith.constant 1 : i32
        %add3A_1274 = arith.addi %add3A_1145, %add3A_1273 : i32
        %get3A_1275 = arith.constant 0 : i32
        %get3A_1276 = arith.constant 0 : i32
        %get3A_1277 = tpu.memref_slice %arg7[%scan3A_1046, %get3A_1275, %get3A_1276] : memref<5x80x128xf32, #tpu.memory_space<vmem>> -> memref<1x80x128xf32, #tpu.memory_space<vmem>>
        %get3A_1278 = tpu.memref_squeeze %get3A_1277 : memref<1x80x128xf32, #tpu.memory_space<vmem>> -> memref<80x128xf32, #tpu.memory_space<vmem>>
        %get3A_1279 = arith.index_cast %add3A_1274 : i32 to index
        %get3A_1280 = arith.constant 80 : index
        %get3A_1281 = tpu.vector_load %get3A_1278[%get3A_1279, %get3A_1280] {strides = array<i32>} : memref<80x128xf32, #tpu.memory_space<vmem>>, vector<1x16xf32>,
        %get3A_1282 = vector.shape_cast %get3A_1281 : vector<1x16xf32> to vector<16xf32>
        %add3A_1283 = arith.addf %add3A_1199, %get3A_1282 : vector<16xf32>
        %add3A_1284 = arith.constant 1 : i32
        %add3A_1285 = arith.addi %add3A_1145, %add3A_1284 : i32
        %get3A_1286 = arith.constant 0 : i32
        %get3A_1287 = arith.constant 0 : i32
        %get3A_1288 = tpu.memref_slice %arg7[%scan3A_1046, %get3A_1286, %get3A_1287] : memref<5x80x128xf32, #tpu.memory_space<vmem>> -> memref<1x80x128xf32, #tpu.memory_space<vmem>>
        %get3A_1289 = tpu.memref_squeeze %get3A_1288 : memref<1x80x128xf32, #tpu.memory_space<vmem>> -> memref<80x128xf32, #tpu.memory_space<vmem>>
        %get3A_1290 = arith.index_cast %add3A_1285 : i32 to index
        %get3A_1291 = arith.constant 96 : index
        %get3A_1292 = tpu.vector_load %get3A_1289[%get3A_1290, %get3A_1291] {strides = array<i32>} : memref<80x128xf32, #tpu.memory_space<vmem>>, vector<1x16xf32>,
        %get3A_1293 = vector.shape_cast %get3A_1292 : vector<1x16xf32> to vector<16xf32>
        %add3A_1294 = arith.addf %add3A_1208, %get3A_1293 : vector<16xf32>
        %add3A_1295 = arith.constant 1 : i32
        %add3A_1296 = arith.addi %add3A_1145, %add3A_1295 : i32
        %get3A_1297 = arith.constant 0 : i32
        %get3A_1298 = arith.constant 0 : i32
        %get3A_1299 = tpu.memref_slice %arg7[%scan3A_1046, %get3A_1297, %get3A_1298] : memref<5x80x128xf32, #tpu.memory_space<vmem>> -> memref<1x80x128xf32, #tpu.memory_space<vmem>>
        %get3A_1300 = tpu.memref_squeeze %get3A_1299 : memref<1x80x128xf32, #tpu.memory_space<vmem>> -> memref<80x128xf32, #tpu.memory_space<vmem>>
        %get3A_1301 = arith.index_cast %add3A_1296 : i32 to index
        %get3A_1302 = arith.constant 112 : index
        %get3A_1303 = tpu.vector_load %get3A_1300[%get3A_1301, %get3A_1302] {strides = array<i32>} : memref<80x128xf32, #tpu.memory_space<vmem>>, vector<1x16xf32>,
        %get3A_1304 = vector.shape_cast %get3A_1303 : vector<1x16xf32> to vector<16xf32>
        %add3A_1305 = arith.addf %add3A_1217, %get3A_1304 : vector<16xf32>
        scf.yield %add3A_1228, %add3A_1239, %add3A_1250, %add3A_1261, %add3A_1272, %add3A_1283, %add3A_1294, %add3A_1305 : vector<16xf32>, vector<16xf32>, vector<16xf32>, vector<16xf32>, vector<16xf32>, vector<16xf32>, vector<16xf32>, vector<16xf32>
      }
      %scan3A_1052 = arith.constant 20 : i32
      %not3A_1053 = arith.constant true
      %not3A_1054 = arith.xori %and3A_1030, %not3A_1053 : i1
      %convert_element_type3A_1055 = arith.extui %not3A_1054 : i1 to i32
      %cond3A_1056 = arith.constant 4 : i32
      %cond3A_1057 = arith.constant 0 : i32
      %cond3A_1058 = arith.cmpi ne, %convert_element_type3A_1055, %cond3A_1057 : i32
      scf.if %cond3A_1058 {
        "tpu.region"() ({
          %run_scoped3A = tpu.sem_alloc : memref<!tpu.dma_semaphore, #tpu.memory_space<semaphore_mem>>
          %dma_start3A_1133 = arith.constant 0 : i32
          %dma_start3A_1134 = arith.constant 0 : i32
          %dma_start3A_1135 = tpu.memref_slice %arg7[%cond3A_1056, %dma_start3A_1133, %dma_start3A_1134] : memref<5x80x128xf32, #tpu.memory_space<vmem>> -> memref<1x80x128xf32, #tpu.memory_space<vmem>>
          %dma_start3A_1136 = tpu.memref_squeeze %dma_start3A_1135 : memref<1x80x128xf32, #tpu.memory_space<vmem>> -> memref<80x128xf32, #tpu.memory_space<vmem>>
          %dma_start3A_1137 = arith.constant 0 : i32
          %dma_start3A_1138 = arith.constant 0 : i32
          %dma_start3A_1139 = tpu.memref_slice %dma_start3A_1136[%dma_start3A_1137, %dma_start3A_1138] : memref<80x128xf32, #tpu.memory_space<vmem>> -> memref<40x128xf32, #tpu.memory_space<vmem>>
          %dma_start3A_1140 = arith.constant 0 : i32
          %dma_start3A_1141 = tpu.memref_slice %arg6[%add3A_1013, %dma_start3A_1140] : memref<250x40xi32, #tpu.memory_space<vmem>> -> memref<1x40xi32, #tpu.memory_space<vmem>>
          %dma_start3A_1142 = tpu.memref_squeeze %dma_start3A_1141 : memref<1x40xi32, #tpu.memory_space<vmem>> -> memref<40xi32, #tpu.memory_space<vmem>>
          %dma_start3A_1143 = arith.constant 0 : i32
          %dma_start3A_1144 = arith.constant 0 : i32
          %dma_start3A_1145 = tpu.memref_slice %arg10[%dma_start3A_1143, %dma_start3A_1144] : memref<512x128xf32, #tpu.memory_space<vmem_shared>> -> memref<512x128xf32, #tpu.memory_space<vmem_shared>>
          tpu.enqueue_indirect_dma source(%dma_start3A_1139 : memref<40x128xf32, #tpu.memory_space<vmem>>) target(%dma_start3A_1145 : memref<512x128xf32, #tpu.memory_space<vmem_shared>>) offsets(%dma_start3A_1142 : memref<40xi32, #tpu.memory_space<vmem>>) semaphore(%run_scoped3A : memref<!tpu.dma_semaphore, #tpu.memory_space<semaphore_mem>>) {add = true}
          %dma_wait3A_1146 = arith.constant 0 : i32
          %dma_wait3A_1147 = arith.constant 0 : i32
          %dma_wait3A_1148 = tpu.memref_slice %arg7[%cond3A_1056, %dma_wait3A_1146, %dma_wait3A_1147] : memref<5x80x128xf32, #tpu.memory_space<vmem>> -> memref<1x80x128xf32, #tpu.memory_space<vmem>>
          %dma_wait3A_1149 = tpu.memref_squeeze %dma_wait3A_1148 : memref<1x80x128xf32, #tpu.memory_space<vmem>> -> memref<80x128xf32, #tpu.memory_space<vmem>>
          %dma_wait3A_1150 = arith.constant 0 : i32
          %dma_wait3A_1151 = arith.constant 0 : i32
          %dma_wait3A_1152 = tpu.memref_slice %dma_wait3A_1149[%dma_wait3A_1150, %dma_wait3A_1151] : memref<80x128xf32, #tpu.memory_space<vmem>> -> memref<40x128xf32, #tpu.memory_space<vmem>>
          %dma_wait3A_1153 = arith.constant 0 : i32
          %dma_wait3A_1154 = tpu.memref_slice %arg6[%add3A_1013, %dma_wait3A_1153] : memref<250x40xi32, #tpu.memory_space<vmem>> -> memref<1x40xi32, #tpu.memory_space<vmem>>
          %dma_wait3A_1155 = tpu.memref_squeeze %dma_wait3A_1154 : memref<1x40xi32, #tpu.memory_space<vmem>> -> memref<40xi32, #tpu.memory_space<vmem>>
          %dma_wait3A_1156 = arith.constant 0 : i32
          %dma_wait3A_1157 = arith.constant 0 : i32
          %dma_wait3A_1158 = tpu.memref_slice %arg10[%dma_wait3A_1156, %dma_wait3A_1157] : memref<512x128xf32, #tpu.memory_space<vmem_shared>> -> memref<512x128xf32, #tpu.memory_space<vmem_shared>>
          tpu.wait_indirect_dma semaphore(%run_scoped3A : memref<!tpu.dma_semaphore, #tpu.memory_space<semaphore_mem>>) src(%dma_wait3A_1152 : memref<40x128xf32, #tpu.memory_space<vmem>>) dst(%dma_wait3A_1158 : memref<512x128xf32, #tpu.memory_space<vmem_shared>>)
          tpu.yield
        }) : () -> ()
      } else {
      }
      %select_n3A_1059 = arith.select %and3A_1030, %scan3A_1051#0, %broadcast_in_dim3A_92 : vector<16xf32>
      %select_n3A_1060 = arith.select %and3A_1030, %scan3A_1051#1, %broadcast_in_dim3A_92 : vector<16xf32>
      %select_n3A_1061 = arith.select %and3A_1030, %scan3A_1051#2, %broadcast_in_dim3A_92 : vector<16xf32>
      %select_n3A_1062 = arith.select %and3A_1030, %scan3A_1051#3, %broadcast_in_dim3A_92 : vector<16xf32>
      %select_n3A_1063 = arith.select %and3A_1030, %scan3A_1051#4, %broadcast_in_dim3A_92 : vector<16xf32>
      %select_n3A_1064 = arith.select %and3A_1030, %scan3A_1051#5, %broadcast_in_dim3A_92 : vector<16xf32>
      %select_n3A_1065 = arith.select %and3A_1030, %scan3A_1051#6, %broadcast_in_dim3A_92 : vector<16xf32>
      %select_n3A_1066 = arith.select %and3A_1030, %scan3A_1051#7, %broadcast_in_dim3A_92 : vector<16xf32>
      %select_n3A_1067 = arith.select %and3A_1030, %squeeze3A_1023, %squeeze3A_1025 : i32
      %mul3A_1068 = arith.constant 2 : i32
      %mul3A_1069 = arith.muli %add3A_996, %mul3A_1068 : i32
      %add3A_1070 = arith.constant 1 : i32
      %add3A_1071 = arith.addi %mul3A_1069, %add3A_1070 : i32
      %get3A_1072 = arith.index_cast %add3A_1071 : i32 to index
      %get3A_1073 = arith.constant 0 : index
      %get3A_1074 = tpu.vector_load %arg6[%get3A_1072, %get3A_1073] {strides = array<i32>} : memref<250x40xi32, #tpu.memory_space<vmem>>, vector<1x16xi32>,
      %get3A_1075 = vector.shape_cast %get3A_1074 : vector<1x16xi32> to vector<16xi32>
      %get3A_1076 = arith.index_cast %add3A_1071 : i32 to index
      %get3A_1077 = arith.constant 24 : index
      %get3A_1078 = tpu.vector_load %arg6[%get3A_1076, %get3A_1077] {strides = array<i32>} : memref<250x40xi32, #tpu.memory_space<vmem>>, vector<1x16xi32>,
      %get3A_1079 = vector.shape_cast %get3A_1078 : vector<1x16xi32> to vector<16xi32>
      %slice3A_1080 = vector.extract_strided_slice %get3A_1075 {offsets = [0], sizes = [1], strides = [1]} : vector<16xi32> to vector<1xi32>
      %squeeze3A_1081 = vector.extract %slice3A_1080[0] : i32 from vector<1xi32>
      %slice3A_1082 = vector.extract_strided_slice %get3A_1079 {offsets = [15], sizes = [1], strides = [1]} : vector<16xi32> to vector<1xi32>
      %squeeze3A_1083 = vector.extract %slice3A_1082[0] : i32 from vector<1xi32>
      %eq3A_1084 = arith.cmpi eq, %squeeze3A_1081, %squeeze3A_1083 : i32
      %sub3A_1085 = arith.subi %squeeze3A_1083, %squeeze3A : i32
      %lt3A_1086 = arith.constant 256 : i32
      %lt3A_1087 = arith.cmpi slt, %sub3A_1085, %lt3A_1086 : i32
      %and3A_1088 = arith.andi %eq3A_1084, %lt3A_1087 : i1
      %not3A_1089 = arith.constant true
      %not3A_1090 = arith.xori %and3A_1088, %not3A_1089 : i1
      %ne3A_1091 = arith.cmpi ne, %squeeze3A_1081, %select_n3A_1067 : i32
      %or3A_1092 = arith.ori %not3A_1090, %ne3A_1091 : i1
      %convert_element_type3A_1093 = arith.extui %or3A_1092 : i1 to i32
      %cond3A_1094 = arith.constant 0 : i32
      %cond3A_1095 = arith.cmpi ne, %convert_element_type3A_1093, %cond3A_1094 : i32
      scf.if %cond3A_1095 {
        %sub3A_1133 = arith.subi %select_n3A_1067, %squeeze3A : i32
        %min3A_1134 = arith.constant 255 : i32
        %min3A_1135 = arith.minsi %sub3A_1133, %min3A_1134 : i32
        %get3A_1136 = arith.index_cast %min3A_1135 : i32 to index
        %get3A_1137 = arith.constant 0 : index
        %get3A_1138 = tpu.vector_load %arg8[%get3A_1136, %get3A_1137] {strides = array<i32>} : memref<256x128xf32, #tpu.memory_space<vmem>>, vector<1x16xf32>,
        %get3A_1139 = vector.shape_cast %get3A_1138 : vector<1x16xf32> to vector<16xf32>
        %add3A_1140 = arith.addf %get3A_1139, %select_n3A_1059 : vector<16xf32>
        %swap3A_1141 = arith.index_cast %min3A_1135 : i32 to index
        %swap3A_1142 = arith.constant 0 : index
        %swap3A_1143 = tpu.vector_load %arg8[%swap3A_1141, %swap3A_1142] {strides = array<i32>} : memref<256x128xf32, #tpu.memory_space<vmem>>, vector<1x16xf32>,
        %swap3A_1144 = vector.shape_cast %swap3A_1143 : vector<1x16xf32> to vector<16xf32>
        %swap3A_1145 = vector.shape_cast %add3A_1140 : vector<16xf32> to vector<1x16xf32>
        tpu.vector_store %arg8[%swap3A_1141, %swap3A_1142], %swap3A_1145 {strides = array<i32>} : memref<256x128xf32, #tpu.memory_space<vmem>>, vector<1x16xf32>,
        %get3A_1146 = arith.index_cast %min3A_1135 : i32 to index
        %get3A_1147 = arith.constant 16 : index
        %get3A_1148 = tpu.vector_load %arg8[%get3A_1146, %get3A_1147] {strides = array<i32>} : memref<256x128xf32, #tpu.memory_space<vmem>>, vector<1x16xf32>,
        %get3A_1149 = vector.shape_cast %get3A_1148 : vector<1x16xf32> to vector<16xf32>
        %add3A_1150 = arith.addf %get3A_1149, %select_n3A_1060 : vector<16xf32>
        %swap3A_1151 = arith.index_cast %min3A_1135 : i32 to index
        %swap3A_1152 = arith.constant 16 : index
        %swap3A_1153 = tpu.vector_load %arg8[%swap3A_1151, %swap3A_1152] {strides = array<i32>} : memref<256x128xf32, #tpu.memory_space<vmem>>, vector<1x16xf32>,
        %swap3A_1154 = vector.shape_cast %swap3A_1153 : vector<1x16xf32> to vector<16xf32>
        %swap3A_1155 = vector.shape_cast %add3A_1150 : vector<16xf32> to vector<1x16xf32>
        tpu.vector_store %arg8[%swap3A_1151, %swap3A_1152], %swap3A_1155 {strides = array<i32>} : memref<256x128xf32, #tpu.memory_space<vmem>>, vector<1x16xf32>,
        %get3A_1156 = arith.index_cast %min3A_1135 : i32 to index
        %get3A_1157 = arith.constant 32 : index
        %get3A_1158 = tpu.vector_load %arg8[%get3A_1156, %get3A_1157] {strides = array<i32>} : memref<256x128xf32, #tpu.memory_space<vmem>>, vector<1x16xf32>,
        %get3A_1159 = vector.shape_cast %get3A_1158 : vector<1x16xf32> to vector<16xf32>
        %add3A_1160 = arith.addf %get3A_1159, %select_n3A_1061 : vector<16xf32>
        %swap3A_1161 = arith.index_cast %min3A_1135 : i32 to index
        %swap3A_1162 = arith.constant 32 : index
        %swap3A_1163 = tpu.vector_load %arg8[%swap3A_1161, %swap3A_1162] {strides = array<i32>} : memref<256x128xf32, #tpu.memory_space<vmem>>, vector<1x16xf32>,
        %swap3A_1164 = vector.shape_cast %swap3A_1163 : vector<1x16xf32> to vector<16xf32>
        %swap3A_1165 = vector.shape_cast %add3A_1160 : vector<16xf32> to vector<1x16xf32>
        tpu.vector_store %arg8[%swap3A_1161, %swap3A_1162], %swap3A_1165 {strides = array<i32>} : memref<256x128xf32, #tpu.memory_space<vmem>>, vector<1x16xf32>,
        %get3A_1166 = arith.index_cast %min3A_1135 : i32 to index
        %get3A_1167 = arith.constant 48 : index
        %get3A_1168 = tpu.vector_load %arg8[%get3A_1166, %get3A_1167] {strides = array<i32>} : memref<256x128xf32, #tpu.memory_space<vmem>>, vector<1x16xf32>,
        %get3A_1169 = vector.shape_cast %get3A_1168 : vector<1x16xf32> to vector<16xf32>
        %add3A_1170 = arith.addf %get3A_1169, %select_n3A_1062 : vector<16xf32>
        %swap3A_1171 = arith.index_cast %min3A_1135 : i32 to index
        %swap3A_1172 = arith.constant 48 : index
        %swap3A_1173 = tpu.vector_load %arg8[%swap3A_1171, %swap3A_1172] {strides = array<i32>} : memref<256x128xf32, #tpu.memory_space<vmem>>, vector<1x16xf32>,
        %swap3A_1174 = vector.shape_cast %swap3A_1173 : vector<1x16xf32> to vector<16xf32>
        %swap3A_1175 = vector.shape_cast %add3A_1170 : vector<16xf32> to vector<1x16xf32>
        tpu.vector_store %arg8[%swap3A_1171, %swap3A_1172], %swap3A_1175 {strides = array<i32>} : memref<256x128xf32, #tpu.memory_space<vmem>>, vector<1x16xf32>,
        %get3A_1176 = arith.index_cast %min3A_1135 : i32 to index
        %get3A_1177 = arith.constant 64 : index
        %get3A_1178 = tpu.vector_load %arg8[%get3A_1176, %get3A_1177] {strides = array<i32>} : memref<256x128xf32, #tpu.memory_space<vmem>>, vector<1x16xf32>,
        %get3A_1179 = vector.shape_cast %get3A_1178 : vector<1x16xf32> to vector<16xf32>
        %add3A_1180 = arith.addf %get3A_1179, %select_n3A_1063 : vector<16xf32>
        %swap3A_1181 = arith.index_cast %min3A_1135 : i32 to index
        %swap3A_1182 = arith.constant 64 : index
        %swap3A_1183 = tpu.vector_load %arg8[%swap3A_1181, %swap3A_1182] {strides = array<i32>} : memref<256x128xf32, #tpu.memory_space<vmem>>, vector<1x16xf32>,
        %swap3A_1184 = vector.shape_cast %swap3A_1183 : vector<1x16xf32> to vector<16xf32>
        %swap3A_1185 = vector.shape_cast %add3A_1180 : vector<16xf32> to vector<1x16xf32>
        tpu.vector_store %arg8[%swap3A_1181, %swap3A_1182], %swap3A_1185 {strides = array<i32>} : memref<256x128xf32, #tpu.memory_space<vmem>>, vector<1x16xf32>,
        %get3A_1186 = arith.index_cast %min3A_1135 : i32 to index
        %get3A_1187 = arith.constant 80 : index
        %get3A_1188 = tpu.vector_load %arg8[%get3A_1186, %get3A_1187] {strides = array<i32>} : memref<256x128xf32, #tpu.memory_space<vmem>>, vector<1x16xf32>,
        %get3A_1189 = vector.shape_cast %get3A_1188 : vector<1x16xf32> to vector<16xf32>
        %add3A_1190 = arith.addf %get3A_1189, %select_n3A_1064 : vector<16xf32>
        %swap3A_1191 = arith.index_cast %min3A_1135 : i32 to index
        %swap3A_1192 = arith.constant 80 : index
        %swap3A_1193 = tpu.vector_load %arg8[%swap3A_1191, %swap3A_1192] {strides = array<i32>} : memref<256x128xf32, #tpu.memory_space<vmem>>, vector<1x16xf32>,
        %swap3A_1194 = vector.shape_cast %swap3A_1193 : vector<1x16xf32> to vector<16xf32>
        %swap3A_1195 = vector.shape_cast %add3A_1190 : vector<16xf32> to vector<1x16xf32>
        tpu.vector_store %arg8[%swap3A_1191, %swap3A_1192], %swap3A_1195 {strides = array<i32>} : memref<256x128xf32, #tpu.memory_space<vmem>>, vector<1x16xf32>,
        %get3A_1196 = arith.index_cast %min3A_1135 : i32 to index
        %get3A_1197 = arith.constant 96 : index
        %get3A_1198 = tpu.vector_load %arg8[%get3A_1196, %get3A_1197] {strides = array<i32>} : memref<256x128xf32, #tpu.memory_space<vmem>>, vector<1x16xf32>,
        %get3A_1199 = vector.shape_cast %get3A_1198 : vector<1x16xf32> to vector<16xf32>
        %add3A_1200 = arith.addf %get3A_1199, %select_n3A_1065 : vector<16xf32>
        %swap3A_1201 = arith.index_cast %min3A_1135 : i32 to index
        %swap3A_1202 = arith.constant 96 : index
        %swap3A_1203 = tpu.vector_load %arg8[%swap3A_1201, %swap3A_1202] {strides = array<i32>} : memref<256x128xf32, #tpu.memory_space<vmem>>, vector<1x16xf32>,
        %swap3A_1204 = vector.shape_cast %swap3A_1203 : vector<1x16xf32> to vector<16xf32>
        %swap3A_1205 = vector.shape_cast %add3A_1200 : vector<16xf32> to vector<1x16xf32>
        tpu.vector_store %arg8[%swap3A_1201, %swap3A_1202], %swap3A_1205 {strides = array<i32>} : memref<256x128xf32, #tpu.memory_space<vmem>>, vector<1x16xf32>,
        %get3A_1206 = arith.index_cast %min3A_1135 : i32 to index
        %get3A_1207 = arith.constant 112 : index
        %get3A_1208 = tpu.vector_load %arg8[%get3A_1206, %get3A_1207] {strides = array<i32>} : memref<256x128xf32, #tpu.memory_space<vmem>>, vector<1x16xf32>,
        %get3A_1209 = vector.shape_cast %get3A_1208 : vector<1x16xf32> to vector<16xf32>
        %add3A_1210 = arith.addf %get3A_1209, %select_n3A_1066 : vector<16xf32>
        %swap3A_1211 = arith.index_cast %min3A_1135 : i32 to index
        %swap3A_1212 = arith.constant 112 : index
        %swap3A_1213 = tpu.vector_load %arg8[%swap3A_1211, %swap3A_1212] {strides = array<i32>} : memref<256x128xf32, #tpu.memory_space<vmem>>, vector<1x16xf32>,
        %swap3A_1214 = vector.shape_cast %swap3A_1213 : vector<1x16xf32> to vector<16xf32>
        %swap3A_1215 = vector.shape_cast %add3A_1210 : vector<16xf32> to vector<1x16xf32>
        tpu.vector_store %arg8[%swap3A_1211, %swap3A_1212], %swap3A_1215 {strides = array<i32>} : memref<256x128xf32, #tpu.memory_space<vmem>>, vector<1x16xf32>,
      } else {
      }
      %select_n3A_1096 = arith.select %or3A_1092, %broadcast_in_dim3A_92, %select_n3A_1059 : vector<16xf32>
      %select_n3A_1097 = arith.select %or3A_1092, %broadcast_in_dim3A_92, %select_n3A_1060 : vector<16xf32>
      %select_n3A_1098 = arith.select %or3A_1092, %broadcast_in_dim3A_92, %select_n3A_1061 : vector<16xf32>
      %select_n3A_1099 = arith.select %or3A_1092, %broadcast_in_dim3A_92, %select_n3A_1062 : vector<16xf32>
      %select_n3A_1100 = arith.select %or3A_1092, %broadcast_in_dim3A_92, %select_n3A_1063 : vector<16xf32>
      %select_n3A_1101 = arith.select %or3A_1092, %broadcast_in_dim3A_92, %select_n3A_1064 : vector<16xf32>
      %select_n3A_1102 = arith.select %or3A_1092, %broadcast_in_dim3A_92, %select_n3A_1065 : vector<16xf32>
      %select_n3A_1103 = arith.select %or3A_1092, %broadcast_in_dim3A_92, %select_n3A_1066 : vector<16xf32>
      %scan3A_1104 = arith.constant 4 : i32
      %scan3A_1105 = arith.constant 0 : i32
      %scan3A_1106 = arith.constant 20 : i32
      %scan3A_1107 = arith.addi %scan3A_1105, %scan3A_1106 : i32
      %scan3A_1108 = arith.constant 1 : i32
      %scan3A_1109:8 = scf.for %scan3A_1133 = %scan3A_1105 to %scan3A_1107 step %scan3A_1108 iter_args(%scan3A_1134 = %select_n3A_1096, %scan3A_1135 = %select_n3A_1097, %scan3A_1136 = %select_n3A_1098, %scan3A_1137 = %select_n3A_1099, %scan3A_1138 = %select_n3A_1100, %scan3A_1139 = %select_n3A_1101, %scan3A_1140 = %select_n3A_1102, %scan3A_1141 = %select_n3A_1103) -> (vector<16xf32>, vector<16xf32>, vector<16xf32>, vector<16xf32>, vector<16xf32>, vector<16xf32>, vector<16xf32>, vector<16xf32>)  : i32 {
        %mul3A_1142 = arith.constant 2 : i32
        %mul3A_1143 = arith.muli %scan3A_1133, %mul3A_1142 : i32
        %add3A_1144 = arith.constant 40 : i32
        %add3A_1145 = arith.addi %add3A_1144, %mul3A_1143 : i32
        %get3A_1146 = arith.constant 0 : i32
        %get3A_1147 = arith.constant 0 : i32
        %get3A_1148 = tpu.memref_slice %arg7[%scan3A_1104, %get3A_1146, %get3A_1147] : memref<5x80x128xf32, #tpu.memory_space<vmem>> -> memref<1x80x128xf32, #tpu.memory_space<vmem>>
        %get3A_1149 = tpu.memref_squeeze %get3A_1148 : memref<1x80x128xf32, #tpu.memory_space<vmem>> -> memref<80x128xf32, #tpu.memory_space<vmem>>
        %get3A_1150 = arith.index_cast %add3A_1145 : i32 to index
        %get3A_1151 = arith.constant 0 : index
        %get3A_1152 = tpu.vector_load %get3A_1149[%get3A_1150, %get3A_1151] {strides = array<i32>} : memref<80x128xf32, #tpu.memory_space<vmem>>, vector<1x16xf32>,
        %get3A_1153 = vector.shape_cast %get3A_1152 : vector<1x16xf32> to vector<16xf32>
        %add3A_1154 = arith.addf %scan3A_1134, %get3A_1153 : vector<16xf32>
        %get3A_1155 = arith.constant 0 : i32
        %get3A_1156 = arith.constant 0 : i32
        %get3A_1157 = tpu.memref_slice %arg7[%scan3A_1104, %get3A_1155, %get3A_1156] : memref<5x80x128xf32, #tpu.memory_space<vmem>> -> memref<1x80x128xf32, #tpu.memory_space<vmem>>
        %get3A_1158 = tpu.memref_squeeze %get3A_1157 : memref<1x80x128xf32, #tpu.memory_space<vmem>> -> memref<80x128xf32, #tpu.memory_space<vmem>>
        %get3A_1159 = arith.index_cast %add3A_1145 : i32 to index
        %get3A_1160 = arith.constant 16 : index
        %get3A_1161 = tpu.vector_load %get3A_1158[%get3A_1159, %get3A_1160] {strides = array<i32>} : memref<80x128xf32, #tpu.memory_space<vmem>>, vector<1x16xf32>,
        %get3A_1162 = vector.shape_cast %get3A_1161 : vector<1x16xf32> to vector<16xf32>
        %add3A_1163 = arith.addf %scan3A_1135, %get3A_1162 : vector<16xf32>
        %get3A_1164 = arith.constant 0 : i32
        %get3A_1165 = arith.constant 0 : i32
        %get3A_1166 = tpu.memref_slice %arg7[%scan3A_1104, %get3A_1164, %get3A_1165] : memref<5x80x128xf32, #tpu.memory_space<vmem>> -> memref<1x80x128xf32, #tpu.memory_space<vmem>>
        %get3A_1167 = tpu.memref_squeeze %get3A_1166 : memref<1x80x128xf32, #tpu.memory_space<vmem>> -> memref<80x128xf32, #tpu.memory_space<vmem>>
        %get3A_1168 = arith.index_cast %add3A_1145 : i32 to index
        %get3A_1169 = arith.constant 32 : index
        %get3A_1170 = tpu.vector_load %get3A_1167[%get3A_1168, %get3A_1169] {strides = array<i32>} : memref<80x128xf32, #tpu.memory_space<vmem>>, vector<1x16xf32>,
        %get3A_1171 = vector.shape_cast %get3A_1170 : vector<1x16xf32> to vector<16xf32>
        %add3A_1172 = arith.addf %scan3A_1136, %get3A_1171 : vector<16xf32>
        %get3A_1173 = arith.constant 0 : i32
        %get3A_1174 = arith.constant 0 : i32
        %get3A_1175 = tpu.memref_slice %arg7[%scan3A_1104, %get3A_1173, %get3A_1174] : memref<5x80x128xf32, #tpu.memory_space<vmem>> -> memref<1x80x128xf32, #tpu.memory_space<vmem>>
        %get3A_1176 = tpu.memref_squeeze %get3A_1175 : memref<1x80x128xf32, #tpu.memory_space<vmem>> -> memref<80x128xf32, #tpu.memory_space<vmem>>
        %get3A_1177 = arith.index_cast %add3A_1145 : i32 to index
        %get3A_1178 = arith.constant 48 : index
        %get3A_1179 = tpu.vector_load %get3A_1176[%get3A_1177, %get3A_1178] {strides = array<i32>} : memref<80x128xf32, #tpu.memory_space<vmem>>, vector<1x16xf32>,
        %get3A_1180 = vector.shape_cast %get3A_1179 : vector<1x16xf32> to vector<16xf32>
        %add3A_1181 = arith.addf %scan3A_1137, %get3A_1180 : vector<16xf32>
        %get3A_1182 = arith.constant 0 : i32
        %get3A_1183 = arith.constant 0 : i32
        %get3A_1184 = tpu.memref_slice %arg7[%scan3A_1104, %get3A_1182, %get3A_1183] : memref<5x80x128xf32, #tpu.memory_space<vmem>> -> memref<1x80x128xf32, #tpu.memory_space<vmem>>
        %get3A_1185 = tpu.memref_squeeze %get3A_1184 : memref<1x80x128xf32, #tpu.memory_space<vmem>> -> memref<80x128xf32, #tpu.memory_space<vmem>>
        %get3A_1186 = arith.index_cast %add3A_1145 : i32 to index
        %get3A_1187 = arith.constant 64 : index
        %get3A_1188 = tpu.vector_load %get3A_1185[%get3A_1186, %get3A_1187] {strides = array<i32>} : memref<80x128xf32, #tpu.memory_space<vmem>>, vector<1x16xf32>,
        %get3A_1189 = vector.shape_cast %get3A_1188 : vector<1x16xf32> to vector<16xf32>
        %add3A_1190 = arith.addf %scan3A_1138, %get3A_1189 : vector<16xf32>
        %get3A_1191 = arith.constant 0 : i32
        %get3A_1192 = arith.constant 0 : i32
        %get3A_1193 = tpu.memref_slice %arg7[%scan3A_1104, %get3A_1191, %get3A_1192] : memref<5x80x128xf32, #tpu.memory_space<vmem>> -> memref<1x80x128xf32, #tpu.memory_space<vmem>>
        %get3A_1194 = tpu.memref_squeeze %get3A_1193 : memref<1x80x128xf32, #tpu.memory_space<vmem>> -> memref<80x128xf32, #tpu.memory_space<vmem>>
        %get3A_1195 = arith.index_cast %add3A_1145 : i32 to index
        %get3A_1196 = arith.constant 80 : index
        %get3A_1197 = tpu.vector_load %get3A_1194[%get3A_1195, %get3A_1196] {strides = array<i32>} : memref<80x128xf32, #tpu.memory_space<vmem>>, vector<1x16xf32>,
        %get3A_1198 = vector.shape_cast %get3A_1197 : vector<1x16xf32> to vector<16xf32>
        %add3A_1199 = arith.addf %scan3A_1139, %get3A_1198 : vector<16xf32>
        %get3A_1200 = arith.constant 0 : i32
        %get3A_1201 = arith.constant 0 : i32
        %get3A_1202 = tpu.memref_slice %arg7[%scan3A_1104, %get3A_1200, %get3A_1201] : memref<5x80x128xf32, #tpu.memory_space<vmem>> -> memref<1x80x128xf32, #tpu.memory_space<vmem>>
        %get3A_1203 = tpu.memref_squeeze %get3A_1202 : memref<1x80x128xf32, #tpu.memory_space<vmem>> -> memref<80x128xf32, #tpu.memory_space<vmem>>
        %get3A_1204 = arith.index_cast %add3A_1145 : i32 to index
        %get3A_1205 = arith.constant 96 : index
        %get3A_1206 = tpu.vector_load %get3A_1203[%get3A_1204, %get3A_1205] {strides = array<i32>} : memref<80x128xf32, #tpu.memory_space<vmem>>, vector<1x16xf32>,
        %get3A_1207 = vector.shape_cast %get3A_1206 : vector<1x16xf32> to vector<16xf32>
        %add3A_1208 = arith.addf %scan3A_1140, %get3A_1207 : vector<16xf32>
        %get3A_1209 = arith.constant 0 : i32
        %get3A_1210 = arith.constant 0 : i32
        %get3A_1211 = tpu.memref_slice %arg7[%scan3A_1104, %get3A_1209, %get3A_1210] : memref<5x80x128xf32, #tpu.memory_space<vmem>> -> memref<1x80x128xf32, #tpu.memory_space<vmem>>
        %get3A_1212 = tpu.memref_squeeze %get3A_1211 : memref<1x80x128xf32, #tpu.memory_space<vmem>> -> memref<80x128xf32, #tpu.memory_space<vmem>>
        %get3A_1213 = arith.index_cast %add3A_1145 : i32 to index
        %get3A_1214 = arith.constant 112 : index
        %get3A_1215 = tpu.vector_load %get3A_1212[%get3A_1213, %get3A_1214] {strides = array<i32>} : memref<80x128xf32, #tpu.memory_space<vmem>>, vector<1x16xf32>,
        %get3A_1216 = vector.shape_cast %get3A_1215 : vector<1x16xf32> to vector<16xf32>
        %add3A_1217 = arith.addf %scan3A_1141, %get3A_1216 : vector<16xf32>
        %add3A_1218 = arith.constant 1 : i32
        %add3A_1219 = arith.addi %add3A_1145, %add3A_1218 : i32
        %get3A_1220 = arith.constant 0 : i32
        %get3A_1221 = arith.constant 0 : i32
        %get3A_1222 = tpu.memref_slice %arg7[%scan3A_1104, %get3A_1220, %get3A_1221] : memref<5x80x128xf32, #tpu.memory_space<vmem>> -> memref<1x80x128xf32, #tpu.memory_space<vmem>>
        %get3A_1223 = tpu.memref_squeeze %get3A_1222 : memref<1x80x128xf32, #tpu.memory_space<vmem>> -> memref<80x128xf32, #tpu.memory_space<vmem>>
        %get3A_1224 = arith.index_cast %add3A_1219 : i32 to index
        %get3A_1225 = arith.constant 0 : index
        %get3A_1226 = tpu.vector_load %get3A_1223[%get3A_1224, %get3A_1225] {strides = array<i32>} : memref<80x128xf32, #tpu.memory_space<vmem>>, vector<1x16xf32>,
        %get3A_1227 = vector.shape_cast %get3A_1226 : vector<1x16xf32> to vector<16xf32>
        %add3A_1228 = arith.addf %add3A_1154, %get3A_1227 : vector<16xf32>
        %add3A_1229 = arith.constant 1 : i32
        %add3A_1230 = arith.addi %add3A_1145, %add3A_1229 : i32
        %get3A_1231 = arith.constant 0 : i32
        %get3A_1232 = arith.constant 0 : i32
        %get3A_1233 = tpu.memref_slice %arg7[%scan3A_1104, %get3A_1231, %get3A_1232] : memref<5x80x128xf32, #tpu.memory_space<vmem>> -> memref<1x80x128xf32, #tpu.memory_space<vmem>>
        %get3A_1234 = tpu.memref_squeeze %get3A_1233 : memref<1x80x128xf32, #tpu.memory_space<vmem>> -> memref<80x128xf32, #tpu.memory_space<vmem>>
        %get3A_1235 = arith.index_cast %add3A_1230 : i32 to index
        %get3A_1236 = arith.constant 16 : index
        %get3A_1237 = tpu.vector_load %get3A_1234[%get3A_1235, %get3A_1236] {strides = array<i32>} : memref<80x128xf32, #tpu.memory_space<vmem>>, vector<1x16xf32>,
        %get3A_1238 = vector.shape_cast %get3A_1237 : vector<1x16xf32> to vector<16xf32>
        %add3A_1239 = arith.addf %add3A_1163, %get3A_1238 : vector<16xf32>
        %add3A_1240 = arith.constant 1 : i32
        %add3A_1241 = arith.addi %add3A_1145, %add3A_1240 : i32
        %get3A_1242 = arith.constant 0 : i32
        %get3A_1243 = arith.constant 0 : i32
        %get3A_1244 = tpu.memref_slice %arg7[%scan3A_1104, %get3A_1242, %get3A_1243] : memref<5x80x128xf32, #tpu.memory_space<vmem>> -> memref<1x80x128xf32, #tpu.memory_space<vmem>>
        %get3A_1245 = tpu.memref_squeeze %get3A_1244 : memref<1x80x128xf32, #tpu.memory_space<vmem>> -> memref<80x128xf32, #tpu.memory_space<vmem>>
        %get3A_1246 = arith.index_cast %add3A_1241 : i32 to index
        %get3A_1247 = arith.constant 32 : index
        %get3A_1248 = tpu.vector_load %get3A_1245[%get3A_1246, %get3A_1247] {strides = array<i32>} : memref<80x128xf32, #tpu.memory_space<vmem>>, vector<1x16xf32>,
        %get3A_1249 = vector.shape_cast %get3A_1248 : vector<1x16xf32> to vector<16xf32>
        %add3A_1250 = arith.addf %add3A_1172, %get3A_1249 : vector<16xf32>
        %add3A_1251 = arith.constant 1 : i32
        %add3A_1252 = arith.addi %add3A_1145, %add3A_1251 : i32
        %get3A_1253 = arith.constant 0 : i32
        %get3A_1254 = arith.constant 0 : i32
        %get3A_1255 = tpu.memref_slice %arg7[%scan3A_1104, %get3A_1253, %get3A_1254] : memref<5x80x128xf32, #tpu.memory_space<vmem>> -> memref<1x80x128xf32, #tpu.memory_space<vmem>>
        %get3A_1256 = tpu.memref_squeeze %get3A_1255 : memref<1x80x128xf32, #tpu.memory_space<vmem>> -> memref<80x128xf32, #tpu.memory_space<vmem>>
        %get3A_1257 = arith.index_cast %add3A_1252 : i32 to index
        %get3A_1258 = arith.constant 48 : index
        %get3A_1259 = tpu.vector_load %get3A_1256[%get3A_1257, %get3A_1258] {strides = array<i32>} : memref<80x128xf32, #tpu.memory_space<vmem>>, vector<1x16xf32>,
        %get3A_1260 = vector.shape_cast %get3A_1259 : vector<1x16xf32> to vector<16xf32>
        %add3A_1261 = arith.addf %add3A_1181, %get3A_1260 : vector<16xf32>
        %add3A_1262 = arith.constant 1 : i32
        %add3A_1263 = arith.addi %add3A_1145, %add3A_1262 : i32
        %get3A_1264 = arith.constant 0 : i32
        %get3A_1265 = arith.constant 0 : i32
        %get3A_1266 = tpu.memref_slice %arg7[%scan3A_1104, %get3A_1264, %get3A_1265] : memref<5x80x128xf32, #tpu.memory_space<vmem>> -> memref<1x80x128xf32, #tpu.memory_space<vmem>>
        %get3A_1267 = tpu.memref_squeeze %get3A_1266 : memref<1x80x128xf32, #tpu.memory_space<vmem>> -> memref<80x128xf32, #tpu.memory_space<vmem>>
        %get3A_1268 = arith.index_cast %add3A_1263 : i32 to index
        %get3A_1269 = arith.constant 64 : index
        %get3A_1270 = tpu.vector_load %get3A_1267[%get3A_1268, %get3A_1269] {strides = array<i32>} : memref<80x128xf32, #tpu.memory_space<vmem>>, vector<1x16xf32>,
        %get3A_1271 = vector.shape_cast %get3A_1270 : vector<1x16xf32> to vector<16xf32>
        %add3A_1272 = arith.addf %add3A_1190, %get3A_1271 : vector<16xf32>
        %add3A_1273 = arith.constant 1 : i32
        %add3A_1274 = arith.addi %add3A_1145, %add3A_1273 : i32
        %get3A_1275 = arith.constant 0 : i32
        %get3A_1276 = arith.constant 0 : i32
        %get3A_1277 = tpu.memref_slice %arg7[%scan3A_1104, %get3A_1275, %get3A_1276] : memref<5x80x128xf32, #tpu.memory_space<vmem>> -> memref<1x80x128xf32, #tpu.memory_space<vmem>>
        %get3A_1278 = tpu.memref_squeeze %get3A_1277 : memref<1x80x128xf32, #tpu.memory_space<vmem>> -> memref<80x128xf32, #tpu.memory_space<vmem>>
        %get3A_1279 = arith.index_cast %add3A_1274 : i32 to index
        %get3A_1280 = arith.constant 80 : index
        %get3A_1281 = tpu.vector_load %get3A_1278[%get3A_1279, %get3A_1280] {strides = array<i32>} : memref<80x128xf32, #tpu.memory_space<vmem>>, vector<1x16xf32>,
        %get3A_1282 = vector.shape_cast %get3A_1281 : vector<1x16xf32> to vector<16xf32>
        %add3A_1283 = arith.addf %add3A_1199, %get3A_1282 : vector<16xf32>
        %add3A_1284 = arith.constant 1 : i32
        %add3A_1285 = arith.addi %add3A_1145, %add3A_1284 : i32
        %get3A_1286 = arith.constant 0 : i32
        %get3A_1287 = arith.constant 0 : i32
        %get3A_1288 = tpu.memref_slice %arg7[%scan3A_1104, %get3A_1286, %get3A_1287] : memref<5x80x128xf32, #tpu.memory_space<vmem>> -> memref<1x80x128xf32, #tpu.memory_space<vmem>>
        %get3A_1289 = tpu.memref_squeeze %get3A_1288 : memref<1x80x128xf32, #tpu.memory_space<vmem>> -> memref<80x128xf32, #tpu.memory_space<vmem>>
        %get3A_1290 = arith.index_cast %add3A_1285 : i32 to index
        %get3A_1291 = arith.constant 96 : index
        %get3A_1292 = tpu.vector_load %get3A_1289[%get3A_1290, %get3A_1291] {strides = array<i32>} : memref<80x128xf32, #tpu.memory_space<vmem>>, vector<1x16xf32>,
        %get3A_1293 = vector.shape_cast %get3A_1292 : vector<1x16xf32> to vector<16xf32>
        %add3A_1294 = arith.addf %add3A_1208, %get3A_1293 : vector<16xf32>
        %add3A_1295 = arith.constant 1 : i32
        %add3A_1296 = arith.addi %add3A_1145, %add3A_1295 : i32
        %get3A_1297 = arith.constant 0 : i32
        %get3A_1298 = arith.constant 0 : i32
        %get3A_1299 = tpu.memref_slice %arg7[%scan3A_1104, %get3A_1297, %get3A_1298] : memref<5x80x128xf32, #tpu.memory_space<vmem>> -> memref<1x80x128xf32, #tpu.memory_space<vmem>>
        %get3A_1300 = tpu.memref_squeeze %get3A_1299 : memref<1x80x128xf32, #tpu.memory_space<vmem>> -> memref<80x128xf32, #tpu.memory_space<vmem>>
        %get3A_1301 = arith.index_cast %add3A_1296 : i32 to index
        %get3A_1302 = arith.constant 112 : index
        %get3A_1303 = tpu.vector_load %get3A_1300[%get3A_1301, %get3A_1302] {strides = array<i32>} : memref<80x128xf32, #tpu.memory_space<vmem>>, vector<1x16xf32>,
        %get3A_1304 = vector.shape_cast %get3A_1303 : vector<1x16xf32> to vector<16xf32>
        %add3A_1305 = arith.addf %add3A_1217, %get3A_1304 : vector<16xf32>
        scf.yield %add3A_1228, %add3A_1239, %add3A_1250, %add3A_1261, %add3A_1272, %add3A_1283, %add3A_1294, %add3A_1305 : vector<16xf32>, vector<16xf32>, vector<16xf32>, vector<16xf32>, vector<16xf32>, vector<16xf32>, vector<16xf32>, vector<16xf32>
      }
      %scan3A_1110 = arith.constant 20 : i32
      %not3A_1111 = arith.constant true
      %not3A_1112 = arith.xori %and3A_1088, %not3A_1111 : i1
      %convert_element_type3A_1113 = arith.extui %not3A_1112 : i1 to i32
      %cond3A_1114 = arith.constant 4 : i32
      %cond3A_1115 = arith.constant 0 : i32
      %cond3A_1116 = arith.cmpi ne, %convert_element_type3A_1113, %cond3A_1115 : i32
      scf.if %cond3A_1116 {
        "tpu.region"() ({
          %run_scoped3A = tpu.sem_alloc : memref<!tpu.dma_semaphore, #tpu.memory_space<semaphore_mem>>
          %dma_start3A_1133 = arith.constant 0 : i32
          %dma_start3A_1134 = arith.constant 0 : i32
          %dma_start3A_1135 = tpu.memref_slice %arg7[%cond3A_1114, %dma_start3A_1133, %dma_start3A_1134] : memref<5x80x128xf32, #tpu.memory_space<vmem>> -> memref<1x80x128xf32, #tpu.memory_space<vmem>>
          %dma_start3A_1136 = tpu.memref_squeeze %dma_start3A_1135 : memref<1x80x128xf32, #tpu.memory_space<vmem>> -> memref<80x128xf32, #tpu.memory_space<vmem>>
          %dma_start3A_1137 = arith.constant 40 : i32
          %dma_start3A_1138 = arith.constant 0 : i32
          %dma_start3A_1139 = tpu.memref_slice %dma_start3A_1136[%dma_start3A_1137, %dma_start3A_1138] : memref<80x128xf32, #tpu.memory_space<vmem>> -> memref<40x128xf32, #tpu.memory_space<vmem>>
          %dma_start3A_1140 = arith.constant 0 : i32
          %dma_start3A_1141 = tpu.memref_slice %arg6[%add3A_1071, %dma_start3A_1140] : memref<250x40xi32, #tpu.memory_space<vmem>> -> memref<1x40xi32, #tpu.memory_space<vmem>>
          %dma_start3A_1142 = tpu.memref_squeeze %dma_start3A_1141 : memref<1x40xi32, #tpu.memory_space<vmem>> -> memref<40xi32, #tpu.memory_space<vmem>>
          %dma_start3A_1143 = arith.constant 0 : i32
          %dma_start3A_1144 = arith.constant 0 : i32
          %dma_start3A_1145 = tpu.memref_slice %arg10[%dma_start3A_1143, %dma_start3A_1144] : memref<512x128xf32, #tpu.memory_space<vmem_shared>> -> memref<512x128xf32, #tpu.memory_space<vmem_shared>>
          tpu.enqueue_indirect_dma source(%dma_start3A_1139 : memref<40x128xf32, #tpu.memory_space<vmem>>) target(%dma_start3A_1145 : memref<512x128xf32, #tpu.memory_space<vmem_shared>>) offsets(%dma_start3A_1142 : memref<40xi32, #tpu.memory_space<vmem>>) semaphore(%run_scoped3A : memref<!tpu.dma_semaphore, #tpu.memory_space<semaphore_mem>>) {add = true}
          %dma_wait3A_1146 = arith.constant 0 : i32
          %dma_wait3A_1147 = arith.constant 0 : i32
          %dma_wait3A_1148 = tpu.memref_slice %arg7[%cond3A_1114, %dma_wait3A_1146, %dma_wait3A_1147] : memref<5x80x128xf32, #tpu.memory_space<vmem>> -> memref<1x80x128xf32, #tpu.memory_space<vmem>>
          %dma_wait3A_1149 = tpu.memref_squeeze %dma_wait3A_1148 : memref<1x80x128xf32, #tpu.memory_space<vmem>> -> memref<80x128xf32, #tpu.memory_space<vmem>>
          %dma_wait3A_1150 = arith.constant 40 : i32
          %dma_wait3A_1151 = arith.constant 0 : i32
          %dma_wait3A_1152 = tpu.memref_slice %dma_wait3A_1149[%dma_wait3A_1150, %dma_wait3A_1151] : memref<80x128xf32, #tpu.memory_space<vmem>> -> memref<40x128xf32, #tpu.memory_space<vmem>>
          %dma_wait3A_1153 = arith.constant 0 : i32
          %dma_wait3A_1154 = tpu.memref_slice %arg6[%add3A_1071, %dma_wait3A_1153] : memref<250x40xi32, #tpu.memory_space<vmem>> -> memref<1x40xi32, #tpu.memory_space<vmem>>
          %dma_wait3A_1155 = tpu.memref_squeeze %dma_wait3A_1154 : memref<1x40xi32, #tpu.memory_space<vmem>> -> memref<40xi32, #tpu.memory_space<vmem>>
          %dma_wait3A_1156 = arith.constant 0 : i32
          %dma_wait3A_1157 = arith.constant 0 : i32
          %dma_wait3A_1158 = tpu.memref_slice %arg10[%dma_wait3A_1156, %dma_wait3A_1157] : memref<512x128xf32, #tpu.memory_space<vmem_shared>> -> memref<512x128xf32, #tpu.memory_space<vmem_shared>>
          tpu.wait_indirect_dma semaphore(%run_scoped3A : memref<!tpu.dma_semaphore, #tpu.memory_space<semaphore_mem>>) src(%dma_wait3A_1152 : memref<40x128xf32, #tpu.memory_space<vmem>>) dst(%dma_wait3A_1158 : memref<512x128xf32, #tpu.memory_space<vmem_shared>>)
          tpu.yield
        }) : () -> ()
      } else {
      }
      %select_n3A_1117 = arith.select %and3A_1088, %scan3A_1109#0, %broadcast_in_dim3A_92 : vector<16xf32>
      %select_n3A_1118 = arith.select %and3A_1088, %scan3A_1109#1, %broadcast_in_dim3A_92 : vector<16xf32>
      %select_n3A_1119 = arith.select %and3A_1088, %scan3A_1109#2, %broadcast_in_dim3A_92 : vector<16xf32>
      %select_n3A_1120 = arith.select %and3A_1088, %scan3A_1109#3, %broadcast_in_dim3A_92 : vector<16xf32>
      %select_n3A_1121 = arith.select %and3A_1088, %scan3A_1109#4, %broadcast_in_dim3A_92 : vector<16xf32>
      %select_n3A_1122 = arith.select %and3A_1088, %scan3A_1109#5, %broadcast_in_dim3A_92 : vector<16xf32>
      %select_n3A_1123 = arith.select %and3A_1088, %scan3A_1109#6, %broadcast_in_dim3A_92 : vector<16xf32>
      %select_n3A_1124 = arith.select %and3A_1088, %scan3A_1109#7, %broadcast_in_dim3A_92 : vector<16xf32>
      %select_n3A_1125 = arith.select %and3A_1088, %squeeze3A_1081, %squeeze3A_1083 : i32
      %add3A_1126 = arith.constant 5 : i32
      %add3A_1127 = arith.addi %add3A_996, %add3A_1126 : i32
      %lt3A_1128 = arith.constant 125 : i32
      %lt3A_1129 = arith.cmpi slt, %add3A_1127, %lt3A_1128 : i32
      %convert_element_type3A_1130 = arith.extui %lt3A_1129 : i1 to i32
      %cond3A_1131 = arith.constant 0 : i32
      %cond3A_1132 = arith.cmpi ne, %convert_element_type3A_1130, %cond3A_1131 : i32
      scf.if %cond3A_1132 {
        %add3A_1133 = arith.constant 5 : i32
        %add3A_1134 = arith.addi %add3A_996, %add3A_1133 : i32
        %mul3A_1135 = arith.constant 80 : i32
        %mul3A_1136 = arith.muli %add3A_1134, %mul3A_1135 : i32
        %add3A_1137 = arith.addi %mul3A_2, %mul3A_1136 : i32
        %dma_start3A_1138 = arith.constant 4 : i32
        %dma_start3A_1139 = arith.constant 0 : i32
        %dma_start3A_1140 = arith.constant 0 : i32
        %dma_start3A_1141 = tpu.memref_slice %arg7[%dma_start3A_1138, %dma_start3A_1139, %dma_start3A_1140] : memref<5x80x128xf32, #tpu.memory_space<vmem>> -> memref<1x80x128xf32, #tpu.memory_space<vmem>>
        %dma_start3A_1142 = tpu.memref_squeeze %dma_start3A_1141 : memref<1x80x128xf32, #tpu.memory_space<vmem>> -> memref<80x128xf32, #tpu.memory_space<vmem>>
        %dma_start3A_1143 = arith.constant 0 : i32
        %dma_start3A_1144 = tpu.memref_slice %arg2[%add3A_1137, %dma_start3A_1143] : memref<320000x128xf32, #tpu.memory_space<hbm>> -> memref<80x128xf32, #tpu.memory_space<hbm>>
        %dma_start3A_1145 = arith.constant 0 : i32
        %dma_start3A_1146 = arith.constant 0 : i32
        %dma_start3A_1147 = tpu.memref_slice %arg7[%dma_start3A_1138, %dma_start3A_1145, %dma_start3A_1146] : memref<5x80x128xf32, #tpu.memory_space<vmem>> -> memref<1x80x128xf32, #tpu.memory_space<vmem>>
        %dma_start3A_1148 = tpu.memref_squeeze %dma_start3A_1147 : memref<1x80x128xf32, #tpu.memory_space<vmem>> -> memref<80x128xf32, #tpu.memory_space<vmem>>
        %dma_start3A_1149 = arith.constant 0 : i32
        %dma_start3A_1150 = tpu.memref_slice %arg2[%add3A_1137, %dma_start3A_1149] : memref<320000x128xf32, #tpu.memory_space<hbm>> -> memref<80x128xf32, #tpu.memory_space<hbm>>
        tpu.enqueue_dma source(%dma_start3A_1150 : memref<80x128xf32, #tpu.memory_space<hbm>>) target(%dma_start3A_1148 : memref<80x128xf32, #tpu.memory_space<vmem>>) target_semaphore(%arg15 : memref<!tpu.dma_semaphore, #tpu.memory_space<semaphore_mem>>)
      } else {
      }
      scf.yield %select_n3A_1125, %select_n3A_1117, %select_n3A_1118, %select_n3A_1119, %select_n3A_1120, %select_n3A_1121, %select_n3A_1122, %select_n3A_1123, %select_n3A_1124 : i32, vector<16xf32>, vector<16xf32>, vector<16xf32>, vector<16xf32>, vector<16xf32>, vector<16xf32>, vector<16xf32>, vector<16xf32>
    }
    %scan3A_341 = arith.constant 25 : i32
    %sub3A = arith.subi %scan3A_340#0, %squeeze3A : i32
    %min3A_342 = arith.constant 255 : i32
    %min3A_343 = arith.minsi %sub3A, %min3A_342 : i32
    %get3A_344 = arith.index_cast %min3A_343 : i32 to index
    %get3A_345 = arith.constant 0 : index
    %get3A_346 = tpu.vector_load %arg8[%get3A_344, %get3A_345] {strides = array<i32>} : memref<256x128xf32, #tpu.memory_space<vmem>>, vector<1x16xf32>,
    %get3A_347 = vector.shape_cast %get3A_346 : vector<1x16xf32> to vector<16xf32>
    %add3A_348 = arith.addf %get3A_347, %scan3A_340#1 : vector<16xf32>
    %swap3A_349 = arith.index_cast %min3A_343 : i32 to index
    %swap3A_350 = arith.constant 0 : index
    %swap3A_351 = tpu.vector_load %arg8[%swap3A_349, %swap3A_350] {strides = array<i32>} : memref<256x128xf32, #tpu.memory_space<vmem>>, vector<1x16xf32>,
    %swap3A_352 = vector.shape_cast %swap3A_351 : vector<1x16xf32> to vector<16xf32>
    %swap3A_353 = vector.shape_cast %add3A_348 : vector<16xf32> to vector<1x16xf32>
    tpu.vector_store %arg8[%swap3A_349, %swap3A_350], %swap3A_353 {strides = array<i32>} : memref<256x128xf32, #tpu.memory_space<vmem>>, vector<1x16xf32>,
    %get3A_354 = arith.index_cast %min3A_343 : i32 to index
    %get3A_355 = arith.constant 16 : index
    %get3A_356 = tpu.vector_load %arg8[%get3A_354, %get3A_355] {strides = array<i32>} : memref<256x128xf32, #tpu.memory_space<vmem>>, vector<1x16xf32>,
    %get3A_357 = vector.shape_cast %get3A_356 : vector<1x16xf32> to vector<16xf32>
    %add3A_358 = arith.addf %get3A_357, %scan3A_340#2 : vector<16xf32>
    %swap3A_359 = arith.index_cast %min3A_343 : i32 to index
    %swap3A_360 = arith.constant 16 : index
    %swap3A_361 = tpu.vector_load %arg8[%swap3A_359, %swap3A_360] {strides = array<i32>} : memref<256x128xf32, #tpu.memory_space<vmem>>, vector<1x16xf32>,
    %swap3A_362 = vector.shape_cast %swap3A_361 : vector<1x16xf32> to vector<16xf32>
    %swap3A_363 = vector.shape_cast %add3A_358 : vector<16xf32> to vector<1x16xf32>
    tpu.vector_store %arg8[%swap3A_359, %swap3A_360], %swap3A_363 {strides = array<i32>} : memref<256x128xf32, #tpu.memory_space<vmem>>, vector<1x16xf32>,
    %get3A_364 = arith.index_cast %min3A_343 : i32 to index
    %get3A_365 = arith.constant 32 : index
    %get3A_366 = tpu.vector_load %arg8[%get3A_364, %get3A_365] {strides = array<i32>} : memref<256x128xf32, #tpu.memory_space<vmem>>, vector<1x16xf32>,
    %get3A_367 = vector.shape_cast %get3A_366 : vector<1x16xf32> to vector<16xf32>
    %add3A_368 = arith.addf %get3A_367, %scan3A_340#3 : vector<16xf32>
    %swap3A_369 = arith.index_cast %min3A_343 : i32 to index
    %swap3A_370 = arith.constant 32 : index
    %swap3A_371 = tpu.vector_load %arg8[%swap3A_369, %swap3A_370] {strides = array<i32>} : memref<256x128xf32, #tpu.memory_space<vmem>>, vector<1x16xf32>,
    %swap3A_372 = vector.shape_cast %swap3A_371 : vector<1x16xf32> to vector<16xf32>
    %swap3A_373 = vector.shape_cast %add3A_368 : vector<16xf32> to vector<1x16xf32>
    tpu.vector_store %arg8[%swap3A_369, %swap3A_370], %swap3A_373 {strides = array<i32>} : memref<256x128xf32, #tpu.memory_space<vmem>>, vector<1x16xf32>,
    %get3A_374 = arith.index_cast %min3A_343 : i32 to index
    %get3A_375 = arith.constant 48 : index
    %get3A_376 = tpu.vector_load %arg8[%get3A_374, %get3A_375] {strides = array<i32>} : memref<256x128xf32, #tpu.memory_space<vmem>>, vector<1x16xf32>,
    %get3A_377 = vector.shape_cast %get3A_376 : vector<1x16xf32> to vector<16xf32>
    %add3A_378 = arith.addf %get3A_377, %scan3A_340#4 : vector<16xf32>
    %swap3A_379 = arith.index_cast %min3A_343 : i32 to index
    %swap3A_380 = arith.constant 48 : index
    %swap3A_381 = tpu.vector_load %arg8[%swap3A_379, %swap3A_380] {strides = array<i32>} : memref<256x128xf32, #tpu.memory_space<vmem>>, vector<1x16xf32>,
    %swap3A_382 = vector.shape_cast %swap3A_381 : vector<1x16xf32> to vector<16xf32>
    %swap3A_383 = vector.shape_cast %add3A_378 : vector<16xf32> to vector<1x16xf32>
    tpu.vector_store %arg8[%swap3A_379, %swap3A_380], %swap3A_383 {strides = array<i32>} : memref<256x128xf32, #tpu.memory_space<vmem>>, vector<1x16xf32>,
    %get3A_384 = arith.index_cast %min3A_343 : i32 to index
    %get3A_385 = arith.constant 64 : index
    %get3A_386 = tpu.vector_load %arg8[%get3A_384, %get3A_385] {strides = array<i32>} : memref<256x128xf32, #tpu.memory_space<vmem>>, vector<1x16xf32>,
    %get3A_387 = vector.shape_cast %get3A_386 : vector<1x16xf32> to vector<16xf32>
    %add3A_388 = arith.addf %get3A_387, %scan3A_340#5 : vector<16xf32>
    %swap3A_389 = arith.index_cast %min3A_343 : i32 to index
    %swap3A_390 = arith.constant 64 : index
    %swap3A_391 = tpu.vector_load %arg8[%swap3A_389, %swap3A_390] {strides = array<i32>} : memref<256x128xf32, #tpu.memory_space<vmem>>, vector<1x16xf32>,
    %swap3A_392 = vector.shape_cast %swap3A_391 : vector<1x16xf32> to vector<16xf32>
    %swap3A_393 = vector.shape_cast %add3A_388 : vector<16xf32> to vector<1x16xf32>
    tpu.vector_store %arg8[%swap3A_389, %swap3A_390], %swap3A_393 {strides = array<i32>} : memref<256x128xf32, #tpu.memory_space<vmem>>, vector<1x16xf32>,
    %get3A_394 = arith.index_cast %min3A_343 : i32 to index
    %get3A_395 = arith.constant 80 : index
    %get3A_396 = tpu.vector_load %arg8[%get3A_394, %get3A_395] {strides = array<i32>} : memref<256x128xf32, #tpu.memory_space<vmem>>, vector<1x16xf32>,
    %get3A_397 = vector.shape_cast %get3A_396 : vector<1x16xf32> to vector<16xf32>
    %add3A_398 = arith.addf %get3A_397, %scan3A_340#6 : vector<16xf32>
    %swap3A_399 = arith.index_cast %min3A_343 : i32 to index
    %swap3A_400 = arith.constant 80 : index
    %swap3A_401 = tpu.vector_load %arg8[%swap3A_399, %swap3A_400] {strides = array<i32>} : memref<256x128xf32, #tpu.memory_space<vmem>>, vector<1x16xf32>,
    %swap3A_402 = vector.shape_cast %swap3A_401 : vector<1x16xf32> to vector<16xf32>
    %swap3A_403 = vector.shape_cast %add3A_398 : vector<16xf32> to vector<1x16xf32>
    tpu.vector_store %arg8[%swap3A_399, %swap3A_400], %swap3A_403 {strides = array<i32>} : memref<256x128xf32, #tpu.memory_space<vmem>>, vector<1x16xf32>,
    %get3A_404 = arith.index_cast %min3A_343 : i32 to index
    %get3A_405 = arith.constant 96 : index
    %get3A_406 = tpu.vector_load %arg8[%get3A_404, %get3A_405] {strides = array<i32>} : memref<256x128xf32, #tpu.memory_space<vmem>>, vector<1x16xf32>,
    %get3A_407 = vector.shape_cast %get3A_406 : vector<1x16xf32> to vector<16xf32>
    %add3A_408 = arith.addf %get3A_407, %scan3A_340#7 : vector<16xf32>
    %swap3A_409 = arith.index_cast %min3A_343 : i32 to index
    %swap3A_410 = arith.constant 96 : index
    %swap3A_411 = tpu.vector_load %arg8[%swap3A_409, %swap3A_410] {strides = array<i32>} : memref<256x128xf32, #tpu.memory_space<vmem>>, vector<1x16xf32>,
    %swap3A_412 = vector.shape_cast %swap3A_411 : vector<1x16xf32> to vector<16xf32>
    %swap3A_413 = vector.shape_cast %add3A_408 : vector<16xf32> to vector<1x16xf32>
    tpu.vector_store %arg8[%swap3A_409, %swap3A_410], %swap3A_413 {strides = array<i32>} : memref<256x128xf32, #tpu.memory_space<vmem>>, vector<1x16xf32>,
    %get3A_414 = arith.index_cast %min3A_343 : i32 to index
    %get3A_415 = arith.constant 112 : index
    %get3A_416 = tpu.vector_load %arg8[%get3A_414, %get3A_415] {strides = array<i32>} : memref<256x128xf32, #tpu.memory_space<vmem>>, vector<1x16xf32>,
    %get3A_417 = vector.shape_cast %get3A_416 : vector<1x16xf32> to vector<16xf32>
    %add3A_418 = arith.addf %get3A_417, %scan3A_340#8 : vector<16xf32>
    %swap3A_419 = arith.index_cast %min3A_343 : i32 to index
    %swap3A_420 = arith.constant 112 : index
    %swap3A_421 = tpu.vector_load %arg8[%swap3A_419, %swap3A_420] {strides = array<i32>} : memref<256x128xf32, #tpu.memory_space<vmem>>, vector<1x16xf32>,
    %swap3A_422 = vector.shape_cast %swap3A_421 : vector<1x16xf32> to vector<16xf32>
    %swap3A_423 = vector.shape_cast %add3A_418 : vector<16xf32> to vector<1x16xf32>
    tpu.vector_store %arg8[%swap3A_419, %swap3A_420], %swap3A_423 {strides = array<i32>} : memref<256x128xf32, #tpu.memory_space<vmem>>, vector<1x16xf32>,
    %sub3A_424 = arith.subi %squeeze3A_17, %squeeze3A : i32
    %ge3A = arith.constant 0 : i32
    %ge3A_425 = arith.cmpi sge, %sub3A_424, %ge3A : i32
    %convert_element_type3A = arith.extui %ge3A_425 : i1 to i32
    %cond3A = arith.constant 0 : i32
    %cond3A_426 = arith.cmpi ne, %convert_element_type3A, %cond3A : i32
    scf.if %cond3A_426 {
      %run_scoped3A = arith.constant 0 : i32
      "tpu.region"() ({
        %run_scoped3A_438 = tpu.sem_alloc : memref<!tpu.dma_semaphore, #tpu.memory_space<semaphore_mem>>
        %dma_start3A_439 = arith.constant 0 : i32
        %dma_start3A_440 = arith.constant 0 : i32
        %dma_start3A_441 = tpu.memref_slice %arg8[%dma_start3A_439, %dma_start3A_440] : memref<256x128xf32, #tpu.memory_space<vmem>> -> memref<128x128xf32, #tpu.memory_space<vmem>>
        %dma_start3A_442 = arith.constant 0 : i32
        %dma_start3A_443 = tpu.memref_slice %arg9[%run_scoped3A, %dma_start3A_442] : memref<2x128xi32, #tpu.memory_space<vmem>> -> memref<1x128xi32, #tpu.memory_space<vmem>>
        %dma_start3A_444 = tpu.memref_squeeze %dma_start3A_443 : memref<1x128xi32, #tpu.memory_space<vmem>> -> memref<128xi32, #tpu.memory_space<vmem>>
        %dma_start3A_445 = arith.constant 0 : i32
        %dma_start3A_446 = arith.constant 0 : i32
        %dma_start3A_447 = tpu.memref_slice %arg10[%dma_start3A_445, %dma_start3A_446] : memref<512x128xf32, #tpu.memory_space<vmem_shared>> -> memref<512x128xf32, #tpu.memory_space<vmem_shared>>
        tpu.enqueue_indirect_dma source(%dma_start3A_441 : memref<128x128xf32, #tpu.memory_space<vmem>>) target(%dma_start3A_447 : memref<512x128xf32, #tpu.memory_space<vmem_shared>>) offsets(%dma_start3A_444 : memref<128xi32, #tpu.memory_space<vmem>>) semaphore(%run_scoped3A_438 : memref<!tpu.dma_semaphore, #tpu.memory_space<semaphore_mem>>) {add = true}
        %dma_wait3A = arith.constant 0 : i32
        %dma_wait3A_448 = arith.constant 0 : i32
        %dma_wait3A_449 = tpu.memref_slice %arg8[%dma_wait3A, %dma_wait3A_448] : memref<256x128xf32, #tpu.memory_space<vmem>> -> memref<128x128xf32, #tpu.memory_space<vmem>>
        %dma_wait3A_450 = arith.constant 0 : i32
        %dma_wait3A_451 = tpu.memref_slice %arg9[%run_scoped3A, %dma_wait3A_450] : memref<2x128xi32, #tpu.memory_space<vmem>> -> memref<1x128xi32, #tpu.memory_space<vmem>>
        %dma_wait3A_452 = tpu.memref_squeeze %dma_wait3A_451 : memref<1x128xi32, #tpu.memory_space<vmem>> -> memref<128xi32, #tpu.memory_space<vmem>>
        %dma_wait3A_453 = arith.constant 0 : i32
        %dma_wait3A_454 = arith.constant 0 : i32
        %dma_wait3A_455 = tpu.memref_slice %arg10[%dma_wait3A_453, %dma_wait3A_454] : memref<512x128xf32, #tpu.memory_space<vmem_shared>> -> memref<512x128xf32, #tpu.memory_space<vmem_shared>>
        tpu.wait_indirect_dma semaphore(%run_scoped3A_438 : memref<!tpu.dma_semaphore, #tpu.memory_space<semaphore_mem>>) src(%dma_wait3A_449 : memref<128x128xf32, #tpu.memory_space<vmem>>) dst(%dma_wait3A_455 : memref<512x128xf32, #tpu.memory_space<vmem_shared>>)
        tpu.yield
      }) : () -> ()
    } else {
    }
    %sub3A_427 = arith.subi %squeeze3A_17, %squeeze3A : i32
    %ge3A_428 = arith.constant 128 : i32
    %ge3A_429 = arith.cmpi sge, %sub3A_427, %ge3A_428 : i32
    %convert_element_type3A_430 = arith.extui %ge3A_429 : i1 to i32
    %cond3A_431 = arith.constant 0 : i32
    %cond3A_432 = arith.cmpi ne, %convert_element_type3A_430, %cond3A_431 : i32
    scf.if %cond3A_432 {
      %run_scoped3A = arith.constant 1 : i32
      "tpu.region"() ({
        %run_scoped3A_438 = tpu.sem_alloc : memref<!tpu.dma_semaphore, #tpu.memory_space<semaphore_mem>>
        %dma_start3A_439 = arith.constant 128 : i32
        %dma_start3A_440 = arith.constant 0 : i32
        %dma_start3A_441 = tpu.memref_slice %arg8[%dma_start3A_439, %dma_start3A_440] : memref<256x128xf32, #tpu.memory_space<vmem>> -> memref<128x128xf32, #tpu.memory_space<vmem>>
        %dma_start3A_442 = arith.constant 0 : i32
        %dma_start3A_443 = tpu.memref_slice %arg9[%run_scoped3A, %dma_start3A_442] : memref<2x128xi32, #tpu.memory_space<vmem>> -> memref<1x128xi32, #tpu.memory_space<vmem>>
        %dma_start3A_444 = tpu.memref_squeeze %dma_start3A_443 : memref<1x128xi32, #tpu.memory_space<vmem>> -> memref<128xi32, #tpu.memory_space<vmem>>
        %dma_start3A_445 = arith.constant 0 : i32
        %dma_start3A_446 = arith.constant 0 : i32
        %dma_start3A_447 = tpu.memref_slice %arg10[%dma_start3A_445, %dma_start3A_446] : memref<512x128xf32, #tpu.memory_space<vmem_shared>> -> memref<512x128xf32, #tpu.memory_space<vmem_shared>>
        tpu.enqueue_indirect_dma source(%dma_start3A_441 : memref<128x128xf32, #tpu.memory_space<vmem>>) target(%dma_start3A_447 : memref<512x128xf32, #tpu.memory_space<vmem_shared>>) offsets(%dma_start3A_444 : memref<128xi32, #tpu.memory_space<vmem>>) semaphore(%run_scoped3A_438 : memref<!tpu.dma_semaphore, #tpu.memory_space<semaphore_mem>>) {add = true}
        %dma_wait3A = arith.constant 128 : i32
        %dma_wait3A_448 = arith.constant 0 : i32
        %dma_wait3A_449 = tpu.memref_slice %arg8[%dma_wait3A, %dma_wait3A_448] : memref<256x128xf32, #tpu.memory_space<vmem>> -> memref<128x128xf32, #tpu.memory_space<vmem>>
        %dma_wait3A_450 = arith.constant 0 : i32
        %dma_wait3A_451 = tpu.memref_slice %arg9[%run_scoped3A, %dma_wait3A_450] : memref<2x128xi32, #tpu.memory_space<vmem>> -> memref<1x128xi32, #tpu.memory_space<vmem>>
        %dma_wait3A_452 = tpu.memref_squeeze %dma_wait3A_451 : memref<1x128xi32, #tpu.memory_space<vmem>> -> memref<128xi32, #tpu.memory_space<vmem>>
        %dma_wait3A_453 = arith.constant 0 : i32
        %dma_wait3A_454 = arith.constant 0 : i32
        %dma_wait3A_455 = tpu.memref_slice %arg10[%dma_wait3A_453, %dma_wait3A_454] : memref<512x128xf32, #tpu.memory_space<vmem_shared>> -> memref<512x128xf32, #tpu.memory_space<vmem_shared>>
        tpu.wait_indirect_dma semaphore(%run_scoped3A_438 : memref<!tpu.dma_semaphore, #tpu.memory_space<semaphore_mem>>) src(%dma_wait3A_449 : memref<128x128xf32, #tpu.memory_space<vmem>>) dst(%dma_wait3A_455 : memref<512x128xf32, #tpu.memory_space<vmem_shared>>)
        tpu.yield
      }) : () -> ()
    } else {
    }
    %barrier3A_433 = arith.constant 0 : index
    tpu.barrier barrier_id(%barrier3A_433)
    %eq3A = arith.constant 0 : i32
    %eq3A_434 = arith.cmpi eq, %arg1, %eq3A : i32
    %convert_element_type3A_435 = arith.extui %eq3A_434 : i1 to i32
    %cond3A_436 = arith.constant 0 : i32
    %cond3A_437 = arith.cmpi ne, %convert_element_type3A_435, %cond3A_436 : i32
    scf.if %cond3A_437 {
      "tpu.region"() ({
        %run_scoped3A = tpu.sem_alloc : memref<!tpu.dma_semaphore, #tpu.memory_space<semaphore_mem>>
        %dma_start3A_438 = arith.constant 0 : i32
        %dma_start3A_439 = arith.constant 0 : i32
        %dma_start3A_440 = tpu.memref_slice %arg5[%arg0, %dma_start3A_438, %dma_start3A_439] : memref<2x512x128xf32, #tpu.memory_space<hbm>> -> memref<1x512x128xf32, #tpu.memory_space<hbm>>
        %dma_start3A_441 = tpu.memref_squeeze %dma_start3A_440 : memref<1x512x128xf32, #tpu.memory_space<hbm>> -> memref<512x128xf32, #tpu.memory_space<hbm>>
        tpu.enqueue_dma source(%arg10 : memref<512x128xf32, #tpu.memory_space<vmem_shared>>) target(%dma_start3A_441 : memref<512x128xf32, #tpu.memory_space<hbm>>) target_semaphore(%run_scoped3A : memref<!tpu.dma_semaphore, #tpu.memory_space<semaphore_mem>>)
        %dma_wait3A = arith.constant 0 : i32
        %dma_wait3A_442 = arith.constant 0 : i32
        %dma_wait3A_443 = tpu.memref_slice %arg5[%arg0, %dma_wait3A, %dma_wait3A_442] : memref<2x512x128xf32, #tpu.memory_space<hbm>> -> memref<1x512x128xf32, #tpu.memory_space<hbm>>
        %dma_wait3A_444 = tpu.memref_squeeze %dma_wait3A_443 : memref<1x512x128xf32, #tpu.memory_space<hbm>> -> memref<512x128xf32, #tpu.memory_space<hbm>>
        tpu.wait_dma2 semaphore(%run_scoped3A : memref<!tpu.dma_semaphore, #tpu.memory_space<semaphore_mem>>) src(%arg10 : memref<512x128xf32, #tpu.memory_space<vmem_shared>>) dst(%dma_wait3A_444 : memref<512x128xf32, #tpu.memory_space<hbm>>)
        tpu.yield
      }) : () -> ()
    } else {
    }
    return
  }
}

module attributes {stable_mosaic.version = 14 : i64} {
  func.func @_sum_body(%arg0: memref<2x512x128xf32, #tpu.memory_space<vmem>>, %arg1: memref<512x128xf32, #tpu.memory_space<vmem>>) attributes {dimension_semantics = [], scalar_prefetch = 0 : i64, scratch_operands = 0 : i64, tpu.core_type = #tpu.core_type<tc>} {
    %get3A = arith.constant 0 : index
    %get3A_0 = arith.constant 0 : index
    %get3A_1 = arith.constant 0 : index
    %get3A_2 = vector.load %arg0[%get3A, %get3A_0, %get3A_1] : memref<2x512x128xf32, #tpu.memory_space<vmem>>, vector<1x512x128xf32>
    %get3A_3 = vector.shape_cast %get3A_2 : vector<1x512x128xf32> to vector<512x128xf32>
    %get3A_4 = arith.constant 1 : index
    %get3A_5 = arith.constant 0 : index
    %get3A_6 = arith.constant 0 : index
    %get3A_7 = vector.load %arg0[%get3A_4, %get3A_5, %get3A_6] : memref<2x512x128xf32, #tpu.memory_space<vmem>>, vector<1x512x128xf32>
    %get3A_8 = vector.shape_cast %get3A_7 : vector<1x512x128xf32> to vector<512x128xf32>
    %add3A = arith.addf %get3A_3, %get3A_8 : vector<512x128xf32>
    %swap3A = arith.constant 0 : index
    %swap3A_9 = arith.constant 0 : index
    %swap3A_10 = vector.load %arg1[%swap3A, %swap3A_9] : memref<512x128xf32, #tpu.memory_space<vmem>>, vector<512x128xf32>
    tpu.vector_store %arg1[%swap3A, %swap3A_9], %add3A {strides = array<i32>} : memref<512x128xf32, #tpu.memory_space<vmem>>, vector<512x128xf32>,
    return
  }
}

</mosaic_0001>

<sc_bundles>
// kernel: kernel.4.cloned.1.call-start
scs
__scs_entry_jumppad:
0x0: {  	(pc) =	sbr.rel $0x88, $3  }
0x1: {  	(tag) =	ssettag $0x0;
	lr =	simm.s32 $0x1  }
0x2: {  	[smem:$0x3F9F] =	sst lr;
	_ =	strace $0xD0000000  }
0x3: {  	_ = 	snop  }
0x4: {  	_ = 	snop  }
0x5: {  	_ = 	snop  }
0x6: {  	_ = 	snop  }
0x7: {  	_ = 	snop  }
__scs_overlays_trampoline_lowered:
0x8: {  	[smem:$0x3FAE] =	sst s0  }
0x9: {  	[smem:$0x3FAF] =	sst s1  }
0xa: {  	[smem:$0x3FB0] =	sst s2  }
0xb: {  	[smem:$0x3FB1] =	sst s3  }
0xc: {  	[smem:$0x3FB2] =	sst s4  }
0xd: {  	[smem:$0x3FB3] =	sst s5  }
0xe: {  	[smem:$0x3FB4] =	sst s6  }
0xf: {  	[smem:$0x3FB5] =	sst s7  }
0x10: {  	[smem:$0x3FB6] =	sst s8  }
0x11: {  	[smem:$0x3FB7] =	sst s9;
	s0 =	simm.s32 @!p0 $0x0  }
0x12: {  	s1 =	sld [smem:$0x3F9D];
	s0 =	simm.s32 @p0 $0x1  }
0x13: {  	[smem:$0x3FB8] =	sst s0;
	s0 =	simm.s32 @!p1 $0x0  }
0x14: {  	s2 =	sld [smem:$0x3F9C];
	s0 =	simm.s32 @p1 $0x1  }
0x15: {  	[smem:$0x3FB9] =	sst s0;
	s0 =	simm.s32 @!p2 $0x0  }
0x16: {  	s3 =	sld [smem:$0x3FDB];
	s0 =	simm.s32 @p2 $0x1  }
0x17: {  	s4 =	simm.s32 $0x1BF5;
	[smem:$0x3FBB] =	sst s0  }
0x18: {  	s0 =	sld [smem:$0x3F9E];
	_ =	swait.ge [sflag:s4], $0x0  }
0x19: {  	s7 =	sld [smem:$0x3F9F]  }
0x1a: {  	s8 =	sadd.s32 $0xFFFFE003, lr  }
0x1b: {  	s9 =	sadd.s32 $0xFFFFFEF7, lr;
	s5 =	simm.s32 $0xFFFFFFFF;
	p2 =	slt.u32 s8, $0xFFFFF086  }
0x1c: {  	p1 =	slt.u32 s9, $0xF7A;
	s5 =	simm.s32 @!p2 $0x0  }
0x1d: {  	s5 =	simm.s32 @p1 $0x1;
	p0 =	seq.s32 s7, s2  }
0x1e: {  	s7 =	smul.u32 @!p0 $0xF7A, s2;
	p2 =	seq.s32 @!p0 s5, $0x0  }
0x1f: {  	s9 =	smul.u32 $0xF7A, s1;
	s8 =	simm.s32 @!p0 $0x1BF5;
	p2 =	por !p2, p0  }
0x20: {  	[sflag:s8] =	ssyncset.s32 @!p0 $0xFFFFF086;
	s6 =	sadd.s32 @!p0 s3, s7;
	s7 =	simm.s32 @!p0 $0x108  }
0x21: {  	s3 =	sadd.s32 s3, s9;
	s6 =	sadd.s32 @!p0 $0x88, s6;
	s7 =	simm.s32 @p2 $0x1082  }
0x22: {  	[simem:s7], [sflag:s8] =	dma.local @!p0 [hbm:s6], $0xF7A  }
0x23: {  	s9 =	sor.u32 $0xD0000000, s2;
	s6 =	simm.s32 $0x108;
	_ =	swait.ge @!p0 [sflag:s8], $0x0  }
0x24: {  	s3 =	sadd.s32 $0x88, s3;
	s6 =	simm.s32 @!p1 $0x1082;
	[sflag:s4] =	ssyncset.s32 $0xFFFFF086  }
0x25: {  	[simem:s6], [sflag:s4] =	dma.local [hbm:s3], $0xF7A  }
0x26: {  	[smem:$0x3F9F] =	sst s1;
	(tag) =	ssettag s2;
	_ =	strace s9  }
0x27: {  	s1 =	sld [smem:$0x3FAF]  }
0x28: {  	s2 =	sld [smem:$0x3FB0]  }
0x29: {  	s4 =	sld [smem:$0x3FB2]  }
0x2a: {  	p0 =	seq.s32 s5, $0x0;
	s5 =	sld [smem:$0x3FB3]  }
0x2b: {  	s6 =	sld [smem:$0x3FB4]  }
0x2c: {  	s7 =	sld [smem:$0x3FB5]  }
0x2d: {  	s3 =	simm.s32 $0x108;
	s8 =	sld [smem:$0x3FB6]  }
0x2e: {  	s3 =	simm.s32 @!p0 $0x1082;
	s9 =	sld [smem:$0x3FB7]  }
0x2f: {  	lr =	sadd.s32 s0, s3;
	s0 =	sld [smem:$0x3FAE]  }
0x30: {  	s3 =	sld [smem:$0x3FB1]  }
0x31: {  	[smem:$0x3FBA] =	sst s10  }
0x32: {  	s10 =	sld [smem:$0x3FB8];
	_ =	sdelay $0x3  }
0x33: {  	p0 =	seq.s32 s10, $0x1;
	s10 =	sld [smem:$0x3FBA];
	_ =	sdelay $0x3  }
0x34: {  	[smem:$0x3FBA] =	sst s10  }
0x35: {  	s10 =	sld [smem:$0x3FB9];
	_ =	sdelay $0x3  }
0x36: {  	p1 =	seq.s32 s10, $0x1;
	s10 =	sld [smem:$0x3FBA];
	_ =	sdelay $0x3  }
0x37: {  	[smem:$0x3FBA] =	sst s10  }
0x38: {  	s10 =	sld [smem:$0x3FBB]  }
0x39: {  	_ = 	snop;
	(pc) =	sbr.ind lr, $3  }
0x3a: {  	_ = 	snop  }
0x3b: {  	_ = 	snop  }
0x3c: {  	p2 =	seq.s32 s10, $0x1;
	s10 =	sld [smem:$0x3FBA]  }
0x3d: {  	_ =	shalt  }
0x3e: {  	_ =	shalt  }
0x3f: {  	_ =	shalt  }
0x40: {  	_ =	shalt  }
0x41: {  	_ =	shalt  }
0x42: {  	_ =	shalt  }
0x43: {  	_ =	shalt  }
0x44: {  	_ =	shalt  }
0x45: {  	_ =	shalt  }
0x46: {  	_ =	shalt  }
0x47: {  	_ =	shalt  }
0x48: {  	_ =	shalt  }
0x49: {  	_ =	shalt  }
0x4a: {  	_ =	shalt  }
0x4b: {  	_ =	shalt  }
0x4c: {  	_ =	shalt  }
0x4d: {  	_ =	shalt  }
0x4e: {  	_ =	shalt  }
0x4f: {  	_ =	shalt  }
0x50: {  	_ =	shalt  }
0x51: {  	_ =	shalt  }
0x52: {  	_ =	shalt  }
0x53: {  	_ =	shalt  }
0x54: {  	_ =	shalt  }
0x55: {  	_ =	shalt  }
0x56: {  	_ =	shalt  }
0x57: {  	_ =	shalt  }
0x58: {  	_ =	shalt  }
0x59: {  	_ =	shalt  }
0x5a: {  	_ =	shalt  }
0x5b: {  	_ =	shalt  }
0x5c: {  	_ =	shalt  }
0x5d: {  	_ =	shalt  }
0x5e: {  	_ =	shalt  }
0x5f: {  	_ =	shalt  }
0x60: {  	_ =	shalt  }
0x61: {  	_ =	shalt  }
0x62: {  	_ =	shalt  }
0x63: {  	_ =	shalt  }
0x64: {  	_ =	shalt  }
0x65: {  	_ =	shalt  }
0x66: {  	_ =	shalt  }
0x67: {  	_ =	shalt  }
0x68: {  	_ =	shalt  }
0x69: {  	_ =	shalt  }
0x6a: {  	_ =	shalt  }
0x6b: {  	_ =	shalt  }
0x6c: {  	_ =	shalt  }
0x6d: {  	_ =	shalt  }
0x6e: {  	_ =	shalt  }
0x6f: {  	_ =	shalt  }
0x70: {  	_ =	shalt  }
0x71: {  	_ =	shalt  }
0x72: {  	_ =	shalt  }
0x73: {  	_ =	shalt  }
0x74: {  	_ =	shalt  }
0x75: {  	_ =	shalt  }
0x76: {  	_ =	shalt  }
0x77: {  	_ =	shalt  }
0x78: {  	_ =	shalt  }
0x79: {  	_ =	shalt  }
0x7a: {  	_ =	shalt  }
0x7b: {  	_ =	shalt  }
0x7c: {  	_ =	shalt  }
0x7d: {  	_ =	shalt  }
0x7e: {  	_ =	shalt  }
0x7f: {  	_ =	shalt  }
0x80: {  	_ =	shalt  }
0x81: {  	_ =	shalt  }
0x82: {  	_ =	shalt  }
0x83: {  	_ =	shalt  }
0x84: {  	_ =	shalt  }
0x85: {  	_ =	shalt  }
0x86: {  	_ =	shalt  }
0x87: {  	_ =	shalt  }
.Lfunc_end0:
.L_simem_size_0:
called_computation_lowered:
.L_overlay_start_0:
0x88: {  	s2 =	sld [smem:$0x3FD9]  }
0x89: {  	s3 =	sld [smem:$0x3FFE];
	_ =	sdelay $0x1  }
0x8a: {  	s1 =	srdreg.scid  }
0x8b: {  	s0 =	sand.u32 $0x1, s1  }
0x8c: {  	s17 =	sshll.u32 s0, $0xA;
	s2 =	sadd.s32 s3, s2  }
0x8d: {  	s2 =	sadd.s32 s2, s17  }
0x8e: {  	[smem:$0x3FC6] =	sst s2  }
0x8f: {  	_ = 	snop  }
0x90: {  	s2 =	sld [smem:$0x3FC9]  }
0x91: {  	s18 =	sld [smem:$0x3FD0];
	(tm) =	ssettm $0x1  }
0x92: {  	s4 =	sld [smem:$0x3FFB];
	_ =	sdelay $0x3  }
0x93: {  	_ =	strace s4  }
0x94: {  	s4 =	sld [smem:$0x3FFC];
	_ =	sdelay $0x3  }
0x95: {  	_ =	strace s4  }
0x96: {  	s4 =	sld [smem:$0x3FFD];
	_ =	sdelay $0x3  }
0x97: {  	_ =	strace s4  }
0x98: {  	_ =	strace $0x8FFFFFFF  }
0x99: {  	s19 =	sld [smem:$0x3FDB];
	_ =	sdelay $0x1  }
0x9a: {  	s5 =	simm.s32 $_scs_section_size  }
0x9b: {  	s6 =	simm.s32 $_size__tile_overlayer_lowered;
	s7 =	simm.s32 $_tile_overlayer_lowered  }
0x9c: {  	s22 =	simm.s32 $0x1BFF;
	s21 =	sshll.u32 s7, $0x1;
	s4 =	sadd.s32 s5, s19  }
0x9d: {  	s8 =	simm.s32 $0x0;
	s20 =	sshll.u32 s6, $0x1;
	s6 =	sadd.s32 s21, s4  }
0x9e: {  	[timem:s8], [sflag:s22] =	dma.local [hbm:s6], s20  }
0x9f: {  	_ =	swait.ge [sflag:s22], s20  }
0xa0: {  	s5 =	ssub.s32 $0x0, s20;
	[sflag:s22] =	ssyncset.done $0x0  }
0xa1: {  	[sflag:s22] =	ssyncadd.s32 s5;
	_ =	sdelay $0x1  }
0xa2: {  	s23 =	simm.s32 $0x1B8B  }
0xa3: {  	_ =	swait.ge [sflag:s23], $0x1  }
0xa4: {  	[sflag:s23] =	ssyncset.done $0x0  }
0xa5: {  	s25 =	simm.s32 $0x1B8E;
	s24 =	sld [smem:$0x3FFE];
	[sflag:s23] =	ssyncadd.s32 $0xFFFFFFFF  }
0xa6: {  	s26 =	simm.s32 $execute0_lowered;
	[smem:$0x3FD2] =	sst s25  }
0xa7: {  	s6 =	sshll.u32 s26, $0x1;
	_ =	strace $0x80000046;
	[dreg:$0x1] =	wrdreg $0xFFFFFFFF  }
0xa8: {  	s28 =	simm.s32 $_size_execute0_lowered;
	s4 =	sadd.s32 s4, s6;
	[dreg:$0x0] =	wrdreg $0x0  }
0xa9: {  	s6 =	sshll.u32 s28, $0x1;
	[dreg:$0x2] =	wrdreg s4  }
0xaa: {  	[dreg:$0x3] =	wrdreg s6  }
0xab: {  	[dreg:$0x4] =	wrdreg $0xC0  }
0xac: {  	_ =	task [dreg:s8], $0x5FFFF  }
0xad: {  	[dreg:$0x1] =	wrdreg $0xFFFFFFFF  }
0xae: {  	[dreg:$0x0] =	wrdreg $0x60  }
0xaf: {  	[dreg:$0x2] =	wrdreg s2  }
0xb0: {  	[dreg:$0x3] =	wrdreg s24  }
0xb1: {  	[dreg:$0x4] =	wrdreg s18  }
0xb2: {  	[dreg:$0x5] =	wrdreg $0x1C9000  }
0xb3: {  	[dreg:$0x6] =	wrdreg $0x9  }
0xb4: {  	_ =	task.clear_ibuf [dreg:s8], $0x7FFFF;
	_ =	strace $0x90000046  }
0xb5: {  	s29 =	simm.s32 $0x9;
	_ =	strace $0x80000048  }
0xb6: {  	_ =	swait.ge [sflag:s29], $0x1  }
0xb7: {  	[sflag:s29] =	ssyncadd.s32 $0xFFFFFFFF  }
0xb8: {  	_ =	strace $0x90000048  }
0xb9: {  	_ =	sfence  }
0xba: {  	s30 =	sld [smem:$0x0];
	_ =	sdelay $0x2  }
0xbb: {  	s31 =	sshll.u32 s1, $0xD;
	s1 =	sshrl.u32 s1, $0x2  }
0xbc: {  	s3 =	sand.u32 $0x4000, s31;
	s1 =	sadd.s32 s1, s30  }
0xbd: {  	s0 =	sor.u32 s3, s0;
	s1 =	sshll.u32 s1, $0x11  }
0xbe: {  	s0 =	sor.u32 s1, s0  }
0xbf: {  	s0 =	sadd.s32 $0x8F2B, s0  }
0xc0: {  	[sflag:s0] =	ssyncadd.remote.s32 $0x1  }
0xc1: {  	_ =	sfence.sel $0xFFFF  }
0xc2: {  	[dreg:$0x0] =	wrdreg $0xFFFFFFFF;
	(pc) =	sbr.abs _section_cstart, $3  }
0xc3: {  	[dreg:$0x1] =	wrdreg $0xFFFFFFFF  }
0xc4: {  	_ =	task.clear_ibuf [dreg:s8], $0x2FFFF;
	_ =	strace $0x9FFFFFFF  }
0xc5: {  	(tm) =	ssettm $0x7FFFFFFF  }
tec
execute0_lowered:
.L_overlay_start_1:
0x0: {  	(tag) =	ssettag $0x1  }
0x1: {  	s1 =	rddreg [dreg:$0x0]  }
0x2: {  	s0 =	rddreg [dreg:$0x1]  }
0x3: {  	s4 =	rddreg [dreg:$0x2]  }
0x4: {  	s2 =	rddreg [dreg:$0x3];
	s5 =	srdreg.scid  }
0x5: {  	s3 =	simm.s32 $0x0;
	s6 =	stileid.u32;
	s20 =	simm.s32 $0x6  }
0x6: {  	s28 =	simm.s32 $0x2;
	s29 =	simm.s32 $0x3;
	s30 =	simm.s32 $0x4  }
0x7: {  	s31 =	simm.s32 $0x5;
	s5 =	sand.u32 $0x1, s5;
	[smem:$0x7FF] =	sst s3  }
0x8: {  	s22 =	sshll.u32 s6, $0xC;
	s23 =	sshll.u32 s6, $0x9;
	s11 =	sshll.u32 s6, $0x6  }
0x9: {  	p0 =	sne.s32 s6, $0x0;
	s7 =	sshll.u32 s5, $0x4;
	_ =	strace $0x80000047  }
0xa: {  	s9 =	sshll.u32 s5, $0xD;
	s5 =	ssub.s32 $0x2, s5;
	s7 =	sor.u32 s6, s7  }
0xb: {  	s19 =	sadd.s32 s22, s2;
	s4 =	sadd.s32 s4, s23;
	s10 =	smul.u32 $0x138800, s7  }
0xc: {  	s21 =	sshrl.u32 s5, $0x1;
	[dreg:$0x5] =	wrdreg s4;
	s16 =	smul.u32 $0x2710, s7  }
0xd: {  	s19 =	sshrl.u32 s19, $0x3;
	s8 =	sshll.u32 s7, $0xC;
	s7 =	smul.u32 $0x27100, s7  }
0xe: {  	s8 =	sadd.s32 s8, s0;
	s0 =	sadd.s32 s9, s0;
	s9 =	ssub.s32 s5, s21  }
0xf: {  	s5 =	sor.u32 $0x1C06, s11;
	s10 =	sshrl.u32 s10, $0x3;
	s8 =	sadd.s32 $0x600, s8  }
0x10: {  	s7 =	sadd.s32 s1, s7;
	s12 =	sadd.s32 $0x190, s16;
	s13 =	sadd.s32 $0x1E0, s16  }
0x11: {  	v0 =	vimm.f32 $0.0e+00;
	v1 =	vlaneseq.u32;
	s14 =	sadd.s32 $0x230, s16;
	s15 =	sadd.s32 $0x280, s16;
	s16 =	sadd.s32 $0x2D0, s16  }
.Ltmp0:
0x12: {  	v2 =	vor.u32 $0x10, v1;
	v3 =	vor.u32 $0x20, v1;
	v4 =	vor.u32 $0x30, v1;
	s17 =	sadd.s32 $0x20600, s0;
	s18 =	smax.u32 s9, $0x1;
	(pc) =	sbr.rel .LBB2_1-.Ltmp0, $4  }
0x13: {  	v5 =	vor.u32 $0x40, v1;
	v6 =	vor.u32 $0x50, v1;
	v7 =	vor.u32 $0x60, v1;
	s0 =	simm.s32 $0x0;
	s24 =	sadd.s32 s1, s10;
	[dreg:$0x6] =	wrdreg s8  }
0x14: {  	v8 =	vor.u32 $0x70, v1;
	v9 =	vor.u32 $0x80, v1;
	v10 =	vor.u32 $0x90, v1;
	[dreg:$0x7] =	wrdreg s7;
	s25 =	sadd.s32 $0x500, s24;
	s26 =	sadd.s32 $0xA00, s24  }
0x15: {  	v11 =	vor.u32 $0xA0, v1;
	v12 =	vor.u32 $0xB0, v1;
	v13 =	vor.u32 $0xC0, v1;
	s10 =	sadd.s32 $0xF00, s24;
	s11 =	sadd.s32 $0x1400, s24;
	[dreg:$0x8] =	wrdreg s25  }
0x16: {  	v14 =	vor.u32 $0xD0, v1;
	v15 =	vor.u32 $0xE0, v1;
	v16 =	vor.u32 $0xF0, v1;
	[dreg:$0x9] =	wrdreg s26;
	s25 =	simm.s32 $0x12000;
	s26 =	simm.s32 $0x1  }
.LBB2_46:
0x17: {  	s4 =	ssub.s32 s24, s21  }
0x18: {  	(v2sf) =	vpush v17, $0xF;
	p1 =	slt.s32 s4, $0xFF  }
0x19: {  	s4 =	simm.s32 @!p1 $0xFF  }
0x1a: {  	s4 =	sshll.u32 s4, $0x9  }
0x1b: {  	s4 =	sshra.s32 s4, $0x2  }
0x1c: {  	v17 =	vld [tilespmem:s4+$0x14800]  }
0x1d: {  	v26 =	vld [tilespmem:s4+$0x14810]  }
0x1e: {  	v28 =	vld [tilespmem:s4+$0x14830]  }
0x1f: {  	v27 =	vld [tilespmem:s4+$0x14820]  }
0x20: {  	v61 =	vld [tilespmem:s4+$0x14850]  }
0x21: {  	v29 =	vld [tilespmem:s4+$0x14840];
	v17 =	vadd.f32 v17, v25  }
0x22: {  	v63 =	vld [tilespmem:s4+$0x14870];
	v24 =	vadd.f32 v26, v24  }
0x23: {  	v62 =	vld [tilespmem:s4+$0x14860];
	v22 =	vadd.f32 v28, v22;
	[tilespmem:s4+$0x14800] =	vst v17  }
0x24: {  	v17 =	vadd.f32 v27, v23;
	[tilespmem:s4+$0x14810] =	vst v24  }
0x25: {  	v20 =	vadd.f32 v61, v20;
	[tilespmem:s4+$0x14830] =	vst v22  }
0x26: {  	[tilespmem:s4+$0x14820] =	vst v17;
	v17 =	vadd.f32 v29, v21  }
0x27: {  	v18 =	vadd.f32 v63, v18;
	[tilespmem:s4+$0x14850] =	vst v20;
	s6 =	spop (v2sf)  }
0x28: {  	[tilespmem:s4+$0x14840] =	vst v17;
	v17 =	vadd.f32 v62, v19;
	s6 =	ssub.s32 s6, s21  }
0x29: {  	[tilespmem:s4+$0x14870] =	vst v18;
	p1 =	slt.s32 s6, $0x0  }
0x2a: {  	[tilespmem:s4+$0x14860] =	vst v17;
	s4 =	simm.s32 @!p1 $0x80;
	s7 =	simm.s32 @!p1 $0x1C800;
	s8 =	simm.s32 @!p1 $0x14800  }
0x2b: {  	[spmem:s2] =	stream.indirect.scatter.add.f32 @!p1 [tilespmem:s8], [sflag:$0x6], $0x80, s7, s4, $0xb8;
	[tilespmem:$0x1D900] =	vst v63  }
0x2c: {  	s4 =	simm.s32 @!p1 $0x6  }
0x2d: {  	_ =	swait.ge @!p1 [sflag:s4], $0x4000  }
0x2e: {  	p2 =	slt.u32 @!p1 s6, $0x80;
	[sflag:s4] =	ssyncset.done @!p1 $0x0  }
0x2f: {  	[sflag:s4] =	ssyncadd.s32 @!p1 $0xFFFFC000;
	p1 =	por p2, p1  }
0x30: {  	s4 =	simm.s32 @!p1 $0x80;
	s6 =	simm.s32 @!p1 $0x1C880;
	s7 =	simm.s32 @!p1 $0x18800  }
0x31: {  	[spmem:s2] =	stream.indirect.scatter.add.f32 @!p1 [tilespmem:s7], [sflag:$0x6], $0x80, s6, s4, $0xb8;
	[tilespmem:$0x1D900] =	vst v63  }
0x32: {  	s4 =	simm.s32 @!p1 $0x6  }
0x33: {  	_ =	swait.ge @!p1 [sflag:s4], $0x4000  }
0x34: {  	[sflag:s4] =	ssyncset.done @!p1 $0x0  }
0x35: {  	s0 =	sadd.s32 $0x1, s0;
	[sflag:s4] =	ssyncadd.s32 @!p1 $0xFFFFC000  }
0x36: {  	s4 =	sshrl.u32 @!p0 s2, $0x3;
	p1 =	sne.s32 s0, s18;
	[bflag:$0x0] =	sbarrier.arrive $0xFFFF  }
0x37: {  	[hbm:s17], [sflag:s5] =	dma.local @!p0 [spmem:s4], $0x2000  }
.Ltmp1:
0x38: {  	_ = 	snop;
	(pc) =	sbr.rel @!p1 .LBB2_47-.Ltmp1, $4  }
0x39: {  	s4 =	simm.s32 @!p0 $0x6  }
0x3a: {  	_ =	swait.ge @!p0 [sflag:s4], $0x2000  }
0x3b: {  	[sflag:s4] =	ssyncset.done @!p0 $0x0  }
0x3c: {  	[sflag:s4] =	ssyncadd.s32 @!p0 $0xFFFFE000  }
.LBB2_1:
0x3d: {  	s4 =	rddreg [dreg:$0x5]  }
0x3e: {  	[spmem:s19], [sflag:s5] =	dma.local [hbm:s4], $0x200  }
0x3f: {  	_ =	swait.ge [sflag:s20], $0x200  }
0x40: {  	[sflag:s20] =	ssyncset.done $0x0  }
0x41: {  	s7 =	rddreg [dreg:$0x6];
	[sflag:s20] =	ssyncadd.s32 $0xFFFFFE00  }
0x42: {  	[tilespmem:s3], [sflag:$0x6] =	stream.linear.gather [hbm4b:s7+s3], $0x7D00, $0x38;
	[tilespmem:$0x1D900] =	vst v63  }
0x43: {  	_ =	swait.ge [sflag:s20], $0x7D00  }
0x44: {  	[sflag:s20] =	ssyncset.done $0x0  }
0x45: {  	[sflag:s20] =	ssyncadd.s32 $0xFFFF8300  }
0x46: {  	s6 =	simm.s32 $0x8000;
	s8 =	rddreg [dreg:$0x7];
	v18 =	vld [tilespmem:$0x0]  }
0x47: {  	v17 =	vld [tilespmem:$0x7C98];
	[tilespmem:s6], [sflag:$0x1] =	stream.linear.gather [hbm4b:s8+s3], $0x2800, $0x38  }
0x48: {  	s21 =	simm.s32 $0xA800;
	s9 =	rddreg [dreg:$0x8]  }
0x49: {  	[tilespmem:s21], [sflag:$0x2] =	stream.linear.gather [hbm4b:s9+s3], $0x2800, $0x38;
	[tilespmem:$0x1D900] =	vst v63  }
0x4a: {  	s23 =	simm.s32 $0xD000;
	s22 =	rddreg [dreg:$0x9]  }
0x4b: {  	[tilespmem:s23], [sflag:$0x3] =	stream.linear.gather [hbm4b:s22+s3], $0x2800, $0x38;
	[tilespmem:$0x1D900] =	vst v63  }
0x4c: {  	s24 =	simm.s32 $0xF800  }
0x4d: {  	[tilespmem:s24], [sflag:$0x4] =	stream.linear.gather [hbm4b:s10+s3], $0x2800, $0x38;
	[tilespmem:$0x1D900] =	vst v63  }
0x4e: {  	s4 =	simm.s32 $0x0;
	s6 =	simm.s32 $0x200  }
0x4f: {  	[tilespmem:s25], [sflag:$0x5] =	stream.linear.gather [hbm4b:s11+s3], $0x2800, $0x38;
	[tilespmem:$0x1D900] =	vst v63  }
.LBB2_2:
0x50: {  	p1 =	sne.s32 s6, $0x1FE00;
	[tilespmem:s4+$0x14870] =	vst v0  }
0x51: {  	[tilespmem:s4+$0x14800] =	vst v0  }
0x52: {  	[tilespmem:s4+$0x14810] =	vst v0  }
.Ltmp2:
0x53: {  	[tilespmem:s4+$0x14820] =	vst v0;
	(pc) =	sbr.rel @p1 .LBB2_2-.Ltmp2, $4  }
0x54: {  	[tilespmem:s4+$0x14830] =	vst v0  }
0x55: {  	[tilespmem:s4+$0x14840] =	vst v0  }
0x56: {  	[tilespmem:s4+$0x14850] =	vst v0  }
0x57: {  	[tilespmem:s4+$0x14860] =	vst v0;
	s4 =	sshra.s32 s6, $0x2;
	s6 =	sadd.s32 $0x200, s6  }
0x58: {  	[tilespmem:s4+$0x14870] =	vst v0  }
0x59: {  	[tilespmem:s4+$0x14800] =	vst v0  }
0x5a: {  	[tilespmem:s4+$0x14810] =	vst v0  }
0x5b: {  	[tilespmem:s4+$0x14820] =	vst v0;
	v19 =	vbroadcast v18, $0x0  }
0x5c: {  	[tilespmem:s4+$0x14830] =	vst v0  }
0x5d: {  	[tilespmem:s4+$0x14840] =	vst v0;
	v20 =	vadd.s32 v1, v19  }
0x5e: {  	[tilespmem:s4+$0x14850] =	vst v0;
	(v2sf) =	vpush v18, $0x0;
	v18 =	vadd.s32 v2, v19;
	vm0 =	vlt.s32 v20, $0x1FF  }
0x5f: {  	[tilespmem:s4+$0x14860] =	vst v0;
	v21 =	vadd.s32 v3, v19;
	vm13 =	vlt.s32 v18, $0x1FF;
	v20 =	vnsel vm0, $0x1FF, v20  }
0x60: {  	vm14 =	vlt.s32 v21, $0x1FF;
	v18 =	vnsel vm13, $0x1FF, v18;
	[tilespmem:$0x1C800] =	vst v20;
	v20 =	vadd.s32 v4, v19  }
0x61: {  	[tilespmem:$0x1C810] =	vst v18;
	v18 =	vnsel vm14, $0x1FF, v21;
	v21 =	vadd.s32 v5, v19;
	vm15 =	vlt.s32 v20, $0x1FF  }
0x62: {  	[tilespmem:$0x1C820] =	vst v18;
	vm4 =	vlt.s32 v21, $0x1FF;
	v18 =	vnsel vm15, $0x1FF, v20;
	v20 =	vadd.s32 v6, v19  }
0x63: {  	[tilespmem:$0x1C830] =	vst v18;
	v18 =	vnsel vm4, $0x1FF, v21;
	vm5 =	vlt.s32 v20, $0x1FF;
	v21 =	vadd.s32 v7, v19  }
0x64: {  	[tilespmem:$0x1C840] =	vst v18;
	v18 =	vnsel vm5, $0x1FF, v20;
	vm6 =	vlt.s32 v21, $0x1FF;
	v20 =	vadd.s32 v8, v19  }
0x65: {  	[tilespmem:$0x1C850] =	vst v18;
	v18 =	vnsel vm6, $0x1FF, v21;
	vm7 =	vlt.s32 v20, $0x1FF;
	v21 =	vadd.s32 v9, v19  }
0x66: {  	[tilespmem:$0x1C860] =	vst v18;
	v18 =	vnsel vm7, $0x1FF, v20;
	vm8 =	vlt.s32 v21, $0x1FF;
	v20 =	vadd.s32 v10, v19  }
0x67: {  	[tilespmem:$0x1C870] =	vst v18;
	v18 =	vnsel vm8, $0x1FF, v21;
	vm9 =	vlt.s32 v20, $0x1FF;
	v21 =	vadd.s32 v11, v19  }
0x68: {  	[tilespmem:$0x1C880] =	vst v18;
	v18 =	vnsel vm9, $0x1FF, v20;
	vm10 =	vlt.s32 v21, $0x1FF;
	v20 =	vadd.s32 v12, v19  }
0x69: {  	[tilespmem:$0x1C890] =	vst v18;
	v18 =	vnsel vm10, $0x1FF, v21;
	vm11 =	vlt.s32 v20, $0x1FF;
	v21 =	vadd.s32 v13, v19  }
0x6a: {  	[tilespmem:$0x1C8A0] =	vst v18;
	v18 =	vnsel vm11, $0x1FF, v20;
	vm12 =	vlt.s32 v21, $0x1FF;
	v20 =	vadd.s32 v14, v19  }
0x6b: {  	[tilespmem:$0x1C8B0] =	vst v18;
	v18 =	vnsel vm12, $0x1FF, v21;
	vm13 =	vlt.s32 v20, $0x1FF;
	v21 =	vadd.s32 v15, v19  }
0x6c: {  	v19 =	vadd.s32 v16, v19;
	[tilespmem:$0x1C8C0] =	vst v18;
	v18 =	vnsel vm13, $0x1FF, v20;
	vm14 =	vlt.s32 v21, $0x1FF  }
0x6d: {  	vm15 =	vlt.s32 v19, $0x1FF;
	[tilespmem:$0x1C8D0] =	vst v18;
	v18 =	vnsel vm14, $0x1FF, v21  }
0x6e: {  	v22 =	vimm.f32 $0.0e+00;
	v23 =	vimm.f32 $0.0e+00;
	v20 =	vnsel vm15, $0x1FF, v19;
	[tilespmem:$0x1C8E0] =	vst v18  }
0x6f: {  	v24 =	vimm.f32 $0.0e+00;
	v25 =	vimm.f32 $0.0e+00;
	s21 =	spop (v2sf);
	v19 =	vimm.f32 $0.0e+00;
	[tilespmem:$0x1C8F0] =	vst v20  }
0x70: {  	s22 =	simm.s32 $0x0;
	s24 =	smov.u32 s21;
	v21 =	vimm.f32 $0.0e+00;
	v18 =	vimm.f32 $0.0e+00;
	v20 =	vimm.f32 $0.0e+00;
	[bflag:$0x0] =	sbarrier.arrive $0xFFFF  }
.LBB2_4:
0x71: {  	_ =	swait.ge [sflag:s26], $0x2800;
	s4 =	smul.u32 $0x1400, s22  }
0x72: {  	[sflag:s26] =	ssyncset.done $0x0  }
0x73: {  	[sflag:s26] =	ssyncadd.s32 $0xFFFFD800;
	s23 =	sshra.s32 s4, $0x2  }
0x74: {  	v26 =	vld [tilespmem:s23+$0x0]  }
0x75: {  	v27 =	vld [tilespmem:s23+$0x18];
	_ =	sdelay $0x3  }
0x76: {  	(v2sf) =	vpush v26, $0x0  }
0x77: {  	(v2sf) =	vpush v27, $0xF;
	_ =	sdelay $0xd  }
0x78: {  	s6 =	spop (v2sf)  }
0x79: {  	s8 =	spop (v2sf)  }
0x7a: {  	s9 =	ssub.s32 s8, s21  }
0x7b: {  	p1 =	sne.s32 s6, s8;
	p2 =	sgt.s32 s9, $0xFF  }
0x7c: {  	p6 =	sne.s32 s6, s24;
	p1 =	por p1, p2  }
0x7d: {  	p2 =	por p6, p1  }
.Ltmp3:
0x7e: {  	_ = 	snop;
	(pc) =	sbr.rel @!p2 .LBB2_6-.Ltmp3, $1  }
0x7f: {  	_ =	sdelay $0x3  }
0x80: {  	s4 =	ssub.s32 s24, s21  }
0x81: {  	p2 =	slt.s32 s4, $0xFF  }
0x82: {  	s4 =	simm.s32 @!p2 $0xFF  }
0x83: {  	s4 =	sshll.u32 s4, $0x9  }
0x84: {  	s4 =	sshra.s32 s4, $0x2  }
0x85: {  	v26 =	vld [tilespmem:s4+$0x14800]  }
0x86: {  	v27 =	vld [tilespmem:s4+$0x14810]  }
0x87: {  	v28 =	vld [tilespmem:s4+$0x14820]  }
0x88: {  	v29 =	vld [tilespmem:s4+$0x14830]  }
0x89: {  	v30 =	vld [tilespmem:s4+$0x14840]  }
0x8a: {  	v31 =	vld [tilespmem:s4+$0x14850];
	v25 =	vadd.f32 v26, v25  }
0x8b: {  	v26 =	vld [tilespmem:s4+$0x14860];
	v24 =	vadd.f32 v27, v24  }
0x8c: {  	v27 =	vld [tilespmem:s4+$0x14870];
	v23 =	vadd.f32 v28, v23;
	[tilespmem:s4+$0x14800] =	vst v25  }
0x8d: {  	v22 =	vadd.f32 v29, v22;
	[tilespmem:s4+$0x14810] =	vst v24  }
0x8e: {  	v21 =	vadd.f32 v30, v21;
	[tilespmem:s4+$0x14820] =	vst v23  }
0x8f: {  	v20 =	vadd.f32 v31, v20;
	[tilespmem:s4+$0x14830] =	vst v22  }
0x90: {  	[tilespmem:s4+$0x14840] =	vst v21;
	v21 =	vadd.f32 v26, v19  }
0x91: {  	[tilespmem:s4+$0x14850] =	vst v20;
	v20 =	vimm.f32 $0.0e+00;
	v22 =	vimm.f32 $0.0e+00;
	v23 =	vadd.f32 v27, v18  }
0x92: {  	v24 =	vimm.f32 $0.0e+00;
	v25 =	vimm.f32 $0.0e+00;
	v18 =	vimm.f32 $0.0e+00;
	[tilespmem:s4+$0x14860] =	vst v21  }
0x93: {  	v19 =	vimm.f32 $0.0e+00;
	v21 =	vimm.f32 $0.0e+00;
	[tilespmem:s4+$0x14870] =	vst v23;
	v23 =	vimm.f32 $0.0e+00  }
.LBB2_6:
0x94: {  	s4 =	simm.s32 $0x0  }
0x95: {  	v29 =	vld [tilespmem:s4+$0x8080]  }
0x96: {  	v30 =	vld [tilespmem:s4+$0x8090]  }
0x97: {  	v26 =	vld [tilespmem:s4+$0x80A0]  }
0x98: {  	v31 =	vld [tilespmem:s4+$0x80B0]  }
0x99: {  	v27 =	vld [tilespmem:s4+$0x80C0]  }
0x9a: {  	v28 =	vld [tilespmem:s4+$0x80D0]  }
0x9b: {  	v36 =	vld [tilespmem:s4+$0x8000]  }
0x9c: {  	v37 =	vld [tilespmem:s4+$0x8010]  }
0x9d: {  	v35 =	vld [tilespmem:s4+$0x8020]  }
0x9e: {  	v38 =	vld [tilespmem:s4+$0x8030]  }
0x9f: {  	v32 =	vld [tilespmem:s4+$0x8040]  }
0xa0: {  	v33 =	vld [tilespmem:s4+$0x8050]  }
0xa1: {  	s7 =	simm.s32 $0x400;
	v34 =	vld [tilespmem:s4+$0x8060]  }
.LBB2_7:
0xa2: {  	p2 =	sne.s32 s7, $0x4C00;
	v25 =	vadd.f32 v36, v25;
	v24 =	vadd.f32 v37, v24;
	v36 =	vld [tilespmem:s4+$0x8070]  }
0xa3: {  	v23 =	vadd.f32 v35, v23;
	v22 =	vadd.f32 v38, v22;
	v35 =	vld [tilespmem:s4+$0x80E0]  }
0xa4: {  	v25 =	vadd.f32 v29, v25;
	v24 =	vadd.f32 v30, v24;
	v37 =	vld [tilespmem:s4+$0x80F0];
	s4 =	sshra.s32 s7, $0x2  }
0xa5: {  	v23 =	vadd.f32 v26, v23;
	v29 =	vld [tilespmem:s4+$0x8080];
	v22 =	vadd.f32 v31, v22  }
0xa6: {  	v21 =	vadd.f32 v32, v21;
	v20 =	vadd.f32 v33, v20;
	v30 =	vld [tilespmem:s4+$0x8090]  }
0xa7: {  	v19 =	vadd.f32 v34, v19;
	v26 =	vld [tilespmem:s4+$0x80A0];
	v18 =	vadd.f32 v36, v18  }
0xa8: {  	v21 =	vadd.f32 v27, v21;
	v20 =	vadd.f32 v28, v20;
	v31 =	vld [tilespmem:s4+$0x80B0]  }
0xa9: {  	v19 =	vadd.f32 v35, v19;
	v27 =	vld [tilespmem:s4+$0x80C0];
	v18 =	vadd.f32 v37, v18  }
0xaa: {  	v28 =	vld [tilespmem:s4+$0x80D0]  }
0xab: {  	v36 =	vld [tilespmem:s4+$0x8000]  }
0xac: {  	v37 =	vld [tilespmem:s4+$0x8010]  }
.Ltmp4:
0xad: {  	v35 =	vld [tilespmem:s4+$0x8020];
	(pc) =	sbr.rel @p2 .LBB2_7-.Ltmp4, $4  }
0xae: {  	v38 =	vld [tilespmem:s4+$0x8030]  }
0xaf: {  	v32 =	vld [tilespmem:s4+$0x8040]  }
0xb0: {  	v33 =	vld [tilespmem:s4+$0x8050]  }
0xb1: {  	s7 =	sadd.s32 $0x400, s7;
	v34 =	vld [tilespmem:s4+$0x8060]  }
0xb2: {  	v39 =	vld [tilespmem:s4+$0x8070]  }
0xb3: {  	v40 =	vld [tilespmem:s4+$0x80E0]  }
0xb4: {  	v41 =	vld [tilespmem:s4+$0x80F0];
	s4 =	simm.s32 @p1 $0x28;
	s7 =	simm.s32 @p1 $0x8000  }
0xb5: {  	[spmem:s2] =	stream.indirect.scatter.add.f32 @p1 [tilespmem:s7], [sflag:$0x6], $0x80, s23, s4, $0xb8;
	[tilespmem:$0x1D900] =	vst v63  }
0xb6: {  	s4 =	simm.s32 @p1 $0x6  }
0xb7: {  	_ =	swait.ge @p1 [sflag:s4], $0x1400  }
0xb8: {  	[sflag:s4] =	ssyncset.done @p1 $0x0  }
0xb9: {  	[sflag:s4] =	ssyncadd.s32 @p1 $0xFFFFEC00  }
0xba: {  	v42 =	vld [tilespmem:s23+$0x80]  }
0xbb: {  	v43 =	vld [tilespmem:s23+$0x98];
	_ =	sdelay $0x3  }
0xbc: {  	(v2sf) =	vpush v42, $0x0  }
0xbd: {  	(v2sf) =	vpush v43, $0xF;
	_ =	sdelay $0xd  }
0xbe: {  	s4 =	spop (v2sf)  }
0xbf: {  	v25 =	vadd.f32 v36, v25;
	v24 =	vadd.f32 v37, v24;
	s7 =	spop (v2sf)  }
0xc0: {  	v23 =	vadd.f32 v35, v23;
	v22 =	vadd.f32 v38, v22;
	s9 =	ssub.s32 s7, s21  }
0xc1: {  	s6 =	smov.u32 @p1 s8;
	v25 =	vadd.f32 v29, v25;
	v24 =	vadd.f32 v30, v24;
	p2 =	sne.s32 s4, s7;
	p3 =	sgt.s32 s9, $0xFF  }
0xc2: {  	v21 =	vadd.f32 v32, v21;
	v23 =	vadd.f32 v26, v23;
	p6 =	sne.s32 s4, s6;
	p2 =	por p2, p3  }
0xc3: {  	v22 =	vadd.f32 v31, v22;
	v20 =	vadd.f32 v33, v20;
	p3 =	por p6, p2  }
.Ltmp5:
0xc4: {  	v19 =	vadd.f32 v34, v19;
	v18 =	vadd.f32 v39, v18;
	(pc) =	sbr.rel @!p3 .LBB2_10-.Ltmp5, $4  }
0xc5: {  	v21 =	vadd.f32 v27, v21;
	v23 =	vpsel p1, $0x0, v23;
	v20 =	vadd.f32 v28, v20  }
0xc6: {  	v24 =	vpsel p1, $0x0, v24;
	v19 =	vadd.f32 v40, v19;
	v18 =	vadd.f32 v41, v18  }
0xc7: {  	v26 =	vpsel p1, $0x0, v25;
	v22 =	vpsel p1, $0x0, v22;
	v21 =	vpsel p1, $0x0, v21  }
0xc8: {  	v20 =	vpsel p1, $0x0, v20;
	v19 =	vpsel p1, $0x0, v19;
	v18 =	vpsel p1, $0x0, v18  }
0xc9: {  	s6 =	ssub.s32 s6, s21  }
0xca: {  	p1 =	slt.s32 s6, $0xFF  }
0xcb: {  	s6 =	simm.s32 @!p1 $0xFF  }
0xcc: {  	s6 =	sshll.u32 s6, $0x9  }
0xcd: {  	s6 =	sshra.s32 s6, $0x2  }
0xce: {  	v25 =	vld [tilespmem:s6+$0x14800]  }
0xcf: {  	v27 =	vld [tilespmem:s6+$0x14810]  }
0xd0: {  	v28 =	vld [tilespmem:s6+$0x14820]  }
0xd1: {  	v29 =	vld [tilespmem:s6+$0x14830]  }
0xd2: {  	v30 =	vld [tilespmem:s6+$0x14840]  }
0xd3: {  	v31 =	vld [tilespmem:s6+$0x14850];
	v25 =	vadd.f32 v25, v26  }
0xd4: {  	v26 =	vld [tilespmem:s6+$0x14860];
	v24 =	vadd.f32 v27, v24  }
0xd5: {  	v27 =	vld [tilespmem:s6+$0x14870];
	v23 =	vadd.f32 v28, v23;
	[tilespmem:s6+$0x14800] =	vst v25  }
0xd6: {  	v22 =	vadd.f32 v29, v22;
	[tilespmem:s6+$0x14810] =	vst v24  }
0xd7: {  	v21 =	vadd.f32 v30, v21;
	[tilespmem:s6+$0x14820] =	vst v23  }
0xd8: {  	v20 =	vadd.f32 v31, v20;
	[tilespmem:s6+$0x14830] =	vst v22  }
0xd9: {  	[tilespmem:s6+$0x14840] =	vst v21;
	v21 =	vadd.f32 v26, v19  }
0xda: {  	[tilespmem:s6+$0x14850] =	vst v20;
	v20 =	vimm.f32 $0.0e+00;
	v22 =	vimm.f32 $0.0e+00;
	v23 =	vadd.f32 v27, v18  }
0xdb: {  	v24 =	vimm.f32 $0.0e+00;
	v18 =	vimm.f32 $0.0e+00;
	v19 =	vimm.f32 $0.0e+00;
	[tilespmem:s6+$0x14860] =	vst v21  }
0xdc: {  	v26 =	vimm.f32 $0.0e+00;
	v21 =	vimm.f32 $0.0e+00;
	[tilespmem:s6+$0x14870] =	vst v23;
	v23 =	vimm.f32 $0.0e+00  }
.LBB2_10:
0xdd: {  	s6 =	simm.s32 $0x0  }
0xde: {  	v29 =	vld [tilespmem:s6+$0x9480]  }
0xdf: {  	v30 =	vld [tilespmem:s6+$0x9490]  }
0xe0: {  	v25 =	vld [tilespmem:s6+$0x94A0]  }
0xe1: {  	v31 =	vld [tilespmem:s6+$0x94B0]  }
0xe2: {  	v27 =	vld [tilespmem:s6+$0x94C0]  }
0xe3: {  	v28 =	vld [tilespmem:s6+$0x94D0]  }
0xe4: {  	v36 =	vld [tilespmem:s6+$0x9400]  }
0xe5: {  	v37 =	vld [tilespmem:s6+$0x9410]  }
0xe6: {  	v35 =	vld [tilespmem:s6+$0x9420]  }
0xe7: {  	v38 =	vld [tilespmem:s6+$0x9430]  }
0xe8: {  	v32 =	vld [tilespmem:s6+$0x9440]  }
0xe9: {  	v33 =	vld [tilespmem:s6+$0x9450]  }
0xea: {  	s8 =	sadd.s32 $0x80, s23;
	s24 =	simm.s32 $0x400;
	v34 =	vld [tilespmem:s6+$0x9460]  }
.LBB2_11:
0xeb: {  	p1 =	sne.s32 s24, $0x4C00;
	v26 =	vadd.f32 v36, v26;
	v24 =	vadd.f32 v37, v24;
	v36 =	vld [tilespmem:s6+$0x9470]  }
0xec: {  	v23 =	vadd.f32 v35, v23;
	v22 =	vadd.f32 v38, v22;
	v35 =	vld [tilespmem:s6+$0x94E0]  }
0xed: {  	v26 =	vadd.f32 v29, v26;
	v24 =	vadd.f32 v30, v24;
	v37 =	vld [tilespmem:s6+$0x94F0];
	s6 =	sshra.s32 s24, $0x2  }
0xee: {  	v23 =	vadd.f32 v25, v23;
	v29 =	vld [tilespmem:s6+$0x9480];
	v22 =	vadd.f32 v31, v22  }
0xef: {  	v21 =	vadd.f32 v32, v21;
	v20 =	vadd.f32 v33, v20;
	v30 =	vld [tilespmem:s6+$0x9490]  }
0xf0: {  	v19 =	vadd.f32 v34, v19;
	v25 =	vld [tilespmem:s6+$0x94A0];
	v18 =	vadd.f32 v36, v18  }
0xf1: {  	v21 =	vadd.f32 v27, v21;
	v20 =	vadd.f32 v28, v20;
	v31 =	vld [tilespmem:s6+$0x94B0]  }
0xf2: {  	v19 =	vadd.f32 v35, v19;
	v27 =	vld [tilespmem:s6+$0x94C0];
	v18 =	vadd.f32 v37, v18  }
0xf3: {  	v28 =	vld [tilespmem:s6+$0x94D0]  }
0xf4: {  	v36 =	vld [tilespmem:s6+$0x9400]  }
0xf5: {  	v37 =	vld [tilespmem:s6+$0x9410]  }
.Ltmp6:
0xf6: {  	v35 =	vld [tilespmem:s6+$0x9420];
	(pc) =	sbr.rel @p1 .LBB2_11-.Ltmp6, $4  }
0xf7: {  	v38 =	vld [tilespmem:s6+$0x9430]  }
0xf8: {  	v32 =	vld [tilespmem:s6+$0x9440]  }
0xf9: {  	v33 =	vld [tilespmem:s6+$0x9450]  }
0xfa: {  	s24 =	sadd.s32 $0x400, s24;
	v34 =	vld [tilespmem:s6+$0x9460]  }
0xfb: {  	v39 =	vld [tilespmem:s6+$0x9470]  }
0xfc: {  	v40 =	vld [tilespmem:s6+$0x94E0]  }
0xfd: {  	v41 =	vld [tilespmem:s6+$0x94F0];
	s6 =	simm.s32 @p2 $0x28;
	s9 =	simm.s32 @p2 $0x9400;
	p1 =	seq.s32 s22, $0x18  }
0xfe: {  	[spmem:s2] =	stream.indirect.scatter.add.f32 @p2 [tilespmem:s9], [sflag:$0x6], $0x80, s8, s6, $0xb8;
	[tilespmem:$0x1D900] =	vst v63  }
0xff: {  	s6 =	simm.s32 @p2 $0x6;
	s24 =	smul.u32 @!p1 $0x190, s22  }
0x100: {  	_ =	swait.ge @p2 [sflag:s6], $0x1400  }
0x101: {  	[sflag:s6] =	ssyncset.done @p2 $0x0;
	s8 =	sadd.s32 @!p1 s24, s12  }
0x102: {  	[sflag:s6] =	ssyncadd.s32 @p2 $0xFFFFEC00;
	s6 =	sshll.u32 @!p1 s8, $0x4  }
0x103: {  	s9 =	simm.s32 @!p1 $0x8000;
	s8 =	simm.s32 @!p1 $0x0;
	s6 =	sadd.s32 @!p1 s1, s6  }
0x104: {  	[tilespmem:s9], [sflag:$0x1] =	stream.linear.gather @!p1 [hbm4b:s6+s8], $0x2800, $0x38;
	[tilespmem:$0x1D900] =	vst v63  }
0x105: {  	_ =	swait.ge [sflag:s28], $0x2800  }
0x106: {  	[sflag:s28] =	ssyncset.done $0x0  }
0x107: {  	[sflag:s28] =	ssyncadd.s32 $0xFFFFD800  }
0x108: {  	v42 =	vld [tilespmem:s23+$0x100]  }
0x109: {  	v43 =	vld [tilespmem:s23+$0x118];
	_ =	sdelay $0x3  }
0x10a: {  	(v2sf) =	vpush v42, $0x0  }
0x10b: {  	(v2sf) =	vpush v43, $0xF;
	_ =	sdelay $0xd  }
0x10c: {  	s6 =	spop (v2sf)  }
0x10d: {  	v26 =	vadd.f32 v36, v26;
	v24 =	vadd.f32 v37, v24;
	s8 =	spop (v2sf)  }
0x10e: {  	v23 =	vadd.f32 v35, v23;
	v22 =	vadd.f32 v38, v22;
	s9 =	ssub.s32 s8, s21  }
0x10f: {  	s4 =	smov.u32 @p2 s7;
	v26 =	vadd.f32 v29, v26;
	v24 =	vadd.f32 v30, v24;
	p3 =	sne.s32 s6, s8;
	p4 =	sgt.s32 s9, $0xFF  }
0x110: {  	v21 =	vadd.f32 v32, v21;
	v23 =	vadd.f32 v25, v23;
	p6 =	sne.s32 s6, s4;
	p3 =	por p3, p4  }
0x111: {  	v22 =	vadd.f32 v31, v22;
	v20 =	vadd.f32 v33, v20;
	p4 =	por p6, p3  }
.Ltmp7:
0x112: {  	v19 =	vadd.f32 v34, v19;
	v18 =	vadd.f32 v39, v18;
	(pc) =	sbr.rel @!p4 .LBB2_14-.Ltmp7, $4  }
0x113: {  	v21 =	vadd.f32 v27, v21;
	v23 =	vpsel p2, $0x0, v23;
	v20 =	vadd.f32 v28, v20  }
0x114: {  	v24 =	vpsel p2, $0x0, v24;
	v19 =	vadd.f32 v40, v19;
	v18 =	vadd.f32 v41, v18  }
0x115: {  	v26 =	vpsel p2, $0x0, v26;
	v22 =	vpsel p2, $0x0, v22;
	v21 =	vpsel p2, $0x0, v21  }
0x116: {  	v20 =	vpsel p2, $0x0, v20;
	v19 =	vpsel p2, $0x0, v19;
	v18 =	vpsel p2, $0x0, v18  }
0x117: {  	s4 =	ssub.s32 s4, s21  }
0x118: {  	p2 =	slt.s32 s4, $0xFF  }
0x119: {  	s4 =	simm.s32 @!p2 $0xFF  }
0x11a: {  	s4 =	sshll.u32 s4, $0x9  }
0x11b: {  	s4 =	sshra.s32 s4, $0x2  }
0x11c: {  	v25 =	vld [tilespmem:s4+$0x14800]  }
0x11d: {  	v27 =	vld [tilespmem:s4+$0x14810]  }
0x11e: {  	v28 =	vld [tilespmem:s4+$0x14820]  }
0x11f: {  	v29 =	vld [tilespmem:s4+$0x14830]  }
0x120: {  	v30 =	vld [tilespmem:s4+$0x14840]  }
0x121: {  	v31 =	vld [tilespmem:s4+$0x14850];
	v25 =	vadd.f32 v25, v26  }
0x122: {  	v26 =	vld [tilespmem:s4+$0x14860];
	v24 =	vadd.f32 v27, v24  }
0x123: {  	v27 =	vld [tilespmem:s4+$0x14870];
	v23 =	vadd.f32 v28, v23;
	[tilespmem:s4+$0x14800] =	vst v25  }
0x124: {  	v22 =	vadd.f32 v29, v22;
	[tilespmem:s4+$0x14810] =	vst v24  }
0x125: {  	v21 =	vadd.f32 v30, v21;
	[tilespmem:s4+$0x14820] =	vst v23  }
0x126: {  	v20 =	vadd.f32 v31, v20;
	[tilespmem:s4+$0x14830] =	vst v22  }
0x127: {  	[tilespmem:s4+$0x14840] =	vst v21;
	v21 =	vadd.f32 v26, v19  }
0x128: {  	[tilespmem:s4+$0x14850] =	vst v20;
	v20 =	vimm.f32 $0.0e+00;
	v22 =	vimm.f32 $0.0e+00;
	v23 =	vadd.f32 v27, v18  }
0x129: {  	v24 =	vimm.f32 $0.0e+00;
	v18 =	vimm.f32 $0.0e+00;
	v19 =	vimm.f32 $0.0e+00;
	[tilespmem:s4+$0x14860] =	vst v21  }
0x12a: {  	v26 =	vimm.f32 $0.0e+00;
	v21 =	vimm.f32 $0.0e+00;
	[tilespmem:s4+$0x14870] =	vst v23;
	v23 =	vimm.f32 $0.0e+00  }
.LBB2_14:
0x12b: {  	s4 =	simm.s32 $0x0  }
0x12c: {  	v29 =	vld [tilespmem:s4+$0xA880]  }
0x12d: {  	v30 =	vld [tilespmem:s4+$0xA890]  }
0x12e: {  	v25 =	vld [tilespmem:s4+$0xA8A0]  }
0x12f: {  	v31 =	vld [tilespmem:s4+$0xA8B0]  }
0x130: {  	v27 =	vld [tilespmem:s4+$0xA8C0]  }
0x131: {  	v28 =	vld [tilespmem:s4+$0xA8D0]  }
0x132: {  	v36 =	vld [tilespmem:s4+$0xA800]  }
0x133: {  	v37 =	vld [tilespmem:s4+$0xA810]  }
0x134: {  	v35 =	vld [tilespmem:s4+$0xA820]  }
0x135: {  	v38 =	vld [tilespmem:s4+$0xA830]  }
0x136: {  	v32 =	vld [tilespmem:s4+$0xA840]  }
0x137: {  	v33 =	vld [tilespmem:s4+$0xA850]  }
0x138: {  	s7 =	sadd.s32 $0x100, s23;
	s9 =	simm.s32 $0x400;
	v34 =	vld [tilespmem:s4+$0xA860]  }
.LBB2_15:
0x139: {  	p2 =	sne.s32 s9, $0x4C00;
	v26 =	vadd.f32 v36, v26;
	v24 =	vadd.f32 v37, v24;
	v36 =	vld [tilespmem:s4+$0xA870]  }
0x13a: {  	v23 =	vadd.f32 v35, v23;
	v22 =	vadd.f32 v38, v22;
	v35 =	vld [tilespmem:s4+$0xA8E0]  }
0x13b: {  	v26 =	vadd.f32 v29, v26;
	v24 =	vadd.f32 v30, v24;
	v37 =	vld [tilespmem:s4+$0xA8F0];
	s4 =	sshra.s32 s9, $0x2  }
0x13c: {  	v23 =	vadd.f32 v25, v23;
	v29 =	vld [tilespmem:s4+$0xA880];
	v22 =	vadd.f32 v31, v22  }
0x13d: {  	v21 =	vadd.f32 v32, v21;
	v20 =	vadd.f32 v33, v20;
	v30 =	vld [tilespmem:s4+$0xA890]  }
0x13e: {  	v19 =	vadd.f32 v34, v19;
	v25 =	vld [tilespmem:s4+$0xA8A0];
	v18 =	vadd.f32 v36, v18  }
0x13f: {  	v21 =	vadd.f32 v27, v21;
	v20 =	vadd.f32 v28, v20;
	v31 =	vld [tilespmem:s4+$0xA8B0]  }
0x140: {  	v19 =	vadd.f32 v35, v19;
	v27 =	vld [tilespmem:s4+$0xA8C0];
	v18 =	vadd.f32 v37, v18  }
0x141: {  	v28 =	vld [tilespmem:s4+$0xA8D0]  }
0x142: {  	v36 =	vld [tilespmem:s4+$0xA800]  }
0x143: {  	v37 =	vld [tilespmem:s4+$0xA810]  }
.Ltmp8:
0x144: {  	v35 =	vld [tilespmem:s4+$0xA820];
	(pc) =	sbr.rel @p2 .LBB2_15-.Ltmp8, $4  }
0x145: {  	v38 =	vld [tilespmem:s4+$0xA830]  }
0x146: {  	v32 =	vld [tilespmem:s4+$0xA840]  }
0x147: {  	v33 =	vld [tilespmem:s4+$0xA850]  }
0x148: {  	s9 =	sadd.s32 $0x400, s9;
	v34 =	vld [tilespmem:s4+$0xA860]  }
0x149: {  	v39 =	vld [tilespmem:s4+$0xA870]  }
0x14a: {  	v40 =	vld [tilespmem:s4+$0xA8E0]  }
0x14b: {  	v41 =	vld [tilespmem:s4+$0xA8F0];
	s4 =	simm.s32 @p3 $0x28;
	s9 =	simm.s32 @p3 $0xA800  }
0x14c: {  	[spmem:s2] =	stream.indirect.scatter.add.f32 @p3 [tilespmem:s9], [sflag:$0x6], $0x80, s7, s4, $0xb8;
	[tilespmem:$0x1D900] =	vst v63  }
0x14d: {  	s4 =	simm.s32 @p3 $0x6  }
0x14e: {  	_ =	swait.ge @p3 [sflag:s4], $0x1400  }
0x14f: {  	[sflag:s4] =	ssyncset.done @p3 $0x0  }
0x150: {  	[sflag:s4] =	ssyncadd.s32 @p3 $0xFFFFEC00  }
0x151: {  	v42 =	vld [tilespmem:s23+$0x180]  }
0x152: {  	v43 =	vld [tilespmem:s23+$0x198];
	_ =	sdelay $0x3  }
0x153: {  	(v2sf) =	vpush v42, $0x0  }
0x154: {  	(v2sf) =	vpush v43, $0xF;
	_ =	sdelay $0xd  }
0x155: {  	s4 =	spop (v2sf)  }
0x156: {  	v26 =	vadd.f32 v36, v26;
	v24 =	vadd.f32 v37, v24;
	s7 =	spop (v2sf)  }
0x157: {  	v23 =	vadd.f32 v35, v23;
	v22 =	vadd.f32 v38, v22;
	s9 =	ssub.s32 s7, s21  }
0x158: {  	s6 =	smov.u32 @p3 s8;
	v26 =	vadd.f32 v29, v26;
	v24 =	vadd.f32 v30, v24;
	p2 =	sne.s32 s4, s7;
	p4 =	sgt.s32 s9, $0xFF  }
0x159: {  	v21 =	vadd.f32 v32, v21;
	v23 =	vadd.f32 v25, v23;
	p6 =	sne.s32 s4, s6;
	p2 =	por p2, p4  }
0x15a: {  	v22 =	vadd.f32 v31, v22;
	v20 =	vadd.f32 v33, v20;
	p4 =	por p6, p2  }
.Ltmp9:
0x15b: {  	v19 =	vadd.f32 v34, v19;
	v18 =	vadd.f32 v39, v18;
	(pc) =	sbr.rel @!p4 .LBB2_18-.Ltmp9, $4  }
0x15c: {  	v21 =	vadd.f32 v27, v21;
	v23 =	vpsel p3, $0x0, v23;
	v20 =	vadd.f32 v28, v20  }
0x15d: {  	v24 =	vpsel p3, $0x0, v24;
	v19 =	vadd.f32 v40, v19;
	v18 =	vadd.f32 v41, v18  }
0x15e: {  	v26 =	vpsel p3, $0x0, v26;
	v22 =	vpsel p3, $0x0, v22;
	v21 =	vpsel p3, $0x0, v21  }
0x15f: {  	v20 =	vpsel p3, $0x0, v20;
	v19 =	vpsel p3, $0x0, v19;
	v18 =	vpsel p3, $0x0, v18  }
0x160: {  	s6 =	ssub.s32 s6, s21  }
0x161: {  	p3 =	slt.s32 s6, $0xFF  }
0x162: {  	s6 =	simm.s32 @!p3 $0xFF  }
0x163: {  	s6 =	sshll.u32 s6, $0x9  }
0x164: {  	s6 =	sshra.s32 s6, $0x2  }
0x165: {  	v25 =	vld [tilespmem:s6+$0x14800]  }
0x166: {  	v27 =	vld [tilespmem:s6+$0x14810]  }
0x167: {  	v28 =	vld [tilespmem:s6+$0x14820]  }
0x168: {  	v29 =	vld [tilespmem:s6+$0x14830]  }
0x169: {  	v30 =	vld [tilespmem:s6+$0x14840]  }
0x16a: {  	v31 =	vld [tilespmem:s6+$0x14850];
	v25 =	vadd.f32 v25, v26  }
0x16b: {  	v26 =	vld [tilespmem:s6+$0x14860];
	v24 =	vadd.f32 v27, v24  }
0x16c: {  	v27 =	vld [tilespmem:s6+$0x14870];
	v23 =	vadd.f32 v28, v23;
	[tilespmem:s6+$0x14800] =	vst v25  }
0x16d: {  	v22 =	vadd.f32 v29, v22;
	[tilespmem:s6+$0x14810] =	vst v24  }
0x16e: {  	v21 =	vadd.f32 v30, v21;
	[tilespmem:s6+$0x14820] =	vst v23  }
0x16f: {  	v20 =	vadd.f32 v31, v20;
	[tilespmem:s6+$0x14830] =	vst v22  }
0x170: {  	[tilespmem:s6+$0x14840] =	vst v21;
	v21 =	vadd.f32 v26, v19  }
0x171: {  	[tilespmem:s6+$0x14850] =	vst v20;
	v20 =	vimm.f32 $0.0e+00;
	v22 =	vimm.f32 $0.0e+00;
	v23 =	vadd.f32 v27, v18  }
0x172: {  	v24 =	vimm.f32 $0.0e+00;
	v18 =	vimm.f32 $0.0e+00;
	v19 =	vimm.f32 $0.0e+00;
	[tilespmem:s6+$0x14860] =	vst v21  }
0x173: {  	v26 =	vimm.f32 $0.0e+00;
	v21 =	vimm.f32 $0.0e+00;
	[tilespmem:s6+$0x14870] =	vst v23;
	v23 =	vimm.f32 $0.0e+00  }
.LBB2_18:
0x174: {  	s6 =	simm.s32 $0x0  }
0x175: {  	v29 =	vld [tilespmem:s6+$0xBC80]  }
0x176: {  	v30 =	vld [tilespmem:s6+$0xBC90]  }
0x177: {  	v25 =	vld [tilespmem:s6+$0xBCA0]  }
0x178: {  	v31 =	vld [tilespmem:s6+$0xBCB0]  }
0x179: {  	v27 =	vld [tilespmem:s6+$0xBCC0]  }
0x17a: {  	v28 =	vld [tilespmem:s6+$0xBCD0]  }
0x17b: {  	v36 =	vld [tilespmem:s6+$0xBC00]  }
0x17c: {  	v37 =	vld [tilespmem:s6+$0xBC10]  }
0x17d: {  	v35 =	vld [tilespmem:s6+$0xBC20]  }
0x17e: {  	v38 =	vld [tilespmem:s6+$0xBC30]  }
0x17f: {  	v32 =	vld [tilespmem:s6+$0xBC40]  }
0x180: {  	v33 =	vld [tilespmem:s6+$0xBC50]  }
0x181: {  	s8 =	sadd.s32 $0x180, s23;
	s9 =	simm.s32 $0x400;
	v34 =	vld [tilespmem:s6+$0xBC60]  }
.LBB2_19:
0x182: {  	p3 =	sne.s32 s9, $0x4C00;
	v26 =	vadd.f32 v36, v26;
	v24 =	vadd.f32 v37, v24;
	v36 =	vld [tilespmem:s6+$0xBC70]  }
0x183: {  	v23 =	vadd.f32 v35, v23;
	v22 =	vadd.f32 v38, v22;
	v35 =	vld [tilespmem:s6+$0xBCE0]  }
0x184: {  	v26 =	vadd.f32 v29, v26;
	v24 =	vadd.f32 v30, v24;
	v37 =	vld [tilespmem:s6+$0xBCF0];
	s6 =	sshra.s32 s9, $0x2  }
0x185: {  	v23 =	vadd.f32 v25, v23;
	v29 =	vld [tilespmem:s6+$0xBC80];
	v22 =	vadd.f32 v31, v22  }
0x186: {  	v21 =	vadd.f32 v32, v21;
	v20 =	vadd.f32 v33, v20;
	v30 =	vld [tilespmem:s6+$0xBC90]  }
0x187: {  	v19 =	vadd.f32 v34, v19;
	v25 =	vld [tilespmem:s6+$0xBCA0];
	v18 =	vadd.f32 v36, v18  }
0x188: {  	v21 =	vadd.f32 v27, v21;
	v20 =	vadd.f32 v28, v20;
	v31 =	vld [tilespmem:s6+$0xBCB0]  }
0x189: {  	v19 =	vadd.f32 v35, v19;
	v27 =	vld [tilespmem:s6+$0xBCC0];
	v18 =	vadd.f32 v37, v18  }
0x18a: {  	v28 =	vld [tilespmem:s6+$0xBCD0]  }
0x18b: {  	v36 =	vld [tilespmem:s6+$0xBC00]  }
0x18c: {  	v37 =	vld [tilespmem:s6+$0xBC10]  }
.Ltmp10:
0x18d: {  	v35 =	vld [tilespmem:s6+$0xBC20];
	(pc) =	sbr.rel @p3 .LBB2_19-.Ltmp10, $4  }
0x18e: {  	v38 =	vld [tilespmem:s6+$0xBC30]  }
0x18f: {  	v32 =	vld [tilespmem:s6+$0xBC40]  }
0x190: {  	v33 =	vld [tilespmem:s6+$0xBC50]  }
0x191: {  	s9 =	sadd.s32 $0x400, s9;
	v34 =	vld [tilespmem:s6+$0xBC60]  }
0x192: {  	v39 =	vld [tilespmem:s6+$0xBC70]  }
0x193: {  	v40 =	vld [tilespmem:s6+$0xBCE0]  }
0x194: {  	v41 =	vld [tilespmem:s6+$0xBCF0];
	s6 =	simm.s32 @p2 $0x28;
	s9 =	simm.s32 @p2 $0xBC00  }
0x195: {  	[spmem:s2] =	stream.indirect.scatter.add.f32 @p2 [tilespmem:s9], [sflag:$0x6], $0x80, s8, s6, $0xb8;
	[tilespmem:$0x1D900] =	vst v63  }
0x196: {  	s6 =	simm.s32 @p2 $0x6  }
0x197: {  	_ =	swait.ge @p2 [sflag:s6], $0x1400  }
0x198: {  	s8 =	sadd.s32 @!p1 s24, s13;
	[sflag:s6] =	ssyncset.done @p2 $0x0  }
0x199: {  	[sflag:s6] =	ssyncadd.s32 @p2 $0xFFFFEC00;
	s6 =	sshll.u32 @!p1 s8, $0x4  }
0x19a: {  	s9 =	simm.s32 @!p1 $0xA800;
	s8 =	simm.s32 @!p1 $0x0;
	s6 =	sadd.s32 @!p1 s1, s6  }
0x19b: {  	[tilespmem:s9], [sflag:$0x2] =	stream.linear.gather @!p1 [hbm4b:s6+s8], $0x2800, $0x38;
	[tilespmem:$0x1D900] =	vst v63  }
0x19c: {  	_ =	swait.ge [sflag:s29], $0x2800  }
0x19d: {  	[sflag:s29] =	ssyncset.done $0x0  }
0x19e: {  	[sflag:s29] =	ssyncadd.s32 $0xFFFFD800  }
0x19f: {  	v42 =	vld [tilespmem:s23+$0x200]  }
0x1a0: {  	v43 =	vld [tilespmem:s23+$0x218];
	_ =	sdelay $0x3  }
0x1a1: {  	(v2sf) =	vpush v42, $0x0  }
0x1a2: {  	(v2sf) =	vpush v43, $0xF;
	_ =	sdelay $0xd  }
0x1a3: {  	s6 =	spop (v2sf)  }
0x1a4: {  	v26 =	vadd.f32 v36, v26;
	v24 =	vadd.f32 v37, v24;
	s8 =	spop (v2sf)  }
0x1a5: {  	v23 =	vadd.f32 v35, v23;
	v22 =	vadd.f32 v38, v22;
	s9 =	ssub.s32 s8, s21  }
0x1a6: {  	s4 =	smov.u32 @p2 s7;
	v26 =	vadd.f32 v29, v26;
	v24 =	vadd.f32 v30, v24;
	p3 =	sne.s32 s6, s8;
	p4 =	sgt.s32 s9, $0xFF  }
0x1a7: {  	v21 =	vadd.f32 v32, v21;
	v23 =	vadd.f32 v25, v23;
	p6 =	sne.s32 s6, s4;
	p3 =	por p3, p4  }
0x1a8: {  	v22 =	vadd.f32 v31, v22;
	v20 =	vadd.f32 v33, v20;
	p4 =	por p6, p3  }
.Ltmp11:
0x1a9: {  	v19 =	vadd.f32 v34, v19;
	v18 =	vadd.f32 v39, v18;
	(pc) =	sbr.rel @!p4 .LBB2_22-.Ltmp11, $4  }
0x1aa: {  	v21 =	vadd.f32 v27, v21;
	v23 =	vpsel p2, $0x0, v23;
	v20 =	vadd.f32 v28, v20  }
0x1ab: {  	v24 =	vpsel p2, $0x0, v24;
	v19 =	vadd.f32 v40, v19;
	v18 =	vadd.f32 v41, v18  }
0x1ac: {  	v26 =	vpsel p2, $0x0, v26;
	v22 =	vpsel p2, $0x0, v22;
	v21 =	vpsel p2, $0x0, v21  }
0x1ad: {  	v20 =	vpsel p2, $0x0, v20;
	v19 =	vpsel p2, $0x0, v19;
	v18 =	vpsel p2, $0x0, v18  }
0x1ae: {  	s4 =	ssub.s32 s4, s21  }
0x1af: {  	p2 =	slt.s32 s4, $0xFF  }
0x1b0: {  	s4 =	simm.s32 @!p2 $0xFF  }
0x1b1: {  	s4 =	sshll.u32 s4, $0x9  }
0x1b2: {  	s4 =	sshra.s32 s4, $0x2  }
0x1b3: {  	v25 =	vld [tilespmem:s4+$0x14800]  }
0x1b4: {  	v27 =	vld [tilespmem:s4+$0x14810]  }
0x1b5: {  	v28 =	vld [tilespmem:s4+$0x14820]  }
0x1b6: {  	v29 =	vld [tilespmem:s4+$0x14830]  }
0x1b7: {  	v30 =	vld [tilespmem:s4+$0x14840]  }
0x1b8: {  	v31 =	vld [tilespmem:s4+$0x14850];
	v25 =	vadd.f32 v25, v26  }
0x1b9: {  	v26 =	vld [tilespmem:s4+$0x14860];
	v24 =	vadd.f32 v27, v24  }
0x1ba: {  	v27 =	vld [tilespmem:s4+$0x14870];
	v23 =	vadd.f32 v28, v23;
	[tilespmem:s4+$0x14800] =	vst v25  }
0x1bb: {  	v22 =	vadd.f32 v29, v22;
	[tilespmem:s4+$0x14810] =	vst v24  }
0x1bc: {  	v21 =	vadd.f32 v30, v21;
	[tilespmem:s4+$0x14820] =	vst v23  }
0x1bd: {  	v20 =	vadd.f32 v31, v20;
	[tilespmem:s4+$0x14830] =	vst v22  }
0x1be: {  	[tilespmem:s4+$0x14840] =	vst v21;
	v21 =	vadd.f32 v26, v19  }
0x1bf: {  	[tilespmem:s4+$0x14850] =	vst v20;
	v20 =	vimm.f32 $0.0e+00;
	v22 =	vimm.f32 $0.0e+00;
	v23 =	vadd.f32 v27, v18  }
0x1c0: {  	v24 =	vimm.f32 $0.0e+00;
	v18 =	vimm.f32 $0.0e+00;
	v19 =	vimm.f32 $0.0e+00;
	[tilespmem:s4+$0x14860] =	vst v21  }
0x1c1: {  	v26 =	vimm.f32 $0.0e+00;
	v21 =	vimm.f32 $0.0e+00;
	[tilespmem:s4+$0x14870] =	vst v23;
	v23 =	vimm.f32 $0.0e+00  }
.LBB2_22:
0x1c2: {  	s4 =	simm.s32 $0x0  }
0x1c3: {  	v29 =	vld [tilespmem:s4+$0xD080]  }
0x1c4: {  	v30 =	vld [tilespmem:s4+$0xD090]  }
0x1c5: {  	v25 =	vld [tilespmem:s4+$0xD0A0]  }
0x1c6: {  	v31 =	vld [tilespmem:s4+$0xD0B0]  }
0x1c7: {  	v27 =	vld [tilespmem:s4+$0xD0C0]  }
0x1c8: {  	v28 =	vld [tilespmem:s4+$0xD0D0]  }
0x1c9: {  	v36 =	vld [tilespmem:s4+$0xD000]  }
0x1ca: {  	v37 =	vld [tilespmem:s4+$0xD010]  }
0x1cb: {  	v35 =	vld [tilespmem:s4+$0xD020]  }
0x1cc: {  	v38 =	vld [tilespmem:s4+$0xD030]  }
0x1cd: {  	v32 =	vld [tilespmem:s4+$0xD040]  }
0x1ce: {  	v33 =	vld [tilespmem:s4+$0xD050]  }
0x1cf: {  	s7 =	sadd.s32 $0x200, s23;
	s9 =	simm.s32 $0x400;
	v34 =	vld [tilespmem:s4+$0xD060]  }
.LBB2_23:
0x1d0: {  	p2 =	sne.s32 s9, $0x4C00;
	v26 =	vadd.f32 v36, v26;
	v24 =	vadd.f32 v37, v24;
	v36 =	vld [tilespmem:s4+$0xD070]  }
0x1d1: {  	v23 =	vadd.f32 v35, v23;
	v22 =	vadd.f32 v38, v22;
	v35 =	vld [tilespmem:s4+$0xD0E0]  }
0x1d2: {  	v26 =	vadd.f32 v29, v26;
	v24 =	vadd.f32 v30, v24;
	v37 =	vld [tilespmem:s4+$0xD0F0];
	s4 =	sshra.s32 s9, $0x2  }
0x1d3: {  	v23 =	vadd.f32 v25, v23;
	v29 =	vld [tilespmem:s4+$0xD080];
	v22 =	vadd.f32 v31, v22  }
0x1d4: {  	v21 =	vadd.f32 v32, v21;
	v20 =	vadd.f32 v33, v20;
	v30 =	vld [tilespmem:s4+$0xD090]  }
0x1d5: {  	v19 =	vadd.f32 v34, v19;
	v25 =	vld [tilespmem:s4+$0xD0A0];
	v18 =	vadd.f32 v36, v18  }
0x1d6: {  	v21 =	vadd.f32 v27, v21;
	v20 =	vadd.f32 v28, v20;
	v31 =	vld [tilespmem:s4+$0xD0B0]  }
0x1d7: {  	v19 =	vadd.f32 v35, v19;
	v27 =	vld [tilespmem:s4+$0xD0C0];
	v18 =	vadd.f32 v37, v18  }
0x1d8: {  	v28 =	vld [tilespmem:s4+$0xD0D0]  }
0x1d9: {  	v36 =	vld [tilespmem:s4+$0xD000]  }
0x1da: {  	v37 =	vld [tilespmem:s4+$0xD010]  }
.Ltmp12:
0x1db: {  	v35 =	vld [tilespmem:s4+$0xD020];
	(pc) =	sbr.rel @p2 .LBB2_23-.Ltmp12, $4  }
0x1dc: {  	v38 =	vld [tilespmem:s4+$0xD030]  }
0x1dd: {  	v32 =	vld [tilespmem:s4+$0xD040]  }
0x1de: {  	v33 =	vld [tilespmem:s4+$0xD050]  }
0x1df: {  	s9 =	sadd.s32 $0x400, s9;
	v34 =	vld [tilespmem:s4+$0xD060]  }
0x1e0: {  	v39 =	vld [tilespmem:s4+$0xD070]  }
0x1e1: {  	v40 =	vld [tilespmem:s4+$0xD0E0]  }
0x1e2: {  	v41 =	vld [tilespmem:s4+$0xD0F0];
	s4 =	simm.s32 @p3 $0x28;
	s9 =	simm.s32 @p3 $0xD000  }
0x1e3: {  	[spmem:s2] =	stream.indirect.scatter.add.f32 @p3 [tilespmem:s9], [sflag:$0x6], $0x80, s7, s4, $0xb8;
	[tilespmem:$0x1D900] =	vst v63  }
0x1e4: {  	s4 =	simm.s32 @p3 $0x6  }
0x1e5: {  	_ =	swait.ge @p3 [sflag:s4], $0x1400  }
0x1e6: {  	[sflag:s4] =	ssyncset.done @p3 $0x0  }
0x1e7: {  	[sflag:s4] =	ssyncadd.s32 @p3 $0xFFFFEC00  }
0x1e8: {  	v42 =	vld [tilespmem:s23+$0x280]  }
0x1e9: {  	v43 =	vld [tilespmem:s23+$0x298];
	_ =	sdelay $0x3  }
0x1ea: {  	(v2sf) =	vpush v42, $0x0  }
0x1eb: {  	(v2sf) =	vpush v43, $0xF;
	_ =	sdelay $0xd  }
0x1ec: {  	s4 =	spop (v2sf)  }
0x1ed: {  	v26 =	vadd.f32 v36, v26;
	v24 =	vadd.f32 v37, v24;
	s7 =	spop (v2sf)  }
0x1ee: {  	v23 =	vadd.f32 v35, v23;
	v22 =	vadd.f32 v38, v22;
	s9 =	ssub.s32 s7, s21  }
0x1ef: {  	s6 =	smov.u32 @p3 s8;
	v26 =	vadd.f32 v29, v26;
	v24 =	vadd.f32 v30, v24;
	p2 =	sne.s32 s4, s7;
	p4 =	sgt.s32 s9, $0xFF  }
0x1f0: {  	v21 =	vadd.f32 v32, v21;
	v23 =	vadd.f32 v25, v23;
	p6 =	sne.s32 s4, s6;
	p2 =	por p2, p4  }
0x1f1: {  	v22 =	vadd.f32 v31, v22;
	v20 =	vadd.f32 v33, v20;
	p4 =	por p6, p2  }
.Ltmp13:
0x1f2: {  	v19 =	vadd.f32 v34, v19;
	v18 =	vadd.f32 v39, v18;
	(pc) =	sbr.rel @!p4 .LBB2_26-.Ltmp13, $4  }
0x1f3: {  	v21 =	vadd.f32 v27, v21;
	v23 =	vpsel p3, $0x0, v23;
	v20 =	vadd.f32 v28, v20  }
0x1f4: {  	v24 =	vpsel p3, $0x0, v24;
	v19 =	vadd.f32 v40, v19;
	v18 =	vadd.f32 v41, v18  }
0x1f5: {  	v26 =	vpsel p3, $0x0, v26;
	v22 =	vpsel p3, $0x0, v22;
	v21 =	vpsel p3, $0x0, v21  }
0x1f6: {  	v20 =	vpsel p3, $0x0, v20;
	v19 =	vpsel p3, $0x0, v19;
	v18 =	vpsel p3, $0x0, v18  }
0x1f7: {  	s6 =	ssub.s32 s6, s21  }
0x1f8: {  	p3 =	slt.s32 s6, $0xFF  }
0x1f9: {  	s6 =	simm.s32 @!p3 $0xFF  }
0x1fa: {  	s6 =	sshll.u32 s6, $0x9  }
0x1fb: {  	s6 =	sshra.s32 s6, $0x2  }
0x1fc: {  	v25 =	vld [tilespmem:s6+$0x14800]  }
0x1fd: {  	v27 =	vld [tilespmem:s6+$0x14810]  }
0x1fe: {  	v28 =	vld [tilespmem:s6+$0x14820]  }
0x1ff: {  	v29 =	vld [tilespmem:s6+$0x14830]  }
0x200: {  	v30 =	vld [tilespmem:s6+$0x14840]  }
0x201: {  	v31 =	vld [tilespmem:s6+$0x14850];
	v25 =	vadd.f32 v25, v26  }
0x202: {  	v26 =	vld [tilespmem:s6+$0x14860];
	v24 =	vadd.f32 v27, v24  }
0x203: {  	v27 =	vld [tilespmem:s6+$0x14870];
	v23 =	vadd.f32 v28, v23;
	[tilespmem:s6+$0x14800] =	vst v25  }
0x204: {  	v22 =	vadd.f32 v29, v22;
	[tilespmem:s6+$0x14810] =	vst v24  }
0x205: {  	v21 =	vadd.f32 v30, v21;
	[tilespmem:s6+$0x14820] =	vst v23  }
0x206: {  	v20 =	vadd.f32 v31, v20;
	[tilespmem:s6+$0x14830] =	vst v22  }
0x207: {  	[tilespmem:s6+$0x14840] =	vst v21;
	v21 =	vadd.f32 v26, v19  }
0x208: {  	[tilespmem:s6+$0x14850] =	vst v20;
	v20 =	vimm.f32 $0.0e+00;
	v22 =	vimm.f32 $0.0e+00;
	v23 =	vadd.f32 v27, v18  }
0x209: {  	v24 =	vimm.f32 $0.0e+00;
	v18 =	vimm.f32 $0.0e+00;
	v19 =	vimm.f32 $0.0e+00;
	[tilespmem:s6+$0x14860] =	vst v21  }
0x20a: {  	v26 =	vimm.f32 $0.0e+00;
	v21 =	vimm.f32 $0.0e+00;
	[tilespmem:s6+$0x14870] =	vst v23;
	v23 =	vimm.f32 $0.0e+00  }
.LBB2_26:
0x20b: {  	s6 =	simm.s32 $0x0  }
0x20c: {  	v29 =	vld [tilespmem:s6+$0xE480]  }
0x20d: {  	v30 =	vld [tilespmem:s6+$0xE490]  }
0x20e: {  	v25 =	vld [tilespmem:s6+$0xE4A0]  }
0x20f: {  	v31 =	vld [tilespmem:s6+$0xE4B0]  }
0x210: {  	v27 =	vld [tilespmem:s6+$0xE4C0]  }
0x211: {  	v28 =	vld [tilespmem:s6+$0xE4D0]  }
0x212: {  	v36 =	vld [tilespmem:s6+$0xE400]  }
0x213: {  	v37 =	vld [tilespmem:s6+$0xE410]  }
0x214: {  	v35 =	vld [tilespmem:s6+$0xE420]  }
0x215: {  	v38 =	vld [tilespmem:s6+$0xE430]  }
0x216: {  	v32 =	vld [tilespmem:s6+$0xE440]  }
0x217: {  	v33 =	vld [tilespmem:s6+$0xE450]  }
0x218: {  	s8 =	sadd.s32 $0x280, s23;
	s9 =	simm.s32 $0x400;
	v34 =	vld [tilespmem:s6+$0xE460]  }
.LBB2_27:
0x219: {  	p3 =	sne.s32 s9, $0x4C00;
	v26 =	vadd.f32 v36, v26;
	v24 =	vadd.f32 v37, v24;
	v36 =	vld [tilespmem:s6+$0xE470]  }
0x21a: {  	v23 =	vadd.f32 v35, v23;
	v22 =	vadd.f32 v38, v22;
	v35 =	vld [tilespmem:s6+$0xE4E0]  }
0x21b: {  	v26 =	vadd.f32 v29, v26;
	v24 =	vadd.f32 v30, v24;
	v37 =	vld [tilespmem:s6+$0xE4F0];
	s6 =	sshra.s32 s9, $0x2  }
0x21c: {  	v23 =	vadd.f32 v25, v23;
	v29 =	vld [tilespmem:s6+$0xE480];
	v22 =	vadd.f32 v31, v22  }
0x21d: {  	v21 =	vadd.f32 v32, v21;
	v20 =	vadd.f32 v33, v20;
	v30 =	vld [tilespmem:s6+$0xE490]  }
0x21e: {  	v19 =	vadd.f32 v34, v19;
	v25 =	vld [tilespmem:s6+$0xE4A0];
	v18 =	vadd.f32 v36, v18  }
0x21f: {  	v21 =	vadd.f32 v27, v21;
	v20 =	vadd.f32 v28, v20;
	v31 =	vld [tilespmem:s6+$0xE4B0]  }
0x220: {  	v19 =	vadd.f32 v35, v19;
	v27 =	vld [tilespmem:s6+$0xE4C0];
	v18 =	vadd.f32 v37, v18  }
0x221: {  	v28 =	vld [tilespmem:s6+$0xE4D0]  }
0x222: {  	v36 =	vld [tilespmem:s6+$0xE400]  }
0x223: {  	v37 =	vld [tilespmem:s6+$0xE410]  }
.Ltmp14:
0x224: {  	v35 =	vld [tilespmem:s6+$0xE420];
	(pc) =	sbr.rel @p3 .LBB2_27-.Ltmp14, $4  }
0x225: {  	v38 =	vld [tilespmem:s6+$0xE430]  }
0x226: {  	v32 =	vld [tilespmem:s6+$0xE440]  }
0x227: {  	v33 =	vld [tilespmem:s6+$0xE450]  }
0x228: {  	s9 =	sadd.s32 $0x400, s9;
	v34 =	vld [tilespmem:s6+$0xE460]  }
0x229: {  	v39 =	vld [tilespmem:s6+$0xE470]  }
0x22a: {  	v40 =	vld [tilespmem:s6+$0xE4E0]  }
0x22b: {  	v41 =	vld [tilespmem:s6+$0xE4F0];
	s6 =	simm.s32 @p2 $0x28;
	s9 =	simm.s32 @p2 $0xE400  }
0x22c: {  	[spmem:s2] =	stream.indirect.scatter.add.f32 @p2 [tilespmem:s9], [sflag:$0x6], $0x80, s8, s6, $0xb8;
	[tilespmem:$0x1D900] =	vst v63  }
0x22d: {  	s6 =	simm.s32 @p2 $0x6  }
0x22e: {  	_ =	swait.ge @p2 [sflag:s6], $0x1400  }
0x22f: {  	s8 =	sadd.s32 @!p1 s24, s14;
	[sflag:s6] =	ssyncset.done @p2 $0x0  }
0x230: {  	[sflag:s6] =	ssyncadd.s32 @p2 $0xFFFFEC00;
	s6 =	sshll.u32 @!p1 s8, $0x4  }
0x231: {  	s9 =	simm.s32 @!p1 $0xD000;
	s8 =	simm.s32 @!p1 $0x0;
	s6 =	sadd.s32 @!p1 s1, s6  }
0x232: {  	[tilespmem:s9], [sflag:$0x3] =	stream.linear.gather @!p1 [hbm4b:s6+s8], $0x2800, $0x38;
	[tilespmem:$0x1D900] =	vst v63  }
0x233: {  	_ =	swait.ge [sflag:s30], $0x2800  }
0x234: {  	[sflag:s30] =	ssyncset.done $0x0  }
0x235: {  	[sflag:s30] =	ssyncadd.s32 $0xFFFFD800  }
0x236: {  	v42 =	vld [tilespmem:s23+$0x300]  }
0x237: {  	v43 =	vld [tilespmem:s23+$0x318];
	_ =	sdelay $0x3  }
0x238: {  	(v2sf) =	vpush v42, $0x0  }
0x239: {  	(v2sf) =	vpush v43, $0xF;
	_ =	sdelay $0xd  }
0x23a: {  	s6 =	spop (v2sf)  }
0x23b: {  	v26 =	vadd.f32 v36, v26;
	v24 =	vadd.f32 v37, v24;
	s8 =	spop (v2sf)  }
0x23c: {  	v23 =	vadd.f32 v35, v23;
	v22 =	vadd.f32 v38, v22;
	s9 =	ssub.s32 s8, s21  }
0x23d: {  	s4 =	smov.u32 @p2 s7;
	v26 =	vadd.f32 v29, v26;
	v24 =	vadd.f32 v30, v24;
	p3 =	sne.s32 s6, s8;
	p4 =	sgt.s32 s9, $0xFF  }
0x23e: {  	v21 =	vadd.f32 v32, v21;
	v23 =	vadd.f32 v25, v23;
	p6 =	sne.s32 s6, s4;
	p3 =	por p3, p4  }
0x23f: {  	v22 =	vadd.f32 v31, v22;
	v20 =	vadd.f32 v33, v20;
	p4 =	por p6, p3  }
.Ltmp15:
0x240: {  	v19 =	vadd.f32 v34, v19;
	v18 =	vadd.f32 v39, v18;
	(pc) =	sbr.rel @!p4 .LBB2_30-.Ltmp15, $4  }
0x241: {  	v21 =	vadd.f32 v27, v21;
	v23 =	vpsel p2, $0x0, v23;
	v20 =	vadd.f32 v28, v20  }
0x242: {  	v24 =	vpsel p2, $0x0, v24;
	v19 =	vadd.f32 v40, v19;
	v18 =	vadd.f32 v41, v18  }
0x243: {  	v26 =	vpsel p2, $0x0, v26;
	v22 =	vpsel p2, $0x0, v22;
	v21 =	vpsel p2, $0x0, v21  }
0x244: {  	v20 =	vpsel p2, $0x0, v20;
	v19 =	vpsel p2, $0x0, v19;
	v18 =	vpsel p2, $0x0, v18  }
0x245: {  	s4 =	ssub.s32 s4, s21  }
0x246: {  	p2 =	slt.s32 s4, $0xFF  }
0x247: {  	s4 =	simm.s32 @!p2 $0xFF  }
0x248: {  	s4 =	sshll.u32 s4, $0x9  }
0x249: {  	s4 =	sshra.s32 s4, $0x2  }
0x24a: {  	v25 =	vld [tilespmem:s4+$0x14800]  }
0x24b: {  	v27 =	vld [tilespmem:s4+$0x14810]  }
0x24c: {  	v28 =	vld [tilespmem:s4+$0x14820]  }
0x24d: {  	v29 =	vld [tilespmem:s4+$0x14830]  }
0x24e: {  	v30 =	vld [tilespmem:s4+$0x14840]  }
0x24f: {  	v31 =	vld [tilespmem:s4+$0x14850];
	v25 =	vadd.f32 v25, v26  }
0x250: {  	v26 =	vld [tilespmem:s4+$0x14860];
	v24 =	vadd.f32 v27, v24  }
0x251: {  	v27 =	vld [tilespmem:s4+$0x14870];
	v23 =	vadd.f32 v28, v23;
	[tilespmem:s4+$0x14800] =	vst v25  }
0x252: {  	v22 =	vadd.f32 v29, v22;
	[tilespmem:s4+$0x14810] =	vst v24  }
0x253: {  	v21 =	vadd.f32 v30, v21;
	[tilespmem:s4+$0x14820] =	vst v23  }
0x254: {  	v20 =	vadd.f32 v31, v20;
	[tilespmem:s4+$0x14830] =	vst v22  }
0x255: {  	[tilespmem:s4+$0x14840] =	vst v21;
	v21 =	vadd.f32 v26, v19  }
0x256: {  	[tilespmem:s4+$0x14850] =	vst v20;
	v20 =	vimm.f32 $0.0e+00;
	v22 =	vimm.f32 $0.0e+00;
	v23 =	vadd.f32 v27, v18  }
0x257: {  	v24 =	vimm.f32 $0.0e+00;
	v18 =	vimm.f32 $0.0e+00;
	v19 =	vimm.f32 $0.0e+00;
	[tilespmem:s4+$0x14860] =	vst v21  }
0x258: {  	v26 =	vimm.f32 $0.0e+00;
	v21 =	vimm.f32 $0.0e+00;
	[tilespmem:s4+$0x14870] =	vst v23;
	v23 =	vimm.f32 $0.0e+00  }
.LBB2_30:
0x259: {  	s4 =	simm.s32 $0x0  }
0x25a: {  	v29 =	vld [tilespmem:s4+$0xF880]  }
0x25b: {  	v30 =	vld [tilespmem:s4+$0xF890]  }
0x25c: {  	v25 =	vld [tilespmem:s4+$0xF8A0]  }
0x25d: {  	v31 =	vld [tilespmem:s4+$0xF8B0]  }
0x25e: {  	v27 =	vld [tilespmem:s4+$0xF8C0]  }
0x25f: {  	v28 =	vld [tilespmem:s4+$0xF8D0]  }
0x260: {  	v36 =	vld [tilespmem:s4+$0xF800]  }
0x261: {  	v37 =	vld [tilespmem:s4+$0xF810]  }
0x262: {  	v35 =	vld [tilespmem:s4+$0xF820]  }
0x263: {  	v38 =	vld [tilespmem:s4+$0xF830]  }
0x264: {  	v32 =	vld [tilespmem:s4+$0xF840]  }
0x265: {  	v33 =	vld [tilespmem:s4+$0xF850]  }
0x266: {  	s7 =	sadd.s32 $0x300, s23;
	s9 =	simm.s32 $0x400;
	v34 =	vld [tilespmem:s4+$0xF860]  }
.LBB2_31:
0x267: {  	p2 =	sne.s32 s9, $0x4C00;
	v26 =	vadd.f32 v36, v26;
	v24 =	vadd.f32 v37, v24;
	v36 =	vld [tilespmem:s4+$0xF870]  }
0x268: {  	v23 =	vadd.f32 v35, v23;
	v22 =	vadd.f32 v38, v22;
	v35 =	vld [tilespmem:s4+$0xF8E0]  }
0x269: {  	v26 =	vadd.f32 v29, v26;
	v24 =	vadd.f32 v30, v24;
	v37 =	vld [tilespmem:s4+$0xF8F0];
	s4 =	sshra.s32 s9, $0x2  }
0x26a: {  	v23 =	vadd.f32 v25, v23;
	v29 =	vld [tilespmem:s4+$0xF880];
	v22 =	vadd.f32 v31, v22  }
0x26b: {  	v21 =	vadd.f32 v32, v21;
	v20 =	vadd.f32 v33, v20;
	v30 =	vld [tilespmem:s4+$0xF890]  }
0x26c: {  	v19 =	vadd.f32 v34, v19;
	v25 =	vld [tilespmem:s4+$0xF8A0];
	v18 =	vadd.f32 v36, v18  }
0x26d: {  	v21 =	vadd.f32 v27, v21;
	v20 =	vadd.f32 v28, v20;
	v31 =	vld [tilespmem:s4+$0xF8B0]  }
0x26e: {  	v19 =	vadd.f32 v35, v19;
	v27 =	vld [tilespmem:s4+$0xF8C0];
	v18 =	vadd.f32 v37, v18  }
0x26f: {  	v28 =	vld [tilespmem:s4+$0xF8D0]  }
0x270: {  	v36 =	vld [tilespmem:s4+$0xF800]  }
0x271: {  	v37 =	vld [tilespmem:s4+$0xF810]  }
.Ltmp16:
0x272: {  	v35 =	vld [tilespmem:s4+$0xF820];
	(pc) =	sbr.rel @p2 .LBB2_31-.Ltmp16, $4  }
0x273: {  	v38 =	vld [tilespmem:s4+$0xF830]  }
0x274: {  	v32 =	vld [tilespmem:s4+$0xF840]  }
0x275: {  	v33 =	vld [tilespmem:s4+$0xF850]  }
0x276: {  	s9 =	sadd.s32 $0x400, s9;
	v34 =	vld [tilespmem:s4+$0xF860]  }
0x277: {  	v39 =	vld [tilespmem:s4+$0xF870]  }
0x278: {  	v40 =	vld [tilespmem:s4+$0xF8E0]  }
0x279: {  	v41 =	vld [tilespmem:s4+$0xF8F0];
	s4 =	simm.s32 @p3 $0x28;
	s9 =	simm.s32 @p3 $0xF800  }
0x27a: {  	[spmem:s2] =	stream.indirect.scatter.add.f32 @p3 [tilespmem:s9], [sflag:$0x6], $0x80, s7, s4, $0xb8;
	[tilespmem:$0x1D900] =	vst v63  }
0x27b: {  	s4 =	simm.s32 @p3 $0x6  }
0x27c: {  	_ =	swait.ge @p3 [sflag:s4], $0x1400  }
0x27d: {  	[sflag:s4] =	ssyncset.done @p3 $0x0  }
0x27e: {  	[sflag:s4] =	ssyncadd.s32 @p3 $0xFFFFEC00  }
0x27f: {  	v42 =	vld [tilespmem:s23+$0x380]  }
0x280: {  	v43 =	vld [tilespmem:s23+$0x398];
	_ =	sdelay $0x3  }
0x281: {  	(v2sf) =	vpush v42, $0x0  }
0x282: {  	(v2sf) =	vpush v43, $0xF;
	_ =	sdelay $0xd  }
0x283: {  	s4 =	spop (v2sf)  }
0x284: {  	v26 =	vadd.f32 v36, v26;
	v24 =	vadd.f32 v37, v24;
	s7 =	spop (v2sf)  }
0x285: {  	v23 =	vadd.f32 v35, v23;
	v22 =	vadd.f32 v38, v22;
	s9 =	ssub.s32 s7, s21  }
0x286: {  	s6 =	smov.u32 @p3 s8;
	v26 =	vadd.f32 v29, v26;
	v24 =	vadd.f32 v30, v24;
	p2 =	sne.s32 s4, s7;
	p4 =	sgt.s32 s9, $0xFF  }
0x287: {  	v21 =	vadd.f32 v32, v21;
	v23 =	vadd.f32 v25, v23;
	p6 =	sne.s32 s4, s6;
	p2 =	por p2, p4  }
0x288: {  	v22 =	vadd.f32 v31, v22;
	v20 =	vadd.f32 v33, v20;
	p4 =	por p6, p2  }
.Ltmp17:
0x289: {  	v19 =	vadd.f32 v34, v19;
	v18 =	vadd.f32 v39, v18;
	(pc) =	sbr.rel @!p4 .LBB2_34-.Ltmp17, $4  }
0x28a: {  	v21 =	vadd.f32 v27, v21;
	v23 =	vpsel p3, $0x0, v23;
	v20 =	vadd.f32 v28, v20  }
0x28b: {  	v24 =	vpsel p3, $0x0, v24;
	v19 =	vadd.f32 v40, v19;
	v18 =	vadd.f32 v41, v18  }
0x28c: {  	v26 =	vpsel p3, $0x0, v26;
	v22 =	vpsel p3, $0x0, v22;
	v21 =	vpsel p3, $0x0, v21  }
0x28d: {  	v20 =	vpsel p3, $0x0, v20;
	v19 =	vpsel p3, $0x0, v19;
	v18 =	vpsel p3, $0x0, v18  }
0x28e: {  	s6 =	ssub.s32 s6, s21  }
0x28f: {  	p3 =	slt.s32 s6, $0xFF  }
0x290: {  	s6 =	simm.s32 @!p3 $0xFF  }
0x291: {  	s6 =	sshll.u32 s6, $0x9  }
0x292: {  	s6 =	sshra.s32 s6, $0x2  }
0x293: {  	v25 =	vld [tilespmem:s6+$0x14800]  }
0x294: {  	v27 =	vld [tilespmem:s6+$0x14810]  }
0x295: {  	v28 =	vld [tilespmem:s6+$0x14820]  }
0x296: {  	v29 =	vld [tilespmem:s6+$0x14830]  }
0x297: {  	v30 =	vld [tilespmem:s6+$0x14840]  }
0x298: {  	v31 =	vld [tilespmem:s6+$0x14850];
	v25 =	vadd.f32 v25, v26  }
0x299: {  	v26 =	vld [tilespmem:s6+$0x14860];
	v24 =	vadd.f32 v27, v24  }
0x29a: {  	v27 =	vld [tilespmem:s6+$0x14870];
	v23 =	vadd.f32 v28, v23;
	[tilespmem:s6+$0x14800] =	vst v25  }
0x29b: {  	v22 =	vadd.f32 v29, v22;
	[tilespmem:s6+$0x14810] =	vst v24  }
0x29c: {  	v21 =	vadd.f32 v30, v21;
	[tilespmem:s6+$0x14820] =	vst v23  }
0x29d: {  	v20 =	vadd.f32 v31, v20;
	[tilespmem:s6+$0x14830] =	vst v22  }
0x29e: {  	[tilespmem:s6+$0x14840] =	vst v21;
	v21 =	vadd.f32 v26, v19  }
0x29f: {  	[tilespmem:s6+$0x14850] =	vst v20;
	v20 =	vimm.f32 $0.0e+00;
	v22 =	vimm.f32 $0.0e+00;
	v23 =	vadd.f32 v27, v18  }
0x2a0: {  	v24 =	vimm.f32 $0.0e+00;
	v18 =	vimm.f32 $0.0e+00;
	v19 =	vimm.f32 $0.0e+00;
	[tilespmem:s6+$0x14860] =	vst v21  }
0x2a1: {  	v26 =	vimm.f32 $0.0e+00;
	v21 =	vimm.f32 $0.0e+00;
	[tilespmem:s6+$0x14870] =	vst v23;
	v23 =	vimm.f32 $0.0e+00  }
.LBB2_34:
0x2a2: {  	s6 =	simm.s32 $0x0  }
0x2a3: {  	v29 =	vld [tilespmem:s6+$0x10C80]  }
0x2a4: {  	v30 =	vld [tilespmem:s6+$0x10C90]  }
0x2a5: {  	v25 =	vld [tilespmem:s6+$0x10CA0]  }
0x2a6: {  	v31 =	vld [tilespmem:s6+$0x10CB0]  }
0x2a7: {  	v27 =	vld [tilespmem:s6+$0x10CC0]  }
0x2a8: {  	v28 =	vld [tilespmem:s6+$0x10CD0]  }
0x2a9: {  	v36 =	vld [tilespmem:s6+$0x10C00]  }
0x2aa: {  	v37 =	vld [tilespmem:s6+$0x10C10]  }
0x2ab: {  	v35 =	vld [tilespmem:s6+$0x10C20]  }
0x2ac: {  	v38 =	vld [tilespmem:s6+$0x10C30]  }
0x2ad: {  	v32 =	vld [tilespmem:s6+$0x10C40]  }
0x2ae: {  	v33 =	vld [tilespmem:s6+$0x10C50]  }
0x2af: {  	s8 =	sadd.s32 $0x380, s23;
	s9 =	simm.s32 $0x400;
	v34 =	vld [tilespmem:s6+$0x10C60]  }
.LBB2_35:
0x2b0: {  	p3 =	sne.s32 s9, $0x4C00;
	v26 =	vadd.f32 v36, v26;
	v24 =	vadd.f32 v37, v24;
	v36 =	vld [tilespmem:s6+$0x10C70]  }
0x2b1: {  	v23 =	vadd.f32 v35, v23;
	v22 =	vadd.f32 v38, v22;
	v35 =	vld [tilespmem:s6+$0x10CE0]  }
0x2b2: {  	v26 =	vadd.f32 v29, v26;
	v24 =	vadd.f32 v30, v24;
	v37 =	vld [tilespmem:s6+$0x10CF0];
	s6 =	sshra.s32 s9, $0x2  }
0x2b3: {  	v23 =	vadd.f32 v25, v23;
	v29 =	vld [tilespmem:s6+$0x10C80];
	v22 =	vadd.f32 v31, v22  }
0x2b4: {  	v21 =	vadd.f32 v32, v21;
	v20 =	vadd.f32 v33, v20;
	v30 =	vld [tilespmem:s6+$0x10C90]  }
0x2b5: {  	v19 =	vadd.f32 v34, v19;
	v25 =	vld [tilespmem:s6+$0x10CA0];
	v18 =	vadd.f32 v36, v18  }
0x2b6: {  	v21 =	vadd.f32 v27, v21;
	v20 =	vadd.f32 v28, v20;
	v31 =	vld [tilespmem:s6+$0x10CB0]  }
0x2b7: {  	v19 =	vadd.f32 v35, v19;
	v27 =	vld [tilespmem:s6+$0x10CC0];
	v18 =	vadd.f32 v37, v18  }
0x2b8: {  	v28 =	vld [tilespmem:s6+$0x10CD0]  }
0x2b9: {  	v36 =	vld [tilespmem:s6+$0x10C00]  }
0x2ba: {  	v37 =	vld [tilespmem:s6+$0x10C10]  }
.Ltmp18:
0x2bb: {  	v35 =	vld [tilespmem:s6+$0x10C20];
	(pc) =	sbr.rel @p3 .LBB2_35-.Ltmp18, $4  }
0x2bc: {  	v38 =	vld [tilespmem:s6+$0x10C30]  }
0x2bd: {  	v32 =	vld [tilespmem:s6+$0x10C40]  }
0x2be: {  	v33 =	vld [tilespmem:s6+$0x10C50]  }
0x2bf: {  	s9 =	sadd.s32 $0x400, s9;
	v34 =	vld [tilespmem:s6+$0x10C60]  }
0x2c0: {  	v39 =	vld [tilespmem:s6+$0x10C70]  }
0x2c1: {  	v40 =	vld [tilespmem:s6+$0x10CE0]  }
0x2c2: {  	v41 =	vld [tilespmem:s6+$0x10CF0];
	s6 =	simm.s32 @p2 $0x28;
	s9 =	simm.s32 @p2 $0x10C00  }
0x2c3: {  	[spmem:s2] =	stream.indirect.scatter.add.f32 @p2 [tilespmem:s9], [sflag:$0x6], $0x80, s8, s6, $0xb8;
	[tilespmem:$0x1D900] =	vst v63  }
0x2c4: {  	s6 =	simm.s32 @p2 $0x6  }
0x2c5: {  	_ =	swait.ge @p2 [sflag:s6], $0x1400  }
0x2c6: {  	s8 =	sadd.s32 @!p1 s24, s15;
	[sflag:s6] =	ssyncset.done @p2 $0x0  }
0x2c7: {  	[sflag:s6] =	ssyncadd.s32 @p2 $0xFFFFEC00;
	s6 =	sshll.u32 @!p1 s8, $0x4  }
0x2c8: {  	s9 =	simm.s32 @!p1 $0xF800;
	s8 =	simm.s32 @!p1 $0x0;
	s6 =	sadd.s32 @!p1 s1, s6  }
0x2c9: {  	[tilespmem:s9], [sflag:$0x4] =	stream.linear.gather @!p1 [hbm4b:s6+s8], $0x2800, $0x38;
	[tilespmem:$0x1D900] =	vst v63  }
0x2ca: {  	_ =	swait.ge [sflag:s31], $0x2800  }
0x2cb: {  	[sflag:s31] =	ssyncset.done $0x0  }
0x2cc: {  	[sflag:s31] =	ssyncadd.s32 $0xFFFFD800  }
0x2cd: {  	v42 =	vld [tilespmem:s23+$0x400]  }
0x2ce: {  	v43 =	vld [tilespmem:s23+$0x418];
	_ =	sdelay $0x3  }
0x2cf: {  	(v2sf) =	vpush v42, $0x0  }
0x2d0: {  	(v2sf) =	vpush v43, $0xF;
	_ =	sdelay $0xd  }
0x2d1: {  	s6 =	spop (v2sf)  }
0x2d2: {  	v26 =	vadd.f32 v36, v26;
	v24 =	vadd.f32 v37, v24;
	s8 =	spop (v2sf)  }
0x2d3: {  	v23 =	vadd.f32 v35, v23;
	v22 =	vadd.f32 v38, v22;
	s24 =	ssub.s32 s8, s21  }
0x2d4: {  	s4 =	smov.u32 @p2 s7;
	v26 =	vadd.f32 v29, v26;
	v24 =	vadd.f32 v30, v24;
	p3 =	sne.s32 s6, s8;
	p4 =	sgt.s32 s24, $0xFF  }
0x2d5: {  	v21 =	vadd.f32 v32, v21;
	v23 =	vadd.f32 v25, v23;
	p6 =	sne.s32 s6, s4;
	p3 =	por p3, p4  }
0x2d6: {  	v22 =	vadd.f32 v31, v22;
	v20 =	vadd.f32 v33, v20;
	p4 =	por p6, p3  }
.Ltmp19:
0x2d7: {  	v19 =	vadd.f32 v34, v19;
	v18 =	vadd.f32 v39, v18;
	(pc) =	sbr.rel @!p4 .LBB2_38-.Ltmp19, $4  }
0x2d8: {  	v21 =	vadd.f32 v27, v21;
	v23 =	vpsel p2, $0x0, v23;
	v20 =	vadd.f32 v28, v20  }
0x2d9: {  	v24 =	vpsel p2, $0x0, v24;
	v19 =	vadd.f32 v40, v19;
	v18 =	vadd.f32 v41, v18  }
0x2da: {  	v26 =	vpsel p2, $0x0, v26;
	v22 =	vpsel p2, $0x0, v22;
	v21 =	vpsel p2, $0x0, v21  }
0x2db: {  	v20 =	vpsel p2, $0x0, v20;
	v19 =	vpsel p2, $0x0, v19;
	v18 =	vpsel p2, $0x0, v18  }
0x2dc: {  	s4 =	ssub.s32 s4, s21  }
0x2dd: {  	p2 =	slt.s32 s4, $0xFF  }
0x2de: {  	s4 =	simm.s32 @!p2 $0xFF  }
0x2df: {  	s4 =	sshll.u32 s4, $0x9  }
0x2e0: {  	s4 =	sshra.s32 s4, $0x2  }
0x2e1: {  	v25 =	vld [tilespmem:s4+$0x14800]  }
0x2e2: {  	v27 =	vld [tilespmem:s4+$0x14810]  }
0x2e3: {  	v28 =	vld [tilespmem:s4+$0x14820]  }
0x2e4: {  	v29 =	vld [tilespmem:s4+$0x14830]  }
0x2e5: {  	v30 =	vld [tilespmem:s4+$0x14840]  }
0x2e6: {  	v31 =	vld [tilespmem:s4+$0x14850];
	v25 =	vadd.f32 v25, v26  }
0x2e7: {  	v26 =	vld [tilespmem:s4+$0x14860];
	v24 =	vadd.f32 v27, v24  }
0x2e8: {  	v27 =	vld [tilespmem:s4+$0x14870];
	v23 =	vadd.f32 v28, v23;
	[tilespmem:s4+$0x14800] =	vst v25  }
0x2e9: {  	v22 =	vadd.f32 v29, v22;
	[tilespmem:s4+$0x14810] =	vst v24  }
0x2ea: {  	v21 =	vadd.f32 v30, v21;
	[tilespmem:s4+$0x14820] =	vst v23  }
0x2eb: {  	v20 =	vadd.f32 v31, v20;
	[tilespmem:s4+$0x14830] =	vst v22  }
0x2ec: {  	[tilespmem:s4+$0x14840] =	vst v21;
	v21 =	vadd.f32 v26, v19  }
0x2ed: {  	[tilespmem:s4+$0x14850] =	vst v20;
	v20 =	vimm.f32 $0.0e+00;
	v22 =	vimm.f32 $0.0e+00;
	v23 =	vadd.f32 v27, v18  }
0x2ee: {  	v24 =	vimm.f32 $0.0e+00;
	v18 =	vimm.f32 $0.0e+00;
	v19 =	vimm.f32 $0.0e+00;
	[tilespmem:s4+$0x14860] =	vst v21  }
0x2ef: {  	v26 =	vimm.f32 $0.0e+00;
	v21 =	vimm.f32 $0.0e+00;
	[tilespmem:s4+$0x14870] =	vst v23;
	v23 =	vimm.f32 $0.0e+00  }
.LBB2_38:
0x2f0: {  	s4 =	simm.s32 $0x0  }
0x2f1: {  	v29 =	vld [tilespmem:s4+$0x12080]  }
0x2f2: {  	v30 =	vld [tilespmem:s4+$0x12090]  }
0x2f3: {  	v25 =	vld [tilespmem:s4+$0x120A0]  }
0x2f4: {  	v31 =	vld [tilespmem:s4+$0x120B0]  }
0x2f5: {  	v27 =	vld [tilespmem:s4+$0x120C0]  }
0x2f6: {  	v28 =	vld [tilespmem:s4+$0x120D0]  }
0x2f7: {  	v36 =	vld [tilespmem:s4+$0x12000]  }
0x2f8: {  	v37 =	vld [tilespmem:s4+$0x12010]  }
0x2f9: {  	v35 =	vld [tilespmem:s4+$0x12020]  }
0x2fa: {  	v38 =	vld [tilespmem:s4+$0x12030]  }
0x2fb: {  	v32 =	vld [tilespmem:s4+$0x12040]  }
0x2fc: {  	v33 =	vld [tilespmem:s4+$0x12050]  }
0x2fd: {  	s7 =	sadd.s32 $0x400, s23;
	s9 =	simm.s32 $0x400;
	v34 =	vld [tilespmem:s4+$0x12060]  }
.LBB2_39:
0x2fe: {  	p2 =	sne.s32 s9, $0x4C00;
	v26 =	vadd.f32 v36, v26;
	v24 =	vadd.f32 v37, v24;
	v36 =	vld [tilespmem:s4+$0x12070]  }
0x2ff: {  	v23 =	vadd.f32 v35, v23;
	v22 =	vadd.f32 v38, v22;
	v35 =	vld [tilespmem:s4+$0x120E0]  }
0x300: {  	v26 =	vadd.f32 v29, v26;
	v24 =	vadd.f32 v30, v24;
	v37 =	vld [tilespmem:s4+$0x120F0];
	s4 =	sshra.s32 s9, $0x2  }
0x301: {  	v23 =	vadd.f32 v25, v23;
	v29 =	vld [tilespmem:s4+$0x12080];
	v22 =	vadd.f32 v31, v22  }
0x302: {  	v21 =	vadd.f32 v32, v21;
	v20 =	vadd.f32 v33, v20;
	v30 =	vld [tilespmem:s4+$0x12090]  }
0x303: {  	v19 =	vadd.f32 v34, v19;
	v25 =	vld [tilespmem:s4+$0x120A0];
	v18 =	vadd.f32 v36, v18  }
0x304: {  	v21 =	vadd.f32 v27, v21;
	v20 =	vadd.f32 v28, v20;
	v31 =	vld [tilespmem:s4+$0x120B0]  }
0x305: {  	v19 =	vadd.f32 v35, v19;
	v27 =	vld [tilespmem:s4+$0x120C0];
	v18 =	vadd.f32 v37, v18  }
0x306: {  	v28 =	vld [tilespmem:s4+$0x120D0]  }
0x307: {  	v36 =	vld [tilespmem:s4+$0x12000]  }
0x308: {  	v37 =	vld [tilespmem:s4+$0x12010]  }
.Ltmp20:
0x309: {  	v35 =	vld [tilespmem:s4+$0x12020];
	(pc) =	sbr.rel @p2 .LBB2_39-.Ltmp20, $4  }
0x30a: {  	v38 =	vld [tilespmem:s4+$0x12030]  }
0x30b: {  	v32 =	vld [tilespmem:s4+$0x12040]  }
0x30c: {  	v33 =	vld [tilespmem:s4+$0x12050]  }
0x30d: {  	s9 =	sadd.s32 $0x400, s9;
	v34 =	vld [tilespmem:s4+$0x12060]  }
0x30e: {  	v39 =	vld [tilespmem:s4+$0x12070]  }
0x30f: {  	v40 =	vld [tilespmem:s4+$0x120E0]  }
0x310: {  	v41 =	vld [tilespmem:s4+$0x120F0];
	s4 =	simm.s32 @p3 $0x28;
	s9 =	simm.s32 @p3 $0x12000  }
0x311: {  	[spmem:s2] =	stream.indirect.scatter.add.f32 @p3 [tilespmem:s9], [sflag:$0x6], $0x80, s7, s4, $0xb8;
	[tilespmem:$0x1D900] =	vst v63  }
0x312: {  	s4 =	simm.s32 @p3 $0x6  }
0x313: {  	_ =	swait.ge @p3 [sflag:s4], $0x1400  }
0x314: {  	[sflag:s4] =	ssyncset.done @p3 $0x0  }
0x315: {  	[sflag:s4] =	ssyncadd.s32 @p3 $0xFFFFEC00  }
0x316: {  	v42 =	vld [tilespmem:s23+$0x480]  }
0x317: {  	v43 =	vld [tilespmem:s23+$0x498];
	_ =	sdelay $0x3  }
0x318: {  	(v2sf) =	vpush v42, $0x0  }
0x319: {  	(v2sf) =	vpush v43, $0xF;
	_ =	sdelay $0xd  }
0x31a: {  	s24 =	spop (v2sf)  }
0x31b: {  	v26 =	vadd.f32 v36, v26;
	v24 =	vadd.f32 v37, v24;
	s4 =	spop (v2sf)  }
0x31c: {  	v23 =	vadd.f32 v35, v23;
	v22 =	vadd.f32 v38, v22;
	s9 =	ssub.s32 s4, s21  }
0x31d: {  	s6 =	smov.u32 @p3 s8;
	v26 =	vadd.f32 v29, v26;
	v24 =	vadd.f32 v30, v24;
	p2 =	sne.s32 s24, s4;
	p4 =	sgt.s32 s9, $0xFF  }
0x31e: {  	v21 =	vadd.f32 v32, v21;
	v23 =	vadd.f32 v25, v23;
	p6 =	sne.s32 s24, s6;
	p2 =	por p2, p4  }
0x31f: {  	v22 =	vadd.f32 v31, v22;
	v20 =	vadd.f32 v33, v20;
	p4 =	por p6, p2  }
.Ltmp21:
0x320: {  	v19 =	vadd.f32 v34, v19;
	v18 =	vadd.f32 v39, v18;
	(pc) =	sbr.rel @!p4 .LBB2_42-.Ltmp21, $4  }
0x321: {  	v21 =	vadd.f32 v27, v21;
	v23 =	vpsel p3, $0x0, v23;
	v20 =	vadd.f32 v28, v20  }
0x322: {  	v24 =	vpsel p3, $0x0, v24;
	v19 =	vadd.f32 v40, v19;
	v18 =	vadd.f32 v41, v18  }
0x323: {  	v26 =	vpsel p3, $0x0, v26;
	v22 =	vpsel p3, $0x0, v22;
	v21 =	vpsel p3, $0x0, v21  }
0x324: {  	v20 =	vpsel p3, $0x0, v20;
	v19 =	vpsel p3, $0x0, v19;
	v18 =	vpsel p3, $0x0, v18  }
0x325: {  	s6 =	ssub.s32 s6, s21  }
0x326: {  	p3 =	slt.s32 s6, $0xFF  }
0x327: {  	s6 =	simm.s32 @!p3 $0xFF  }
0x328: {  	s6 =	sshll.u32 s6, $0x9  }
0x329: {  	s6 =	sshra.s32 s6, $0x2  }
0x32a: {  	v25 =	vld [tilespmem:s6+$0x14800]  }
0x32b: {  	v27 =	vld [tilespmem:s6+$0x14810]  }
0x32c: {  	v28 =	vld [tilespmem:s6+$0x14820]  }
0x32d: {  	v29 =	vld [tilespmem:s6+$0x14830]  }
0x32e: {  	v30 =	vld [tilespmem:s6+$0x14840]  }
0x32f: {  	v31 =	vld [tilespmem:s6+$0x14850];
	v25 =	vadd.f32 v25, v26  }
0x330: {  	v26 =	vld [tilespmem:s6+$0x14860];
	v24 =	vadd.f32 v27, v24  }
0x331: {  	v27 =	vld [tilespmem:s6+$0x14870];
	v23 =	vadd.f32 v28, v23;
	[tilespmem:s6+$0x14800] =	vst v25  }
0x332: {  	v22 =	vadd.f32 v29, v22;
	[tilespmem:s6+$0x14810] =	vst v24  }
0x333: {  	v21 =	vadd.f32 v30, v21;
	[tilespmem:s6+$0x14820] =	vst v23  }
0x334: {  	v20 =	vadd.f32 v31, v20;
	[tilespmem:s6+$0x14830] =	vst v22  }
0x335: {  	[tilespmem:s6+$0x14840] =	vst v21;
	v21 =	vadd.f32 v26, v19  }
0x336: {  	[tilespmem:s6+$0x14850] =	vst v20;
	v20 =	vimm.f32 $0.0e+00;
	v22 =	vimm.f32 $0.0e+00;
	v23 =	vadd.f32 v27, v18  }
0x337: {  	v24 =	vimm.f32 $0.0e+00;
	v18 =	vimm.f32 $0.0e+00;
	v19 =	vimm.f32 $0.0e+00;
	[tilespmem:s6+$0x14860] =	vst v21  }
0x338: {  	v26 =	vimm.f32 $0.0e+00;
	v21 =	vimm.f32 $0.0e+00;
	[tilespmem:s6+$0x14870] =	vst v23;
	v23 =	vimm.f32 $0.0e+00  }
.LBB2_42:
0x339: {  	s7 =	simm.s32 $0x0  }
0x33a: {  	v29 =	vld [tilespmem:s7+$0x13480]  }
0x33b: {  	v30 =	vld [tilespmem:s7+$0x13490]  }
0x33c: {  	v25 =	vld [tilespmem:s7+$0x134A0]  }
0x33d: {  	v31 =	vld [tilespmem:s7+$0x134B0]  }
0x33e: {  	v27 =	vld [tilespmem:s7+$0x134C0]  }
0x33f: {  	v28 =	vld [tilespmem:s7+$0x134D0]  }
0x340: {  	v36 =	vld [tilespmem:s7+$0x13400]  }
0x341: {  	v37 =	vld [tilespmem:s7+$0x13410]  }
0x342: {  	v35 =	vld [tilespmem:s7+$0x13420]  }
0x343: {  	v38 =	vld [tilespmem:s7+$0x13430]  }
0x344: {  	v32 =	vld [tilespmem:s7+$0x13440]  }
0x345: {  	v33 =	vld [tilespmem:s7+$0x13450]  }
0x346: {  	s6 =	sadd.s32 $0x480, s23;
	s8 =	simm.s32 $0x400;
	v34 =	vld [tilespmem:s7+$0x13460]  }
.LBB2_43:
0x347: {  	p3 =	sne.s32 s8, $0x4C00;
	v26 =	vadd.f32 v36, v26;
	v24 =	vadd.f32 v37, v24;
	v36 =	vld [tilespmem:s7+$0x13470]  }
0x348: {  	v23 =	vadd.f32 v35, v23;
	v22 =	vadd.f32 v38, v22;
	v35 =	vld [tilespmem:s7+$0x134E0]  }
0x349: {  	v26 =	vadd.f32 v29, v26;
	v24 =	vadd.f32 v30, v24;
	v37 =	vld [tilespmem:s7+$0x134F0];
	s7 =	sshra.s32 s8, $0x2  }
0x34a: {  	v23 =	vadd.f32 v25, v23;
	v29 =	vld [tilespmem:s7+$0x13480];
	v22 =	vadd.f32 v31, v22  }
0x34b: {  	v21 =	vadd.f32 v32, v21;
	v20 =	vadd.f32 v33, v20;
	v30 =	vld [tilespmem:s7+$0x13490]  }
0x34c: {  	v19 =	vadd.f32 v34, v19;
	v25 =	vld [tilespmem:s7+$0x134A0];
	v18 =	vadd.f32 v36, v18  }
0x34d: {  	v21 =	vadd.f32 v27, v21;
	v20 =	vadd.f32 v28, v20;
	v31 =	vld [tilespmem:s7+$0x134B0]  }
0x34e: {  	v19 =	vadd.f32 v35, v19;
	v27 =	vld [tilespmem:s7+$0x134C0];
	v18 =	vadd.f32 v37, v18  }
0x34f: {  	v28 =	vld [tilespmem:s7+$0x134D0]  }
0x350: {  	v36 =	vld [tilespmem:s7+$0x13400]  }
0x351: {  	v37 =	vld [tilespmem:s7+$0x13410]  }
.Ltmp22:
0x352: {  	v35 =	vld [tilespmem:s7+$0x13420];
	(pc) =	sbr.rel @p3 .LBB2_43-.Ltmp22, $4  }
0x353: {  	v38 =	vld [tilespmem:s7+$0x13430]  }
0x354: {  	v32 =	vld [tilespmem:s7+$0x13440]  }
0x355: {  	v33 =	vld [tilespmem:s7+$0x13450]  }
0x356: {  	s8 =	sadd.s32 $0x400, s8;
	v34 =	vld [tilespmem:s7+$0x13460]  }
0x357: {  	v39 =	vld [tilespmem:s7+$0x13470];
	v26 =	vadd.f32 v36, v26;
	v24 =	vadd.f32 v37, v24  }
0x358: {  	v62 =	vld [tilespmem:s7+$0x134E0];
	v23 =	vadd.f32 v35, v23;
	v22 =	vadd.f32 v38, v22  }
0x359: {  	v63 =	vld [tilespmem:s7+$0x134F0];
	v26 =	vadd.f32 v29, v26;
	v24 =	vadd.f32 v30, v24  }
0x35a: {  	s7 =	simm.s32 @p2 $0x28;
	s8 =	simm.s32 @p2 $0x13400;
	v21 =	vadd.f32 v32, v21;
	v23 =	vadd.f32 v25, v23  }
0x35b: {  	[spmem:s2] =	stream.indirect.scatter.add.f32 @p2 [tilespmem:s8], [sflag:$0x6], $0x80, s6, s7, $0xb8;
	v22 =	vadd.f32 v31, v22;
	v20 =	vadd.f32 v33, v20;
	[tilespmem:$0x1D900] =	vst v63  }
.Ltmp23:
0x35c: {  	v19 =	vadd.f32 v34, v19;
	v18 =	vadd.f32 v39, v18;
	(pc) =	sbr.rel @p1 .LBB2_46-.Ltmp23, $4  }
0x35d: {  	s6 =	simm.s32 @p2 $0x6;
	v21 =	vadd.f32 v27, v21;
	v23 =	vpsel p2, $0x0, v23;
	v20 =	vadd.f32 v28, v20  }
0x35e: {  	_ =	swait.ge @p2 [sflag:s6], $0x1400;
	v24 =	vpsel p2, $0x0, v24;
	v19 =	vadd.f32 v62, v19;
	v18 =	vadd.f32 v63, v18  }
0x35f: {  	[sflag:s6] =	ssyncset.done @p2 $0x0;
	v25 =	vpsel p2, $0x0, v26;
	v22 =	vpsel p2, $0x0, v22;
	v21 =	vpsel p2, $0x0, v21  }
0x360: {  	s24 =	smov.u32 @p2 s4;
	[sflag:s6] =	ssyncadd.s32 @p2 $0xFFFFEC00;
	v20 =	vpsel p2, $0x0, v20;
	v19 =	vpsel p2, $0x0, v19;
	v18 =	vpsel p2, $0x0, v18  }
0x361: {  	s4 =	smul.u32 $0x190, s22  }
.Ltmp24:
0x362: {  	_ = 	snop;
	(pc) =	sbr.rel .LBB2_4-.Ltmp24, $4  }
0x363: {  	s4 =	sadd.s32 s4, s16  }
0x364: {  	s4 =	sshll.u32 s4, $0x4  }
0x365: {  	s22 =	sadd.s32 $0x1, s22;
	s4 =	sadd.s32 s1, s4  }
0x366: {  	[tilespmem:s25], [sflag:$0x5] =	stream.linear.gather [hbm4b:s4+s3], $0x2800, $0x38;
	[tilespmem:$0x1D900] =	vst v63  }
.LBB2_47:
0x367: {  	_ =	sfence.sel $0x180000  }
0x368: {  	[bflag:$0x0] =	sbarrier.arrive $0xFFFF  }
0x369: {  	_ =	strace $0x90000047  }
0x36a: {  	[bflag:$0x2] =	sbarrier.arrive $0xFFFF  }
0x36b: {  	s0 =	rddreg [dreg:$0x4]  }
0x36c: {  	s0 =	sadd.s32 @!p0 $0x100000, s0  }
0x36d: {  	[sflag:s0] =	ssyncadd.tile.s32 @!p0 $0x1;
	_ =	shalt  }
.Lfunc_end2:
_tile_overlayer_lowered:
.L_overlay_start_2:
0x36e: {  	(tag) =	ssettag $0x2  }
0x36f: {  	s0 =	rddreg [dreg:$0x0];
	s2 =	stileid.u32  }
0x370: {  	s1 =	rddreg [dreg:$0x1];
	p0 =	sne.s32 s2, $0x0  }
0x371: {  	s3 =	rddreg [dreg:$0x2];
	[bflag:$0x3] =	sbarrier.arrive $0xFFFF;
	s2 =	simm.s32 @!p0 $0x1C06  }
0x372: {  	[timem:s3], [sflag:s2] =	dma.local @!p0 [hbm:s0], s1  }
0x373: {  	s0 =	simm.s32 @!p0 $0x6  }
0x374: {  	_ =	swait.ge @!p0 [sflag:s0], s1  }
0x375: {  	s1 =	ssub.s32 @!p0 $0x0, s1;
	[sflag:s0] =	ssyncset.done @!p0 $0x0  }
0x376: {  	[sflag:s0] =	ssyncadd.s32 @!p0 s1  }
0x377: {  	[bflag:$0x3] =	sbarrier.arrive $0xFFFF  }
0x378: {  	_ =	shalt  }

</sc_bundles>
